<compile_context>
chip_gen: v7x
topology: tpu7x:2x2x1
jax: 0.10.2.dev20260603
libtpu: 0.0.44.dev20260713+nightly
codegen_flags: <defaults>
</compile_context>

<pallas_src>
import functools

import jax
import jax.numpy as jnp
from jax import lax
from jax.experimental import pallas as pl
from jax.experimental.pallas import tpu as pltpu
from jax.experimental.pallas import tpu_sc as plsc

N = 10000
E = 320000
D = 128
DO = 64
NP = 10240
NC = 2
NS = 16
NW = NC * NS
W = 128
SLAB = 2
J2 = 40
J = SLAB * J2
EP = NW * J * W
SL = NP // NS
RB = 10

_MESH = dict(core_axis_name="c", subcore_axis_name="s",
             num_cores=NC, num_subcores=NS)


def _deg_body(ew_hbm, cnt_hbm, dst_v, ones_v, cnt_v, acc, sem):
    c = lax.axis_index("c")
    s = lax.axis_index("s")
    w = s * NC + c

    z16 = jnp.zeros((16,), jnp.float32)

    def zb(i, carry):
        cnt_v[pl.ds(i * 16, 16)] = z16
        return carry

    lax.fori_loop(0, SL // 16, zb, 0)
    pltpu.sync_copy(cnt_v, acc.at[pl.ds(s * SL, SL)])
    o16 = jnp.ones((16,), jnp.float32)
    for k in range(W // 16):
        ones_v[pl.ds(k * 16, 16)] = o16
    plsc.subcore_barrier()

    for h in range(SLAB):
        pltpu.sync_copy(ew_hbm.at[1, w].at[pl.ds(h * J2, J2)], dst_v)

        def grp(g, carry):
            j = g * 4
            for k in range(4):
                pltpu.async_copy(ones_v, acc.at[dst_v.at[j + k]], sem, add=True)
            for k in range(4):
                pltpu.make_async_copy(ones_v, acc.at[dst_v.at[j + k]], sem).wait()
            return carry

        lax.fori_loop(0, J2 // 4, grp, 0)

    plsc.subcore_barrier()
    pltpu.sync_copy(acc.at[pl.ds(s * SL, SL)],
                    cnt_hbm.at[c].at[pl.ds(s * SL, SL)])


_deg_dis = functools.partial(
    pl.kernel,
    out_type=jax.ShapeDtypeStruct((NC, NP), jnp.float32),
    mesh=plsc.VectorSubcoreMesh(**_MESH),
    scratch_types=[
        pltpu.VMEM((J2, W), jnp.int32),
        pltpu.VMEM((W,), jnp.float32),
        pltpu.VMEM((SL,), jnp.float32),
        pltpu.VMEM_SHARED((NP,), jnp.float32),
        pltpu.SemaphoreType.DMA,
    ],
)(_deg_body)


def _agg_body(g_hbm, ew_hbm, zeros_hbm, out_hbm,
              src_v, dst_v, rows0, rows1, acc, gsem0, gsem1):
    c = lax.axis_index("c")
    s = lax.axis_index("s")
    w = s * NC + c

    pltpu.sync_copy(ew_hbm.at[0, w].at[pl.ds(0, J2)], src_v)
    pltpu.sync_copy(ew_hbm.at[1, w].at[pl.ds(0, J2)], dst_v)
    pltpu.async_copy(g_hbm.at[src_v.at[0]], rows0, gsem0)
    pltpu.async_copy(g_hbm.at[src_v.at[1]], rows1, gsem1)

    @pl.when((c == 0) & (s < NS - 1))
    def _():
        pltpu.sync_copy(g_hbm.at[pl.ds(s * SL, SL)], acc.at[pl.ds(s * SL, SL)])

    @pl.when((c == 0) & (s == NS - 1))
    def _():
        pltpu.sync_copy(g_hbm.at[pl.ds((NS - 1) * SL, N - (NS - 1) * SL)],
                        acc.at[pl.ds((NS - 1) * SL, N - (NS - 1) * SL)])
        pltpu.sync_copy(zeros_hbm.at[pl.ds(N, NP - N)],
                        acc.at[pl.ds(N, NP - N)])

    @pl.when(c == 1)
    def _():
        pltpu.sync_copy(zeros_hbm.at[pl.ds(s * SL, SL)],
                        acc.at[pl.ds(s * SL, SL)])

    plsc.subcore_barrier()

    for h in range(SLAB):
        if h > 0:
            pltpu.sync_copy(ew_hbm.at[0, w].at[pl.ds(h * J2, J2)], src_v)
            pltpu.sync_copy(ew_hbm.at[1, w].at[pl.ds(h * J2, J2)], dst_v)
            pltpu.async_copy(g_hbm.at[src_v.at[0]], rows0, gsem0)
            pltpu.async_copy(g_hbm.at[src_v.at[1]], rows1, gsem1)

        def body(jj, carry):
            j0 = 2 * jj
            pltpu.make_async_copy(g_hbm.at[src_v.at[j0]], rows0, gsem0).wait()
            pltpu.sync_copy(rows0, acc.at[dst_v.at[j0]], add=True)

            @pl.when(jj < J2 // 2 - 1)
            def _():
                pltpu.async_copy(g_hbm.at[src_v.at[j0 + 2]], rows0, gsem0)

            j1 = j0 + 1
            pltpu.make_async_copy(g_hbm.at[src_v.at[j1]], rows1, gsem1).wait()
            pltpu.sync_copy(rows1, acc.at[dst_v.at[j1]], add=True)

            @pl.when(jj < J2 // 2 - 1)
            def _():
                pltpu.async_copy(g_hbm.at[src_v.at[j1 + 2]], rows1, gsem1)

            return carry

        lax.fori_loop(0, J2 // 2, body, 0)

    plsc.subcore_barrier()
    pltpu.sync_copy(acc.at[pl.ds(s * SL, SL)], out_hbm.at[c].at[pl.ds(s * SL, SL)])


_agg = functools.partial(
    pl.kernel,
    out_type=jax.ShapeDtypeStruct((NC, NP, D), jnp.float32),
    mesh=plsc.VectorSubcoreMesh(**_MESH),
    scratch_types=[
        pltpu.VMEM((J2, W), jnp.int32),
        pltpu.VMEM((J2, W), jnp.int32),
        pltpu.VMEM((W, D), jnp.float32),
        pltpu.VMEM((W, D), jnp.float32),
        pltpu.VMEM_SHARED((NP, D), jnp.float32),
        pltpu.SemaphoreType.DMA,
        pltpu.SemaphoreType.DMA,
    ],
)(_agg_body)


def _tc0_body(x_ref, w_ref, cnt_ref, o_ref, dis_ref):
    dis = lax.rsqrt(cnt_ref[0] + cnt_ref[1] + 1.0)
    dis_ref[...] = dis
    o_ref[...] = jnp.dot(x_ref[...], w_ref[...],
                         preferred_element_type=jnp.float32) * dis


def _tcmid_body(p_ref, dis_ref, b_ref, w_ref, o_ref):
    h = (p_ref[0] + p_ref[1]) * dis_ref[...] + b_ref[...]
    h = jnp.maximum(h, 0.0)
    o_ref[...] = jnp.dot(h, w_ref[...],
                         preferred_element_type=jnp.float32) * dis_ref[...]


def _tcfin_body(p_ref, dis_ref, bmu_ref, bls_ref, o_ref):
    o = (p_ref[0] + p_ref[1]) * dis_ref[...]
    o_ref[0] = o[:, :DO] + bmu_ref[...]
    o_ref[1] = o[:, DO:] + bls_ref[...]


_BLK = 1000


def _tc0(x, w, cnt):
    return pl.pallas_call(
        _tc0_body,
        grid=(RB,),
        in_specs=[
            pl.BlockSpec((_BLK, D), lambda i: (i, 0)),
            pl.BlockSpec((D, D), lambda i: (0, 0)),
            pl.BlockSpec((NC, _BLK, 1), lambda i: (0, i, 0)),
        ],
        out_specs=[
            pl.BlockSpec((_BLK, D), lambda i: (i, 0)),
            pl.BlockSpec((_BLK, 1), lambda i: (i, 0)),
        ],
        out_shape=[
            jax.ShapeDtypeStruct((N, D), jnp.float32),
            jax.ShapeDtypeStruct((N, 1), jnp.float32),
        ],
    )(x, w, cnt)


def _tcmid(p, dis, b, w):
    return pl.pallas_call(
        _tcmid_body,
        grid=(RB,),
        in_specs=[
            pl.BlockSpec((NC, _BLK, D), lambda i: (0, i, 0)),
            pl.BlockSpec((_BLK, 1), lambda i: (i, 0)),
            pl.BlockSpec((1, D), lambda i: (0, 0)),
            pl.BlockSpec((D, D), lambda i: (0, 0)),
        ],
        out_specs=pl.BlockSpec((_BLK, D), lambda i: (i, 0)),
        out_shape=jax.ShapeDtypeStruct((N, D), jnp.float32),
    )(p, dis, b, w)


def _tcfin(p, dis, bmu, bls):
    return pl.pallas_call(
        _tcfin_body,
        grid=(RB,),
        in_specs=[
            pl.BlockSpec((NC, _BLK, D), lambda i: (0, i, 0)),
            pl.BlockSpec((_BLK, 1), lambda i: (i, 0)),
            pl.BlockSpec((1, DO), lambda i: (0, 0)),
            pl.BlockSpec((1, DO), lambda i: (0, 0)),
        ],
        out_specs=pl.BlockSpec((2, _BLK, DO), lambda i: (0, i, 0)),
        out_shape=jax.ShapeDtypeStruct((2, N, DO), jnp.float32),
    )(p, dis, bmu, bls)


def kernel(x, edge_index, W1, b1, W2, b2, W_mu, b_mu, W_ls, b_ls):
    ar = jnp.arange(EP - E, dtype=jnp.int32)
    padb = jnp.stack([ar % N, N + ar % (NP - N)])
    ew = jnp.concatenate([edge_index, padb], axis=1).reshape(2, NW, J, W)
    zeros = jnp.zeros((NP, D), jnp.float32)
    Wml = jnp.concatenate([W_mu, W_ls], axis=1)

    cnt = _deg_dis(ew)
    g1, dis_c = _tc0(x, W1, cnt.reshape(NC, NP, 1))
    p1 = _agg(g1, ew, zeros)
    g2 = _tcmid(p1, dis_c, b1.reshape(1, D), W2)
    p2 = _agg(g2, ew, zeros)
    g3 = _tcmid(p2, dis_c, b2.reshape(1, D), Wml)
    p3 = _agg(g3, ew, zeros)
    out = _tcfin(p3, dis_c, b_mu.reshape(1, DO), b_ls.reshape(1, DO))
    return (out[0], out[1])

# --- scband reference (transcript-rebuilt; emitter-appended) ---
"""Pipeline reference for scband-variational-gcnencoder-60756607369296 (READ-ONLY COPY).

The authoritative reference and input builder live on the scoring server;
editing this copy changes nothing except your own understanding.
"""

import jax, jax.numpy as jnp
import numpy as np

N = 10000
E = 320000
D_IN = 128
D_H = 128
D_OUT = 64


def setup_inputs(seed: int = 0) -> dict:
    key = jax.random.key(seed)
    ks = jax.random.split(key, 12)
    x = jax.random.normal(ks[0], (N, D_IN), dtype=jnp.float32)
    edge_index = jax.random.randint(ks[1], (2, E), 0, N, dtype=jnp.int32)
    def glorot(k, fan_in, fan_out):
        s = jnp.sqrt(6.0 / (fan_in + fan_out))
        return jax.random.uniform(k, (fan_in, fan_out), dtype=jnp.float32, minval=-s, maxval=s)
    W1 = glorot(ks[2], D_IN, D_H)
    b1 = jnp.zeros((D_H,), dtype=jnp.float32)
    W2 = glorot(ks[3], D_H, D_H)
    b2 = jnp.zeros((D_H,), dtype=jnp.float32)
    W_mu = glorot(ks[4], D_H, D_OUT)
    b_mu = jnp.zeros((D_OUT,), dtype=jnp.float32)
    W_ls = glorot(ks[5], D_H, D_OUT)
    b_ls = jnp.zeros((D_OUT,), dtype=jnp.float32)
    return {"x": x, "edge_index": edge_index, "W1": W1, "b1": b1, "W2": W2, "b2": b2,
            "W_mu": W_mu, "b_mu": b_mu, "W_ls": W_ls, "b_ls": b_ls}


def _gcn_conv(h, src, dst, norm, W, b, n_nodes):
    h = h @ W
    msg = h[src] * norm[:, None]
    out = jnp.zeros((n_nodes, W.shape[1]), dtype=h.dtype).at[dst].add(msg)
    return out + b


def reference(x, edge_index, W1, b1, W2, b2, W_mu, b_mu, W_ls, b_ls):
    n = x.shape[0]
    # GCNConv default: add self-loops, symmetric normalization D^-1/2 A D^-1/2
    loop = jnp.arange(n, dtype=edge_index.dtype)
    src = jnp.concatenate([edge_index[0], loop])
    dst = jnp.concatenate([edge_index[1], loop])
    deg = jnp.zeros((n,), dtype=jnp.float32).at[dst].add(1.0)
    dis = jax.lax.rsqrt(deg)
    norm = dis[src] * dis[dst]
    # conv stack: num_layers=2, ReLU after each (dropout=0.0, no batch norm)
    h = _gcn_conv(x, src, dst, norm, W1, b1, n)
    h = jax.nn.relu(h)
    h = _gcn_conv(h, src, dst, norm, W2, b2, n)
    h = jax.nn.relu(h)
    mu = _gcn_conv(h, src, dst, norm, W_mu, b_mu, n)
    logstd = _gcn_conv(h, src, dst, norm, W_ls, b_ls, n)
    return (mu, logstd)

if __name__ == "__main__":
    import jax
    _d = setup_inputs()
    print(jax.jit(kernel)(*tuple(_d.values())))

</pallas_src>

<mosaic_0001>
#map = affine_map<(d0, d1) -> (0, 0)>
#map1 = affine_map<(d0, d1) -> (0, 0, 0, 0)>
#map2 = affine_map<(d0, d1) -> (0, 0, 0)>
module attributes {stable_mosaic.version = 14 : i64} {
  func.func @_agg_body(%arg0: i32, %arg1: i32, %arg2: memref<10000x128xf32, #tpu.memory_space<hbm>>, %arg3: memref<2x32x80x128xi32, #tpu.memory_space<hbm>>, %arg4: memref<10240x128xf32, #tpu.memory_space<hbm>>, %arg5: memref<2x10240x128xf32, #tpu.memory_space<hbm>>, %arg6: memref<40x128xi32, #tpu.memory_space<vmem>>, %arg7: memref<40x128xi32, #tpu.memory_space<vmem>>, %arg8: memref<128x128xf32, #tpu.memory_space<vmem>>, %arg9: memref<128x128xf32, #tpu.memory_space<vmem>>, %arg10: memref<10240x128xf32, #tpu.memory_space<vmem_shared>>, %arg11: memref<!tpu.dma_semaphore, #tpu.memory_space<semaphore_mem>>, %arg12: memref<!tpu.dma_semaphore, #tpu.memory_space<semaphore_mem>>) attributes {dimension_semantics = [#tpu.dimension_semantics<core_parallel>, #tpu.dimension_semantics<subcore_parallel>], iteration_bounds = array<i64: 2, 16>, scalar_prefetch = 0 : i64, scratch_operands = 7 : i64, tpu.core_type = #tpu.core_type<sc_vector_subcore>, window_params = [{transform_indices = #map}, {transform_indices = #map1}, {transform_indices = #map}, {transform_indices = #map2}]} {
    %mul3A = arith.constant 2 : i32
    %mul3A_0 = arith.muli %arg1, %mul3A : i32
    %add3A = arith.addi %mul3A_0, %arg0 : i32
    %run_scoped3A = arith.constant 0 : i32
    "tpu.region"() ({
      %run_scoped3A_63 = tpu.sem_alloc : memref<!tpu.dma_semaphore, #tpu.memory_space<semaphore_mem>>
      %dma_start3A_64 = arith.constant 0 : i32
      %dma_start3A_65 = arith.constant 0 : i32
      %dma_start3A_66 = tpu.memref_slice %arg3[%run_scoped3A, %add3A, %dma_start3A_64, %dma_start3A_65] : memref<2x32x80x128xi32, #tpu.memory_space<hbm>> -> memref<1x1x80x128xi32, #tpu.memory_space<hbm>>
      %dma_start3A_67 = tpu.memref_squeeze %dma_start3A_66 : memref<1x1x80x128xi32, #tpu.memory_space<hbm>> -> memref<80x128xi32, #tpu.memory_space<hbm>>
      %dma_start3A_68 = arith.constant 0 : i32
      %dma_start3A_69 = arith.constant 0 : i32
      %dma_start3A_70 = tpu.memref_slice %dma_start3A_67[%dma_start3A_68, %dma_start3A_69] : memref<80x128xi32, #tpu.memory_space<hbm>> -> memref<40x128xi32, #tpu.memory_space<hbm>>
      %dma_start3A_71 = arith.constant 0 : i32
      %dma_start3A_72 = arith.constant 0 : i32
      %dma_start3A_73 = tpu.memref_slice %arg3[%run_scoped3A, %add3A, %dma_start3A_71, %dma_start3A_72] : memref<2x32x80x128xi32, #tpu.memory_space<hbm>> -> memref<1x1x80x128xi32, #tpu.memory_space<hbm>>
      %dma_start3A_74 = tpu.memref_squeeze %dma_start3A_73 : memref<1x1x80x128xi32, #tpu.memory_space<hbm>> -> memref<80x128xi32, #tpu.memory_space<hbm>>
      %dma_start3A_75 = arith.constant 0 : i32
      %dma_start3A_76 = arith.constant 0 : i32
      %dma_start3A_77 = tpu.memref_slice %dma_start3A_74[%dma_start3A_75, %dma_start3A_76] : memref<80x128xi32, #tpu.memory_space<hbm>> -> memref<40x128xi32, #tpu.memory_space<hbm>>
      tpu.enqueue_dma source(%dma_start3A_77 : memref<40x128xi32, #tpu.memory_space<hbm>>) target(%arg6 : memref<40x128xi32, #tpu.memory_space<vmem>>) target_semaphore(%run_scoped3A_63 : memref<!tpu.dma_semaphore, #tpu.memory_space<semaphore_mem>>)
      %dma_wait3A = arith.constant 0 : i32
      %dma_wait3A_78 = arith.constant 0 : i32
      %dma_wait3A_79 = tpu.memref_slice %arg3[%run_scoped3A, %add3A, %dma_wait3A, %dma_wait3A_78] : memref<2x32x80x128xi32, #tpu.memory_space<hbm>> -> memref<1x1x80x128xi32, #tpu.memory_space<hbm>>
      %dma_wait3A_80 = tpu.memref_squeeze %dma_wait3A_79 : memref<1x1x80x128xi32, #tpu.memory_space<hbm>> -> memref<80x128xi32, #tpu.memory_space<hbm>>
      %dma_wait3A_81 = arith.constant 0 : i32
      %dma_wait3A_82 = arith.constant 0 : i32
      %dma_wait3A_83 = tpu.memref_slice %dma_wait3A_80[%dma_wait3A_81, %dma_wait3A_82] : memref<80x128xi32, #tpu.memory_space<hbm>> -> memref<40x128xi32, #tpu.memory_space<hbm>>
      %dma_wait3A_84 = arith.constant 0 : i32
      %dma_wait3A_85 = arith.constant 0 : i32
      %dma_wait3A_86 = tpu.memref_slice %arg3[%run_scoped3A, %add3A, %dma_wait3A_84, %dma_wait3A_85] : memref<2x32x80x128xi32, #tpu.memory_space<hbm>> -> memref<1x1x80x128xi32, #tpu.memory_space<hbm>>
      %dma_wait3A_87 = tpu.memref_squeeze %dma_wait3A_86 : memref<1x1x80x128xi32, #tpu.memory_space<hbm>> -> memref<80x128xi32, #tpu.memory_space<hbm>>
      %dma_wait3A_88 = arith.constant 0 : i32
      %dma_wait3A_89 = arith.constant 0 : i32
      %dma_wait3A_90 = tpu.memref_slice %dma_wait3A_87[%dma_wait3A_88, %dma_wait3A_89] : memref<80x128xi32, #tpu.memory_space<hbm>> -> memref<40x128xi32, #tpu.memory_space<hbm>>
      tpu.wait_dma2 semaphore(%run_scoped3A_63 : memref<!tpu.dma_semaphore, #tpu.memory_space<semaphore_mem>>) src(%dma_wait3A_90 : memref<40x128xi32, #tpu.memory_space<hbm>>) dst(%arg6 : memref<40x128xi32, #tpu.memory_space<vmem>>)
      tpu.yield
    }) : () -> ()
    %run_scoped3A_1 = arith.constant 1 : i32
    "tpu.region"() ({
      %run_scoped3A_63 = tpu.sem_alloc : memref<!tpu.dma_semaphore, #tpu.memory_space<semaphore_mem>>
      %dma_start3A_64 = arith.constant 0 : i32
      %dma_start3A_65 = arith.constant 0 : i32
      %dma_start3A_66 = tpu.memref_slice %arg3[%run_scoped3A_1, %add3A, %dma_start3A_64, %dma_start3A_65] : memref<2x32x80x128xi32, #tpu.memory_space<hbm>> -> memref<1x1x80x128xi32, #tpu.memory_space<hbm>>
      %dma_start3A_67 = tpu.memref_squeeze %dma_start3A_66 : memref<1x1x80x128xi32, #tpu.memory_space<hbm>> -> memref<80x128xi32, #tpu.memory_space<hbm>>
      %dma_start3A_68 = arith.constant 0 : i32
      %dma_start3A_69 = arith.constant 0 : i32
      %dma_start3A_70 = tpu.memref_slice %dma_start3A_67[%dma_start3A_68, %dma_start3A_69] : memref<80x128xi32, #tpu.memory_space<hbm>> -> memref<40x128xi32, #tpu.memory_space<hbm>>
      %dma_start3A_71 = arith.constant 0 : i32
      %dma_start3A_72 = arith.constant 0 : i32
      %dma_start3A_73 = tpu.memref_slice %arg3[%run_scoped3A_1, %add3A, %dma_start3A_71, %dma_start3A_72] : memref<2x32x80x128xi32, #tpu.memory_space<hbm>> -> memref<1x1x80x128xi32, #tpu.memory_space<hbm>>
      %dma_start3A_74 = tpu.memref_squeeze %dma_start3A_73 : memref<1x1x80x128xi32, #tpu.memory_space<hbm>> -> memref<80x128xi32, #tpu.memory_space<hbm>>
      %dma_start3A_75 = arith.constant 0 : i32
      %dma_start3A_76 = arith.constant 0 : i32
      %dma_start3A_77 = tpu.memref_slice %dma_start3A_74[%dma_start3A_75, %dma_start3A_76] : memref<80x128xi32, #tpu.memory_space<hbm>> -> memref<40x128xi32, #tpu.memory_space<hbm>>
      tpu.enqueue_dma source(%dma_start3A_77 : memref<40x128xi32, #tpu.memory_space<hbm>>) target(%arg7 : memref<40x128xi32, #tpu.memory_space<vmem>>) target_semaphore(%run_scoped3A_63 : memref<!tpu.dma_semaphore, #tpu.memory_space<semaphore_mem>>)
      %dma_wait3A = arith.constant 0 : i32
      %dma_wait3A_78 = arith.constant 0 : i32
      %dma_wait3A_79 = tpu.memref_slice %arg3[%run_scoped3A_1, %add3A, %dma_wait3A, %dma_wait3A_78] : memref<2x32x80x128xi32, #tpu.memory_space<hbm>> -> memref<1x1x80x128xi32, #tpu.memory_space<hbm>>
      %dma_wait3A_80 = tpu.memref_squeeze %dma_wait3A_79 : memref<1x1x80x128xi32, #tpu.memory_space<hbm>> -> memref<80x128xi32, #tpu.memory_space<hbm>>
      %dma_wait3A_81 = arith.constant 0 : i32
      %dma_wait3A_82 = arith.constant 0 : i32
      %dma_wait3A_83 = tpu.memref_slice %dma_wait3A_80[%dma_wait3A_81, %dma_wait3A_82] : memref<80x128xi32, #tpu.memory_space<hbm>> -> memref<40x128xi32, #tpu.memory_space<hbm>>
      %dma_wait3A_84 = arith.constant 0 : i32
      %dma_wait3A_85 = arith.constant 0 : i32
      %dma_wait3A_86 = tpu.memref_slice %arg3[%run_scoped3A_1, %add3A, %dma_wait3A_84, %dma_wait3A_85] : memref<2x32x80x128xi32, #tpu.memory_space<hbm>> -> memref<1x1x80x128xi32, #tpu.memory_space<hbm>>
      %dma_wait3A_87 = tpu.memref_squeeze %dma_wait3A_86 : memref<1x1x80x128xi32, #tpu.memory_space<hbm>> -> memref<80x128xi32, #tpu.memory_space<hbm>>
      %dma_wait3A_88 = arith.constant 0 : i32
      %dma_wait3A_89 = arith.constant 0 : i32
      %dma_wait3A_90 = tpu.memref_slice %dma_wait3A_87[%dma_wait3A_88, %dma_wait3A_89] : memref<80x128xi32, #tpu.memory_space<hbm>> -> memref<40x128xi32, #tpu.memory_space<hbm>>
      tpu.wait_dma2 semaphore(%run_scoped3A_63 : memref<!tpu.dma_semaphore, #tpu.memory_space<semaphore_mem>>) src(%dma_wait3A_90 : memref<40x128xi32, #tpu.memory_space<hbm>>) dst(%arg7 : memref<40x128xi32, #tpu.memory_space<vmem>>)
      tpu.yield
    }) : () -> ()
    %dma_start3A = arith.constant 0 : i32
    %dma_start3A_2 = arith.constant 0 : i32
    %dma_start3A_3 = tpu.memref_slice %arg6[%dma_start3A, %dma_start3A_2] : memref<40x128xi32, #tpu.memory_space<vmem>> -> memref<1x128xi32, #tpu.memory_space<vmem>>
    %dma_start3A_4 = tpu.memref_squeeze %dma_start3A_3 : memref<1x128xi32, #tpu.memory_space<vmem>> -> memref<128xi32, #tpu.memory_space<vmem>>
    %dma_start3A_5 = arith.constant 0 : i32
    %dma_start3A_6 = arith.constant 0 : i32
    %dma_start3A_7 = tpu.memref_slice %arg2[%dma_start3A_5, %dma_start3A_6] : memref<10000x128xf32, #tpu.memory_space<hbm>> -> memref<10000x128xf32, #tpu.memory_space<hbm>>
    tpu.enqueue_indirect_dma source(%dma_start3A_7 : memref<10000x128xf32, #tpu.memory_space<hbm>>) target(%arg8 : memref<128x128xf32, #tpu.memory_space<vmem>>) offsets(%dma_start3A_4 : memref<128xi32, #tpu.memory_space<vmem>>) semaphore(%arg11 : memref<!tpu.dma_semaphore, #tpu.memory_space<semaphore_mem>>)
    %dma_start3A_8 = arith.constant 1 : i32
    %dma_start3A_9 = arith.constant 0 : i32
    %dma_start3A_10 = tpu.memref_slice %arg6[%dma_start3A_8, %dma_start3A_9] : memref<40x128xi32, #tpu.memory_space<vmem>> -> memref<1x128xi32, #tpu.memory_space<vmem>>
    %dma_start3A_11 = tpu.memref_squeeze %dma_start3A_10 : memref<1x128xi32, #tpu.memory_space<vmem>> -> memref<128xi32, #tpu.memory_space<vmem>>
    %dma_start3A_12 = arith.constant 0 : i32
    %dma_start3A_13 = arith.constant 0 : i32
    %dma_start3A_14 = tpu.memref_slice %arg2[%dma_start3A_12, %dma_start3A_13] : memref<10000x128xf32, #tpu.memory_space<hbm>> -> memref<10000x128xf32, #tpu.memory_space<hbm>>
    tpu.enqueue_indirect_dma source(%dma_start3A_14 : memref<10000x128xf32, #tpu.memory_space<hbm>>) target(%arg9 : memref<128x128xf32, #tpu.memory_space<vmem>>) offsets(%dma_start3A_11 : memref<128xi32, #tpu.memory_space<vmem>>) semaphore(%arg12 : memref<!tpu.dma_semaphore, #tpu.memory_space<semaphore_mem>>)
    %eq3A = arith.constant 0 : i32
    %eq3A_15 = arith.cmpi eq, %arg0, %eq3A : i32
    %lt3A = arith.constant 15 : i32
    %lt3A_16 = arith.cmpi slt, %arg1, %lt3A : i32
    %and3A = arith.andi %eq3A_15, %lt3A_16 : i1
    %convert_element_type3A = arith.extui %and3A : i1 to i32
    %cond3A = arith.constant 0 : i32
    %cond3A_17 = arith.cmpi ne, %convert_element_type3A, %cond3A : i32
    scf.if %cond3A_17 {
      %mul3A_63 = arith.constant 640 : i32
      %mul3A_64 = arith.muli %arg1, %mul3A_63 : i32
      %mul3A_65 = arith.constant 640 : i32
      %mul3A_66 = arith.muli %arg1, %mul3A_65 : i32
      "tpu.region"() ({
        %run_scoped3A_67 = tpu.sem_alloc : memref<!tpu.dma_semaphore, #tpu.memory_space<semaphore_mem>>
        %dma_start3A_68 = arith.constant 0 : i32
        %dma_start3A_69 = tpu.memref_slice %arg10[%mul3A_66, %dma_start3A_68] : memref<10240x128xf32, #tpu.memory_space<vmem_shared>> -> memref<640x128xf32, #tpu.memory_space<vmem_shared>>
        %dma_start3A_70 = arith.constant 0 : i32
        %dma_start3A_71 = tpu.memref_slice %arg2[%mul3A_64, %dma_start3A_70] : memref<10000x128xf32, #tpu.memory_space<hbm>> -> memref<640x128xf32, #tpu.memory_space<hbm>>
        tpu.enqueue_dma source(%dma_start3A_71 : memref<640x128xf32, #tpu.memory_space<hbm>>) target(%dma_start3A_69 : memref<640x128xf32, #tpu.memory_space<vmem_shared>>) target_semaphore(%run_scoped3A_67 : memref<!tpu.dma_semaphore, #tpu.memory_space<semaphore_mem>>)
        %dma_wait3A = arith.constant 0 : i32
        %dma_wait3A_72 = tpu.memref_slice %arg10[%mul3A_66, %dma_wait3A] : memref<10240x128xf32, #tpu.memory_space<vmem_shared>> -> memref<640x128xf32, #tpu.memory_space<vmem_shared>>
        %dma_wait3A_73 = arith.constant 0 : i32
        %dma_wait3A_74 = tpu.memref_slice %arg2[%mul3A_64, %dma_wait3A_73] : memref<10000x128xf32, #tpu.memory_space<hbm>> -> memref<640x128xf32, #tpu.memory_space<hbm>>
        tpu.wait_dma2 semaphore(%run_scoped3A_67 : memref<!tpu.dma_semaphore, #tpu.memory_space<semaphore_mem>>) src(%dma_wait3A_74 : memref<640x128xf32, #tpu.memory_space<hbm>>) dst(%dma_wait3A_72 : memref<640x128xf32, #tpu.memory_space<vmem_shared>>)
        tpu.yield
      }) : () -> ()
    } else {
    }
    %eq3A_18 = arith.constant 0 : i32
    %eq3A_19 = arith.cmpi eq, %arg0, %eq3A_18 : i32
    %eq3A_20 = arith.constant 15 : i32
    %eq3A_21 = arith.cmpi eq, %arg1, %eq3A_20 : i32
    %and3A_22 = arith.andi %eq3A_19, %eq3A_21 : i1
    %convert_element_type3A_23 = arith.extui %and3A_22 : i1 to i32
    %cond3A_24 = arith.constant 0 : i32
    %cond3A_25 = arith.cmpi ne, %convert_element_type3A_23, %cond3A_24 : i32
    scf.if %cond3A_25 {
      "tpu.region"() ({
        %run_scoped3A_63 = tpu.sem_alloc : memref<!tpu.dma_semaphore, #tpu.memory_space<semaphore_mem>>
        %dma_start3A_64 = arith.constant 9600 : i32
        %dma_start3A_65 = arith.constant 0 : i32
        %dma_start3A_66 = tpu.memref_slice %arg10[%dma_start3A_64, %dma_start3A_65] : memref<10240x128xf32, #tpu.memory_space<vmem_shared>> -> memref<400x128xf32, #tpu.memory_space<vmem_shared>>
        %dma_start3A_67 = arith.constant 9600 : i32
        %dma_start3A_68 = arith.constant 0 : i32
        %dma_start3A_69 = tpu.memref_slice %arg2[%dma_start3A_67, %dma_start3A_68] : memref<10000x128xf32, #tpu.memory_space<hbm>> -> memref<400x128xf32, #tpu.memory_space<hbm>>
        tpu.enqueue_dma source(%dma_start3A_69 : memref<400x128xf32, #tpu.memory_space<hbm>>) target(%dma_start3A_66 : memref<400x128xf32, #tpu.memory_space<vmem_shared>>) target_semaphore(%run_scoped3A_63 : memref<!tpu.dma_semaphore, #tpu.memory_space<semaphore_mem>>)
        %dma_wait3A = arith.constant 9600 : i32
        %dma_wait3A_70 = arith.constant 0 : i32
        %dma_wait3A_71 = tpu.memref_slice %arg10[%dma_wait3A, %dma_wait3A_70] : memref<10240x128xf32, #tpu.memory_space<vmem_shared>> -> memref<400x128xf32, #tpu.memory_space<vmem_shared>>
        %dma_wait3A_72 = arith.constant 9600 : i32
        %dma_wait3A_73 = arith.constant 0 : i32
        %dma_wait3A_74 = tpu.memref_slice %arg2[%dma_wait3A_72, %dma_wait3A_73] : memref<10000x128xf32, #tpu.memory_space<hbm>> -> memref<400x128xf32, #tpu.memory_space<hbm>>
        tpu.wait_dma2 semaphore(%run_scoped3A_63 : memref<!tpu.dma_semaphore, #tpu.memory_space<semaphore_mem>>) src(%dma_wait3A_74 : memref<400x128xf32, #tpu.memory_space<hbm>>) dst(%dma_wait3A_71 : memref<400x128xf32, #tpu.memory_space<vmem_shared>>)
        tpu.yield
      }) : () -> ()
      "tpu.region"() ({
        %run_scoped3A_63 = tpu.sem_alloc : memref<!tpu.dma_semaphore, #tpu.memory_space<semaphore_mem>>
        %dma_start3A_64 = arith.constant 10000 : i32
        %dma_start3A_65 = arith.constant 0 : i32
        %dma_start3A_66 = tpu.memref_slice %arg10[%dma_start3A_64, %dma_start3A_65] : memref<10240x128xf32, #tpu.memory_space<vmem_shared>> -> memref<240x128xf32, #tpu.memory_space<vmem_shared>>
        %dma_start3A_67 = arith.constant 10000 : i32
        %dma_start3A_68 = arith.constant 0 : i32
        %dma_start3A_69 = tpu.memref_slice %arg4[%dma_start3A_67, %dma_start3A_68] : memref<10240x128xf32, #tpu.memory_space<hbm>> -> memref<240x128xf32, #tpu.memory_space<hbm>>
        tpu.enqueue_dma source(%dma_start3A_69 : memref<240x128xf32, #tpu.memory_space<hbm>>) target(%dma_start3A_66 : memref<240x128xf32, #tpu.memory_space<vmem_shared>>) target_semaphore(%run_scoped3A_63 : memref<!tpu.dma_semaphore, #tpu.memory_space<semaphore_mem>>)
        %dma_wait3A = arith.constant 10000 : i32
        %dma_wait3A_70 = arith.constant 0 : i32
        %dma_wait3A_71 = tpu.memref_slice %arg10[%dma_wait3A, %dma_wait3A_70] : memref<10240x128xf32, #tpu.memory_space<vmem_shared>> -> memref<240x128xf32, #tpu.memory_space<vmem_shared>>
        %dma_wait3A_72 = arith.constant 10000 : i32
        %dma_wait3A_73 = arith.constant 0 : i32
        %dma_wait3A_74 = tpu.memref_slice %arg4[%dma_wait3A_72, %dma_wait3A_73] : memref<10240x128xf32, #tpu.memory_space<hbm>> -> memref<240x128xf32, #tpu.memory_space<hbm>>
        tpu.wait_dma2 semaphore(%run_scoped3A_63 : memref<!tpu.dma_semaphore, #tpu.memory_space<semaphore_mem>>) src(%dma_wait3A_74 : memref<240x128xf32, #tpu.memory_space<hbm>>) dst(%dma_wait3A_71 : memref<240x128xf32, #tpu.memory_space<vmem_shared>>)
        tpu.yield
      }) : () -> ()
    } else {
    }
    %eq3A_26 = arith.constant 1 : i32
    %eq3A_27 = arith.cmpi eq, %arg0, %eq3A_26 : i32
    %convert_element_type3A_28 = arith.extui %eq3A_27 : i1 to i32
    %cond3A_29 = arith.constant 0 : i32
    %cond3A_30 = arith.cmpi ne, %convert_element_type3A_28, %cond3A_29 : i32
    scf.if %cond3A_30 {
      %mul3A_63 = arith.constant 640 : i32
      %mul3A_64 = arith.muli %arg1, %mul3A_63 : i32
      %mul3A_65 = arith.constant 640 : i32
      %mul3A_66 = arith.muli %arg1, %mul3A_65 : i32
      "tpu.region"() ({
        %run_scoped3A_67 = tpu.sem_alloc : memref<!tpu.dma_semaphore, #tpu.memory_space<semaphore_mem>>
        %dma_start3A_68 = arith.constant 0 : i32
        %dma_start3A_69 = tpu.memref_slice %arg10[%mul3A_66, %dma_start3A_68] : memref<10240x128xf32, #tpu.memory_space<vmem_shared>> -> memref<640x128xf32, #tpu.memory_space<vmem_shared>>
        %dma_start3A_70 = arith.constant 0 : i32
        %dma_start3A_71 = tpu.memref_slice %arg4[%mul3A_64, %dma_start3A_70] : memref<10240x128xf32, #tpu.memory_space<hbm>> -> memref<640x128xf32, #tpu.memory_space<hbm>>
        tpu.enqueue_dma source(%dma_start3A_71 : memref<640x128xf32, #tpu.memory_space<hbm>>) target(%dma_start3A_69 : memref<640x128xf32, #tpu.memory_space<vmem_shared>>) target_semaphore(%run_scoped3A_67 : memref<!tpu.dma_semaphore, #tpu.memory_space<semaphore_mem>>)
        %dma_wait3A = arith.constant 0 : i32
        %dma_wait3A_72 = tpu.memref_slice %arg10[%mul3A_66, %dma_wait3A] : memref<10240x128xf32, #tpu.memory_space<vmem_shared>> -> memref<640x128xf32, #tpu.memory_space<vmem_shared>>
        %dma_wait3A_73 = arith.constant 0 : i32
        %dma_wait3A_74 = tpu.memref_slice %arg4[%mul3A_64, %dma_wait3A_73] : memref<10240x128xf32, #tpu.memory_space<hbm>> -> memref<640x128xf32, #tpu.memory_space<hbm>>
        tpu.wait_dma2 semaphore(%run_scoped3A_67 : memref<!tpu.dma_semaphore, #tpu.memory_space<semaphore_mem>>) src(%dma_wait3A_74 : memref<640x128xf32, #tpu.memory_space<hbm>>) dst(%dma_wait3A_72 : memref<640x128xf32, #tpu.memory_space<vmem_shared>>)
        tpu.yield
      }) : () -> ()
    } else {
    }
    %barrier3A = arith.constant 0 : index
    tpu.barrier barrier_id(%barrier3A)
    %scan3A = arith.constant 0 : i32
    %scan3A_31 = arith.constant 0 : i32
    %scan3A_32 = arith.constant 20 : i32
    %scan3A_33 = arith.addi %scan3A_31, %scan3A_32 : i32
    %scan3A_34 = arith.constant 1 : i32
    scf.for %scan3A_63 = %scan3A_31 to %scan3A_33 step %scan3A_34  : i32 {
      %mul3A_64 = arith.constant 2 : i32
      %mul3A_65 = arith.muli %mul3A_64, %scan3A_63 : i32
      %dma_wait3A = arith.constant 0 : i32
      %dma_wait3A_66 = tpu.memref_slice %arg6[%mul3A_65, %dma_wait3A] : memref<40x128xi32, #tpu.memory_space<vmem>> -> memref<1x128xi32, #tpu.memory_space<vmem>>
      %dma_wait3A_67 = tpu.memref_squeeze %dma_wait3A_66 : memref<1x128xi32, #tpu.memory_space<vmem>> -> memref<128xi32, #tpu.memory_space<vmem>>
      %dma_wait3A_68 = arith.constant 0 : i32
      %dma_wait3A_69 = arith.constant 0 : i32
      %dma_wait3A_70 = tpu.memref_slice %arg2[%dma_wait3A_68, %dma_wait3A_69] : memref<10000x128xf32, #tpu.memory_space<hbm>> -> memref<10000x128xf32, #tpu.memory_space<hbm>>
      tpu.wait_indirect_dma semaphore(%arg11 : memref<!tpu.dma_semaphore, #tpu.memory_space<semaphore_mem>>) src(%dma_wait3A_70 : memref<10000x128xf32, #tpu.memory_space<hbm>>) dst(%arg8 : memref<128x128xf32, #tpu.memory_space<vmem>>)
      "tpu.region"() ({
        %run_scoped3A_89 = tpu.sem_alloc : memref<!tpu.dma_semaphore, #tpu.memory_space<semaphore_mem>>
        %dma_start3A_90 = arith.constant 0 : i32
        %dma_start3A_91 = tpu.memref_slice %arg7[%mul3A_65, %dma_start3A_90] : memref<40x128xi32, #tpu.memory_space<vmem>> -> memref<1x128xi32, #tpu.memory_space<vmem>>
        %dma_start3A_92 = tpu.memref_squeeze %dma_start3A_91 : memref<1x128xi32, #tpu.memory_space<vmem>> -> memref<128xi32, #tpu.memory_space<vmem>>
        %dma_start3A_93 = arith.constant 0 : i32
        %dma_start3A_94 = arith.constant 0 : i32
        %dma_start3A_95 = tpu.memref_slice %arg10[%dma_start3A_93, %dma_start3A_94] : memref<10240x128xf32, #tpu.memory_space<vmem_shared>> -> memref<10240x128xf32, #tpu.memory_space<vmem_shared>>
        tpu.enqueue_indirect_dma source(%arg8 : memref<128x128xf32, #tpu.memory_space<vmem>>) target(%dma_start3A_95 : memref<10240x128xf32, #tpu.memory_space<vmem_shared>>) offsets(%dma_start3A_92 : memref<128xi32, #tpu.memory_space<vmem>>) semaphore(%run_scoped3A_89 : memref<!tpu.dma_semaphore, #tpu.memory_space<semaphore_mem>>) {add = true}
        %dma_wait3A_96 = arith.constant 0 : i32
        %dma_wait3A_97 = tpu.memref_slice %arg7[%mul3A_65, %dma_wait3A_96] : memref<40x128xi32, #tpu.memory_space<vmem>> -> memref<1x128xi32, #tpu.memory_space<vmem>>
        %dma_wait3A_98 = tpu.memref_squeeze %dma_wait3A_97 : memref<1x128xi32, #tpu.memory_space<vmem>> -> memref<128xi32, #tpu.memory_space<vmem>>
        %dma_wait3A_99 = arith.constant 0 : i32
        %dma_wait3A_100 = arith.constant 0 : i32
        %dma_wait3A_101 = tpu.memref_slice %arg10[%dma_wait3A_99, %dma_wait3A_100] : memref<10240x128xf32, #tpu.memory_space<vmem_shared>> -> memref<10240x128xf32, #tpu.memory_space<vmem_shared>>
        tpu.wait_indirect_dma semaphore(%run_scoped3A_89 : memref<!tpu.dma_semaphore, #tpu.memory_space<semaphore_mem>>) src(%arg8 : memref<128x128xf32, #tpu.memory_space<vmem>>) dst(%dma_wait3A_101 : memref<10240x128xf32, #tpu.memory_space<vmem_shared>>)
        tpu.yield
      }) : () -> ()
      %lt3A_71 = arith.constant 19 : i32
      %lt3A_72 = arith.cmpi slt, %scan3A_63, %lt3A_71 : i32
      %convert_element_type3A_73 = arith.extui %lt3A_72 : i1 to i32
      %cond3A_74 = arith.constant 0 : i32
      %cond3A_75 = arith.cmpi ne, %convert_element_type3A_73, %cond3A_74 : i32
      scf.if %cond3A_75 {
        %add3A_89 = arith.constant 2 : i32
        %add3A_90 = arith.addi %mul3A_65, %add3A_89 : i32
        %dma_start3A_91 = arith.constant 0 : i32
        %dma_start3A_92 = tpu.memref_slice %arg6[%add3A_90, %dma_start3A_91] : memref<40x128xi32, #tpu.memory_space<vmem>> -> memref<1x128xi32, #tpu.memory_space<vmem>>
        %dma_start3A_93 = tpu.memref_squeeze %dma_start3A_92 : memref<1x128xi32, #tpu.memory_space<vmem>> -> memref<128xi32, #tpu.memory_space<vmem>>
        %dma_start3A_94 = arith.constant 0 : i32
        %dma_start3A_95 = arith.constant 0 : i32
        %dma_start3A_96 = tpu.memref_slice %arg2[%dma_start3A_94, %dma_start3A_95] : memref<10000x128xf32, #tpu.memory_space<hbm>> -> memref<10000x128xf32, #tpu.memory_space<hbm>>
        tpu.enqueue_indirect_dma source(%dma_start3A_96 : memref<10000x128xf32, #tpu.memory_space<hbm>>) target(%arg8 : memref<128x128xf32, #tpu.memory_space<vmem>>) offsets(%dma_start3A_93 : memref<128xi32, #tpu.memory_space<vmem>>) semaphore(%arg11 : memref<!tpu.dma_semaphore, #tpu.memory_space<semaphore_mem>>)
      } else {
      }
      %add3A_76 = arith.constant 1 : i32
      %add3A_77 = arith.addi %mul3A_65, %add3A_76 : i32
      %dma_wait3A_78 = arith.constant 0 : i32
      %dma_wait3A_79 = tpu.memref_slice %arg6[%add3A_77, %dma_wait3A_78] : memref<40x128xi32, #tpu.memory_space<vmem>> -> memref<1x128xi32, #tpu.memory_space<vmem>>
      %dma_wait3A_80 = tpu.memref_squeeze %dma_wait3A_79 : memref<1x128xi32, #tpu.memory_space<vmem>> -> memref<128xi32, #tpu.memory_space<vmem>>
      %dma_wait3A_81 = arith.constant 0 : i32
      %dma_wait3A_82 = arith.constant 0 : i32
      %dma_wait3A_83 = tpu.memref_slice %arg2[%dma_wait3A_81, %dma_wait3A_82] : memref<10000x128xf32, #tpu.memory_space<hbm>> -> memref<10000x128xf32, #tpu.memory_space<hbm>>
      tpu.wait_indirect_dma semaphore(%arg12 : memref<!tpu.dma_semaphore, #tpu.memory_space<semaphore_mem>>) src(%dma_wait3A_83 : memref<10000x128xf32, #tpu.memory_space<hbm>>) dst(%arg9 : memref<128x128xf32, #tpu.memory_space<vmem>>)
      "tpu.region"() ({
        %run_scoped3A_89 = tpu.sem_alloc : memref<!tpu.dma_semaphore, #tpu.memory_space<semaphore_mem>>
        %dma_start3A_90 = arith.constant 0 : i32
        %dma_start3A_91 = tpu.memref_slice %arg7[%add3A_77, %dma_start3A_90] : memref<40x128xi32, #tpu.memory_space<vmem>> -> memref<1x128xi32, #tpu.memory_space<vmem>>
        %dma_start3A_92 = tpu.memref_squeeze %dma_start3A_91 : memref<1x128xi32, #tpu.memory_space<vmem>> -> memref<128xi32, #tpu.memory_space<vmem>>
        %dma_start3A_93 = arith.constant 0 : i32
        %dma_start3A_94 = arith.constant 0 : i32
        %dma_start3A_95 = tpu.memref_slice %arg10[%dma_start3A_93, %dma_start3A_94] : memref<10240x128xf32, #tpu.memory_space<vmem_shared>> -> memref<10240x128xf32, #tpu.memory_space<vmem_shared>>
        tpu.enqueue_indirect_dma source(%arg9 : memref<128x128xf32, #tpu.memory_space<vmem>>) target(%dma_start3A_95 : memref<10240x128xf32, #tpu.memory_space<vmem_shared>>) offsets(%dma_start3A_92 : memref<128xi32, #tpu.memory_space<vmem>>) semaphore(%run_scoped3A_89 : memref<!tpu.dma_semaphore, #tpu.memory_space<semaphore_mem>>) {add = true}
        %dma_wait3A_96 = arith.constant 0 : i32
        %dma_wait3A_97 = tpu.memref_slice %arg7[%add3A_77, %dma_wait3A_96] : memref<40x128xi32, #tpu.memory_space<vmem>> -> memref<1x128xi32, #tpu.memory_space<vmem>>
        %dma_wait3A_98 = tpu.memref_squeeze %dma_wait3A_97 : memref<1x128xi32, #tpu.memory_space<vmem>> -> memref<128xi32, #tpu.memory_space<vmem>>
        %dma_wait3A_99 = arith.constant 0 : i32
        %dma_wait3A_100 = arith.constant 0 : i32
        %dma_wait3A_101 = tpu.memref_slice %arg10[%dma_wait3A_99, %dma_wait3A_100] : memref<10240x128xf32, #tpu.memory_space<vmem_shared>> -> memref<10240x128xf32, #tpu.memory_space<vmem_shared>>
        tpu.wait_indirect_dma semaphore(%run_scoped3A_89 : memref<!tpu.dma_semaphore, #tpu.memory_space<semaphore_mem>>) src(%arg9 : memref<128x128xf32, #tpu.memory_space<vmem>>) dst(%dma_wait3A_101 : memref<10240x128xf32, #tpu.memory_space<vmem_shared>>)
        tpu.yield
      }) : () -> ()
      %lt3A_84 = arith.constant 19 : i32
      %lt3A_85 = arith.cmpi slt, %scan3A_63, %lt3A_84 : i32
      %convert_element_type3A_86 = arith.extui %lt3A_85 : i1 to i32
      %cond3A_87 = arith.constant 0 : i32
      %cond3A_88 = arith.cmpi ne, %convert_element_type3A_86, %cond3A_87 : i32
      scf.if %cond3A_88 {
        %add3A_89 = arith.constant 2 : i32
        %add3A_90 = arith.addi %add3A_77, %add3A_89 : i32
        %dma_start3A_91 = arith.constant 0 : i32
        %dma_start3A_92 = tpu.memref_slice %arg6[%add3A_90, %dma_start3A_91] : memref<40x128xi32, #tpu.memory_space<vmem>> -> memref<1x128xi32, #tpu.memory_space<vmem>>
        %dma_start3A_93 = tpu.memref_squeeze %dma_start3A_92 : memref<1x128xi32, #tpu.memory_space<vmem>> -> memref<128xi32, #tpu.memory_space<vmem>>
        %dma_start3A_94 = arith.constant 0 : i32
        %dma_start3A_95 = arith.constant 0 : i32
        %dma_start3A_96 = tpu.memref_slice %arg2[%dma_start3A_94, %dma_start3A_95] : memref<10000x128xf32, #tpu.memory_space<hbm>> -> memref<10000x128xf32, #tpu.memory_space<hbm>>
        tpu.enqueue_indirect_dma source(%dma_start3A_96 : memref<10000x128xf32, #tpu.memory_space<hbm>>) target(%arg9 : memref<128x128xf32, #tpu.memory_space<vmem>>) offsets(%dma_start3A_93 : memref<128xi32, #tpu.memory_space<vmem>>) semaphore(%arg12 : memref<!tpu.dma_semaphore, #tpu.memory_space<semaphore_mem>>)
      } else {
      }
    }
    %scan3A_35 = arith.constant 20 : i32
    %run_scoped3A_36 = arith.constant 0 : i32
    "tpu.region"() ({
      %run_scoped3A_63 = tpu.sem_alloc : memref<!tpu.dma_semaphore, #tpu.memory_space<semaphore_mem>>
      %dma_start3A_64 = arith.constant 0 : i32
      %dma_start3A_65 = arith.constant 0 : i32
      %dma_start3A_66 = tpu.memref_slice %arg3[%run_scoped3A_36, %add3A, %dma_start3A_64, %dma_start3A_65] : memref<2x32x80x128xi32, #tpu.memory_space<hbm>> -> memref<1x1x80x128xi32, #tpu.memory_space<hbm>>
      %dma_start3A_67 = tpu.memref_squeeze %dma_start3A_66 : memref<1x1x80x128xi32, #tpu.memory_space<hbm>> -> memref<80x128xi32, #tpu.memory_space<hbm>>
      %dma_start3A_68 = arith.constant 40 : i32
      %dma_start3A_69 = arith.constant 0 : i32
      %dma_start3A_70 = tpu.memref_slice %dma_start3A_67[%dma_start3A_68, %dma_start3A_69] : memref<80x128xi32, #tpu.memory_space<hbm>> -> memref<40x128xi32, #tpu.memory_space<hbm>>
      %dma_start3A_71 = arith.constant 0 : i32
      %dma_start3A_72 = arith.constant 0 : i32
      %dma_start3A_73 = tpu.memref_slice %arg3[%run_scoped3A_36, %add3A, %dma_start3A_71, %dma_start3A_72] : memref<2x32x80x128xi32, #tpu.memory_space<hbm>> -> memref<1x1x80x128xi32, #tpu.memory_space<hbm>>
      %dma_start3A_74 = tpu.memref_squeeze %dma_start3A_73 : memref<1x1x80x128xi32, #tpu.memory_space<hbm>> -> memref<80x128xi32, #tpu.memory_space<hbm>>
      %dma_start3A_75 = arith.constant 40 : i32
      %dma_start3A_76 = arith.constant 0 : i32
      %dma_start3A_77 = tpu.memref_slice %dma_start3A_74[%dma_start3A_75, %dma_start3A_76] : memref<80x128xi32, #tpu.memory_space<hbm>> -> memref<40x128xi32, #tpu.memory_space<hbm>>
      tpu.enqueue_dma source(%dma_start3A_77 : memref<40x128xi32, #tpu.memory_space<hbm>>) target(%arg6 : memref<40x128xi32, #tpu.memory_space<vmem>>) target_semaphore(%run_scoped3A_63 : memref<!tpu.dma_semaphore, #tpu.memory_space<semaphore_mem>>)
      %dma_wait3A = arith.constant 0 : i32
      %dma_wait3A_78 = arith.constant 0 : i32
      %dma_wait3A_79 = tpu.memref_slice %arg3[%run_scoped3A_36, %add3A, %dma_wait3A, %dma_wait3A_78] : memref<2x32x80x128xi32, #tpu.memory_space<hbm>> -> memref<1x1x80x128xi32, #tpu.memory_space<hbm>>
      %dma_wait3A_80 = tpu.memref_squeeze %dma_wait3A_79 : memref<1x1x80x128xi32, #tpu.memory_space<hbm>> -> memref<80x128xi32, #tpu.memory_space<hbm>>
      %dma_wait3A_81 = arith.constant 40 : i32
      %dma_wait3A_82 = arith.constant 0 : i32
      %dma_wait3A_83 = tpu.memref_slice %dma_wait3A_80[%dma_wait3A_81, %dma_wait3A_82] : memref<80x128xi32, #tpu.memory_space<hbm>> -> memref<40x128xi32, #tpu.memory_space<hbm>>
      %dma_wait3A_84 = arith.constant 0 : i32
      %dma_wait3A_85 = arith.constant 0 : i32
      %dma_wait3A_86 = tpu.memref_slice %arg3[%run_scoped3A_36, %add3A, %dma_wait3A_84, %dma_wait3A_85] : memref<2x32x80x128xi32, #tpu.memory_space<hbm>> -> memref<1x1x80x128xi32, #tpu.memory_space<hbm>>
      %dma_wait3A_87 = tpu.memref_squeeze %dma_wait3A_86 : memref<1x1x80x128xi32, #tpu.memory_space<hbm>> -> memref<80x128xi32, #tpu.memory_space<hbm>>
      %dma_wait3A_88 = arith.constant 40 : i32
      %dma_wait3A_89 = arith.constant 0 : i32
      %dma_wait3A_90 = tpu.memref_slice %dma_wait3A_87[%dma_wait3A_88, %dma_wait3A_89] : memref<80x128xi32, #tpu.memory_space<hbm>> -> memref<40x128xi32, #tpu.memory_space<hbm>>
      tpu.wait_dma2 semaphore(%run_scoped3A_63 : memref<!tpu.dma_semaphore, #tpu.memory_space<semaphore_mem>>) src(%dma_wait3A_90 : memref<40x128xi32, #tpu.memory_space<hbm>>) dst(%arg6 : memref<40x128xi32, #tpu.memory_space<vmem>>)
      tpu.yield
    }) : () -> ()
    %run_scoped3A_37 = arith.constant 1 : i32
    "tpu.region"() ({
      %run_scoped3A_63 = tpu.sem_alloc : memref<!tpu.dma_semaphore, #tpu.memory_space<semaphore_mem>>
      %dma_start3A_64 = arith.constant 0 : i32
      %dma_start3A_65 = arith.constant 0 : i32
      %dma_start3A_66 = tpu.memref_slice %arg3[%run_scoped3A_37, %add3A, %dma_start3A_64, %dma_start3A_65] : memref<2x32x80x128xi32, #tpu.memory_space<hbm>> -> memref<1x1x80x128xi32, #tpu.memory_space<hbm>>
      %dma_start3A_67 = tpu.memref_squeeze %dma_start3A_66 : memref<1x1x80x128xi32, #tpu.memory_space<hbm>> -> memref<80x128xi32, #tpu.memory_space<hbm>>
      %dma_start3A_68 = arith.constant 40 : i32
      %dma_start3A_69 = arith.constant 0 : i32
      %dma_start3A_70 = tpu.memref_slice %dma_start3A_67[%dma_start3A_68, %dma_start3A_69] : memref<80x128xi32, #tpu.memory_space<hbm>> -> memref<40x128xi32, #tpu.memory_space<hbm>>
      %dma_start3A_71 = arith.constant 0 : i32
      %dma_start3A_72 = arith.constant 0 : i32
      %dma_start3A_73 = tpu.memref_slice %arg3[%run_scoped3A_37, %add3A, %dma_start3A_71, %dma_start3A_72] : memref<2x32x80x128xi32, #tpu.memory_space<hbm>> -> memref<1x1x80x128xi32, #tpu.memory_space<hbm>>
      %dma_start3A_74 = tpu.memref_squeeze %dma_start3A_73 : memref<1x1x80x128xi32, #tpu.memory_space<hbm>> -> memref<80x128xi32, #tpu.memory_space<hbm>>
      %dma_start3A_75 = arith.constant 40 : i32
      %dma_start3A_76 = arith.constant 0 : i32
      %dma_start3A_77 = tpu.memref_slice %dma_start3A_74[%dma_start3A_75, %dma_start3A_76] : memref<80x128xi32, #tpu.memory_space<hbm>> -> memref<40x128xi32, #tpu.memory_space<hbm>>
      tpu.enqueue_dma source(%dma_start3A_77 : memref<40x128xi32, #tpu.memory_space<hbm>>) target(%arg7 : memref<40x128xi32, #tpu.memory_space<vmem>>) target_semaphore(%run_scoped3A_63 : memref<!tpu.dma_semaphore, #tpu.memory_space<semaphore_mem>>)
      %dma_wait3A = arith.constant 0 : i32
      %dma_wait3A_78 = arith.constant 0 : i32
      %dma_wait3A_79 = tpu.memref_slice %arg3[%run_scoped3A_37, %add3A, %dma_wait3A, %dma_wait3A_78] : memref<2x32x80x128xi32, #tpu.memory_space<hbm>> -> memref<1x1x80x128xi32, #tpu.memory_space<hbm>>
      %dma_wait3A_80 = tpu.memref_squeeze %dma_wait3A_79 : memref<1x1x80x128xi32, #tpu.memory_space<hbm>> -> memref<80x128xi32, #tpu.memory_space<hbm>>
      %dma_wait3A_81 = arith.constant 40 : i32
      %dma_wait3A_82 = arith.constant 0 : i32
      %dma_wait3A_83 = tpu.memref_slice %dma_wait3A_80[%dma_wait3A_81, %dma_wait3A_82] : memref<80x128xi32, #tpu.memory_space<hbm>> -> memref<40x128xi32, #tpu.memory_space<hbm>>
      %dma_wait3A_84 = arith.constant 0 : i32
      %dma_wait3A_85 = arith.constant 0 : i32
      %dma_wait3A_86 = tpu.memref_slice %arg3[%run_scoped3A_37, %add3A, %dma_wait3A_84, %dma_wait3A_85] : memref<2x32x80x128xi32, #tpu.memory_space<hbm>> -> memref<1x1x80x128xi32, #tpu.memory_space<hbm>>
      %dma_wait3A_87 = tpu.memref_squeeze %dma_wait3A_86 : memref<1x1x80x128xi32, #tpu.memory_space<hbm>> -> memref<80x128xi32, #tpu.memory_space<hbm>>
      %dma_wait3A_88 = arith.constant 40 : i32
      %dma_wait3A_89 = arith.constant 0 : i32
      %dma_wait3A_90 = tpu.memref_slice %dma_wait3A_87[%dma_wait3A_88, %dma_wait3A_89] : memref<80x128xi32, #tpu.memory_space<hbm>> -> memref<40x128xi32, #tpu.memory_space<hbm>>
      tpu.wait_dma2 semaphore(%run_scoped3A_63 : memref<!tpu.dma_semaphore, #tpu.memory_space<semaphore_mem>>) src(%dma_wait3A_90 : memref<40x128xi32, #tpu.memory_space<hbm>>) dst(%arg7 : memref<40x128xi32, #tpu.memory_space<vmem>>)
      tpu.yield
    }) : () -> ()
    %dma_start3A_38 = arith.constant 0 : i32
    %dma_start3A_39 = arith.constant 0 : i32
    %dma_start3A_40 = tpu.memref_slice %arg6[%dma_start3A_38, %dma_start3A_39] : memref<40x128xi32, #tpu.memory_space<vmem>> -> memref<1x128xi32, #tpu.memory_space<vmem>>
    %dma_start3A_41 = tpu.memref_squeeze %dma_start3A_40 : memref<1x128xi32, #tpu.memory_space<vmem>> -> memref<128xi32, #tpu.memory_space<vmem>>
    %dma_start3A_42 = arith.constant 0 : i32
    %dma_start3A_43 = arith.constant 0 : i32
    %dma_start3A_44 = tpu.memref_slice %arg2[%dma_start3A_42, %dma_start3A_43] : memref<10000x128xf32, #tpu.memory_space<hbm>> -> memref<10000x128xf32, #tpu.memory_space<hbm>>
    tpu.enqueue_indirect_dma source(%dma_start3A_44 : memref<10000x128xf32, #tpu.memory_space<hbm>>) target(%arg8 : memref<128x128xf32, #tpu.memory_space<vmem>>) offsets(%dma_start3A_41 : memref<128xi32, #tpu.memory_space<vmem>>) semaphore(%arg11 : memref<!tpu.dma_semaphore, #tpu.memory_space<semaphore_mem>>)
    %dma_start3A_45 = arith.constant 1 : i32
    %dma_start3A_46 = arith.constant 0 : i32
    %dma_start3A_47 = tpu.memref_slice %arg6[%dma_start3A_45, %dma_start3A_46] : memref<40x128xi32, #tpu.memory_space<vmem>> -> memref<1x128xi32, #tpu.memory_space<vmem>>
    %dma_start3A_48 = tpu.memref_squeeze %dma_start3A_47 : memref<1x128xi32, #tpu.memory_space<vmem>> -> memref<128xi32, #tpu.memory_space<vmem>>
    %dma_start3A_49 = arith.constant 0 : i32
    %dma_start3A_50 = arith.constant 0 : i32
    %dma_start3A_51 = tpu.memref_slice %arg2[%dma_start3A_49, %dma_start3A_50] : memref<10000x128xf32, #tpu.memory_space<hbm>> -> memref<10000x128xf32, #tpu.memory_space<hbm>>
    tpu.enqueue_indirect_dma source(%dma_start3A_51 : memref<10000x128xf32, #tpu.memory_space<hbm>>) target(%arg9 : memref<128x128xf32, #tpu.memory_space<vmem>>) offsets(%dma_start3A_48 : memref<128xi32, #tpu.memory_space<vmem>>) semaphore(%arg12 : memref<!tpu.dma_semaphore, #tpu.memory_space<semaphore_mem>>)
    %scan3A_52 = arith.constant 0 : i32
    %scan3A_53 = arith.constant 0 : i32
    %scan3A_54 = arith.constant 20 : i32
    %scan3A_55 = arith.addi %scan3A_53, %scan3A_54 : i32
    %scan3A_56 = arith.constant 1 : i32
    scf.for %scan3A_63 = %scan3A_53 to %scan3A_55 step %scan3A_56  : i32 {
      %mul3A_64 = arith.constant 2 : i32
      %mul3A_65 = arith.muli %mul3A_64, %scan3A_63 : i32
      %dma_wait3A = arith.constant 0 : i32
      %dma_wait3A_66 = tpu.memref_slice %arg6[%mul3A_65, %dma_wait3A] : memref<40x128xi32, #tpu.memory_space<vmem>> -> memref<1x128xi32, #tpu.memory_space<vmem>>
      %dma_wait3A_67 = tpu.memref_squeeze %dma_wait3A_66 : memref<1x128xi32, #tpu.memory_space<vmem>> -> memref<128xi32, #tpu.memory_space<vmem>>
      %dma_wait3A_68 = arith.constant 0 : i32
      %dma_wait3A_69 = arith.constant 0 : i32
      %dma_wait3A_70 = tpu.memref_slice %arg2[%dma_wait3A_68, %dma_wait3A_69] : memref<10000x128xf32, #tpu.memory_space<hbm>> -> memref<10000x128xf32, #tpu.memory_space<hbm>>
      tpu.wait_indirect_dma semaphore(%arg11 : memref<!tpu.dma_semaphore, #tpu.memory_space<semaphore_mem>>) src(%dma_wait3A_70 : memref<10000x128xf32, #tpu.memory_space<hbm>>) dst(%arg8 : memref<128x128xf32, #tpu.memory_space<vmem>>)
      "tpu.region"() ({
        %run_scoped3A_89 = tpu.sem_alloc : memref<!tpu.dma_semaphore, #tpu.memory_space<semaphore_mem>>
        %dma_start3A_90 = arith.constant 0 : i32
        %dma_start3A_91 = tpu.memref_slice %arg7[%mul3A_65, %dma_start3A_90] : memref<40x128xi32, #tpu.memory_space<vmem>> -> memref<1x128xi32, #tpu.memory_space<vmem>>
        %dma_start3A_92 = tpu.memref_squeeze %dma_start3A_91 : memref<1x128xi32, #tpu.memory_space<vmem>> -> memref<128xi32, #tpu.memory_space<vmem>>
        %dma_start3A_93 = arith.constant 0 : i32
        %dma_start3A_94 = arith.constant 0 : i32
        %dma_start3A_95 = tpu.memref_slice %arg10[%dma_start3A_93, %dma_start3A_94] : memref<10240x128xf32, #tpu.memory_space<vmem_shared>> -> memref<10240x128xf32, #tpu.memory_space<vmem_shared>>
        tpu.enqueue_indirect_dma source(%arg8 : memref<128x128xf32, #tpu.memory_space<vmem>>) target(%dma_start3A_95 : memref<10240x128xf32, #tpu.memory_space<vmem_shared>>) offsets(%dma_start3A_92 : memref<128xi32, #tpu.memory_space<vmem>>) semaphore(%run_scoped3A_89 : memref<!tpu.dma_semaphore, #tpu.memory_space<semaphore_mem>>) {add = true}
        %dma_wait3A_96 = arith.constant 0 : i32
        %dma_wait3A_97 = tpu.memref_slice %arg7[%mul3A_65, %dma_wait3A_96] : memref<40x128xi32, #tpu.memory_space<vmem>> -> memref<1x128xi32, #tpu.memory_space<vmem>>
        %dma_wait3A_98 = tpu.memref_squeeze %dma_wait3A_97 : memref<1x128xi32, #tpu.memory_space<vmem>> -> memref<128xi32, #tpu.memory_space<vmem>>
        %dma_wait3A_99 = arith.constant 0 : i32
        %dma_wait3A_100 = arith.constant 0 : i32
        %dma_wait3A_101 = tpu.memref_slice %arg10[%dma_wait3A_99, %dma_wait3A_100] : memref<10240x128xf32, #tpu.memory_space<vmem_shared>> -> memref<10240x128xf32, #tpu.memory_space<vmem_shared>>
        tpu.wait_indirect_dma semaphore(%run_scoped3A_89 : memref<!tpu.dma_semaphore, #tpu.memory_space<semaphore_mem>>) src(%arg8 : memref<128x128xf32, #tpu.memory_space<vmem>>) dst(%dma_wait3A_101 : memref<10240x128xf32, #tpu.memory_space<vmem_shared>>)
        tpu.yield
      }) : () -> ()
      %lt3A_71 = arith.constant 19 : i32
      %lt3A_72 = arith.cmpi slt, %scan3A_63, %lt3A_71 : i32
      %convert_element_type3A_73 = arith.extui %lt3A_72 : i1 to i32
      %cond3A_74 = arith.constant 0 : i32
      %cond3A_75 = arith.cmpi ne, %convert_element_type3A_73, %cond3A_74 : i32
      scf.if %cond3A_75 {
        %add3A_89 = arith.constant 2 : i32
        %add3A_90 = arith.addi %mul3A_65, %add3A_89 : i32
        %dma_start3A_91 = arith.constant 0 : i32
        %dma_start3A_92 = tpu.memref_slice %arg6[%add3A_90, %dma_start3A_91] : memref<40x128xi32, #tpu.memory_space<vmem>> -> memref<1x128xi32, #tpu.memory_space<vmem>>
        %dma_start3A_93 = tpu.memref_squeeze %dma_start3A_92 : memref<1x128xi32, #tpu.memory_space<vmem>> -> memref<128xi32, #tpu.memory_space<vmem>>
        %dma_start3A_94 = arith.constant 0 : i32
        %dma_start3A_95 = arith.constant 0 : i32
        %dma_start3A_96 = tpu.memref_slice %arg2[%dma_start3A_94, %dma_start3A_95] : memref<10000x128xf32, #tpu.memory_space<hbm>> -> memref<10000x128xf32, #tpu.memory_space<hbm>>
        tpu.enqueue_indirect_dma source(%dma_start3A_96 : memref<10000x128xf32, #tpu.memory_space<hbm>>) target(%arg8 : memref<128x128xf32, #tpu.memory_space<vmem>>) offsets(%dma_start3A_93 : memref<128xi32, #tpu.memory_space<vmem>>) semaphore(%arg11 : memref<!tpu.dma_semaphore, #tpu.memory_space<semaphore_mem>>)
      } else {
      }
      %add3A_76 = arith.constant 1 : i32
      %add3A_77 = arith.addi %mul3A_65, %add3A_76 : i32
      %dma_wait3A_78 = arith.constant 0 : i32
      %dma_wait3A_79 = tpu.memref_slice %arg6[%add3A_77, %dma_wait3A_78] : memref<40x128xi32, #tpu.memory_space<vmem>> -> memref<1x128xi32, #tpu.memory_space<vmem>>
      %dma_wait3A_80 = tpu.memref_squeeze %dma_wait3A_79 : memref<1x128xi32, #tpu.memory_space<vmem>> -> memref<128xi32, #tpu.memory_space<vmem>>
      %dma_wait3A_81 = arith.constant 0 : i32
      %dma_wait3A_82 = arith.constant 0 : i32
      %dma_wait3A_83 = tpu.memref_slice %arg2[%dma_wait3A_81, %dma_wait3A_82] : memref<10000x128xf32, #tpu.memory_space<hbm>> -> memref<10000x128xf32, #tpu.memory_space<hbm>>
      tpu.wait_indirect_dma semaphore(%arg12 : memref<!tpu.dma_semaphore, #tpu.memory_space<semaphore_mem>>) src(%dma_wait3A_83 : memref<10000x128xf32, #tpu.memory_space<hbm>>) dst(%arg9 : memref<128x128xf32, #tpu.memory_space<vmem>>)
      "tpu.region"() ({
        %run_scoped3A_89 = tpu.sem_alloc : memref<!tpu.dma_semaphore, #tpu.memory_space<semaphore_mem>>
        %dma_start3A_90 = arith.constant 0 : i32
        %dma_start3A_91 = tpu.memref_slice %arg7[%add3A_77, %dma_start3A_90] : memref<40x128xi32, #tpu.memory_space<vmem>> -> memref<1x128xi32, #tpu.memory_space<vmem>>
        %dma_start3A_92 = tpu.memref_squeeze %dma_start3A_91 : memref<1x128xi32, #tpu.memory_space<vmem>> -> memref<128xi32, #tpu.memory_space<vmem>>
        %dma_start3A_93 = arith.constant 0 : i32
        %dma_start3A_94 = arith.constant 0 : i32
        %dma_start3A_95 = tpu.memref_slice %arg10[%dma_start3A_93, %dma_start3A_94] : memref<10240x128xf32, #tpu.memory_space<vmem_shared>> -> memref<10240x128xf32, #tpu.memory_space<vmem_shared>>
        tpu.enqueue_indirect_dma source(%arg9 : memref<128x128xf32, #tpu.memory_space<vmem>>) target(%dma_start3A_95 : memref<10240x128xf32, #tpu.memory_space<vmem_shared>>) offsets(%dma_start3A_92 : memref<128xi32, #tpu.memory_space<vmem>>) semaphore(%run_scoped3A_89 : memref<!tpu.dma_semaphore, #tpu.memory_space<semaphore_mem>>) {add = true}
        %dma_wait3A_96 = arith.constant 0 : i32
        %dma_wait3A_97 = tpu.memref_slice %arg7[%add3A_77, %dma_wait3A_96] : memref<40x128xi32, #tpu.memory_space<vmem>> -> memref<1x128xi32, #tpu.memory_space<vmem>>
        %dma_wait3A_98 = tpu.memref_squeeze %dma_wait3A_97 : memref<1x128xi32, #tpu.memory_space<vmem>> -> memref<128xi32, #tpu.memory_space<vmem>>
        %dma_wait3A_99 = arith.constant 0 : i32
        %dma_wait3A_100 = arith.constant 0 : i32
        %dma_wait3A_101 = tpu.memref_slice %arg10[%dma_wait3A_99, %dma_wait3A_100] : memref<10240x128xf32, #tpu.memory_space<vmem_shared>> -> memref<10240x128xf32, #tpu.memory_space<vmem_shared>>
        tpu.wait_indirect_dma semaphore(%run_scoped3A_89 : memref<!tpu.dma_semaphore, #tpu.memory_space<semaphore_mem>>) src(%arg9 : memref<128x128xf32, #tpu.memory_space<vmem>>) dst(%dma_wait3A_101 : memref<10240x128xf32, #tpu.memory_space<vmem_shared>>)
        tpu.yield
      }) : () -> ()
      %lt3A_84 = arith.constant 19 : i32
      %lt3A_85 = arith.cmpi slt, %scan3A_63, %lt3A_84 : i32
      %convert_element_type3A_86 = arith.extui %lt3A_85 : i1 to i32
      %cond3A_87 = arith.constant 0 : i32
      %cond3A_88 = arith.cmpi ne, %convert_element_type3A_86, %cond3A_87 : i32
      scf.if %cond3A_88 {
        %add3A_89 = arith.constant 2 : i32
        %add3A_90 = arith.addi %add3A_77, %add3A_89 : i32
        %dma_start3A_91 = arith.constant 0 : i32
        %dma_start3A_92 = tpu.memref_slice %arg6[%add3A_90, %dma_start3A_91] : memref<40x128xi32, #tpu.memory_space<vmem>> -> memref<1x128xi32, #tpu.memory_space<vmem>>
        %dma_start3A_93 = tpu.memref_squeeze %dma_start3A_92 : memref<1x128xi32, #tpu.memory_space<vmem>> -> memref<128xi32, #tpu.memory_space<vmem>>
        %dma_start3A_94 = arith.constant 0 : i32
        %dma_start3A_95 = arith.constant 0 : i32
        %dma_start3A_96 = tpu.memref_slice %arg2[%dma_start3A_94, %dma_start3A_95] : memref<10000x128xf32, #tpu.memory_space<hbm>> -> memref<10000x128xf32, #tpu.memory_space<hbm>>
        tpu.enqueue_indirect_dma source(%dma_start3A_96 : memref<10000x128xf32, #tpu.memory_space<hbm>>) target(%arg9 : memref<128x128xf32, #tpu.memory_space<vmem>>) offsets(%dma_start3A_93 : memref<128xi32, #tpu.memory_space<vmem>>) semaphore(%arg12 : memref<!tpu.dma_semaphore, #tpu.memory_space<semaphore_mem>>)
      } else {
      }
    }
    %scan3A_57 = arith.constant 20 : i32
    %barrier3A_58 = arith.constant 0 : index
    tpu.barrier barrier_id(%barrier3A_58)
    %mul3A_59 = arith.constant 640 : i32
    %mul3A_60 = arith.muli %arg1, %mul3A_59 : i32
    %mul3A_61 = arith.constant 640 : i32
    %mul3A_62 = arith.muli %arg1, %mul3A_61 : i32
    "tpu.region"() ({
      %run_scoped3A_63 = tpu.sem_alloc : memref<!tpu.dma_semaphore, #tpu.memory_space<semaphore_mem>>
      %dma_start3A_64 = arith.constant 0 : i32
      %dma_start3A_65 = arith.constant 0 : i32
      %dma_start3A_66 = tpu.memref_slice %arg5[%arg0, %dma_start3A_64, %dma_start3A_65] : memref<2x10240x128xf32, #tpu.memory_space<hbm>> -> memref<1x10240x128xf32, #tpu.memory_space<hbm>>
      %dma_start3A_67 = tpu.memref_squeeze %dma_start3A_66 : memref<1x10240x128xf32, #tpu.memory_space<hbm>> -> memref<10240x128xf32, #tpu.memory_space<hbm>>
      %dma_start3A_68 = arith.constant 0 : i32
      %dma_start3A_69 = tpu.memref_slice %dma_start3A_67[%mul3A_62, %dma_start3A_68] : memref<10240x128xf32, #tpu.memory_space<hbm>> -> memref<640x128xf32, #tpu.memory_space<hbm>>
      %dma_start3A_70 = arith.constant 0 : i32
      %dma_start3A_71 = tpu.memref_slice %arg10[%mul3A_60, %dma_start3A_70] : memref<10240x128xf32, #tpu.memory_space<vmem_shared>> -> memref<640x128xf32, #tpu.memory_space<vmem_shared>>
      tpu.enqueue_dma source(%dma_start3A_71 : memref<640x128xf32, #tpu.memory_space<vmem_shared>>) target(%dma_start3A_69 : memref<640x128xf32, #tpu.memory_space<hbm>>) target_semaphore(%run_scoped3A_63 : memref<!tpu.dma_semaphore, #tpu.memory_space<semaphore_mem>>)
      %dma_wait3A = arith.constant 0 : i32
      %dma_wait3A_72 = arith.constant 0 : i32
      %dma_wait3A_73 = tpu.memref_slice %arg5[%arg0, %dma_wait3A, %dma_wait3A_72] : memref<2x10240x128xf32, #tpu.memory_space<hbm>> -> memref<1x10240x128xf32, #tpu.memory_space<hbm>>
      %dma_wait3A_74 = tpu.memref_squeeze %dma_wait3A_73 : memref<1x10240x128xf32, #tpu.memory_space<hbm>> -> memref<10240x128xf32, #tpu.memory_space<hbm>>
      %dma_wait3A_75 = arith.constant 0 : i32
      %dma_wait3A_76 = tpu.memref_slice %dma_wait3A_74[%mul3A_62, %dma_wait3A_75] : memref<10240x128xf32, #tpu.memory_space<hbm>> -> memref<640x128xf32, #tpu.memory_space<hbm>>
      %dma_wait3A_77 = arith.constant 0 : i32
      %dma_wait3A_78 = tpu.memref_slice %arg10[%mul3A_60, %dma_wait3A_77] : memref<10240x128xf32, #tpu.memory_space<vmem_shared>> -> memref<640x128xf32, #tpu.memory_space<vmem_shared>>
      tpu.wait_dma2 semaphore(%run_scoped3A_63 : memref<!tpu.dma_semaphore, #tpu.memory_space<semaphore_mem>>) src(%dma_wait3A_78 : memref<640x128xf32, #tpu.memory_space<vmem_shared>>) dst(%dma_wait3A_76 : memref<640x128xf32, #tpu.memory_space<hbm>>)
      tpu.yield
    }) : () -> ()
    return
  }
}

#map = affine_map<(d0, d1) -> (0, 0)>
#map1 = affine_map<(d0, d1) -> (0, 0, 0, 0)>
#map2 = affine_map<(d0, d1) -> (0, 0, 0)>
module attributes {stable_mosaic.version = 14 : i64} {
  func.func @_agg_body(%arg0: i32, %arg1: i32, %arg2: memref<10000x128xf32, #tpu.memory_space<hbm>>, %arg3: memref<2x32x80x128xi32, #tpu.memory_space<hbm>>, %arg4: memref<10240x128xf32, #tpu.memory_space<hbm>>, %arg5: memref<2x10240x128xf32, #tpu.memory_space<hbm>>, %arg6: memref<40x128xi32, #tpu.memory_space<vmem>>, %arg7: memref<40x128xi32, #tpu.memory_space<vmem>>, %arg8: memref<128x128xf32, #tpu.memory_space<vmem>>, %arg9: memref<128x128xf32, #tpu.memory_space<vmem>>, %arg10: memref<10240x128xf32, #tpu.memory_space<vmem_shared>>, %arg11: memref<!tpu.dma_semaphore, #tpu.memory_space<semaphore_mem>>, %arg12: memref<!tpu.dma_semaphore, #tpu.memory_space<semaphore_mem>>) attributes {dimension_semantics = [#tpu.dimension_semantics<core_parallel>, #tpu.dimension_semantics<subcore_parallel>], iteration_bounds = array<i64: 2, 16>, scalar_prefetch = 0 : i64, scratch_operands = 7 : i64, tpu.core_type = #tpu.core_type<sc_vector_subcore>, window_params = [{transform_indices = #map}, {transform_indices = #map1}, {transform_indices = #map}, {transform_indices = #map2}]} {
    %mul3A = arith.constant 2 : i32
    %mul3A_0 = arith.muli %arg1, %mul3A : i32
    %add3A = arith.addi %mul3A_0, %arg0 : i32
    %run_scoped3A = arith.constant 0 : i32
    "tpu.region"() ({
      %run_scoped3A_63 = tpu.sem_alloc : memref<!tpu.dma_semaphore, #tpu.memory_space<semaphore_mem>>
      %dma_start3A_64 = arith.constant 0 : i32
      %dma_start3A_65 = arith.constant 0 : i32
      %dma_start3A_66 = tpu.memref_slice %arg3[%run_scoped3A, %add3A, %dma_start3A_64, %dma_start3A_65] : memref<2x32x80x128xi32, #tpu.memory_space<hbm>> -> memref<1x1x80x128xi32, #tpu.memory_space<hbm>>
      %dma_start3A_67 = tpu.memref_squeeze %dma_start3A_66 : memref<1x1x80x128xi32, #tpu.memory_space<hbm>> -> memref<80x128xi32, #tpu.memory_space<hbm>>
      %dma_start3A_68 = arith.constant 0 : i32
      %dma_start3A_69 = arith.constant 0 : i32
      %dma_start3A_70 = tpu.memref_slice %dma_start3A_67[%dma_start3A_68, %dma_start3A_69] : memref<80x128xi32, #tpu.memory_space<hbm>> -> memref<40x128xi32, #tpu.memory_space<hbm>>
      %dma_start3A_71 = arith.constant 0 : i32
      %dma_start3A_72 = arith.constant 0 : i32
      %dma_start3A_73 = tpu.memref_slice %arg3[%run_scoped3A, %add3A, %dma_start3A_71, %dma_start3A_72] : memref<2x32x80x128xi32, #tpu.memory_space<hbm>> -> memref<1x1x80x128xi32, #tpu.memory_space<hbm>>
      %dma_start3A_74 = tpu.memref_squeeze %dma_start3A_73 : memref<1x1x80x128xi32, #tpu.memory_space<hbm>> -> memref<80x128xi32, #tpu.memory_space<hbm>>
      %dma_start3A_75 = arith.constant 0 : i32
      %dma_start3A_76 = arith.constant 0 : i32
      %dma_start3A_77 = tpu.memref_slice %dma_start3A_74[%dma_start3A_75, %dma_start3A_76] : memref<80x128xi32, #tpu.memory_space<hbm>> -> memref<40x128xi32, #tpu.memory_space<hbm>>
      tpu.enqueue_dma source(%dma_start3A_77 : memref<40x128xi32, #tpu.memory_space<hbm>>) target(%arg6 : memref<40x128xi32, #tpu.memory_space<vmem>>) target_semaphore(%run_scoped3A_63 : memref<!tpu.dma_semaphore, #tpu.memory_space<semaphore_mem>>)
      %dma_wait3A = arith.constant 0 : i32
      %dma_wait3A_78 = arith.constant 0 : i32
      %dma_wait3A_79 = tpu.memref_slice %arg3[%run_scoped3A, %add3A, %dma_wait3A, %dma_wait3A_78] : memref<2x32x80x128xi32, #tpu.memory_space<hbm>> -> memref<1x1x80x128xi32, #tpu.memory_space<hbm>>
      %dma_wait3A_80 = tpu.memref_squeeze %dma_wait3A_79 : memref<1x1x80x128xi32, #tpu.memory_space<hbm>> -> memref<80x128xi32, #tpu.memory_space<hbm>>
      %dma_wait3A_81 = arith.constant 0 : i32
      %dma_wait3A_82 = arith.constant 0 : i32
      %dma_wait3A_83 = tpu.memref_slice %dma_wait3A_80[%dma_wait3A_81, %dma_wait3A_82] : memref<80x128xi32, #tpu.memory_space<hbm>> -> memref<40x128xi32, #tpu.memory_space<hbm>>
      %dma_wait3A_84 = arith.constant 0 : i32
      %dma_wait3A_85 = arith.constant 0 : i32
      %dma_wait3A_86 = tpu.memref_slice %arg3[%run_scoped3A, %add3A, %dma_wait3A_84, %dma_wait3A_85] : memref<2x32x80x128xi32, #tpu.memory_space<hbm>> -> memref<1x1x80x128xi32, #tpu.memory_space<hbm>>
      %dma_wait3A_87 = tpu.memref_squeeze %dma_wait3A_86 : memref<1x1x80x128xi32, #tpu.memory_space<hbm>> -> memref<80x128xi32, #tpu.memory_space<hbm>>
      %dma_wait3A_88 = arith.constant 0 : i32
      %dma_wait3A_89 = arith.constant 0 : i32
      %dma_wait3A_90 = tpu.memref_slice %dma_wait3A_87[%dma_wait3A_88, %dma_wait3A_89] : memref<80x128xi32, #tpu.memory_space<hbm>> -> memref<40x128xi32, #tpu.memory_space<hbm>>
      tpu.wait_dma2 semaphore(%run_scoped3A_63 : memref<!tpu.dma_semaphore, #tpu.memory_space<semaphore_mem>>) src(%dma_wait3A_90 : memref<40x128xi32, #tpu.memory_space<hbm>>) dst(%arg6 : memref<40x128xi32, #tpu.memory_space<vmem>>)
      tpu.yield
    }) : () -> ()
    %run_scoped3A_1 = arith.constant 1 : i32
    "tpu.region"() ({
      %run_scoped3A_63 = tpu.sem_alloc : memref<!tpu.dma_semaphore, #tpu.memory_space<semaphore_mem>>
      %dma_start3A_64 = arith.constant 0 : i32
      %dma_start3A_65 = arith.constant 0 : i32
      %dma_start3A_66 = tpu.memref_slice %arg3[%run_scoped3A_1, %add3A, %dma_start3A_64, %dma_start3A_65] : memref<2x32x80x128xi32, #tpu.memory_space<hbm>> -> memref<1x1x80x128xi32, #tpu.memory_space<hbm>>
      %dma_start3A_67 = tpu.memref_squeeze %dma_start3A_66 : memref<1x1x80x128xi32, #tpu.memory_space<hbm>> -> memref<80x128xi32, #tpu.memory_space<hbm>>
      %dma_start3A_68 = arith.constant 0 : i32
      %dma_start3A_69 = arith.constant 0 : i32
      %dma_start3A_70 = tpu.memref_slice %dma_start3A_67[%dma_start3A_68, %dma_start3A_69] : memref<80x128xi32, #tpu.memory_space<hbm>> -> memref<40x128xi32, #tpu.memory_space<hbm>>
      %dma_start3A_71 = arith.constant 0 : i32
      %dma_start3A_72 = arith.constant 0 : i32
      %dma_start3A_73 = tpu.memref_slice %arg3[%run_scoped3A_1, %add3A, %dma_start3A_71, %dma_start3A_72] : memref<2x32x80x128xi32, #tpu.memory_space<hbm>> -> memref<1x1x80x128xi32, #tpu.memory_space<hbm>>
      %dma_start3A_74 = tpu.memref_squeeze %dma_start3A_73 : memref<1x1x80x128xi32, #tpu.memory_space<hbm>> -> memref<80x128xi32, #tpu.memory_space<hbm>>
      %dma_start3A_75 = arith.constant 0 : i32
      %dma_start3A_76 = arith.constant 0 : i32
      %dma_start3A_77 = tpu.memref_slice %dma_start3A_74[%dma_start3A_75, %dma_start3A_76] : memref<80x128xi32, #tpu.memory_space<hbm>> -> memref<40x128xi32, #tpu.memory_space<hbm>>
      tpu.enqueue_dma source(%dma_start3A_77 : memref<40x128xi32, #tpu.memory_space<hbm>>) target(%arg7 : memref<40x128xi32, #tpu.memory_space<vmem>>) target_semaphore(%run_scoped3A_63 : memref<!tpu.dma_semaphore, #tpu.memory_space<semaphore_mem>>)
      %dma_wait3A = arith.constant 0 : i32
      %dma_wait3A_78 = arith.constant 0 : i32
      %dma_wait3A_79 = tpu.memref_slice %arg3[%run_scoped3A_1, %add3A, %dma_wait3A, %dma_wait3A_78] : memref<2x32x80x128xi32, #tpu.memory_space<hbm>> -> memref<1x1x80x128xi32, #tpu.memory_space<hbm>>
      %dma_wait3A_80 = tpu.memref_squeeze %dma_wait3A_79 : memref<1x1x80x128xi32, #tpu.memory_space<hbm>> -> memref<80x128xi32, #tpu.memory_space<hbm>>
      %dma_wait3A_81 = arith.constant 0 : i32
      %dma_wait3A_82 = arith.constant 0 : i32
      %dma_wait3A_83 = tpu.memref_slice %dma_wait3A_80[%dma_wait3A_81, %dma_wait3A_82] : memref<80x128xi32, #tpu.memory_space<hbm>> -> memref<40x128xi32, #tpu.memory_space<hbm>>
      %dma_wait3A_84 = arith.constant 0 : i32
      %dma_wait3A_85 = arith.constant 0 : i32
      %dma_wait3A_86 = tpu.memref_slice %arg3[%run_scoped3A_1, %add3A, %dma_wait3A_84, %dma_wait3A_85] : memref<2x32x80x128xi32, #tpu.memory_space<hbm>> -> memref<1x1x80x128xi32, #tpu.memory_space<hbm>>
      %dma_wait3A_87 = tpu.memref_squeeze %dma_wait3A_86 : memref<1x1x80x128xi32, #tpu.memory_space<hbm>> -> memref<80x128xi32, #tpu.memory_space<hbm>>
      %dma_wait3A_88 = arith.constant 0 : i32
      %dma_wait3A_89 = arith.constant 0 : i32
      %dma_wait3A_90 = tpu.memref_slice %dma_wait3A_87[%dma_wait3A_88, %dma_wait3A_89] : memref<80x128xi32, #tpu.memory_space<hbm>> -> memref<40x128xi32, #tpu.memory_space<hbm>>
      tpu.wait_dma2 semaphore(%run_scoped3A_63 : memref<!tpu.dma_semaphore, #tpu.memory_space<semaphore_mem>>) src(%dma_wait3A_90 : memref<40x128xi32, #tpu.memory_space<hbm>>) dst(%arg7 : memref<40x128xi32, #tpu.memory_space<vmem>>)
      tpu.yield
    }) : () -> ()
    %dma_start3A = arith.constant 0 : i32
    %dma_start3A_2 = arith.constant 0 : i32
    %dma_start3A_3 = tpu.memref_slice %arg6[%dma_start3A, %dma_start3A_2] : memref<40x128xi32, #tpu.memory_space<vmem>> -> memref<1x128xi32, #tpu.memory_space<vmem>>
    %dma_start3A_4 = tpu.memref_squeeze %dma_start3A_3 : memref<1x128xi32, #tpu.memory_space<vmem>> -> memref<128xi32, #tpu.memory_space<vmem>>
    %dma_start3A_5 = arith.constant 0 : i32
    %dma_start3A_6 = arith.constant 0 : i32
    %dma_start3A_7 = tpu.memref_slice %arg2[%dma_start3A_5, %dma_start3A_6] : memref<10000x128xf32, #tpu.memory_space<hbm>> -> memref<10000x128xf32, #tpu.memory_space<hbm>>
    tpu.enqueue_indirect_dma source(%dma_start3A_7 : memref<10000x128xf32, #tpu.memory_space<hbm>>) target(%arg8 : memref<128x128xf32, #tpu.memory_space<vmem>>) offsets(%dma_start3A_4 : memref<128xi32, #tpu.memory_space<vmem>>) semaphore(%arg11 : memref<!tpu.dma_semaphore, #tpu.memory_space<semaphore_mem>>)
    %dma_start3A_8 = arith.constant 1 : i32
    %dma_start3A_9 = arith.constant 0 : i32
    %dma_start3A_10 = tpu.memref_slice %arg6[%dma_start3A_8, %dma_start3A_9] : memref<40x128xi32, #tpu.memory_space<vmem>> -> memref<1x128xi32, #tpu.memory_space<vmem>>
    %dma_start3A_11 = tpu.memref_squeeze %dma_start3A_10 : memref<1x128xi32, #tpu.memory_space<vmem>> -> memref<128xi32, #tpu.memory_space<vmem>>
    %dma_start3A_12 = arith.constant 0 : i32
    %dma_start3A_13 = arith.constant 0 : i32
    %dma_start3A_14 = tpu.memref_slice %arg2[%dma_start3A_12, %dma_start3A_13] : memref<10000x128xf32, #tpu.memory_space<hbm>> -> memref<10000x128xf32, #tpu.memory_space<hbm>>
    tpu.enqueue_indirect_dma source(%dma_start3A_14 : memref<10000x128xf32, #tpu.memory_space<hbm>>) target(%arg9 : memref<128x128xf32, #tpu.memory_space<vmem>>) offsets(%dma_start3A_11 : memref<128xi32, #tpu.memory_space<vmem>>) semaphore(%arg12 : memref<!tpu.dma_semaphore, #tpu.memory_space<semaphore_mem>>)
    %eq3A = arith.constant 0 : i32
    %eq3A_15 = arith.cmpi eq, %arg0, %eq3A : i32
    %lt3A = arith.constant 15 : i32
    %lt3A_16 = arith.cmpi slt, %arg1, %lt3A : i32
    %and3A = arith.andi %eq3A_15, %lt3A_16 : i1
    %convert_element_type3A = arith.extui %and3A : i1 to i32
    %cond3A = arith.constant 0 : i32
    %cond3A_17 = arith.cmpi ne, %convert_element_type3A, %cond3A : i32
    scf.if %cond3A_17 {
      %mul3A_63 = arith.constant 640 : i32
      %mul3A_64 = arith.muli %arg1, %mul3A_63 : i32
      %mul3A_65 = arith.constant 640 : i32
      %mul3A_66 = arith.muli %arg1, %mul3A_65 : i32
      "tpu.region"() ({
        %run_scoped3A_67 = tpu.sem_alloc : memref<!tpu.dma_semaphore, #tpu.memory_space<semaphore_mem>>
        %dma_start3A_68 = arith.constant 0 : i32
        %dma_start3A_69 = tpu.memref_slice %arg10[%mul3A_66, %dma_start3A_68] : memref<10240x128xf32, #tpu.memory_space<vmem_shared>> -> memref<640x128xf32, #tpu.memory_space<vmem_shared>>
        %dma_start3A_70 = arith.constant 0 : i32
        %dma_start3A_71 = tpu.memref_slice %arg2[%mul3A_64, %dma_start3A_70] : memref<10000x128xf32, #tpu.memory_space<hbm>> -> memref<640x128xf32, #tpu.memory_space<hbm>>
        tpu.enqueue_dma source(%dma_start3A_71 : memref<640x128xf32, #tpu.memory_space<hbm>>) target(%dma_start3A_69 : memref<640x128xf32, #tpu.memory_space<vmem_shared>>) target_semaphore(%run_scoped3A_67 : memref<!tpu.dma_semaphore, #tpu.memory_space<semaphore_mem>>)
        %dma_wait3A = arith.constant 0 : i32
        %dma_wait3A_72 = tpu.memref_slice %arg10[%mul3A_66, %dma_wait3A] : memref<10240x128xf32, #tpu.memory_space<vmem_shared>> -> memref<640x128xf32, #tpu.memory_space<vmem_shared>>
        %dma_wait3A_73 = arith.constant 0 : i32
        %dma_wait3A_74 = tpu.memref_slice %arg2[%mul3A_64, %dma_wait3A_73] : memref<10000x128xf32, #tpu.memory_space<hbm>> -> memref<640x128xf32, #tpu.memory_space<hbm>>
        tpu.wait_dma2 semaphore(%run_scoped3A_67 : memref<!tpu.dma_semaphore, #tpu.memory_space<semaphore_mem>>) src(%dma_wait3A_74 : memref<640x128xf32, #tpu.memory_space<hbm>>) dst(%dma_wait3A_72 : memref<640x128xf32, #tpu.memory_space<vmem_shared>>)
        tpu.yield
      }) : () -> ()
    } else {
    }
    %eq3A_18 = arith.constant 0 : i32
    %eq3A_19 = arith.cmpi eq, %arg0, %eq3A_18 : i32
    %eq3A_20 = arith.constant 15 : i32
    %eq3A_21 = arith.cmpi eq, %arg1, %eq3A_20 : i32
    %and3A_22 = arith.andi %eq3A_19, %eq3A_21 : i1
    %convert_element_type3A_23 = arith.extui %and3A_22 : i1 to i32
    %cond3A_24 = arith.constant 0 : i32
    %cond3A_25 = arith.cmpi ne, %convert_element_type3A_23, %cond3A_24 : i32
    scf.if %cond3A_25 {
      "tpu.region"() ({
        %run_scoped3A_63 = tpu.sem_alloc : memref<!tpu.dma_semaphore, #tpu.memory_space<semaphore_mem>>
        %dma_start3A_64 = arith.constant 9600 : i32
        %dma_start3A_65 = arith.constant 0 : i32
        %dma_start3A_66 = tpu.memref_slice %arg10[%dma_start3A_64, %dma_start3A_65] : memref<10240x128xf32, #tpu.memory_space<vmem_shared>> -> memref<400x128xf32, #tpu.memory_space<vmem_shared>>
        %dma_start3A_67 = arith.constant 9600 : i32
        %dma_start3A_68 = arith.constant 0 : i32
        %dma_start3A_69 = tpu.memref_slice %arg2[%dma_start3A_67, %dma_start3A_68] : memref<10000x128xf32, #tpu.memory_space<hbm>> -> memref<400x128xf32, #tpu.memory_space<hbm>>
        tpu.enqueue_dma source(%dma_start3A_69 : memref<400x128xf32, #tpu.memory_space<hbm>>) target(%dma_start3A_66 : memref<400x128xf32, #tpu.memory_space<vmem_shared>>) target_semaphore(%run_scoped3A_63 : memref<!tpu.dma_semaphore, #tpu.memory_space<semaphore_mem>>)
        %dma_wait3A = arith.constant 9600 : i32
        %dma_wait3A_70 = arith.constant 0 : i32
        %dma_wait3A_71 = tpu.memref_slice %arg10[%dma_wait3A, %dma_wait3A_70] : memref<10240x128xf32, #tpu.memory_space<vmem_shared>> -> memref<400x128xf32, #tpu.memory_space<vmem_shared>>
        %dma_wait3A_72 = arith.constant 9600 : i32
        %dma_wait3A_73 = arith.constant 0 : i32
        %dma_wait3A_74 = tpu.memref_slice %arg2[%dma_wait3A_72, %dma_wait3A_73] : memref<10000x128xf32, #tpu.memory_space<hbm>> -> memref<400x128xf32, #tpu.memory_space<hbm>>
        tpu.wait_dma2 semaphore(%run_scoped3A_63 : memref<!tpu.dma_semaphore, #tpu.memory_space<semaphore_mem>>) src(%dma_wait3A_74 : memref<400x128xf32, #tpu.memory_space<hbm>>) dst(%dma_wait3A_71 : memref<400x128xf32, #tpu.memory_space<vmem_shared>>)
        tpu.yield
      }) : () -> ()
      "tpu.region"() ({
        %run_scoped3A_63 = tpu.sem_alloc : memref<!tpu.dma_semaphore, #tpu.memory_space<semaphore_mem>>
        %dma_start3A_64 = arith.constant 10000 : i32
        %dma_start3A_65 = arith.constant 0 : i32
        %dma_start3A_66 = tpu.memref_slice %arg10[%dma_start3A_64, %dma_start3A_65] : memref<10240x128xf32, #tpu.memory_space<vmem_shared>> -> memref<240x128xf32, #tpu.memory_space<vmem_shared>>
        %dma_start3A_67 = arith.constant 10000 : i32
        %dma_start3A_68 = arith.constant 0 : i32
        %dma_start3A_69 = tpu.memref_slice %arg4[%dma_start3A_67, %dma_start3A_68] : memref<10240x128xf32, #tpu.memory_space<hbm>> -> memref<240x128xf32, #tpu.memory_space<hbm>>
        tpu.enqueue_dma source(%dma_start3A_69 : memref<240x128xf32, #tpu.memory_space<hbm>>) target(%dma_start3A_66 : memref<240x128xf32, #tpu.memory_space<vmem_shared>>) target_semaphore(%run_scoped3A_63 : memref<!tpu.dma_semaphore, #tpu.memory_space<semaphore_mem>>)
        %dma_wait3A = arith.constant 10000 : i32
        %dma_wait3A_70 = arith.constant 0 : i32
        %dma_wait3A_71 = tpu.memref_slice %arg10[%dma_wait3A, %dma_wait3A_70] : memref<10240x128xf32, #tpu.memory_space<vmem_shared>> -> memref<240x128xf32, #tpu.memory_space<vmem_shared>>
        %dma_wait3A_72 = arith.constant 10000 : i32
        %dma_wait3A_73 = arith.constant 0 : i32
        %dma_wait3A_74 = tpu.memref_slice %arg4[%dma_wait3A_72, %dma_wait3A_73] : memref<10240x128xf32, #tpu.memory_space<hbm>> -> memref<240x128xf32, #tpu.memory_space<hbm>>
        tpu.wait_dma2 semaphore(%run_scoped3A_63 : memref<!tpu.dma_semaphore, #tpu.memory_space<semaphore_mem>>) src(%dma_wait3A_74 : memref<240x128xf32, #tpu.memory_space<hbm>>) dst(%dma_wait3A_71 : memref<240x128xf32, #tpu.memory_space<vmem_shared>>)
        tpu.yield
      }) : () -> ()
    } else {
    }
    %eq3A_26 = arith.constant 1 : i32
    %eq3A_27 = arith.cmpi eq, %arg0, %eq3A_26 : i32
    %convert_element_type3A_28 = arith.extui %eq3A_27 : i1 to i32
    %cond3A_29 = arith.constant 0 : i32
    %cond3A_30 = arith.cmpi ne, %convert_element_type3A_28, %cond3A_29 : i32
    scf.if %cond3A_30 {
      %mul3A_63 = arith.constant 640 : i32
      %mul3A_64 = arith.muli %arg1, %mul3A_63 : i32
      %mul3A_65 = arith.constant 640 : i32
      %mul3A_66 = arith.muli %arg1, %mul3A_65 : i32
      "tpu.region"() ({
        %run_scoped3A_67 = tpu.sem_alloc : memref<!tpu.dma_semaphore, #tpu.memory_space<semaphore_mem>>
        %dma_start3A_68 = arith.constant 0 : i32
        %dma_start3A_69 = tpu.memref_slice %arg10[%mul3A_66, %dma_start3A_68] : memref<10240x128xf32, #tpu.memory_space<vmem_shared>> -> memref<640x128xf32, #tpu.memory_space<vmem_shared>>
        %dma_start3A_70 = arith.constant 0 : i32
        %dma_start3A_71 = tpu.memref_slice %arg4[%mul3A_64, %dma_start3A_70] : memref<10240x128xf32, #tpu.memory_space<hbm>> -> memref<640x128xf32, #tpu.memory_space<hbm>>
        tpu.enqueue_dma source(%dma_start3A_71 : memref<640x128xf32, #tpu.memory_space<hbm>>) target(%dma_start3A_69 : memref<640x128xf32, #tpu.memory_space<vmem_shared>>) target_semaphore(%run_scoped3A_67 : memref<!tpu.dma_semaphore, #tpu.memory_space<semaphore_mem>>)
        %dma_wait3A = arith.constant 0 : i32
        %dma_wait3A_72 = tpu.memref_slice %arg10[%mul3A_66, %dma_wait3A] : memref<10240x128xf32, #tpu.memory_space<vmem_shared>> -> memref<640x128xf32, #tpu.memory_space<vmem_shared>>
        %dma_wait3A_73 = arith.constant 0 : i32
        %dma_wait3A_74 = tpu.memref_slice %arg4[%mul3A_64, %dma_wait3A_73] : memref<10240x128xf32, #tpu.memory_space<hbm>> -> memref<640x128xf32, #tpu.memory_space<hbm>>
        tpu.wait_dma2 semaphore(%run_scoped3A_67 : memref<!tpu.dma_semaphore, #tpu.memory_space<semaphore_mem>>) src(%dma_wait3A_74 : memref<640x128xf32, #tpu.memory_space<hbm>>) dst(%dma_wait3A_72 : memref<640x128xf32, #tpu.memory_space<vmem_shared>>)
        tpu.yield
      }) : () -> ()
    } else {
    }
    %barrier3A = arith.constant 0 : index
    tpu.barrier barrier_id(%barrier3A)
    %scan3A = arith.constant 0 : i32
    %scan3A_31 = arith.constant 0 : i32
    %scan3A_32 = arith.constant 20 : i32
    %scan3A_33 = arith.addi %scan3A_31, %scan3A_32 : i32
    %scan3A_34 = arith.constant 1 : i32
    scf.for %scan3A_63 = %scan3A_31 to %scan3A_33 step %scan3A_34  : i32 {
      %mul3A_64 = arith.constant 2 : i32
      %mul3A_65 = arith.muli %mul3A_64, %scan3A_63 : i32
      %dma_wait3A = arith.constant 0 : i32
      %dma_wait3A_66 = tpu.memref_slice %arg6[%mul3A_65, %dma_wait3A] : memref<40x128xi32, #tpu.memory_space<vmem>> -> memref<1x128xi32, #tpu.memory_space<vmem>>
      %dma_wait3A_67 = tpu.memref_squeeze %dma_wait3A_66 : memref<1x128xi32, #tpu.memory_space<vmem>> -> memref<128xi32, #tpu.memory_space<vmem>>
      %dma_wait3A_68 = arith.constant 0 : i32
      %dma_wait3A_69 = arith.constant 0 : i32
      %dma_wait3A_70 = tpu.memref_slice %arg2[%dma_wait3A_68, %dma_wait3A_69] : memref<10000x128xf32, #tpu.memory_space<hbm>> -> memref<10000x128xf32, #tpu.memory_space<hbm>>
      tpu.wait_indirect_dma semaphore(%arg11 : memref<!tpu.dma_semaphore, #tpu.memory_space<semaphore_mem>>) src(%dma_wait3A_70 : memref<10000x128xf32, #tpu.memory_space<hbm>>) dst(%arg8 : memref<128x128xf32, #tpu.memory_space<vmem>>)
      "tpu.region"() ({
        %run_scoped3A_89 = tpu.sem_alloc : memref<!tpu.dma_semaphore, #tpu.memory_space<semaphore_mem>>
        %dma_start3A_90 = arith.constant 0 : i32
        %dma_start3A_91 = tpu.memref_slice %arg7[%mul3A_65, %dma_start3A_90] : memref<40x128xi32, #tpu.memory_space<vmem>> -> memref<1x128xi32, #tpu.memory_space<vmem>>
        %dma_start3A_92 = tpu.memref_squeeze %dma_start3A_91 : memref<1x128xi32, #tpu.memory_space<vmem>> -> memref<128xi32, #tpu.memory_space<vmem>>
        %dma_start3A_93 = arith.constant 0 : i32
        %dma_start3A_94 = arith.constant 0 : i32
        %dma_start3A_95 = tpu.memref_slice %arg10[%dma_start3A_93, %dma_start3A_94] : memref<10240x128xf32, #tpu.memory_space<vmem_shared>> -> memref<10240x128xf32, #tpu.memory_space<vmem_shared>>
        tpu.enqueue_indirect_dma source(%arg8 : memref<128x128xf32, #tpu.memory_space<vmem>>) target(%dma_start3A_95 : memref<10240x128xf32, #tpu.memory_space<vmem_shared>>) offsets(%dma_start3A_92 : memref<128xi32, #tpu.memory_space<vmem>>) semaphore(%run_scoped3A_89 : memref<!tpu.dma_semaphore, #tpu.memory_space<semaphore_mem>>) {add = true}
        %dma_wait3A_96 = arith.constant 0 : i32
        %dma_wait3A_97 = tpu.memref_slice %arg7[%mul3A_65, %dma_wait3A_96] : memref<40x128xi32, #tpu.memory_space<vmem>> -> memref<1x128xi32, #tpu.memory_space<vmem>>
        %dma_wait3A_98 = tpu.memref_squeeze %dma_wait3A_97 : memref<1x128xi32, #tpu.memory_space<vmem>> -> memref<128xi32, #tpu.memory_space<vmem>>
        %dma_wait3A_99 = arith.constant 0 : i32
        %dma_wait3A_100 = arith.constant 0 : i32
        %dma_wait3A_101 = tpu.memref_slice %arg10[%dma_wait3A_99, %dma_wait3A_100] : memref<10240x128xf32, #tpu.memory_space<vmem_shared>> -> memref<10240x128xf32, #tpu.memory_space<vmem_shared>>
        tpu.wait_indirect_dma semaphore(%run_scoped3A_89 : memref<!tpu.dma_semaphore, #tpu.memory_space<semaphore_mem>>) src(%arg8 : memref<128x128xf32, #tpu.memory_space<vmem>>) dst(%dma_wait3A_101 : memref<10240x128xf32, #tpu.memory_space<vmem_shared>>)
        tpu.yield
      }) : () -> ()
      %lt3A_71 = arith.constant 19 : i32
      %lt3A_72 = arith.cmpi slt, %scan3A_63, %lt3A_71 : i32
      %convert_element_type3A_73 = arith.extui %lt3A_72 : i1 to i32
      %cond3A_74 = arith.constant 0 : i32
      %cond3A_75 = arith.cmpi ne, %convert_element_type3A_73, %cond3A_74 : i32
      scf.if %cond3A_75 {
        %add3A_89 = arith.constant 2 : i32
        %add3A_90 = arith.addi %mul3A_65, %add3A_89 : i32
        %dma_start3A_91 = arith.constant 0 : i32
        %dma_start3A_92 = tpu.memref_slice %arg6[%add3A_90, %dma_start3A_91] : memref<40x128xi32, #tpu.memory_space<vmem>> -> memref<1x128xi32, #tpu.memory_space<vmem>>
        %dma_start3A_93 = tpu.memref_squeeze %dma_start3A_92 : memref<1x128xi32, #tpu.memory_space<vmem>> -> memref<128xi32, #tpu.memory_space<vmem>>
        %dma_start3A_94 = arith.constant 0 : i32
        %dma_start3A_95 = arith.constant 0 : i32
        %dma_start3A_96 = tpu.memref_slice %arg2[%dma_start3A_94, %dma_start3A_95] : memref<10000x128xf32, #tpu.memory_space<hbm>> -> memref<10000x128xf32, #tpu.memory_space<hbm>>
        tpu.enqueue_indirect_dma source(%dma_start3A_96 : memref<10000x128xf32, #tpu.memory_space<hbm>>) target(%arg8 : memref<128x128xf32, #tpu.memory_space<vmem>>) offsets(%dma_start3A_93 : memref<128xi32, #tpu.memory_space<vmem>>) semaphore(%arg11 : memref<!tpu.dma_semaphore, #tpu.memory_space<semaphore_mem>>)
      } else {
      }
      %add3A_76 = arith.constant 1 : i32
      %add3A_77 = arith.addi %mul3A_65, %add3A_76 : i32
      %dma_wait3A_78 = arith.constant 0 : i32
      %dma_wait3A_79 = tpu.memref_slice %arg6[%add3A_77, %dma_wait3A_78] : memref<40x128xi32, #tpu.memory_space<vmem>> -> memref<1x128xi32, #tpu.memory_space<vmem>>
      %dma_wait3A_80 = tpu.memref_squeeze %dma_wait3A_79 : memref<1x128xi32, #tpu.memory_space<vmem>> -> memref<128xi32, #tpu.memory_space<vmem>>
      %dma_wait3A_81 = arith.constant 0 : i32
      %dma_wait3A_82 = arith.constant 0 : i32
      %dma_wait3A_83 = tpu.memref_slice %arg2[%dma_wait3A_81, %dma_wait3A_82] : memref<10000x128xf32, #tpu.memory_space<hbm>> -> memref<10000x128xf32, #tpu.memory_space<hbm>>
      tpu.wait_indirect_dma semaphore(%arg12 : memref<!tpu.dma_semaphore, #tpu.memory_space<semaphore_mem>>) src(%dma_wait3A_83 : memref<10000x128xf32, #tpu.memory_space<hbm>>) dst(%arg9 : memref<128x128xf32, #tpu.memory_space<vmem>>)
      "tpu.region"() ({
        %run_scoped3A_89 = tpu.sem_alloc : memref<!tpu.dma_semaphore, #tpu.memory_space<semaphore_mem>>
        %dma_start3A_90 = arith.constant 0 : i32
        %dma_start3A_91 = tpu.memref_slice %arg7[%add3A_77, %dma_start3A_90] : memref<40x128xi32, #tpu.memory_space<vmem>> -> memref<1x128xi32, #tpu.memory_space<vmem>>
        %dma_start3A_92 = tpu.memref_squeeze %dma_start3A_91 : memref<1x128xi32, #tpu.memory_space<vmem>> -> memref<128xi32, #tpu.memory_space<vmem>>
        %dma_start3A_93 = arith.constant 0 : i32
        %dma_start3A_94 = arith.constant 0 : i32
        %dma_start3A_95 = tpu.memref_slice %arg10[%dma_start3A_93, %dma_start3A_94] : memref<10240x128xf32, #tpu.memory_space<vmem_shared>> -> memref<10240x128xf32, #tpu.memory_space<vmem_shared>>
        tpu.enqueue_indirect_dma source(%arg9 : memref<128x128xf32, #tpu.memory_space<vmem>>) target(%dma_start3A_95 : memref<10240x128xf32, #tpu.memory_space<vmem_shared>>) offsets(%dma_start3A_92 : memref<128xi32, #tpu.memory_space<vmem>>) semaphore(%run_scoped3A_89 : memref<!tpu.dma_semaphore, #tpu.memory_space<semaphore_mem>>) {add = true}
        %dma_wait3A_96 = arith.constant 0 : i32
        %dma_wait3A_97 = tpu.memref_slice %arg7[%add3A_77, %dma_wait3A_96] : memref<40x128xi32, #tpu.memory_space<vmem>> -> memref<1x128xi32, #tpu.memory_space<vmem>>
        %dma_wait3A_98 = tpu.memref_squeeze %dma_wait3A_97 : memref<1x128xi32, #tpu.memory_space<vmem>> -> memref<128xi32, #tpu.memory_space<vmem>>
        %dma_wait3A_99 = arith.constant 0 : i32
        %dma_wait3A_100 = arith.constant 0 : i32
        %dma_wait3A_101 = tpu.memref_slice %arg10[%dma_wait3A_99, %dma_wait3A_100] : memref<10240x128xf32, #tpu.memory_space<vmem_shared>> -> memref<10240x128xf32, #tpu.memory_space<vmem_shared>>
        tpu.wait_indirect_dma semaphore(%run_scoped3A_89 : memref<!tpu.dma_semaphore, #tpu.memory_space<semaphore_mem>>) src(%arg9 : memref<128x128xf32, #tpu.memory_space<vmem>>) dst(%dma_wait3A_101 : memref<10240x128xf32, #tpu.memory_space<vmem_shared>>)
        tpu.yield
      }) : () -> ()
      %lt3A_84 = arith.constant 19 : i32
      %lt3A_85 = arith.cmpi slt, %scan3A_63, %lt3A_84 : i32
      %convert_element_type3A_86 = arith.extui %lt3A_85 : i1 to i32
      %cond3A_87 = arith.constant 0 : i32
      %cond3A_88 = arith.cmpi ne, %convert_element_type3A_86, %cond3A_87 : i32
      scf.if %cond3A_88 {
        %add3A_89 = arith.constant 2 : i32
        %add3A_90 = arith.addi %add3A_77, %add3A_89 : i32
        %dma_start3A_91 = arith.constant 0 : i32
        %dma_start3A_92 = tpu.memref_slice %arg6[%add3A_90, %dma_start3A_91] : memref<40x128xi32, #tpu.memory_space<vmem>> -> memref<1x128xi32, #tpu.memory_space<vmem>>
        %dma_start3A_93 = tpu.memref_squeeze %dma_start3A_92 : memref<1x128xi32, #tpu.memory_space<vmem>> -> memref<128xi32, #tpu.memory_space<vmem>>
        %dma_start3A_94 = arith.constant 0 : i32
        %dma_start3A_95 = arith.constant 0 : i32
        %dma_start3A_96 = tpu.memref_slice %arg2[%dma_start3A_94, %dma_start3A_95] : memref<10000x128xf32, #tpu.memory_space<hbm>> -> memref<10000x128xf32, #tpu.memory_space<hbm>>
        tpu.enqueue_indirect_dma source(%dma_start3A_96 : memref<10000x128xf32, #tpu.memory_space<hbm>>) target(%arg9 : memref<128x128xf32, #tpu.memory_space<vmem>>) offsets(%dma_start3A_93 : memref<128xi32, #tpu.memory_space<vmem>>) semaphore(%arg12 : memref<!tpu.dma_semaphore, #tpu.memory_space<semaphore_mem>>)
      } else {
      }
    }
    %scan3A_35 = arith.constant 20 : i32
    %run_scoped3A_36 = arith.constant 0 : i32
    "tpu.region"() ({
      %run_scoped3A_63 = tpu.sem_alloc : memref<!tpu.dma_semaphore, #tpu.memory_space<semaphore_mem>>
      %dma_start3A_64 = arith.constant 0 : i32
      %dma_start3A_65 = arith.constant 0 : i32
      %dma_start3A_66 = tpu.memref_slice %arg3[%run_scoped3A_36, %add3A, %dma_start3A_64, %dma_start3A_65] : memref<2x32x80x128xi32, #tpu.memory_space<hbm>> -> memref<1x1x80x128xi32, #tpu.memory_space<hbm>>
      %dma_start3A_67 = tpu.memref_squeeze %dma_start3A_66 : memref<1x1x80x128xi32, #tpu.memory_space<hbm>> -> memref<80x128xi32, #tpu.memory_space<hbm>>
      %dma_start3A_68 = arith.constant 40 : i32
      %dma_start3A_69 = arith.constant 0 : i32
      %dma_start3A_70 = tpu.memref_slice %dma_start3A_67[%dma_start3A_68, %dma_start3A_69] : memref<80x128xi32, #tpu.memory_space<hbm>> -> memref<40x128xi32, #tpu.memory_space<hbm>>
      %dma_start3A_71 = arith.constant 0 : i32
      %dma_start3A_72 = arith.constant 0 : i32
      %dma_start3A_73 = tpu.memref_slice %arg3[%run_scoped3A_36, %add3A, %dma_start3A_71, %dma_start3A_72] : memref<2x32x80x128xi32, #tpu.memory_space<hbm>> -> memref<1x1x80x128xi32, #tpu.memory_space<hbm>>
      %dma_start3A_74 = tpu.memref_squeeze %dma_start3A_73 : memref<1x1x80x128xi32, #tpu.memory_space<hbm>> -> memref<80x128xi32, #tpu.memory_space<hbm>>
      %dma_start3A_75 = arith.constant 40 : i32
      %dma_start3A_76 = arith.constant 0 : i32
      %dma_start3A_77 = tpu.memref_slice %dma_start3A_74[%dma_start3A_75, %dma_start3A_76] : memref<80x128xi32, #tpu.memory_space<hbm>> -> memref<40x128xi32, #tpu.memory_space<hbm>>
      tpu.enqueue_dma source(%dma_start3A_77 : memref<40x128xi32, #tpu.memory_space<hbm>>) target(%arg6 : memref<40x128xi32, #tpu.memory_space<vmem>>) target_semaphore(%run_scoped3A_63 : memref<!tpu.dma_semaphore, #tpu.memory_space<semaphore_mem>>)
      %dma_wait3A = arith.constant 0 : i32
      %dma_wait3A_78 = arith.constant 0 : i32
      %dma_wait3A_79 = tpu.memref_slice %arg3[%run_scoped3A_36, %add3A, %dma_wait3A, %dma_wait3A_78] : memref<2x32x80x128xi32, #tpu.memory_space<hbm>> -> memref<1x1x80x128xi32, #tpu.memory_space<hbm>>
      %dma_wait3A_80 = tpu.memref_squeeze %dma_wait3A_79 : memref<1x1x80x128xi32, #tpu.memory_space<hbm>> -> memref<80x128xi32, #tpu.memory_space<hbm>>
      %dma_wait3A_81 = arith.constant 40 : i32
      %dma_wait3A_82 = arith.constant 0 : i32
      %dma_wait3A_83 = tpu.memref_slice %dma_wait3A_80[%dma_wait3A_81, %dma_wait3A_82] : memref<80x128xi32, #tpu.memory_space<hbm>> -> memref<40x128xi32, #tpu.memory_space<hbm>>
      %dma_wait3A_84 = arith.constant 0 : i32
      %dma_wait3A_85 = arith.constant 0 : i32
      %dma_wait3A_86 = tpu.memref_slice %arg3[%run_scoped3A_36, %add3A, %dma_wait3A_84, %dma_wait3A_85] : memref<2x32x80x128xi32, #tpu.memory_space<hbm>> -> memref<1x1x80x128xi32, #tpu.memory_space<hbm>>
      %dma_wait3A_87 = tpu.memref_squeeze %dma_wait3A_86 : memref<1x1x80x128xi32, #tpu.memory_space<hbm>> -> memref<80x128xi32, #tpu.memory_space<hbm>>
      %dma_wait3A_88 = arith.constant 40 : i32
      %dma_wait3A_89 = arith.constant 0 : i32
      %dma_wait3A_90 = tpu.memref_slice %dma_wait3A_87[%dma_wait3A_88, %dma_wait3A_89] : memref<80x128xi32, #tpu.memory_space<hbm>> -> memref<40x128xi32, #tpu.memory_space<hbm>>
      tpu.wait_dma2 semaphore(%run_scoped3A_63 : memref<!tpu.dma_semaphore, #tpu.memory_space<semaphore_mem>>) src(%dma_wait3A_90 : memref<40x128xi32, #tpu.memory_space<hbm>>) dst(%arg6 : memref<40x128xi32, #tpu.memory_space<vmem>>)
      tpu.yield
    }) : () -> ()
    %run_scoped3A_37 = arith.constant 1 : i32
    "tpu.region"() ({
      %run_scoped3A_63 = tpu.sem_alloc : memref<!tpu.dma_semaphore, #tpu.memory_space<semaphore_mem>>
      %dma_start3A_64 = arith.constant 0 : i32
      %dma_start3A_65 = arith.constant 0 : i32
      %dma_start3A_66 = tpu.memref_slice %arg3[%run_scoped3A_37, %add3A, %dma_start3A_64, %dma_start3A_65] : memref<2x32x80x128xi32, #tpu.memory_space<hbm>> -> memref<1x1x80x128xi32, #tpu.memory_space<hbm>>
      %dma_start3A_67 = tpu.memref_squeeze %dma_start3A_66 : memref<1x1x80x128xi32, #tpu.memory_space<hbm>> -> memref<80x128xi32, #tpu.memory_space<hbm>>
      %dma_start3A_68 = arith.constant 40 : i32
      %dma_start3A_69 = arith.constant 0 : i32
      %dma_start3A_70 = tpu.memref_slice %dma_start3A_67[%dma_start3A_68, %dma_start3A_69] : memref<80x128xi32, #tpu.memory_space<hbm>> -> memref<40x128xi32, #tpu.memory_space<hbm>>
      %dma_start3A_71 = arith.constant 0 : i32
      %dma_start3A_72 = arith.constant 0 : i32
      %dma_start3A_73 = tpu.memref_slice %arg3[%run_scoped3A_37, %add3A, %dma_start3A_71, %dma_start3A_72] : memref<2x32x80x128xi32, #tpu.memory_space<hbm>> -> memref<1x1x80x128xi32, #tpu.memory_space<hbm>>
      %dma_start3A_74 = tpu.memref_squeeze %dma_start3A_73 : memref<1x1x80x128xi32, #tpu.memory_space<hbm>> -> memref<80x128xi32, #tpu.memory_space<hbm>>
      %dma_start3A_75 = arith.constant 40 : i32
      %dma_start3A_76 = arith.constant 0 : i32
      %dma_start3A_77 = tpu.memref_slice %dma_start3A_74[%dma_start3A_75, %dma_start3A_76] : memref<80x128xi32, #tpu.memory_space<hbm>> -> memref<40x128xi32, #tpu.memory_space<hbm>>
      tpu.enqueue_dma source(%dma_start3A_77 : memref<40x128xi32, #tpu.memory_space<hbm>>) target(%arg7 : memref<40x128xi32, #tpu.memory_space<vmem>>) target_semaphore(%run_scoped3A_63 : memref<!tpu.dma_semaphore, #tpu.memory_space<semaphore_mem>>)
      %dma_wait3A = arith.constant 0 : i32
      %dma_wait3A_78 = arith.constant 0 : i32
      %dma_wait3A_79 = tpu.memref_slice %arg3[%run_scoped3A_37, %add3A, %dma_wait3A, %dma_wait3A_78] : memref<2x32x80x128xi32, #tpu.memory_space<hbm>> -> memref<1x1x80x128xi32, #tpu.memory_space<hbm>>
      %dma_wait3A_80 = tpu.memref_squeeze %dma_wait3A_79 : memref<1x1x80x128xi32, #tpu.memory_space<hbm>> -> memref<80x128xi32, #tpu.memory_space<hbm>>
      %dma_wait3A_81 = arith.constant 40 : i32
      %dma_wait3A_82 = arith.constant 0 : i32
      %dma_wait3A_83 = tpu.memref_slice %dma_wait3A_80[%dma_wait3A_81, %dma_wait3A_82] : memref<80x128xi32, #tpu.memory_space<hbm>> -> memref<40x128xi32, #tpu.memory_space<hbm>>
      %dma_wait3A_84 = arith.constant 0 : i32
      %dma_wait3A_85 = arith.constant 0 : i32
      %dma_wait3A_86 = tpu.memref_slice %arg3[%run_scoped3A_37, %add3A, %dma_wait3A_84, %dma_wait3A_85] : memref<2x32x80x128xi32, #tpu.memory_space<hbm>> -> memref<1x1x80x128xi32, #tpu.memory_space<hbm>>
      %dma_wait3A_87 = tpu.memref_squeeze %dma_wait3A_86 : memref<1x1x80x128xi32, #tpu.memory_space<hbm>> -> memref<80x128xi32, #tpu.memory_space<hbm>>
      %dma_wait3A_88 = arith.constant 40 : i32
      %dma_wait3A_89 = arith.constant 0 : i32
      %dma_wait3A_90 = tpu.memref_slice %dma_wait3A_87[%dma_wait3A_88, %dma_wait3A_89] : memref<80x128xi32, #tpu.memory_space<hbm>> -> memref<40x128xi32, #tpu.memory_space<hbm>>
      tpu.wait_dma2 semaphore(%run_scoped3A_63 : memref<!tpu.dma_semaphore, #tpu.memory_space<semaphore_mem>>) src(%dma_wait3A_90 : memref<40x128xi32, #tpu.memory_space<hbm>>) dst(%arg7 : memref<40x128xi32, #tpu.memory_space<vmem>>)
      tpu.yield
    }) : () -> ()
    %dma_start3A_38 = arith.constant 0 : i32
    %dma_start3A_39 = arith.constant 0 : i32
    %dma_start3A_40 = tpu.memref_slice %arg6[%dma_start3A_38, %dma_start3A_39] : memref<40x128xi32, #tpu.memory_space<vmem>> -> memref<1x128xi32, #tpu.memory_space<vmem>>
    %dma_start3A_41 = tpu.memref_squeeze %dma_start3A_40 : memref<1x128xi32, #tpu.memory_space<vmem>> -> memref<128xi32, #tpu.memory_space<vmem>>
    %dma_start3A_42 = arith.constant 0 : i32
    %dma_start3A_43 = arith.constant 0 : i32
    %dma_start3A_44 = tpu.memref_slice %arg2[%dma_start3A_42, %dma_start3A_43] : memref<10000x128xf32, #tpu.memory_space<hbm>> -> memref<10000x128xf32, #tpu.memory_space<hbm>>
    tpu.enqueue_indirect_dma source(%dma_start3A_44 : memref<10000x128xf32, #tpu.memory_space<hbm>>) target(%arg8 : memref<128x128xf32, #tpu.memory_space<vmem>>) offsets(%dma_start3A_41 : memref<128xi32, #tpu.memory_space<vmem>>) semaphore(%arg11 : memref<!tpu.dma_semaphore, #tpu.memory_space<semaphore_mem>>)
    %dma_start3A_45 = arith.constant 1 : i32
    %dma_start3A_46 = arith.constant 0 : i32
    %dma_start3A_47 = tpu.memref_slice %arg6[%dma_start3A_45, %dma_start3A_46] : memref<40x128xi32, #tpu.memory_space<vmem>> -> memref<1x128xi32, #tpu.memory_space<vmem>>
    %dma_start3A_48 = tpu.memref_squeeze %dma_start3A_47 : memref<1x128xi32, #tpu.memory_space<vmem>> -> memref<128xi32, #tpu.memory_space<vmem>>
    %dma_start3A_49 = arith.constant 0 : i32
    %dma_start3A_50 = arith.constant 0 : i32
    %dma_start3A_51 = tpu.memref_slice %arg2[%dma_start3A_49, %dma_start3A_50] : memref<10000x128xf32, #tpu.memory_space<hbm>> -> memref<10000x128xf32, #tpu.memory_space<hbm>>
    tpu.enqueue_indirect_dma source(%dma_start3A_51 : memref<10000x128xf32, #tpu.memory_space<hbm>>) target(%arg9 : memref<128x128xf32, #tpu.memory_space<vmem>>) offsets(%dma_start3A_48 : memref<128xi32, #tpu.memory_space<vmem>>) semaphore(%arg12 : memref<!tpu.dma_semaphore, #tpu.memory_space<semaphore_mem>>)
    %scan3A_52 = arith.constant 0 : i32
    %scan3A_53 = arith.constant 0 : i32
    %scan3A_54 = arith.constant 20 : i32
    %scan3A_55 = arith.addi %scan3A_53, %scan3A_54 : i32
    %scan3A_56 = arith.constant 1 : i32
    scf.for %scan3A_63 = %scan3A_53 to %scan3A_55 step %scan3A_56  : i32 {
      %mul3A_64 = arith.constant 2 : i32
      %mul3A_65 = arith.muli %mul3A_64, %scan3A_63 : i32
      %dma_wait3A = arith.constant 0 : i32
      %dma_wait3A_66 = tpu.memref_slice %arg6[%mul3A_65, %dma_wait3A] : memref<40x128xi32, #tpu.memory_space<vmem>> -> memref<1x128xi32, #tpu.memory_space<vmem>>
      %dma_wait3A_67 = tpu.memref_squeeze %dma_wait3A_66 : memref<1x128xi32, #tpu.memory_space<vmem>> -> memref<128xi32, #tpu.memory_space<vmem>>
      %dma_wait3A_68 = arith.constant 0 : i32
      %dma_wait3A_69 = arith.constant 0 : i32
      %dma_wait3A_70 = tpu.memref_slice %arg2[%dma_wait3A_68, %dma_wait3A_69] : memref<10000x128xf32, #tpu.memory_space<hbm>> -> memref<10000x128xf32, #tpu.memory_space<hbm>>
      tpu.wait_indirect_dma semaphore(%arg11 : memref<!tpu.dma_semaphore, #tpu.memory_space<semaphore_mem>>) src(%dma_wait3A_70 : memref<10000x128xf32, #tpu.memory_space<hbm>>) dst(%arg8 : memref<128x128xf32, #tpu.memory_space<vmem>>)
      "tpu.region"() ({
        %run_scoped3A_89 = tpu.sem_alloc : memref<!tpu.dma_semaphore, #tpu.memory_space<semaphore_mem>>
        %dma_start3A_90 = arith.constant 0 : i32
        %dma_start3A_91 = tpu.memref_slice %arg7[%mul3A_65, %dma_start3A_90] : memref<40x128xi32, #tpu.memory_space<vmem>> -> memref<1x128xi32, #tpu.memory_space<vmem>>
        %dma_start3A_92 = tpu.memref_squeeze %dma_start3A_91 : memref<1x128xi32, #tpu.memory_space<vmem>> -> memref<128xi32, #tpu.memory_space<vmem>>
        %dma_start3A_93 = arith.constant 0 : i32
        %dma_start3A_94 = arith.constant 0 : i32
        %dma_start3A_95 = tpu.memref_slice %arg10[%dma_start3A_93, %dma_start3A_94] : memref<10240x128xf32, #tpu.memory_space<vmem_shared>> -> memref<10240x128xf32, #tpu.memory_space<vmem_shared>>
        tpu.enqueue_indirect_dma source(%arg8 : memref<128x128xf32, #tpu.memory_space<vmem>>) target(%dma_start3A_95 : memref<10240x128xf32, #tpu.memory_space<vmem_shared>>) offsets(%dma_start3A_92 : memref<128xi32, #tpu.memory_space<vmem>>) semaphore(%run_scoped3A_89 : memref<!tpu.dma_semaphore, #tpu.memory_space<semaphore_mem>>) {add = true}
        %dma_wait3A_96 = arith.constant 0 : i32
        %dma_wait3A_97 = tpu.memref_slice %arg7[%mul3A_65, %dma_wait3A_96] : memref<40x128xi32, #tpu.memory_space<vmem>> -> memref<1x128xi32, #tpu.memory_space<vmem>>
        %dma_wait3A_98 = tpu.memref_squeeze %dma_wait3A_97 : memref<1x128xi32, #tpu.memory_space<vmem>> -> memref<128xi32, #tpu.memory_space<vmem>>
        %dma_wait3A_99 = arith.constant 0 : i32
        %dma_wait3A_100 = arith.constant 0 : i32
        %dma_wait3A_101 = tpu.memref_slice %arg10[%dma_wait3A_99, %dma_wait3A_100] : memref<10240x128xf32, #tpu.memory_space<vmem_shared>> -> memref<10240x128xf32, #tpu.memory_space<vmem_shared>>
        tpu.wait_indirect_dma semaphore(%run_scoped3A_89 : memref<!tpu.dma_semaphore, #tpu.memory_space<semaphore_mem>>) src(%arg8 : memref<128x128xf32, #tpu.memory_space<vmem>>) dst(%dma_wait3A_101 : memref<10240x128xf32, #tpu.memory_space<vmem_shared>>)
        tpu.yield
      }) : () -> ()
      %lt3A_71 = arith.constant 19 : i32
      %lt3A_72 = arith.cmpi slt, %scan3A_63, %lt3A_71 : i32
      %convert_element_type3A_73 = arith.extui %lt3A_72 : i1 to i32
      %cond3A_74 = arith.constant 0 : i32
      %cond3A_75 = arith.cmpi ne, %convert_element_type3A_73, %cond3A_74 : i32
      scf.if %cond3A_75 {
        %add3A_89 = arith.constant 2 : i32
        %add3A_90 = arith.addi %mul3A_65, %add3A_89 : i32
        %dma_start3A_91 = arith.constant 0 : i32
        %dma_start3A_92 = tpu.memref_slice %arg6[%add3A_90, %dma_start3A_91] : memref<40x128xi32, #tpu.memory_space<vmem>> -> memref<1x128xi32, #tpu.memory_space<vmem>>
        %dma_start3A_93 = tpu.memref_squeeze %dma_start3A_92 : memref<1x128xi32, #tpu.memory_space<vmem>> -> memref<128xi32, #tpu.memory_space<vmem>>
        %dma_start3A_94 = arith.constant 0 : i32
        %dma_start3A_95 = arith.constant 0 : i32
        %dma_start3A_96 = tpu.memref_slice %arg2[%dma_start3A_94, %dma_start3A_95] : memref<10000x128xf32, #tpu.memory_space<hbm>> -> memref<10000x128xf32, #tpu.memory_space<hbm>>
        tpu.enqueue_indirect_dma source(%dma_start3A_96 : memref<10000x128xf32, #tpu.memory_space<hbm>>) target(%arg8 : memref<128x128xf32, #tpu.memory_space<vmem>>) offsets(%dma_start3A_93 : memref<128xi32, #tpu.memory_space<vmem>>) semaphore(%arg11 : memref<!tpu.dma_semaphore, #tpu.memory_space<semaphore_mem>>)
      } else {
      }
      %add3A_76 = arith.constant 1 : i32
      %add3A_77 = arith.addi %mul3A_65, %add3A_76 : i32
      %dma_wait3A_78 = arith.constant 0 : i32
      %dma_wait3A_79 = tpu.memref_slice %arg6[%add3A_77, %dma_wait3A_78] : memref<40x128xi32, #tpu.memory_space<vmem>> -> memref<1x128xi32, #tpu.memory_space<vmem>>
      %dma_wait3A_80 = tpu.memref_squeeze %dma_wait3A_79 : memref<1x128xi32, #tpu.memory_space<vmem>> -> memref<128xi32, #tpu.memory_space<vmem>>
      %dma_wait3A_81 = arith.constant 0 : i32
      %dma_wait3A_82 = arith.constant 0 : i32
      %dma_wait3A_83 = tpu.memref_slice %arg2[%dma_wait3A_81, %dma_wait3A_82] : memref<10000x128xf32, #tpu.memory_space<hbm>> -> memref<10000x128xf32, #tpu.memory_space<hbm>>
      tpu.wait_indirect_dma semaphore(%arg12 : memref<!tpu.dma_semaphore, #tpu.memory_space<semaphore_mem>>) src(%dma_wait3A_83 : memref<10000x128xf32, #tpu.memory_space<hbm>>) dst(%arg9 : memref<128x128xf32, #tpu.memory_space<vmem>>)
      "tpu.region"() ({
        %run_scoped3A_89 = tpu.sem_alloc : memref<!tpu.dma_semaphore, #tpu.memory_space<semaphore_mem>>
        %dma_start3A_90 = arith.constant 0 : i32
        %dma_start3A_91 = tpu.memref_slice %arg7[%add3A_77, %dma_start3A_90] : memref<40x128xi32, #tpu.memory_space<vmem>> -> memref<1x128xi32, #tpu.memory_space<vmem>>
        %dma_start3A_92 = tpu.memref_squeeze %dma_start3A_91 : memref<1x128xi32, #tpu.memory_space<vmem>> -> memref<128xi32, #tpu.memory_space<vmem>>
        %dma_start3A_93 = arith.constant 0 : i32
        %dma_start3A_94 = arith.constant 0 : i32
        %dma_start3A_95 = tpu.memref_slice %arg10[%dma_start3A_93, %dma_start3A_94] : memref<10240x128xf32, #tpu.memory_space<vmem_shared>> -> memref<10240x128xf32, #tpu.memory_space<vmem_shared>>
        tpu.enqueue_indirect_dma source(%arg9 : memref<128x128xf32, #tpu.memory_space<vmem>>) target(%dma_start3A_95 : memref<10240x128xf32, #tpu.memory_space<vmem_shared>>) offsets(%dma_start3A_92 : memref<128xi32, #tpu.memory_space<vmem>>) semaphore(%run_scoped3A_89 : memref<!tpu.dma_semaphore, #tpu.memory_space<semaphore_mem>>) {add = true}
        %dma_wait3A_96 = arith.constant 0 : i32
        %dma_wait3A_97 = tpu.memref_slice %arg7[%add3A_77, %dma_wait3A_96] : memref<40x128xi32, #tpu.memory_space<vmem>> -> memref<1x128xi32, #tpu.memory_space<vmem>>
        %dma_wait3A_98 = tpu.memref_squeeze %dma_wait3A_97 : memref<1x128xi32, #tpu.memory_space<vmem>> -> memref<128xi32, #tpu.memory_space<vmem>>
        %dma_wait3A_99 = arith.constant 0 : i32
        %dma_wait3A_100 = arith.constant 0 : i32
        %dma_wait3A_101 = tpu.memref_slice %arg10[%dma_wait3A_99, %dma_wait3A_100] : memref<10240x128xf32, #tpu.memory_space<vmem_shared>> -> memref<10240x128xf32, #tpu.memory_space<vmem_shared>>
        tpu.wait_indirect_dma semaphore(%run_scoped3A_89 : memref<!tpu.dma_semaphore, #tpu.memory_space<semaphore_mem>>) src(%arg9 : memref<128x128xf32, #tpu.memory_space<vmem>>) dst(%dma_wait3A_101 : memref<10240x128xf32, #tpu.memory_space<vmem_shared>>)
        tpu.yield
      }) : () -> ()
      %lt3A_84 = arith.constant 19 : i32
      %lt3A_85 = arith.cmpi slt, %scan3A_63, %lt3A_84 : i32
      %convert_element_type3A_86 = arith.extui %lt3A_85 : i1 to i32
      %cond3A_87 = arith.constant 0 : i32
      %cond3A_88 = arith.cmpi ne, %convert_element_type3A_86, %cond3A_87 : i32
      scf.if %cond3A_88 {
        %add3A_89 = arith.constant 2 : i32
        %add3A_90 = arith.addi %add3A_77, %add3A_89 : i32
        %dma_start3A_91 = arith.constant 0 : i32
        %dma_start3A_92 = tpu.memref_slice %arg6[%add3A_90, %dma_start3A_91] : memref<40x128xi32, #tpu.memory_space<vmem>> -> memref<1x128xi32, #tpu.memory_space<vmem>>
        %dma_start3A_93 = tpu.memref_squeeze %dma_start3A_92 : memref<1x128xi32, #tpu.memory_space<vmem>> -> memref<128xi32, #tpu.memory_space<vmem>>
        %dma_start3A_94 = arith.constant 0 : i32
        %dma_start3A_95 = arith.constant 0 : i32
        %dma_start3A_96 = tpu.memref_slice %arg2[%dma_start3A_94, %dma_start3A_95] : memref<10000x128xf32, #tpu.memory_space<hbm>> -> memref<10000x128xf32, #tpu.memory_space<hbm>>
        tpu.enqueue_indirect_dma source(%dma_start3A_96 : memref<10000x128xf32, #tpu.memory_space<hbm>>) target(%arg9 : memref<128x128xf32, #tpu.memory_space<vmem>>) offsets(%dma_start3A_93 : memref<128xi32, #tpu.memory_space<vmem>>) semaphore(%arg12 : memref<!tpu.dma_semaphore, #tpu.memory_space<semaphore_mem>>)
      } else {
      }
    }
    %scan3A_57 = arith.constant 20 : i32
    %barrier3A_58 = arith.constant 0 : index
    tpu.barrier barrier_id(%barrier3A_58)
    %mul3A_59 = arith.constant 640 : i32
    %mul3A_60 = arith.muli %arg1, %mul3A_59 : i32
    %mul3A_61 = arith.constant 640 : i32
    %mul3A_62 = arith.muli %arg1, %mul3A_61 : i32
    "tpu.region"() ({
      %run_scoped3A_63 = tpu.sem_alloc : memref<!tpu.dma_semaphore, #tpu.memory_space<semaphore_mem>>
      %dma_start3A_64 = arith.constant 0 : i32
      %dma_start3A_65 = arith.constant 0 : i32
      %dma_start3A_66 = tpu.memref_slice %arg5[%arg0, %dma_start3A_64, %dma_start3A_65] : memref<2x10240x128xf32, #tpu.memory_space<hbm>> -> memref<1x10240x128xf32, #tpu.memory_space<hbm>>
      %dma_start3A_67 = tpu.memref_squeeze %dma_start3A_66 : memref<1x10240x128xf32, #tpu.memory_space<hbm>> -> memref<10240x128xf32, #tpu.memory_space<hbm>>
      %dma_start3A_68 = arith.constant 0 : i32
      %dma_start3A_69 = tpu.memref_slice %dma_start3A_67[%mul3A_62, %dma_start3A_68] : memref<10240x128xf32, #tpu.memory_space<hbm>> -> memref<640x128xf32, #tpu.memory_space<hbm>>
      %dma_start3A_70 = arith.constant 0 : i32
      %dma_start3A_71 = tpu.memref_slice %arg10[%mul3A_60, %dma_start3A_70] : memref<10240x128xf32, #tpu.memory_space<vmem_shared>> -> memref<640x128xf32, #tpu.memory_space<vmem_shared>>
      tpu.enqueue_dma source(%dma_start3A_71 : memref<640x128xf32, #tpu.memory_space<vmem_shared>>) target(%dma_start3A_69 : memref<640x128xf32, #tpu.memory_space<hbm>>) target_semaphore(%run_scoped3A_63 : memref<!tpu.dma_semaphore, #tpu.memory_space<semaphore_mem>>)
      %dma_wait3A = arith.constant 0 : i32
      %dma_wait3A_72 = arith.constant 0 : i32
      %dma_wait3A_73 = tpu.memref_slice %arg5[%arg0, %dma_wait3A, %dma_wait3A_72] : memref<2x10240x128xf32, #tpu.memory_space<hbm>> -> memref<1x10240x128xf32, #tpu.memory_space<hbm>>
      %dma_wait3A_74 = tpu.memref_squeeze %dma_wait3A_73 : memref<1x10240x128xf32, #tpu.memory_space<hbm>> -> memref<10240x128xf32, #tpu.memory_space<hbm>>
      %dma_wait3A_75 = arith.constant 0 : i32
      %dma_wait3A_76 = tpu.memref_slice %dma_wait3A_74[%mul3A_62, %dma_wait3A_75] : memref<10240x128xf32, #tpu.memory_space<hbm>> -> memref<640x128xf32, #tpu.memory_space<hbm>>
      %dma_wait3A_77 = arith.constant 0 : i32
      %dma_wait3A_78 = tpu.memref_slice %arg10[%mul3A_60, %dma_wait3A_77] : memref<10240x128xf32, #tpu.memory_space<vmem_shared>> -> memref<640x128xf32, #tpu.memory_space<vmem_shared>>
      tpu.wait_dma2 semaphore(%run_scoped3A_63 : memref<!tpu.dma_semaphore, #tpu.memory_space<semaphore_mem>>) src(%dma_wait3A_78 : memref<640x128xf32, #tpu.memory_space<vmem_shared>>) dst(%dma_wait3A_76 : memref<640x128xf32, #tpu.memory_space<hbm>>)
      tpu.yield
    }) : () -> ()
    return
  }
}

#map = affine_map<(d0, d1) -> (0, 0, 0, 0)>
#map1 = affine_map<(d0, d1) -> (0, 0)>
module attributes {stable_mosaic.version = 14 : i64} {
  func.func @_deg_body(%arg0: i32, %arg1: i32, %arg2: memref<2x32x80x128xi32, #tpu.memory_space<hbm>>, %arg3: memref<2x10240xf32, #tpu.memory_space<hbm>>, %arg4: memref<40x128xi32, #tpu.memory_space<vmem>>, %arg5: memref<128xf32, #tpu.memory_space<vmem>>, %arg6: memref<640xf32, #tpu.memory_space<vmem>>, %arg7: memref<10240xf32, #tpu.memory_space<vmem_shared>>, %arg8: memref<!tpu.dma_semaphore, #tpu.memory_space<semaphore_mem>>) attributes {dimension_semantics = [#tpu.dimension_semantics<core_parallel>, #tpu.dimension_semantics<subcore_parallel>], iteration_bounds = array<i64: 2, 16>, scalar_prefetch = 0 : i64, scratch_operands = 5 : i64, tpu.core_type = #tpu.core_type<sc_vector_subcore>, window_params = [{transform_indices = #map}, {transform_indices = #map1}]} {
    %mul3A = arith.constant 2 : i32
    %mul3A_0 = arith.muli %arg1, %mul3A : i32
    %add3A = arith.addi %mul3A_0, %arg0 : i32
    %broadcast_in_dim3A = arith.constant 0.000000e+00 : f32
    %broadcast_in_dim3A_1 = vector.broadcast %broadcast_in_dim3A : f32 to vector<16xf32>
    %scan3A = arith.constant 0 : i32
    %scan3A_2 = arith.constant 0 : i32
    %scan3A_3 = arith.constant 40 : i32
    %scan3A_4 = arith.addi %scan3A_2, %scan3A_3 : i32
    %scan3A_5 = arith.constant 1 : i32
    scf.for %scan3A_60 = %scan3A_2 to %scan3A_4 step %scan3A_5  : i32 {
      %mul3A_61 = arith.constant 16 : i32
      %mul3A_62 = arith.muli %scan3A_60, %mul3A_61 : i32
      %swap3A_63 = arith.index_cast %mul3A_62 : i32 to index
      %swap3A_64 = tpu.vector_load %arg6[%swap3A_63] {strides = array<i32>} : memref<640xf32, #tpu.memory_space<vmem>>, vector<16xf32>,
      %swap3A_65 = vector.shape_cast %swap3A_64 : vector<16xf32> to vector<16xf32>
      %swap3A_66 = vector.shape_cast %broadcast_in_dim3A_1 : vector<16xf32> to vector<16xf32>
      tpu.vector_store %arg6[%swap3A_63], %swap3A_66 {strides = array<i32>} : memref<640xf32, #tpu.memory_space<vmem>>, vector<16xf32>,
    }
    %scan3A_6 = arith.constant 40 : i32
    %mul3A_7 = arith.constant 640 : i32
    %mul3A_8 = arith.muli %arg1, %mul3A_7 : i32
    "tpu.region"() ({
      %run_scoped3A_60 = tpu.sem_alloc : memref<!tpu.dma_semaphore, #tpu.memory_space<semaphore_mem>>
      %dma_start3A = tpu.memref_slice %arg7[%mul3A_8] : memref<10240xf32, #tpu.memory_space<vmem_shared>> -> memref<640xf32, #tpu.memory_space<vmem_shared>>
      %dma_start3A_61 = tpu.memref_slice %arg7[%mul3A_8] : memref<10240xf32, #tpu.memory_space<vmem_shared>> -> memref<640xf32, #tpu.memory_space<vmem_shared>>
      tpu.enqueue_dma source(%arg6 : memref<640xf32, #tpu.memory_space<vmem>>) target(%dma_start3A_61 : memref<640xf32, #tpu.memory_space<vmem_shared>>) target_semaphore(%run_scoped3A_60 : memref<!tpu.dma_semaphore, #tpu.memory_space<semaphore_mem>>)
      %dma_wait3A = tpu.memref_slice %arg7[%mul3A_8] : memref<10240xf32, #tpu.memory_space<vmem_shared>> -> memref<640xf32, #tpu.memory_space<vmem_shared>>
      %dma_wait3A_62 = tpu.memref_slice %arg7[%mul3A_8] : memref<10240xf32, #tpu.memory_space<vmem_shared>> -> memref<640xf32, #tpu.memory_space<vmem_shared>>
      tpu.wait_dma2 semaphore(%run_scoped3A_60 : memref<!tpu.dma_semaphore, #tpu.memory_space<semaphore_mem>>) src(%arg6 : memref<640xf32, #tpu.memory_space<vmem>>) dst(%dma_wait3A_62 : memref<640xf32, #tpu.memory_space<vmem_shared>>)
      tpu.yield
    }) : () -> ()
    %broadcast_in_dim3A_9 = arith.constant 1.000000e+00 : f32
    %broadcast_in_dim3A_10 = vector.broadcast %broadcast_in_dim3A_9 : f32 to vector<16xf32>
    %swap3A = arith.constant 0 : index
    %swap3A_11 = tpu.vector_load %arg5[%swap3A] {strides = array<i32>} : memref<128xf32, #tpu.memory_space<vmem>>, vector<16xf32>,
    %swap3A_12 = vector.shape_cast %swap3A_11 : vector<16xf32> to vector<16xf32>
    %swap3A_13 = vector.shape_cast %broadcast_in_dim3A_10 : vector<16xf32> to vector<16xf32>
    tpu.vector_store %arg5[%swap3A], %swap3A_13 {strides = array<i32>} : memref<128xf32, #tpu.memory_space<vmem>>, vector<16xf32>,
    %swap3A_14 = arith.constant 16 : index
    %swap3A_15 = tpu.vector_load %arg5[%swap3A_14] {strides = array<i32>} : memref<128xf32, #tpu.memory_space<vmem>>, vector<16xf32>,
    %swap3A_16 = vector.shape_cast %swap3A_15 : vector<16xf32> to vector<16xf32>
    %swap3A_17 = vector.shape_cast %broadcast_in_dim3A_10 : vector<16xf32> to vector<16xf32>
    tpu.vector_store %arg5[%swap3A_14], %swap3A_17 {strides = array<i32>} : memref<128xf32, #tpu.memory_space<vmem>>, vector<16xf32>,
    %swap3A_18 = arith.constant 32 : index
    %swap3A_19 = tpu.vector_load %arg5[%swap3A_18] {strides = array<i32>} : memref<128xf32, #tpu.memory_space<vmem>>, vector<16xf32>,
    %swap3A_20 = vector.shape_cast %swap3A_19 : vector<16xf32> to vector<16xf32>
    %swap3A_21 = vector.shape_cast %broadcast_in_dim3A_10 : vector<16xf32> to vector<16xf32>
    tpu.vector_store %arg5[%swap3A_18], %swap3A_21 {strides = array<i32>} : memref<128xf32, #tpu.memory_space<vmem>>, vector<16xf32>,
    %swap3A_22 = arith.constant 48 : index
    %swap3A_23 = tpu.vector_load %arg5[%swap3A_22] {strides = array<i32>} : memref<128xf32, #tpu.memory_space<vmem>>, vector<16xf32>,
    %swap3A_24 = vector.shape_cast %swap3A_23 : vector<16xf32> to vector<16xf32>
    %swap3A_25 = vector.shape_cast %broadcast_in_dim3A_10 : vector<16xf32> to vector<16xf32>
    tpu.vector_store %arg5[%swap3A_22], %swap3A_25 {strides = array<i32>} : memref<128xf32, #tpu.memory_space<vmem>>, vector<16xf32>,
    %swap3A_26 = arith.constant 64 : index
    %swap3A_27 = tpu.vector_load %arg5[%swap3A_26] {strides = array<i32>} : memref<128xf32, #tpu.memory_space<vmem>>, vector<16xf32>,
    %swap3A_28 = vector.shape_cast %swap3A_27 : vector<16xf32> to vector<16xf32>
    %swap3A_29 = vector.shape_cast %broadcast_in_dim3A_10 : vector<16xf32> to vector<16xf32>
    tpu.vector_store %arg5[%swap3A_26], %swap3A_29 {strides = array<i32>} : memref<128xf32, #tpu.memory_space<vmem>>, vector<16xf32>,
    %swap3A_30 = arith.constant 80 : index
    %swap3A_31 = tpu.vector_load %arg5[%swap3A_30] {strides = array<i32>} : memref<128xf32, #tpu.memory_space<vmem>>, vector<16xf32>,
    %swap3A_32 = vector.shape_cast %swap3A_31 : vector<16xf32> to vector<16xf32>
    %swap3A_33 = vector.shape_cast %broadcast_in_dim3A_10 : vector<16xf32> to vector<16xf32>
    tpu.vector_store %arg5[%swap3A_30], %swap3A_33 {strides = array<i32>} : memref<128xf32, #tpu.memory_space<vmem>>, vector<16xf32>,
    %swap3A_34 = arith.constant 96 : index
    %swap3A_35 = tpu.vector_load %arg5[%swap3A_34] {strides = array<i32>} : memref<128xf32, #tpu.memory_space<vmem>>, vector<16xf32>,
    %swap3A_36 = vector.shape_cast %swap3A_35 : vector<16xf32> to vector<16xf32>
    %swap3A_37 = vector.shape_cast %broadcast_in_dim3A_10 : vector<16xf32> to vector<16xf32>
    tpu.vector_store %arg5[%swap3A_34], %swap3A_37 {strides = array<i32>} : memref<128xf32, #tpu.memory_space<vmem>>, vector<16xf32>,
    %swap3A_38 = arith.constant 112 : index
    %swap3A_39 = tpu.vector_load %arg5[%swap3A_38] {strides = array<i32>} : memref<128xf32, #tpu.memory_space<vmem>>, vector<16xf32>,
    %swap3A_40 = vector.shape_cast %swap3A_39 : vector<16xf32> to vector<16xf32>
    %swap3A_41 = vector.shape_cast %broadcast_in_dim3A_10 : vector<16xf32> to vector<16xf32>
    tpu.vector_store %arg5[%swap3A_38], %swap3A_41 {strides = array<i32>} : memref<128xf32, #tpu.memory_space<vmem>>, vector<16xf32>,
    %barrier3A = arith.constant 0 : index
    tpu.barrier barrier_id(%barrier3A)
    %run_scoped3A = arith.constant 1 : i32
    "tpu.region"() ({
      %run_scoped3A_60 = tpu.sem_alloc : memref<!tpu.dma_semaphore, #tpu.memory_space<semaphore_mem>>
      %dma_start3A = arith.constant 0 : i32
      %dma_start3A_61 = arith.constant 0 : i32
      %dma_start3A_62 = tpu.memref_slice %arg2[%run_scoped3A, %add3A, %dma_start3A, %dma_start3A_61] : memref<2x32x80x128xi32, #tpu.memory_space<hbm>> -> memref<1x1x80x128xi32, #tpu.memory_space<hbm>>
      %dma_start3A_63 = tpu.memref_squeeze %dma_start3A_62 : memref<1x1x80x128xi32, #tpu.memory_space<hbm>> -> memref<80x128xi32, #tpu.memory_space<hbm>>
      %dma_start3A_64 = arith.constant 0 : i32
      %dma_start3A_65 = arith.constant 0 : i32
      %dma_start3A_66 = tpu.memref_slice %dma_start3A_63[%dma_start3A_64, %dma_start3A_65] : memref<80x128xi32, #tpu.memory_space<hbm>> -> memref<40x128xi32, #tpu.memory_space<hbm>>
      %dma_start3A_67 = arith.constant 0 : i32
      %dma_start3A_68 = arith.constant 0 : i32
      %dma_start3A_69 = tpu.memref_slice %arg2[%run_scoped3A, %add3A, %dma_start3A_67, %dma_start3A_68] : memref<2x32x80x128xi32, #tpu.memory_space<hbm>> -> memref<1x1x80x128xi32, #tpu.memory_space<hbm>>
      %dma_start3A_70 = tpu.memref_squeeze %dma_start3A_69 : memref<1x1x80x128xi32, #tpu.memory_space<hbm>> -> memref<80x128xi32, #tpu.memory_space<hbm>>
      %dma_start3A_71 = arith.constant 0 : i32
      %dma_start3A_72 = arith.constant 0 : i32
      %dma_start3A_73 = tpu.memref_slice %dma_start3A_70[%dma_start3A_71, %dma_start3A_72] : memref<80x128xi32, #tpu.memory_space<hbm>> -> memref<40x128xi32, #tpu.memory_space<hbm>>
      tpu.enqueue_dma source(%dma_start3A_73 : memref<40x128xi32, #tpu.memory_space<hbm>>) target(%arg4 : memref<40x128xi32, #tpu.memory_space<vmem>>) target_semaphore(%run_scoped3A_60 : memref<!tpu.dma_semaphore, #tpu.memory_space<semaphore_mem>>)
      %dma_wait3A = arith.constant 0 : i32
      %dma_wait3A_74 = arith.constant 0 : i32
      %dma_wait3A_75 = tpu.memref_slice %arg2[%run_scoped3A, %add3A, %dma_wait3A, %dma_wait3A_74] : memref<2x32x80x128xi32, #tpu.memory_space<hbm>> -> memref<1x1x80x128xi32, #tpu.memory_space<hbm>>
      %dma_wait3A_76 = tpu.memref_squeeze %dma_wait3A_75 : memref<1x1x80x128xi32, #tpu.memory_space<hbm>> -> memref<80x128xi32, #tpu.memory_space<hbm>>
      %dma_wait3A_77 = arith.constant 0 : i32
      %dma_wait3A_78 = arith.constant 0 : i32
      %dma_wait3A_79 = tpu.memref_slice %dma_wait3A_76[%dma_wait3A_77, %dma_wait3A_78] : memref<80x128xi32, #tpu.memory_space<hbm>> -> memref<40x128xi32, #tpu.memory_space<hbm>>
      %dma_wait3A_80 = arith.constant 0 : i32
      %dma_wait3A_81 = arith.constant 0 : i32
      %dma_wait3A_82 = tpu.memref_slice %arg2[%run_scoped3A, %add3A, %dma_wait3A_80, %dma_wait3A_81] : memref<2x32x80x128xi32, #tpu.memory_space<hbm>> -> memref<1x1x80x128xi32, #tpu.memory_space<hbm>>
      %dma_wait3A_83 = tpu.memref_squeeze %dma_wait3A_82 : memref<1x1x80x128xi32, #tpu.memory_space<hbm>> -> memref<80x128xi32, #tpu.memory_space<hbm>>
      %dma_wait3A_84 = arith.constant 0 : i32
      %dma_wait3A_85 = arith.constant 0 : i32
      %dma_wait3A_86 = tpu.memref_slice %dma_wait3A_83[%dma_wait3A_84, %dma_wait3A_85] : memref<80x128xi32, #tpu.memory_space<hbm>> -> memref<40x128xi32, #tpu.memory_space<hbm>>
      tpu.wait_dma2 semaphore(%run_scoped3A_60 : memref<!tpu.dma_semaphore, #tpu.memory_space<semaphore_mem>>) src(%dma_wait3A_86 : memref<40x128xi32, #tpu.memory_space<hbm>>) dst(%arg4 : memref<40x128xi32, #tpu.memory_space<vmem>>)
      tpu.yield
    }) : () -> ()
    %scan3A_42 = arith.constant 0 : i32
    %scan3A_43 = arith.constant 0 : i32
    %scan3A_44 = arith.constant 10 : i32
    %scan3A_45 = arith.addi %scan3A_43, %scan3A_44 : i32
    %scan3A_46 = arith.constant 1 : i32
    scf.for %scan3A_60 = %scan3A_43 to %scan3A_45 step %scan3A_46  : i32 {
      %mul3A_61 = arith.constant 4 : i32
      %mul3A_62 = arith.muli %scan3A_60, %mul3A_61 : i32
      %add3A_63 = arith.constant 0 : i32
      %add3A_64 = arith.addi %mul3A_62, %add3A_63 : i32
      %dma_start3A = arith.constant 0 : i32
      %dma_start3A_65 = tpu.memref_slice %arg4[%add3A_64, %dma_start3A] : memref<40x128xi32, #tpu.memory_space<vmem>> -> memref<1x128xi32, #tpu.memory_space<vmem>>
      %dma_start3A_66 = tpu.memref_squeeze %dma_start3A_65 : memref<1x128xi32, #tpu.memory_space<vmem>> -> memref<128xi32, #tpu.memory_space<vmem>>
      %dma_start3A_67 = arith.constant 0 : i32
      %dma_start3A_68 = tpu.memref_slice %arg7[%dma_start3A_67] : memref<10240xf32, #tpu.memory_space<vmem_shared>> -> memref<10240xf32, #tpu.memory_space<vmem_shared>>
      tpu.enqueue_indirect_dma source(%arg5 : memref<128xf32, #tpu.memory_space<vmem>>) target(%dma_start3A_68 : memref<10240xf32, #tpu.memory_space<vmem_shared>>) offsets(%dma_start3A_66 : memref<128xi32, #tpu.memory_space<vmem>>) semaphore(%arg8 : memref<!tpu.dma_semaphore, #tpu.memory_space<semaphore_mem>>) {add = true}
      %add3A_69 = arith.constant 1 : i32
      %add3A_70 = arith.addi %mul3A_62, %add3A_69 : i32
      %dma_start3A_71 = arith.constant 0 : i32
      %dma_start3A_72 = tpu.memref_slice %arg4[%add3A_70, %dma_start3A_71] : memref<40x128xi32, #tpu.memory_space<vmem>> -> memref<1x128xi32, #tpu.memory_space<vmem>>
      %dma_start3A_73 = tpu.memref_squeeze %dma_start3A_72 : memref<1x128xi32, #tpu.memory_space<vmem>> -> memref<128xi32, #tpu.memory_space<vmem>>
      %dma_start3A_74 = arith.constant 0 : i32
      %dma_start3A_75 = tpu.memref_slice %arg7[%dma_start3A_74] : memref<10240xf32, #tpu.memory_space<vmem_shared>> -> memref<10240xf32, #tpu.memory_space<vmem_shared>>
      tpu.enqueue_indirect_dma source(%arg5 : memref<128xf32, #tpu.memory_space<vmem>>) target(%dma_start3A_75 : memref<10240xf32, #tpu.memory_space<vmem_shared>>) offsets(%dma_start3A_73 : memref<128xi32, #tpu.memory_space<vmem>>) semaphore(%arg8 : memref<!tpu.dma_semaphore, #tpu.memory_space<semaphore_mem>>) {add = true}
      %add3A_76 = arith.constant 2 : i32
      %add3A_77 = arith.addi %mul3A_62, %add3A_76 : i32
      %dma_start3A_78 = arith.constant 0 : i32
      %dma_start3A_79 = tpu.memref_slice %arg4[%add3A_77, %dma_start3A_78] : memref<40x128xi32, #tpu.memory_space<vmem>> -> memref<1x128xi32, #tpu.memory_space<vmem>>
      %dma_start3A_80 = tpu.memref_squeeze %dma_start3A_79 : memref<1x128xi32, #tpu.memory_space<vmem>> -> memref<128xi32, #tpu.memory_space<vmem>>
      %dma_start3A_81 = arith.constant 0 : i32
      %dma_start3A_82 = tpu.memref_slice %arg7[%dma_start3A_81] : memref<10240xf32, #tpu.memory_space<vmem_shared>> -> memref<10240xf32, #tpu.memory_space<vmem_shared>>
      tpu.enqueue_indirect_dma source(%arg5 : memref<128xf32, #tpu.memory_space<vmem>>) target(%dma_start3A_82 : memref<10240xf32, #tpu.memory_space<vmem_shared>>) offsets(%dma_start3A_80 : memref<128xi32, #tpu.memory_space<vmem>>) semaphore(%arg8 : memref<!tpu.dma_semaphore, #tpu.memory_space<semaphore_mem>>) {add = true}
      %add3A_83 = arith.constant 3 : i32
      %add3A_84 = arith.addi %mul3A_62, %add3A_83 : i32
      %dma_start3A_85 = arith.constant 0 : i32
      %dma_start3A_86 = tpu.memref_slice %arg4[%add3A_84, %dma_start3A_85] : memref<40x128xi32, #tpu.memory_space<vmem>> -> memref<1x128xi32, #tpu.memory_space<vmem>>
      %dma_start3A_87 = tpu.memref_squeeze %dma_start3A_86 : memref<1x128xi32, #tpu.memory_space<vmem>> -> memref<128xi32, #tpu.memory_space<vmem>>
      %dma_start3A_88 = arith.constant 0 : i32
      %dma_start3A_89 = tpu.memref_slice %arg7[%dma_start3A_88] : memref<10240xf32, #tpu.memory_space<vmem_shared>> -> memref<10240xf32, #tpu.memory_space<vmem_shared>>
      tpu.enqueue_indirect_dma source(%arg5 : memref<128xf32, #tpu.memory_space<vmem>>) target(%dma_start3A_89 : memref<10240xf32, #tpu.memory_space<vmem_shared>>) offsets(%dma_start3A_87 : memref<128xi32, #tpu.memory_space<vmem>>) semaphore(%arg8 : memref<!tpu.dma_semaphore, #tpu.memory_space<semaphore_mem>>) {add = true}
      %add3A_90 = arith.constant 0 : i32
      %add3A_91 = arith.addi %mul3A_62, %add3A_90 : i32
      %dma_wait3A = arith.constant 0 : i32
      %dma_wait3A_92 = tpu.memref_slice %arg4[%add3A_91, %dma_wait3A] : memref<40x128xi32, #tpu.memory_space<vmem>> -> memref<1x128xi32, #tpu.memory_space<vmem>>
      %dma_wait3A_93 = tpu.memref_squeeze %dma_wait3A_92 : memref<1x128xi32, #tpu.memory_space<vmem>> -> memref<128xi32, #tpu.memory_space<vmem>>
      %dma_wait3A_94 = arith.constant 0 : i32
      %dma_wait3A_95 = tpu.memref_slice %arg7[%dma_wait3A_94] : memref<10240xf32, #tpu.memory_space<vmem_shared>> -> memref<10240xf32, #tpu.memory_space<vmem_shared>>
      tpu.wait_indirect_dma semaphore(%arg8 : memref<!tpu.dma_semaphore, #tpu.memory_space<semaphore_mem>>) src(%arg5 : memref<128xf32, #tpu.memory_space<vmem>>) dst(%dma_wait3A_95 : memref<10240xf32, #tpu.memory_space<vmem_shared>>)
      %add3A_96 = arith.constant 1 : i32
      %add3A_97 = arith.addi %mul3A_62, %add3A_96 : i32
      %dma_wait3A_98 = arith.constant 0 : i32
      %dma_wait3A_99 = tpu.memref_slice %arg4[%add3A_97, %dma_wait3A_98] : memref<40x128xi32, #tpu.memory_space<vmem>> -> memref<1x128xi32, #tpu.memory_space<vmem>>
      %dma_wait3A_100 = tpu.memref_squeeze %dma_wait3A_99 : memref<1x128xi32, #tpu.memory_space<vmem>> -> memref<128xi32, #tpu.memory_space<vmem>>
      %dma_wait3A_101 = arith.constant 0 : i32
      %dma_wait3A_102 = tpu.memref_slice %arg7[%dma_wait3A_101] : memref<10240xf32, #tpu.memory_space<vmem_shared>> -> memref<10240xf32, #tpu.memory_space<vmem_shared>>
      tpu.wait_indirect_dma semaphore(%arg8 : memref<!tpu.dma_semaphore, #tpu.memory_space<semaphore_mem>>) src(%arg5 : memref<128xf32, #tpu.memory_space<vmem>>) dst(%dma_wait3A_102 : memref<10240xf32, #tpu.memory_space<vmem_shared>>)
      %add3A_103 = arith.constant 2 : i32
      %add3A_104 = arith.addi %mul3A_62, %add3A_103 : i32
      %dma_wait3A_105 = arith.constant 0 : i32
      %dma_wait3A_106 = tpu.memref_slice %arg4[%add3A_104, %dma_wait3A_105] : memref<40x128xi32, #tpu.memory_space<vmem>> -> memref<1x128xi32, #tpu.memory_space<vmem>>
      %dma_wait3A_107 = tpu.memref_squeeze %dma_wait3A_106 : memref<1x128xi32, #tpu.memory_space<vmem>> -> memref<128xi32, #tpu.memory_space<vmem>>
      %dma_wait3A_108 = arith.constant 0 : i32
      %dma_wait3A_109 = tpu.memref_slice %arg7[%dma_wait3A_108] : memref<10240xf32, #tpu.memory_space<vmem_shared>> -> memref<10240xf32, #tpu.memory_space<vmem_shared>>
      tpu.wait_indirect_dma semaphore(%arg8 : memref<!tpu.dma_semaphore, #tpu.memory_space<semaphore_mem>>) src(%arg5 : memref<128xf32, #tpu.memory_space<vmem>>) dst(%dma_wait3A_109 : memref<10240xf32, #tpu.memory_space<vmem_shared>>)
      %add3A_110 = arith.constant 3 : i32
      %add3A_111 = arith.addi %mul3A_62, %add3A_110 : i32
      %dma_wait3A_112 = arith.constant 0 : i32
      %dma_wait3A_113 = tpu.memref_slice %arg4[%add3A_111, %dma_wait3A_112] : memref<40x128xi32, #tpu.memory_space<vmem>> -> memref<1x128xi32, #tpu.memory_space<vmem>>
      %dma_wait3A_114 = tpu.memref_squeeze %dma_wait3A_113 : memref<1x128xi32, #tpu.memory_space<vmem>> -> memref<128xi32, #tpu.memory_space<vmem>>
      %dma_wait3A_115 = arith.constant 0 : i32
      %dma_wait3A_116 = tpu.memref_slice %arg7[%dma_wait3A_115] : memref<10240xf32, #tpu.memory_space<vmem_shared>> -> memref<10240xf32, #tpu.memory_space<vmem_shared>>
      tpu.wait_indirect_dma semaphore(%arg8 : memref<!tpu.dma_semaphore, #tpu.memory_space<semaphore_mem>>) src(%arg5 : memref<128xf32, #tpu.memory_space<vmem>>) dst(%dma_wait3A_116 : memref<10240xf32, #tpu.memory_space<vmem_shared>>)
    }
    %scan3A_47 = arith.constant 10 : i32
    %run_scoped3A_48 = arith.constant 1 : i32
    "tpu.region"() ({
      %run_scoped3A_60 = tpu.sem_alloc : memref<!tpu.dma_semaphore, #tpu.memory_space<semaphore_mem>>
      %dma_start3A = arith.constant 0 : i32
      %dma_start3A_61 = arith.constant 0 : i32
      %dma_start3A_62 = tpu.memref_slice %arg2[%run_scoped3A_48, %add3A, %dma_start3A, %dma_start3A_61] : memref<2x32x80x128xi32, #tpu.memory_space<hbm>> -> memref<1x1x80x128xi32, #tpu.memory_space<hbm>>
      %dma_start3A_63 = tpu.memref_squeeze %dma_start3A_62 : memref<1x1x80x128xi32, #tpu.memory_space<hbm>> -> memref<80x128xi32, #tpu.memory_space<hbm>>
      %dma_start3A_64 = arith.constant 40 : i32
      %dma_start3A_65 = arith.constant 0 : i32
      %dma_start3A_66 = tpu.memref_slice %dma_start3A_63[%dma_start3A_64, %dma_start3A_65] : memref<80x128xi32, #tpu.memory_space<hbm>> -> memref<40x128xi32, #tpu.memory_space<hbm>>
      %dma_start3A_67 = arith.constant 0 : i32
      %dma_start3A_68 = arith.constant 0 : i32
      %dma_start3A_69 = tpu.memref_slice %arg2[%run_scoped3A_48, %add3A, %dma_start3A_67, %dma_start3A_68] : memref<2x32x80x128xi32, #tpu.memory_space<hbm>> -> memref<1x1x80x128xi32, #tpu.memory_space<hbm>>
      %dma_start3A_70 = tpu.memref_squeeze %dma_start3A_69 : memref<1x1x80x128xi32, #tpu.memory_space<hbm>> -> memref<80x128xi32, #tpu.memory_space<hbm>>
      %dma_start3A_71 = arith.constant 40 : i32
      %dma_start3A_72 = arith.constant 0 : i32
      %dma_start3A_73 = tpu.memref_slice %dma_start3A_70[%dma_start3A_71, %dma_start3A_72] : memref<80x128xi32, #tpu.memory_space<hbm>> -> memref<40x128xi32, #tpu.memory_space<hbm>>
      tpu.enqueue_dma source(%dma_start3A_73 : memref<40x128xi32, #tpu.memory_space<hbm>>) target(%arg4 : memref<40x128xi32, #tpu.memory_space<vmem>>) target_semaphore(%run_scoped3A_60 : memref<!tpu.dma_semaphore, #tpu.memory_space<semaphore_mem>>)
      %dma_wait3A = arith.constant 0 : i32
      %dma_wait3A_74 = arith.constant 0 : i32
      %dma_wait3A_75 = tpu.memref_slice %arg2[%run_scoped3A_48, %add3A, %dma_wait3A, %dma_wait3A_74] : memref<2x32x80x128xi32, #tpu.memory_space<hbm>> -> memref<1x1x80x128xi32, #tpu.memory_space<hbm>>
      %dma_wait3A_76 = tpu.memref_squeeze %dma_wait3A_75 : memref<1x1x80x128xi32, #tpu.memory_space<hbm>> -> memref<80x128xi32, #tpu.memory_space<hbm>>
      %dma_wait3A_77 = arith.constant 40 : i32
      %dma_wait3A_78 = arith.constant 0 : i32
      %dma_wait3A_79 = tpu.memref_slice %dma_wait3A_76[%dma_wait3A_77, %dma_wait3A_78] : memref<80x128xi32, #tpu.memory_space<hbm>> -> memref<40x128xi32, #tpu.memory_space<hbm>>
      %dma_wait3A_80 = arith.constant 0 : i32
      %dma_wait3A_81 = arith.constant 0 : i32
      %dma_wait3A_82 = tpu.memref_slice %arg2[%run_scoped3A_48, %add3A, %dma_wait3A_80, %dma_wait3A_81] : memref<2x32x80x128xi32, #tpu.memory_space<hbm>> -> memref<1x1x80x128xi32, #tpu.memory_space<hbm>>
      %dma_wait3A_83 = tpu.memref_squeeze %dma_wait3A_82 : memref<1x1x80x128xi32, #tpu.memory_space<hbm>> -> memref<80x128xi32, #tpu.memory_space<hbm>>
      %dma_wait3A_84 = arith.constant 40 : i32
      %dma_wait3A_85 = arith.constant 0 : i32
      %dma_wait3A_86 = tpu.memref_slice %dma_wait3A_83[%dma_wait3A_84, %dma_wait3A_85] : memref<80x128xi32, #tpu.memory_space<hbm>> -> memref<40x128xi32, #tpu.memory_space<hbm>>
      tpu.wait_dma2 semaphore(%run_scoped3A_60 : memref<!tpu.dma_semaphore, #tpu.memory_space<semaphore_mem>>) src(%dma_wait3A_86 : memref<40x128xi32, #tpu.memory_space<hbm>>) dst(%arg4 : memref<40x128xi32, #tpu.memory_space<vmem>>)
      tpu.yield
    }) : () -> ()
    %scan3A_49 = arith.constant 0 : i32
    %scan3A_50 = arith.constant 0 : i32
    %scan3A_51 = arith.constant 10 : i32
    %scan3A_52 = arith.addi %scan3A_50, %scan3A_51 : i32
    %scan3A_53 = arith.constant 1 : i32
    scf.for %scan3A_60 = %scan3A_50 to %scan3A_52 step %scan3A_53  : i32 {
      %mul3A_61 = arith.constant 4 : i32
      %mul3A_62 = arith.muli %scan3A_60, %mul3A_61 : i32
      %add3A_63 = arith.constant 0 : i32
      %add3A_64 = arith.addi %mul3A_62, %add3A_63 : i32
      %dma_start3A = arith.constant 0 : i32
      %dma_start3A_65 = tpu.memref_slice %arg4[%add3A_64, %dma_start3A] : memref<40x128xi32, #tpu.memory_space<vmem>> -> memref<1x128xi32, #tpu.memory_space<vmem>>
      %dma_start3A_66 = tpu.memref_squeeze %dma_start3A_65 : memref<1x128xi32, #tpu.memory_space<vmem>> -> memref<128xi32, #tpu.memory_space<vmem>>
      %dma_start3A_67 = arith.constant 0 : i32
      %dma_start3A_68 = tpu.memref_slice %arg7[%dma_start3A_67] : memref<10240xf32, #tpu.memory_space<vmem_shared>> -> memref<10240xf32, #tpu.memory_space<vmem_shared>>
      tpu.enqueue_indirect_dma source(%arg5 : memref<128xf32, #tpu.memory_space<vmem>>) target(%dma_start3A_68 : memref<10240xf32, #tpu.memory_space<vmem_shared>>) offsets(%dma_start3A_66 : memref<128xi32, #tpu.memory_space<vmem>>) semaphore(%arg8 : memref<!tpu.dma_semaphore, #tpu.memory_space<semaphore_mem>>) {add = true}
      %add3A_69 = arith.constant 1 : i32
      %add3A_70 = arith.addi %mul3A_62, %add3A_69 : i32
      %dma_start3A_71 = arith.constant 0 : i32
      %dma_start3A_72 = tpu.memref_slice %arg4[%add3A_70, %dma_start3A_71] : memref<40x128xi32, #tpu.memory_space<vmem>> -> memref<1x128xi32, #tpu.memory_space<vmem>>
      %dma_start3A_73 = tpu.memref_squeeze %dma_start3A_72 : memref<1x128xi32, #tpu.memory_space<vmem>> -> memref<128xi32, #tpu.memory_space<vmem>>
      %dma_start3A_74 = arith.constant 0 : i32
      %dma_start3A_75 = tpu.memref_slice %arg7[%dma_start3A_74] : memref<10240xf32, #tpu.memory_space<vmem_shared>> -> memref<10240xf32, #tpu.memory_space<vmem_shared>>
      tpu.enqueue_indirect_dma source(%arg5 : memref<128xf32, #tpu.memory_space<vmem>>) target(%dma_start3A_75 : memref<10240xf32, #tpu.memory_space<vmem_shared>>) offsets(%dma_start3A_73 : memref<128xi32, #tpu.memory_space<vmem>>) semaphore(%arg8 : memref<!tpu.dma_semaphore, #tpu.memory_space<semaphore_mem>>) {add = true}
      %add3A_76 = arith.constant 2 : i32
      %add3A_77 = arith.addi %mul3A_62, %add3A_76 : i32
      %dma_start3A_78 = arith.constant 0 : i32
      %dma_start3A_79 = tpu.memref_slice %arg4[%add3A_77, %dma_start3A_78] : memref<40x128xi32, #tpu.memory_space<vmem>> -> memref<1x128xi32, #tpu.memory_space<vmem>>
      %dma_start3A_80 = tpu.memref_squeeze %dma_start3A_79 : memref<1x128xi32, #tpu.memory_space<vmem>> -> memref<128xi32, #tpu.memory_space<vmem>>
      %dma_start3A_81 = arith.constant 0 : i32
      %dma_start3A_82 = tpu.memref_slice %arg7[%dma_start3A_81] : memref<10240xf32, #tpu.memory_space<vmem_shared>> -> memref<10240xf32, #tpu.memory_space<vmem_shared>>
      tpu.enqueue_indirect_dma source(%arg5 : memref<128xf32, #tpu.memory_space<vmem>>) target(%dma_start3A_82 : memref<10240xf32, #tpu.memory_space<vmem_shared>>) offsets(%dma_start3A_80 : memref<128xi32, #tpu.memory_space<vmem>>) semaphore(%arg8 : memref<!tpu.dma_semaphore, #tpu.memory_space<semaphore_mem>>) {add = true}
      %add3A_83 = arith.constant 3 : i32
      %add3A_84 = arith.addi %mul3A_62, %add3A_83 : i32
      %dma_start3A_85 = arith.constant 0 : i32
      %dma_start3A_86 = tpu.memref_slice %arg4[%add3A_84, %dma_start3A_85] : memref<40x128xi32, #tpu.memory_space<vmem>> -> memref<1x128xi32, #tpu.memory_space<vmem>>
      %dma_start3A_87 = tpu.memref_squeeze %dma_start3A_86 : memref<1x128xi32, #tpu.memory_space<vmem>> -> memref<128xi32, #tpu.memory_space<vmem>>
      %dma_start3A_88 = arith.constant 0 : i32
      %dma_start3A_89 = tpu.memref_slice %arg7[%dma_start3A_88] : memref<10240xf32, #tpu.memory_space<vmem_shared>> -> memref<10240xf32, #tpu.memory_space<vmem_shared>>
      tpu.enqueue_indirect_dma source(%arg5 : memref<128xf32, #tpu.memory_space<vmem>>) target(%dma_start3A_89 : memref<10240xf32, #tpu.memory_space<vmem_shared>>) offsets(%dma_start3A_87 : memref<128xi32, #tpu.memory_space<vmem>>) semaphore(%arg8 : memref<!tpu.dma_semaphore, #tpu.memory_space<semaphore_mem>>) {add = true}
      %add3A_90 = arith.constant 0 : i32
      %add3A_91 = arith.addi %mul3A_62, %add3A_90 : i32
      %dma_wait3A = arith.constant 0 : i32
      %dma_wait3A_92 = tpu.memref_slice %arg4[%add3A_91, %dma_wait3A] : memref<40x128xi32, #tpu.memory_space<vmem>> -> memref<1x128xi32, #tpu.memory_space<vmem>>
      %dma_wait3A_93 = tpu.memref_squeeze %dma_wait3A_92 : memref<1x128xi32, #tpu.memory_space<vmem>> -> memref<128xi32, #tpu.memory_space<vmem>>
      %dma_wait3A_94 = arith.constant 0 : i32
      %dma_wait3A_95 = tpu.memref_slice %arg7[%dma_wait3A_94] : memref<10240xf32, #tpu.memory_space<vmem_shared>> -> memref<10240xf32, #tpu.memory_space<vmem_shared>>
      tpu.wait_indirect_dma semaphore(%arg8 : memref<!tpu.dma_semaphore, #tpu.memory_space<semaphore_mem>>) src(%arg5 : memref<128xf32, #tpu.memory_space<vmem>>) dst(%dma_wait3A_95 : memref<10240xf32, #tpu.memory_space<vmem_shared>>)
      %add3A_96 = arith.constant 1 : i32
      %add3A_97 = arith.addi %mul3A_62, %add3A_96 : i32
      %dma_wait3A_98 = arith.constant 0 : i32
      %dma_wait3A_99 = tpu.memref_slice %arg4[%add3A_97, %dma_wait3A_98] : memref<40x128xi32, #tpu.memory_space<vmem>> -> memref<1x128xi32, #tpu.memory_space<vmem>>
      %dma_wait3A_100 = tpu.memref_squeeze %dma_wait3A_99 : memref<1x128xi32, #tpu.memory_space<vmem>> -> memref<128xi32, #tpu.memory_space<vmem>>
      %dma_wait3A_101 = arith.constant 0 : i32
      %dma_wait3A_102 = tpu.memref_slice %arg7[%dma_wait3A_101] : memref<10240xf32, #tpu.memory_space<vmem_shared>> -> memref<10240xf32, #tpu.memory_space<vmem_shared>>
      tpu.wait_indirect_dma semaphore(%arg8 : memref<!tpu.dma_semaphore, #tpu.memory_space<semaphore_mem>>) src(%arg5 : memref<128xf32, #tpu.memory_space<vmem>>) dst(%dma_wait3A_102 : memref<10240xf32, #tpu.memory_space<vmem_shared>>)
      %add3A_103 = arith.constant 2 : i32
      %add3A_104 = arith.addi %mul3A_62, %add3A_103 : i32
      %dma_wait3A_105 = arith.constant 0 : i32
      %dma_wait3A_106 = tpu.memref_slice %arg4[%add3A_104, %dma_wait3A_105] : memref<40x128xi32, #tpu.memory_space<vmem>> -> memref<1x128xi32, #tpu.memory_space<vmem>>
      %dma_wait3A_107 = tpu.memref_squeeze %dma_wait3A_106 : memref<1x128xi32, #tpu.memory_space<vmem>> -> memref<128xi32, #tpu.memory_space<vmem>>
      %dma_wait3A_108 = arith.constant 0 : i32
      %dma_wait3A_109 = tpu.memref_slice %arg7[%dma_wait3A_108] : memref<10240xf32, #tpu.memory_space<vmem_shared>> -> memref<10240xf32, #tpu.memory_space<vmem_shared>>
      tpu.wait_indirect_dma semaphore(%arg8 : memref<!tpu.dma_semaphore, #tpu.memory_space<semaphore_mem>>) src(%arg5 : memref<128xf32, #tpu.memory_space<vmem>>) dst(%dma_wait3A_109 : memref<10240xf32, #tpu.memory_space<vmem_shared>>)
      %add3A_110 = arith.constant 3 : i32
      %add3A_111 = arith.addi %mul3A_62, %add3A_110 : i32
      %dma_wait3A_112 = arith.constant 0 : i32
      %dma_wait3A_113 = tpu.memref_slice %arg4[%add3A_111, %dma_wait3A_112] : memref<40x128xi32, #tpu.memory_space<vmem>> -> memref<1x128xi32, #tpu.memory_space<vmem>>
      %dma_wait3A_114 = tpu.memref_squeeze %dma_wait3A_113 : memref<1x128xi32, #tpu.memory_space<vmem>> -> memref<128xi32, #tpu.memory_space<vmem>>
      %dma_wait3A_115 = arith.constant 0 : i32
      %dma_wait3A_116 = tpu.memref_slice %arg7[%dma_wait3A_115] : memref<10240xf32, #tpu.memory_space<vmem_shared>> -> memref<10240xf32, #tpu.memory_space<vmem_shared>>
      tpu.wait_indirect_dma semaphore(%arg8 : memref<!tpu.dma_semaphore, #tpu.memory_space<semaphore_mem>>) src(%arg5 : memref<128xf32, #tpu.memory_space<vmem>>) dst(%dma_wait3A_116 : memref<10240xf32, #tpu.memory_space<vmem_shared>>)
    }
    %scan3A_54 = arith.constant 10 : i32
    %barrier3A_55 = arith.constant 0 : index
    tpu.barrier barrier_id(%barrier3A_55)
    %mul3A_56 = arith.constant 640 : i32
    %mul3A_57 = arith.muli %arg1, %mul3A_56 : i32
    %mul3A_58 = arith.constant 640 : i32
    %mul3A_59 = arith.muli %arg1, %mul3A_58 : i32
    "tpu.region"() ({
      %run_scoped3A_60 = tpu.sem_alloc : memref<!tpu.dma_semaphore, #tpu.memory_space<semaphore_mem>>
      %dma_start3A = arith.constant 0 : i32
      %dma_start3A_61 = tpu.memref_slice %arg3[%arg0, %dma_start3A] : memref<2x10240xf32, #tpu.memory_space<hbm>> -> memref<1x10240xf32, #tpu.memory_space<hbm>>
      %dma_start3A_62 = tpu.memref_squeeze %dma_start3A_61 : memref<1x10240xf32, #tpu.memory_space<hbm>> -> memref<10240xf32, #tpu.memory_space<hbm>>
      %dma_start3A_63 = tpu.memref_slice %dma_start3A_62[%mul3A_59] : memref<10240xf32, #tpu.memory_space<hbm>> -> memref<640xf32, #tpu.memory_space<hbm>>
      %dma_start3A_64 = tpu.memref_slice %arg7[%mul3A_57] : memref<10240xf32, #tpu.memory_space<vmem_shared>> -> memref<640xf32, #tpu.memory_space<vmem_shared>>
      tpu.enqueue_dma source(%dma_start3A_64 : memref<640xf32, #tpu.memory_space<vmem_shared>>) target(%dma_start3A_63 : memref<640xf32, #tpu.memory_space<hbm>>) target_semaphore(%run_scoped3A_60 : memref<!tpu.dma_semaphore, #tpu.memory_space<semaphore_mem>>)
      %dma_wait3A = arith.constant 0 : i32
      %dma_wait3A_65 = tpu.memref_slice %arg3[%arg0, %dma_wait3A] : memref<2x10240xf32, #tpu.memory_space<hbm>> -> memref<1x10240xf32, #tpu.memory_space<hbm>>
      %dma_wait3A_66 = tpu.memref_squeeze %dma_wait3A_65 : memref<1x10240xf32, #tpu.memory_space<hbm>> -> memref<10240xf32, #tpu.memory_space<hbm>>
      %dma_wait3A_67 = tpu.memref_slice %dma_wait3A_66[%mul3A_59] : memref<10240xf32, #tpu.memory_space<hbm>> -> memref<640xf32, #tpu.memory_space<hbm>>
      %dma_wait3A_68 = tpu.memref_slice %arg7[%mul3A_57] : memref<10240xf32, #tpu.memory_space<vmem_shared>> -> memref<640xf32, #tpu.memory_space<vmem_shared>>
      tpu.wait_dma2 semaphore(%run_scoped3A_60 : memref<!tpu.dma_semaphore, #tpu.memory_space<semaphore_mem>>) src(%dma_wait3A_68 : memref<640xf32, #tpu.memory_space<vmem_shared>>) dst(%dma_wait3A_67 : memref<640xf32, #tpu.memory_space<hbm>>)
      tpu.yield
    }) : () -> ()
    return
  }
}

#map = affine_map<(d0, d1) -> (0, 0)>
#map1 = affine_map<(d0, d1) -> (0, 0, 0, 0)>
#map2 = affine_map<(d0, d1) -> (0, 0, 0)>
module attributes {stable_mosaic.version = 14 : i64} {
  func.func @_agg_body(%arg0: i32, %arg1: i32, %arg2: memref<10000x128xf32, #tpu.memory_space<hbm>>, %arg3: memref<2x32x80x128xi32, #tpu.memory_space<hbm>>, %arg4: memref<10240x128xf32, #tpu.memory_space<hbm>>, %arg5: memref<2x10240x128xf32, #tpu.memory_space<hbm>>, %arg6: memref<40x128xi32, #tpu.memory_space<vmem>>, %arg7: memref<40x128xi32, #tpu.memory_space<vmem>>, %arg8: memref<128x128xf32, #tpu.memory_space<vmem>>, %arg9: memref<128x128xf32, #tpu.memory_space<vmem>>, %arg10: memref<10240x128xf32, #tpu.memory_space<vmem_shared>>, %arg11: memref<!tpu.dma_semaphore, #tpu.memory_space<semaphore_mem>>, %arg12: memref<!tpu.dma_semaphore, #tpu.memory_space<semaphore_mem>>) attributes {dimension_semantics = [#tpu.dimension_semantics<core_parallel>, #tpu.dimension_semantics<subcore_parallel>], iteration_bounds = array<i64: 2, 16>, scalar_prefetch = 0 : i64, scratch_operands = 7 : i64, tpu.core_type = #tpu.core_type<sc_vector_subcore>, window_params = [{transform_indices = #map}, {transform_indices = #map1}, {transform_indices = #map}, {transform_indices = #map2}]} {
    %mul3A = arith.constant 2 : i32
    %mul3A_0 = arith.muli %arg1, %mul3A : i32
    %add3A = arith.addi %mul3A_0, %arg0 : i32
    %run_scoped3A = arith.constant 0 : i32
    "tpu.region"() ({
      %run_scoped3A_63 = tpu.sem_alloc : memref<!tpu.dma_semaphore, #tpu.memory_space<semaphore_mem>>
      %dma_start3A_64 = arith.constant 0 : i32
      %dma_start3A_65 = arith.constant 0 : i32
      %dma_start3A_66 = tpu.memref_slice %arg3[%run_scoped3A, %add3A, %dma_start3A_64, %dma_start3A_65] : memref<2x32x80x128xi32, #tpu.memory_space<hbm>> -> memref<1x1x80x128xi32, #tpu.memory_space<hbm>>
      %dma_start3A_67 = tpu.memref_squeeze %dma_start3A_66 : memref<1x1x80x128xi32, #tpu.memory_space<hbm>> -> memref<80x128xi32, #tpu.memory_space<hbm>>
      %dma_start3A_68 = arith.constant 0 : i32
      %dma_start3A_69 = arith.constant 0 : i32
      %dma_start3A_70 = tpu.memref_slice %dma_start3A_67[%dma_start3A_68, %dma_start3A_69] : memref<80x128xi32, #tpu.memory_space<hbm>> -> memref<40x128xi32, #tpu.memory_space<hbm>>
      %dma_start3A_71 = arith.constant 0 : i32
      %dma_start3A_72 = arith.constant 0 : i32
      %dma_start3A_73 = tpu.memref_slice %arg3[%run_scoped3A, %add3A, %dma_start3A_71, %dma_start3A_72] : memref<2x32x80x128xi32, #tpu.memory_space<hbm>> -> memref<1x1x80x128xi32, #tpu.memory_space<hbm>>
      %dma_start3A_74 = tpu.memref_squeeze %dma_start3A_73 : memref<1x1x80x128xi32, #tpu.memory_space<hbm>> -> memref<80x128xi32, #tpu.memory_space<hbm>>
      %dma_start3A_75 = arith.constant 0 : i32
      %dma_start3A_76 = arith.constant 0 : i32
      %dma_start3A_77 = tpu.memref_slice %dma_start3A_74[%dma_start3A_75, %dma_start3A_76] : memref<80x128xi32, #tpu.memory_space<hbm>> -> memref<40x128xi32, #tpu.memory_space<hbm>>
      tpu.enqueue_dma source(%dma_start3A_77 : memref<40x128xi32, #tpu.memory_space<hbm>>) target(%arg6 : memref<40x128xi32, #tpu.memory_space<vmem>>) target_semaphore(%run_scoped3A_63 : memref<!tpu.dma_semaphore, #tpu.memory_space<semaphore_mem>>)
      %dma_wait3A = arith.constant 0 : i32
      %dma_wait3A_78 = arith.constant 0 : i32
      %dma_wait3A_79 = tpu.memref_slice %arg3[%run_scoped3A, %add3A, %dma_wait3A, %dma_wait3A_78] : memref<2x32x80x128xi32, #tpu.memory_space<hbm>> -> memref<1x1x80x128xi32, #tpu.memory_space<hbm>>
      %dma_wait3A_80 = tpu.memref_squeeze %dma_wait3A_79 : memref<1x1x80x128xi32, #tpu.memory_space<hbm>> -> memref<80x128xi32, #tpu.memory_space<hbm>>
      %dma_wait3A_81 = arith.constant 0 : i32
      %dma_wait3A_82 = arith.constant 0 : i32
      %dma_wait3A_83 = tpu.memref_slice %dma_wait3A_80[%dma_wait3A_81, %dma_wait3A_82] : memref<80x128xi32, #tpu.memory_space<hbm>> -> memref<40x128xi32, #tpu.memory_space<hbm>>
      %dma_wait3A_84 = arith.constant 0 : i32
      %dma_wait3A_85 = arith.constant 0 : i32
      %dma_wait3A_86 = tpu.memref_slice %arg3[%run_scoped3A, %add3A, %dma_wait3A_84, %dma_wait3A_85] : memref<2x32x80x128xi32, #tpu.memory_space<hbm>> -> memref<1x1x80x128xi32, #tpu.memory_space<hbm>>
      %dma_wait3A_87 = tpu.memref_squeeze %dma_wait3A_86 : memref<1x1x80x128xi32, #tpu.memory_space<hbm>> -> memref<80x128xi32, #tpu.memory_space<hbm>>
      %dma_wait3A_88 = arith.constant 0 : i32
      %dma_wait3A_89 = arith.constant 0 : i32
      %dma_wait3A_90 = tpu.memref_slice %dma_wait3A_87[%dma_wait3A_88, %dma_wait3A_89] : memref<80x128xi32, #tpu.memory_space<hbm>> -> memref<40x128xi32, #tpu.memory_space<hbm>>
      tpu.wait_dma2 semaphore(%run_scoped3A_63 : memref<!tpu.dma_semaphore, #tpu.memory_space<semaphore_mem>>) src(%dma_wait3A_90 : memref<40x128xi32, #tpu.memory_space<hbm>>) dst(%arg6 : memref<40x128xi32, #tpu.memory_space<vmem>>)
      tpu.yield
    }) : () -> ()
    %run_scoped3A_1 = arith.constant 1 : i32
    "tpu.region"() ({
      %run_scoped3A_63 = tpu.sem_alloc : memref<!tpu.dma_semaphore, #tpu.memory_space<semaphore_mem>>
      %dma_start3A_64 = arith.constant 0 : i32
      %dma_start3A_65 = arith.constant 0 : i32
      %dma_start3A_66 = tpu.memref_slice %arg3[%run_scoped3A_1, %add3A, %dma_start3A_64, %dma_start3A_65] : memref<2x32x80x128xi32, #tpu.memory_space<hbm>> -> memref<1x1x80x128xi32, #tpu.memory_space<hbm>>
      %dma_start3A_67 = tpu.memref_squeeze %dma_start3A_66 : memref<1x1x80x128xi32, #tpu.memory_space<hbm>> -> memref<80x128xi32, #tpu.memory_space<hbm>>
      %dma_start3A_68 = arith.constant 0 : i32
      %dma_start3A_69 = arith.constant 0 : i32
      %dma_start3A_70 = tpu.memref_slice %dma_start3A_67[%dma_start3A_68, %dma_start3A_69] : memref<80x128xi32, #tpu.memory_space<hbm>> -> memref<40x128xi32, #tpu.memory_space<hbm>>
      %dma_start3A_71 = arith.constant 0 : i32
      %dma_start3A_72 = arith.constant 0 : i32
      %dma_start3A_73 = tpu.memref_slice %arg3[%run_scoped3A_1, %add3A, %dma_start3A_71, %dma_start3A_72] : memref<2x32x80x128xi32, #tpu.memory_space<hbm>> -> memref<1x1x80x128xi32, #tpu.memory_space<hbm>>
      %dma_start3A_74 = tpu.memref_squeeze %dma_start3A_73 : memref<1x1x80x128xi32, #tpu.memory_space<hbm>> -> memref<80x128xi32, #tpu.memory_space<hbm>>
      %dma_start3A_75 = arith.constant 0 : i32
      %dma_start3A_76 = arith.constant 0 : i32
      %dma_start3A_77 = tpu.memref_slice %dma_start3A_74[%dma_start3A_75, %dma_start3A_76] : memref<80x128xi32, #tpu.memory_space<hbm>> -> memref<40x128xi32, #tpu.memory_space<hbm>>
      tpu.enqueue_dma source(%dma_start3A_77 : memref<40x128xi32, #tpu.memory_space<hbm>>) target(%arg7 : memref<40x128xi32, #tpu.memory_space<vmem>>) target_semaphore(%run_scoped3A_63 : memref<!tpu.dma_semaphore, #tpu.memory_space<semaphore_mem>>)
      %dma_wait3A = arith.constant 0 : i32
      %dma_wait3A_78 = arith.constant 0 : i32
      %dma_wait3A_79 = tpu.memref_slice %arg3[%run_scoped3A_1, %add3A, %dma_wait3A, %dma_wait3A_78] : memref<2x32x80x128xi32, #tpu.memory_space<hbm>> -> memref<1x1x80x128xi32, #tpu.memory_space<hbm>>
      %dma_wait3A_80 = tpu.memref_squeeze %dma_wait3A_79 : memref<1x1x80x128xi32, #tpu.memory_space<hbm>> -> memref<80x128xi32, #tpu.memory_space<hbm>>
      %dma_wait3A_81 = arith.constant 0 : i32
      %dma_wait3A_82 = arith.constant 0 : i32
      %dma_wait3A_83 = tpu.memref_slice %dma_wait3A_80[%dma_wait3A_81, %dma_wait3A_82] : memref<80x128xi32, #tpu.memory_space<hbm>> -> memref<40x128xi32, #tpu.memory_space<hbm>>
      %dma_wait3A_84 = arith.constant 0 : i32
      %dma_wait3A_85 = arith.constant 0 : i32
      %dma_wait3A_86 = tpu.memref_slice %arg3[%run_scoped3A_1, %add3A, %dma_wait3A_84, %dma_wait3A_85] : memref<2x32x80x128xi32, #tpu.memory_space<hbm>> -> memref<1x1x80x128xi32, #tpu.memory_space<hbm>>
      %dma_wait3A_87 = tpu.memref_squeeze %dma_wait3A_86 : memref<1x1x80x128xi32, #tpu.memory_space<hbm>> -> memref<80x128xi32, #tpu.memory_space<hbm>>
      %dma_wait3A_88 = arith.constant 0 : i32
      %dma_wait3A_89 = arith.constant 0 : i32
      %dma_wait3A_90 = tpu.memref_slice %dma_wait3A_87[%dma_wait3A_88, %dma_wait3A_89] : memref<80x128xi32, #tpu.memory_space<hbm>> -> memref<40x128xi32, #tpu.memory_space<hbm>>
      tpu.wait_dma2 semaphore(%run_scoped3A_63 : memref<!tpu.dma_semaphore, #tpu.memory_space<semaphore_mem>>) src(%dma_wait3A_90 : memref<40x128xi32, #tpu.memory_space<hbm>>) dst(%arg7 : memref<40x128xi32, #tpu.memory_space<vmem>>)
      tpu.yield
    }) : () -> ()
    %dma_start3A = arith.constant 0 : i32
    %dma_start3A_2 = arith.constant 0 : i32
    %dma_start3A_3 = tpu.memref_slice %arg6[%dma_start3A, %dma_start3A_2] : memref<40x128xi32, #tpu.memory_space<vmem>> -> memref<1x128xi32, #tpu.memory_space<vmem>>
    %dma_start3A_4 = tpu.memref_squeeze %dma_start3A_3 : memref<1x128xi32, #tpu.memory_space<vmem>> -> memref<128xi32, #tpu.memory_space<vmem>>
    %dma_start3A_5 = arith.constant 0 : i32
    %dma_start3A_6 = arith.constant 0 : i32
    %dma_start3A_7 = tpu.memref_slice %arg2[%dma_start3A_5, %dma_start3A_6] : memref<10000x128xf32, #tpu.memory_space<hbm>> -> memref<10000x128xf32, #tpu.memory_space<hbm>>
    tpu.enqueue_indirect_dma source(%dma_start3A_7 : memref<10000x128xf32, #tpu.memory_space<hbm>>) target(%arg8 : memref<128x128xf32, #tpu.memory_space<vmem>>) offsets(%dma_start3A_4 : memref<128xi32, #tpu.memory_space<vmem>>) semaphore(%arg11 : memref<!tpu.dma_semaphore, #tpu.memory_space<semaphore_mem>>)
    %dma_start3A_8 = arith.constant 1 : i32
    %dma_start3A_9 = arith.constant 0 : i32
    %dma_start3A_10 = tpu.memref_slice %arg6[%dma_start3A_8, %dma_start3A_9] : memref<40x128xi32, #tpu.memory_space<vmem>> -> memref<1x128xi32, #tpu.memory_space<vmem>>
    %dma_start3A_11 = tpu.memref_squeeze %dma_start3A_10 : memref<1x128xi32, #tpu.memory_space<vmem>> -> memref<128xi32, #tpu.memory_space<vmem>>
    %dma_start3A_12 = arith.constant 0 : i32
    %dma_start3A_13 = arith.constant 0 : i32
    %dma_start3A_14 = tpu.memref_slice %arg2[%dma_start3A_12, %dma_start3A_13] : memref<10000x128xf32, #tpu.memory_space<hbm>> -> memref<10000x128xf32, #tpu.memory_space<hbm>>
    tpu.enqueue_indirect_dma source(%dma_start3A_14 : memref<10000x128xf32, #tpu.memory_space<hbm>>) target(%arg9 : memref<128x128xf32, #tpu.memory_space<vmem>>) offsets(%dma_start3A_11 : memref<128xi32, #tpu.memory_space<vmem>>) semaphore(%arg12 : memref<!tpu.dma_semaphore, #tpu.memory_space<semaphore_mem>>)
    %eq3A = arith.constant 0 : i32
    %eq3A_15 = arith.cmpi eq, %arg0, %eq3A : i32
    %lt3A = arith.constant 15 : i32
    %lt3A_16 = arith.cmpi slt, %arg1, %lt3A : i32
    %and3A = arith.andi %eq3A_15, %lt3A_16 : i1
    %convert_element_type3A = arith.extui %and3A : i1 to i32
    %cond3A = arith.constant 0 : i32
    %cond3A_17 = arith.cmpi ne, %convert_element_type3A, %cond3A : i32
    scf.if %cond3A_17 {
      %mul3A_63 = arith.constant 640 : i32
      %mul3A_64 = arith.muli %arg1, %mul3A_63 : i32
      %mul3A_65 = arith.constant 640 : i32
      %mul3A_66 = arith.muli %arg1, %mul3A_65 : i32
      "tpu.region"() ({
        %run_scoped3A_67 = tpu.sem_alloc : memref<!tpu.dma_semaphore, #tpu.memory_space<semaphore_mem>>
        %dma_start3A_68 = arith.constant 0 : i32
        %dma_start3A_69 = tpu.memref_slice %arg10[%mul3A_66, %dma_start3A_68] : memref<10240x128xf32, #tpu.memory_space<vmem_shared>> -> memref<640x128xf32, #tpu.memory_space<vmem_shared>>
        %dma_start3A_70 = arith.constant 0 : i32
        %dma_start3A_71 = tpu.memref_slice %arg2[%mul3A_64, %dma_start3A_70] : memref<10000x128xf32, #tpu.memory_space<hbm>> -> memref<640x128xf32, #tpu.memory_space<hbm>>
        tpu.enqueue_dma source(%dma_start3A_71 : memref<640x128xf32, #tpu.memory_space<hbm>>) target(%dma_start3A_69 : memref<640x128xf32, #tpu.memory_space<vmem_shared>>) target_semaphore(%run_scoped3A_67 : memref<!tpu.dma_semaphore, #tpu.memory_space<semaphore_mem>>)
        %dma_wait3A = arith.constant 0 : i32
        %dma_wait3A_72 = tpu.memref_slice %arg10[%mul3A_66, %dma_wait3A] : memref<10240x128xf32, #tpu.memory_space<vmem_shared>> -> memref<640x128xf32, #tpu.memory_space<vmem_shared>>
        %dma_wait3A_73 = arith.constant 0 : i32
        %dma_wait3A_74 = tpu.memref_slice %arg2[%mul3A_64, %dma_wait3A_73] : memref<10000x128xf32, #tpu.memory_space<hbm>> -> memref<640x128xf32, #tpu.memory_space<hbm>>
        tpu.wait_dma2 semaphore(%run_scoped3A_67 : memref<!tpu.dma_semaphore, #tpu.memory_space<semaphore_mem>>) src(%dma_wait3A_74 : memref<640x128xf32, #tpu.memory_space<hbm>>) dst(%dma_wait3A_72 : memref<640x128xf32, #tpu.memory_space<vmem_shared>>)
        tpu.yield
      }) : () -> ()
    } else {
    }
    %eq3A_18 = arith.constant 0 : i32
    %eq3A_19 = arith.cmpi eq, %arg0, %eq3A_18 : i32
    %eq3A_20 = arith.constant 15 : i32
    %eq3A_21 = arith.cmpi eq, %arg1, %eq3A_20 : i32
    %and3A_22 = arith.andi %eq3A_19, %eq3A_21 : i1
    %convert_element_type3A_23 = arith.extui %and3A_22 : i1 to i32
    %cond3A_24 = arith.constant 0 : i32
    %cond3A_25 = arith.cmpi ne, %convert_element_type3A_23, %cond3A_24 : i32
    scf.if %cond3A_25 {
      "tpu.region"() ({
        %run_scoped3A_63 = tpu.sem_alloc : memref<!tpu.dma_semaphore, #tpu.memory_space<semaphore_mem>>
        %dma_start3A_64 = arith.constant 9600 : i32
        %dma_start3A_65 = arith.constant 0 : i32
        %dma_start3A_66 = tpu.memref_slice %arg10[%dma_start3A_64, %dma_start3A_65] : memref<10240x128xf32, #tpu.memory_space<vmem_shared>> -> memref<400x128xf32, #tpu.memory_space<vmem_shared>>
        %dma_start3A_67 = arith.constant 9600 : i32
        %dma_start3A_68 = arith.constant 0 : i32
        %dma_start3A_69 = tpu.memref_slice %arg2[%dma_start3A_67, %dma_start3A_68] : memref<10000x128xf32, #tpu.memory_space<hbm>> -> memref<400x128xf32, #tpu.memory_space<hbm>>
        tpu.enqueue_dma source(%dma_start3A_69 : memref<400x128xf32, #tpu.memory_space<hbm>>) target(%dma_start3A_66 : memref<400x128xf32, #tpu.memory_space<vmem_shared>>) target_semaphore(%run_scoped3A_63 : memref<!tpu.dma_semaphore, #tpu.memory_space<semaphore_mem>>)
        %dma_wait3A = arith.constant 9600 : i32
        %dma_wait3A_70 = arith.constant 0 : i32
        %dma_wait3A_71 = tpu.memref_slice %arg10[%dma_wait3A, %dma_wait3A_70] : memref<10240x128xf32, #tpu.memory_space<vmem_shared>> -> memref<400x128xf32, #tpu.memory_space<vmem_shared>>
        %dma_wait3A_72 = arith.constant 9600 : i32
        %dma_wait3A_73 = arith.constant 0 : i32
        %dma_wait3A_74 = tpu.memref_slice %arg2[%dma_wait3A_72, %dma_wait3A_73] : memref<10000x128xf32, #tpu.memory_space<hbm>> -> memref<400x128xf32, #tpu.memory_space<hbm>>
        tpu.wait_dma2 semaphore(%run_scoped3A_63 : memref<!tpu.dma_semaphore, #tpu.memory_space<semaphore_mem>>) src(%dma_wait3A_74 : memref<400x128xf32, #tpu.memory_space<hbm>>) dst(%dma_wait3A_71 : memref<400x128xf32, #tpu.memory_space<vmem_shared>>)
        tpu.yield
      }) : () -> ()
      "tpu.region"() ({
        %run_scoped3A_63 = tpu.sem_alloc : memref<!tpu.dma_semaphore, #tpu.memory_space<semaphore_mem>>
        %dma_start3A_64 = arith.constant 10000 : i32
        %dma_start3A_65 = arith.constant 0 : i32
        %dma_start3A_66 = tpu.memref_slice %arg10[%dma_start3A_64, %dma_start3A_65] : memref<10240x128xf32, #tpu.memory_space<vmem_shared>> -> memref<240x128xf32, #tpu.memory_space<vmem_shared>>
        %dma_start3A_67 = arith.constant 10000 : i32
        %dma_start3A_68 = arith.constant 0 : i32
        %dma_start3A_69 = tpu.memref_slice %arg4[%dma_start3A_67, %dma_start3A_68] : memref<10240x128xf32, #tpu.memory_space<hbm>> -> memref<240x128xf32, #tpu.memory_space<hbm>>
        tpu.enqueue_dma source(%dma_start3A_69 : memref<240x128xf32, #tpu.memory_space<hbm>>) target(%dma_start3A_66 : memref<240x128xf32, #tpu.memory_space<vmem_shared>>) target_semaphore(%run_scoped3A_63 : memref<!tpu.dma_semaphore, #tpu.memory_space<semaphore_mem>>)
        %dma_wait3A = arith.constant 10000 : i32
        %dma_wait3A_70 = arith.constant 0 : i32
        %dma_wait3A_71 = tpu.memref_slice %arg10[%dma_wait3A, %dma_wait3A_70] : memref<10240x128xf32, #tpu.memory_space<vmem_shared>> -> memref<240x128xf32, #tpu.memory_space<vmem_shared>>
        %dma_wait3A_72 = arith.constant 10000 : i32
        %dma_wait3A_73 = arith.constant 0 : i32
        %dma_wait3A_74 = tpu.memref_slice %arg4[%dma_wait3A_72, %dma_wait3A_73] : memref<10240x128xf32, #tpu.memory_space<hbm>> -> memref<240x128xf32, #tpu.memory_space<hbm>>
        tpu.wait_dma2 semaphore(%run_scoped3A_63 : memref<!tpu.dma_semaphore, #tpu.memory_space<semaphore_mem>>) src(%dma_wait3A_74 : memref<240x128xf32, #tpu.memory_space<hbm>>) dst(%dma_wait3A_71 : memref<240x128xf32, #tpu.memory_space<vmem_shared>>)
        tpu.yield
      }) : () -> ()
    } else {
    }
    %eq3A_26 = arith.constant 1 : i32
    %eq3A_27 = arith.cmpi eq, %arg0, %eq3A_26 : i32
    %convert_element_type3A_28 = arith.extui %eq3A_27 : i1 to i32
    %cond3A_29 = arith.constant 0 : i32
    %cond3A_30 = arith.cmpi ne, %convert_element_type3A_28, %cond3A_29 : i32
    scf.if %cond3A_30 {
      %mul3A_63 = arith.constant 640 : i32
      %mul3A_64 = arith.muli %arg1, %mul3A_63 : i32
      %mul3A_65 = arith.constant 640 : i32
      %mul3A_66 = arith.muli %arg1, %mul3A_65 : i32
      "tpu.region"() ({
        %run_scoped3A_67 = tpu.sem_alloc : memref<!tpu.dma_semaphore, #tpu.memory_space<semaphore_mem>>
        %dma_start3A_68 = arith.constant 0 : i32
        %dma_start3A_69 = tpu.memref_slice %arg10[%mul3A_66, %dma_start3A_68] : memref<10240x128xf32, #tpu.memory_space<vmem_shared>> -> memref<640x128xf32, #tpu.memory_space<vmem_shared>>
        %dma_start3A_70 = arith.constant 0 : i32
        %dma_start3A_71 = tpu.memref_slice %arg4[%mul3A_64, %dma_start3A_70] : memref<10240x128xf32, #tpu.memory_space<hbm>> -> memref<640x128xf32, #tpu.memory_space<hbm>>
        tpu.enqueue_dma source(%dma_start3A_71 : memref<640x128xf32, #tpu.memory_space<hbm>>) target(%dma_start3A_69 : memref<640x128xf32, #tpu.memory_space<vmem_shared>>) target_semaphore(%run_scoped3A_67 : memref<!tpu.dma_semaphore, #tpu.memory_space<semaphore_mem>>)
        %dma_wait3A = arith.constant 0 : i32
        %dma_wait3A_72 = tpu.memref_slice %arg10[%mul3A_66, %dma_wait3A] : memref<10240x128xf32, #tpu.memory_space<vmem_shared>> -> memref<640x128xf32, #tpu.memory_space<vmem_shared>>
        %dma_wait3A_73 = arith.constant 0 : i32
        %dma_wait3A_74 = tpu.memref_slice %arg4[%mul3A_64, %dma_wait3A_73] : memref<10240x128xf32, #tpu.memory_space<hbm>> -> memref<640x128xf32, #tpu.memory_space<hbm>>
        tpu.wait_dma2 semaphore(%run_scoped3A_67 : memref<!tpu.dma_semaphore, #tpu.memory_space<semaphore_mem>>) src(%dma_wait3A_74 : memref<640x128xf32, #tpu.memory_space<hbm>>) dst(%dma_wait3A_72 : memref<640x128xf32, #tpu.memory_space<vmem_shared>>)
        tpu.yield
      }) : () -> ()
    } else {
    }
    %barrier3A = arith.constant 0 : index
    tpu.barrier barrier_id(%barrier3A)
    %scan3A = arith.constant 0 : i32
    %scan3A_31 = arith.constant 0 : i32
    %scan3A_32 = arith.constant 20 : i32
    %scan3A_33 = arith.addi %scan3A_31, %scan3A_32 : i32
    %scan3A_34 = arith.constant 1 : i32
    scf.for %scan3A_63 = %scan3A_31 to %scan3A_33 step %scan3A_34  : i32 {
      %mul3A_64 = arith.constant 2 : i32
      %mul3A_65 = arith.muli %mul3A_64, %scan3A_63 : i32
      %dma_wait3A = arith.constant 0 : i32
      %dma_wait3A_66 = tpu.memref_slice %arg6[%mul3A_65, %dma_wait3A] : memref<40x128xi32, #tpu.memory_space<vmem>> -> memref<1x128xi32, #tpu.memory_space<vmem>>
      %dma_wait3A_67 = tpu.memref_squeeze %dma_wait3A_66 : memref<1x128xi32, #tpu.memory_space<vmem>> -> memref<128xi32, #tpu.memory_space<vmem>>
      %dma_wait3A_68 = arith.constant 0 : i32
      %dma_wait3A_69 = arith.constant 0 : i32
      %dma_wait3A_70 = tpu.memref_slice %arg2[%dma_wait3A_68, %dma_wait3A_69] : memref<10000x128xf32, #tpu.memory_space<hbm>> -> memref<10000x128xf32, #tpu.memory_space<hbm>>
      tpu.wait_indirect_dma semaphore(%arg11 : memref<!tpu.dma_semaphore, #tpu.memory_space<semaphore_mem>>) src(%dma_wait3A_70 : memref<10000x128xf32, #tpu.memory_space<hbm>>) dst(%arg8 : memref<128x128xf32, #tpu.memory_space<vmem>>)
      "tpu.region"() ({
        %run_scoped3A_89 = tpu.sem_alloc : memref<!tpu.dma_semaphore, #tpu.memory_space<semaphore_mem>>
        %dma_start3A_90 = arith.constant 0 : i32
        %dma_start3A_91 = tpu.memref_slice %arg7[%mul3A_65, %dma_start3A_90] : memref<40x128xi32, #tpu.memory_space<vmem>> -> memref<1x128xi32, #tpu.memory_space<vmem>>
        %dma_start3A_92 = tpu.memref_squeeze %dma_start3A_91 : memref<1x128xi32, #tpu.memory_space<vmem>> -> memref<128xi32, #tpu.memory_space<vmem>>
        %dma_start3A_93 = arith.constant 0 : i32
        %dma_start3A_94 = arith.constant 0 : i32
        %dma_start3A_95 = tpu.memref_slice %arg10[%dma_start3A_93, %dma_start3A_94] : memref<10240x128xf32, #tpu.memory_space<vmem_shared>> -> memref<10240x128xf32, #tpu.memory_space<vmem_shared>>
        tpu.enqueue_indirect_dma source(%arg8 : memref<128x128xf32, #tpu.memory_space<vmem>>) target(%dma_start3A_95 : memref<10240x128xf32, #tpu.memory_space<vmem_shared>>) offsets(%dma_start3A_92 : memref<128xi32, #tpu.memory_space<vmem>>) semaphore(%run_scoped3A_89 : memref<!tpu.dma_semaphore, #tpu.memory_space<semaphore_mem>>) {add = true}
        %dma_wait3A_96 = arith.constant 0 : i32
        %dma_wait3A_97 = tpu.memref_slice %arg7[%mul3A_65, %dma_wait3A_96] : memref<40x128xi32, #tpu.memory_space<vmem>> -> memref<1x128xi32, #tpu.memory_space<vmem>>
        %dma_wait3A_98 = tpu.memref_squeeze %dma_wait3A_97 : memref<1x128xi32, #tpu.memory_space<vmem>> -> memref<128xi32, #tpu.memory_space<vmem>>
        %dma_wait3A_99 = arith.constant 0 : i32
        %dma_wait3A_100 = arith.constant 0 : i32
        %dma_wait3A_101 = tpu.memref_slice %arg10[%dma_wait3A_99, %dma_wait3A_100] : memref<10240x128xf32, #tpu.memory_space<vmem_shared>> -> memref<10240x128xf32, #tpu.memory_space<vmem_shared>>
        tpu.wait_indirect_dma semaphore(%run_scoped3A_89 : memref<!tpu.dma_semaphore, #tpu.memory_space<semaphore_mem>>) src(%arg8 : memref<128x128xf32, #tpu.memory_space<vmem>>) dst(%dma_wait3A_101 : memref<10240x128xf32, #tpu.memory_space<vmem_shared>>)
        tpu.yield
      }) : () -> ()
      %lt3A_71 = arith.constant 19 : i32
      %lt3A_72 = arith.cmpi slt, %scan3A_63, %lt3A_71 : i32
      %convert_element_type3A_73 = arith.extui %lt3A_72 : i1 to i32
      %cond3A_74 = arith.constant 0 : i32
      %cond3A_75 = arith.cmpi ne, %convert_element_type3A_73, %cond3A_74 : i32
      scf.if %cond3A_75 {
        %add3A_89 = arith.constant 2 : i32
        %add3A_90 = arith.addi %mul3A_65, %add3A_89 : i32
        %dma_start3A_91 = arith.constant 0 : i32
        %dma_start3A_92 = tpu.memref_slice %arg6[%add3A_90, %dma_start3A_91] : memref<40x128xi32, #tpu.memory_space<vmem>> -> memref<1x128xi32, #tpu.memory_space<vmem>>
        %dma_start3A_93 = tpu.memref_squeeze %dma_start3A_92 : memref<1x128xi32, #tpu.memory_space<vmem>> -> memref<128xi32, #tpu.memory_space<vmem>>
        %dma_start3A_94 = arith.constant 0 : i32
        %dma_start3A_95 = arith.constant 0 : i32
        %dma_start3A_96 = tpu.memref_slice %arg2[%dma_start3A_94, %dma_start3A_95] : memref<10000x128xf32, #tpu.memory_space<hbm>> -> memref<10000x128xf32, #tpu.memory_space<hbm>>
        tpu.enqueue_indirect_dma source(%dma_start3A_96 : memref<10000x128xf32, #tpu.memory_space<hbm>>) target(%arg8 : memref<128x128xf32, #tpu.memory_space<vmem>>) offsets(%dma_start3A_93 : memref<128xi32, #tpu.memory_space<vmem>>) semaphore(%arg11 : memref<!tpu.dma_semaphore, #tpu.memory_space<semaphore_mem>>)
      } else {
      }
      %add3A_76 = arith.constant 1 : i32
      %add3A_77 = arith.addi %mul3A_65, %add3A_76 : i32
      %dma_wait3A_78 = arith.constant 0 : i32
      %dma_wait3A_79 = tpu.memref_slice %arg6[%add3A_77, %dma_wait3A_78] : memref<40x128xi32, #tpu.memory_space<vmem>> -> memref<1x128xi32, #tpu.memory_space<vmem>>
      %dma_wait3A_80 = tpu.memref_squeeze %dma_wait3A_79 : memref<1x128xi32, #tpu.memory_space<vmem>> -> memref<128xi32, #tpu.memory_space<vmem>>
      %dma_wait3A_81 = arith.constant 0 : i32
      %dma_wait3A_82 = arith.constant 0 : i32
      %dma_wait3A_83 = tpu.memref_slice %arg2[%dma_wait3A_81, %dma_wait3A_82] : memref<10000x128xf32, #tpu.memory_space<hbm>> -> memref<10000x128xf32, #tpu.memory_space<hbm>>
      tpu.wait_indirect_dma semaphore(%arg12 : memref<!tpu.dma_semaphore, #tpu.memory_space<semaphore_mem>>) src(%dma_wait3A_83 : memref<10000x128xf32, #tpu.memory_space<hbm>>) dst(%arg9 : memref<128x128xf32, #tpu.memory_space<vmem>>)
      "tpu.region"() ({
        %run_scoped3A_89 = tpu.sem_alloc : memref<!tpu.dma_semaphore, #tpu.memory_space<semaphore_mem>>
        %dma_start3A_90 = arith.constant 0 : i32
        %dma_start3A_91 = tpu.memref_slice %arg7[%add3A_77, %dma_start3A_90] : memref<40x128xi32, #tpu.memory_space<vmem>> -> memref<1x128xi32, #tpu.memory_space<vmem>>
        %dma_start3A_92 = tpu.memref_squeeze %dma_start3A_91 : memref<1x128xi32, #tpu.memory_space<vmem>> -> memref<128xi32, #tpu.memory_space<vmem>>
        %dma_start3A_93 = arith.constant 0 : i32
        %dma_start3A_94 = arith.constant 0 : i32
        %dma_start3A_95 = tpu.memref_slice %arg10[%dma_start3A_93, %dma_start3A_94] : memref<10240x128xf32, #tpu.memory_space<vmem_shared>> -> memref<10240x128xf32, #tpu.memory_space<vmem_shared>>
        tpu.enqueue_indirect_dma source(%arg9 : memref<128x128xf32, #tpu.memory_space<vmem>>) target(%dma_start3A_95 : memref<10240x128xf32, #tpu.memory_space<vmem_shared>>) offsets(%dma_start3A_92 : memref<128xi32, #tpu.memory_space<vmem>>) semaphore(%run_scoped3A_89 : memref<!tpu.dma_semaphore, #tpu.memory_space<semaphore_mem>>) {add = true}
        %dma_wait3A_96 = arith.constant 0 : i32
        %dma_wait3A_97 = tpu.memref_slice %arg7[%add3A_77, %dma_wait3A_96] : memref<40x128xi32, #tpu.memory_space<vmem>> -> memref<1x128xi32, #tpu.memory_space<vmem>>
        %dma_wait3A_98 = tpu.memref_squeeze %dma_wait3A_97 : memref<1x128xi32, #tpu.memory_space<vmem>> -> memref<128xi32, #tpu.memory_space<vmem>>
        %dma_wait3A_99 = arith.constant 0 : i32
        %dma_wait3A_100 = arith.constant 0 : i32
        %dma_wait3A_101 = tpu.memref_slice %arg10[%dma_wait3A_99, %dma_wait3A_100] : memref<10240x128xf32, #tpu.memory_space<vmem_shared>> -> memref<10240x128xf32, #tpu.memory_space<vmem_shared>>
        tpu.wait_indirect_dma semaphore(%run_scoped3A_89 : memref<!tpu.dma_semaphore, #tpu.memory_space<semaphore_mem>>) src(%arg9 : memref<128x128xf32, #tpu.memory_space<vmem>>) dst(%dma_wait3A_101 : memref<10240x128xf32, #tpu.memory_space<vmem_shared>>)
        tpu.yield
      }) : () -> ()
      %lt3A_84 = arith.constant 19 : i32
      %lt3A_85 = arith.cmpi slt, %scan3A_63, %lt3A_84 : i32
      %convert_element_type3A_86 = arith.extui %lt3A_85 : i1 to i32
      %cond3A_87 = arith.constant 0 : i32
      %cond3A_88 = arith.cmpi ne, %convert_element_type3A_86, %cond3A_87 : i32
      scf.if %cond3A_88 {
        %add3A_89 = arith.constant 2 : i32
        %add3A_90 = arith.addi %add3A_77, %add3A_89 : i32
        %dma_start3A_91 = arith.constant 0 : i32
        %dma_start3A_92 = tpu.memref_slice %arg6[%add3A_90, %dma_start3A_91] : memref<40x128xi32, #tpu.memory_space<vmem>> -> memref<1x128xi32, #tpu.memory_space<vmem>>
        %dma_start3A_93 = tpu.memref_squeeze %dma_start3A_92 : memref<1x128xi32, #tpu.memory_space<vmem>> -> memref<128xi32, #tpu.memory_space<vmem>>
        %dma_start3A_94 = arith.constant 0 : i32
        %dma_start3A_95 = arith.constant 0 : i32
        %dma_start3A_96 = tpu.memref_slice %arg2[%dma_start3A_94, %dma_start3A_95] : memref<10000x128xf32, #tpu.memory_space<hbm>> -> memref<10000x128xf32, #tpu.memory_space<hbm>>
        tpu.enqueue_indirect_dma source(%dma_start3A_96 : memref<10000x128xf32, #tpu.memory_space<hbm>>) target(%arg9 : memref<128x128xf32, #tpu.memory_space<vmem>>) offsets(%dma_start3A_93 : memref<128xi32, #tpu.memory_space<vmem>>) semaphore(%arg12 : memref<!tpu.dma_semaphore, #tpu.memory_space<semaphore_mem>>)
      } else {
      }
    }
    %scan3A_35 = arith.constant 20 : i32
    %run_scoped3A_36 = arith.constant 0 : i32
    "tpu.region"() ({
      %run_scoped3A_63 = tpu.sem_alloc : memref<!tpu.dma_semaphore, #tpu.memory_space<semaphore_mem>>
      %dma_start3A_64 = arith.constant 0 : i32
      %dma_start3A_65 = arith.constant 0 : i32
      %dma_start3A_66 = tpu.memref_slice %arg3[%run_scoped3A_36, %add3A, %dma_start3A_64, %dma_start3A_65] : memref<2x32x80x128xi32, #tpu.memory_space<hbm>> -> memref<1x1x80x128xi32, #tpu.memory_space<hbm>>
      %dma_start3A_67 = tpu.memref_squeeze %dma_start3A_66 : memref<1x1x80x128xi32, #tpu.memory_space<hbm>> -> memref<80x128xi32, #tpu.memory_space<hbm>>
      %dma_start3A_68 = arith.constant 40 : i32
      %dma_start3A_69 = arith.constant 0 : i32
      %dma_start3A_70 = tpu.memref_slice %dma_start3A_67[%dma_start3A_68, %dma_start3A_69] : memref<80x128xi32, #tpu.memory_space<hbm>> -> memref<40x128xi32, #tpu.memory_space<hbm>>
      %dma_start3A_71 = arith.constant 0 : i32
      %dma_start3A_72 = arith.constant 0 : i32
      %dma_start3A_73 = tpu.memref_slice %arg3[%run_scoped3A_36, %add3A, %dma_start3A_71, %dma_start3A_72] : memref<2x32x80x128xi32, #tpu.memory_space<hbm>> -> memref<1x1x80x128xi32, #tpu.memory_space<hbm>>
      %dma_start3A_74 = tpu.memref_squeeze %dma_start3A_73 : memref<1x1x80x128xi32, #tpu.memory_space<hbm>> -> memref<80x128xi32, #tpu.memory_space<hbm>>
      %dma_start3A_75 = arith.constant 40 : i32
      %dma_start3A_76 = arith.constant 0 : i32
      %dma_start3A_77 = tpu.memref_slice %dma_start3A_74[%dma_start3A_75, %dma_start3A_76] : memref<80x128xi32, #tpu.memory_space<hbm>> -> memref<40x128xi32, #tpu.memory_space<hbm>>
      tpu.enqueue_dma source(%dma_start3A_77 : memref<40x128xi32, #tpu.memory_space<hbm>>) target(%arg6 : memref<40x128xi32, #tpu.memory_space<vmem>>) target_semaphore(%run_scoped3A_63 : memref<!tpu.dma_semaphore, #tpu.memory_space<semaphore_mem>>)
      %dma_wait3A = arith.constant 0 : i32
      %dma_wait3A_78 = arith.constant 0 : i32
      %dma_wait3A_79 = tpu.memref_slice %arg3[%run_scoped3A_36, %add3A, %dma_wait3A, %dma_wait3A_78] : memref<2x32x80x128xi32, #tpu.memory_space<hbm>> -> memref<1x1x80x128xi32, #tpu.memory_space<hbm>>
      %dma_wait3A_80 = tpu.memref_squeeze %dma_wait3A_79 : memref<1x1x80x128xi32, #tpu.memory_space<hbm>> -> memref<80x128xi32, #tpu.memory_space<hbm>>
      %dma_wait3A_81 = arith.constant 40 : i32
      %dma_wait3A_82 = arith.constant 0 : i32
      %dma_wait3A_83 = tpu.memref_slice %dma_wait3A_80[%dma_wait3A_81, %dma_wait3A_82] : memref<80x128xi32, #tpu.memory_space<hbm>> -> memref<40x128xi32, #tpu.memory_space<hbm>>
      %dma_wait3A_84 = arith.constant 0 : i32
      %dma_wait3A_85 = arith.constant 0 : i32
      %dma_wait3A_86 = tpu.memref_slice %arg3[%run_scoped3A_36, %add3A, %dma_wait3A_84, %dma_wait3A_85] : memref<2x32x80x128xi32, #tpu.memory_space<hbm>> -> memref<1x1x80x128xi32, #tpu.memory_space<hbm>>
      %dma_wait3A_87 = tpu.memref_squeeze %dma_wait3A_86 : memref<1x1x80x128xi32, #tpu.memory_space<hbm>> -> memref<80x128xi32, #tpu.memory_space<hbm>>
      %dma_wait3A_88 = arith.constant 40 : i32
      %dma_wait3A_89 = arith.constant 0 : i32
      %dma_wait3A_90 = tpu.memref_slice %dma_wait3A_87[%dma_wait3A_88, %dma_wait3A_89] : memref<80x128xi32, #tpu.memory_space<hbm>> -> memref<40x128xi32, #tpu.memory_space<hbm>>
      tpu.wait_dma2 semaphore(%run_scoped3A_63 : memref<!tpu.dma_semaphore, #tpu.memory_space<semaphore_mem>>) src(%dma_wait3A_90 : memref<40x128xi32, #tpu.memory_space<hbm>>) dst(%arg6 : memref<40x128xi32, #tpu.memory_space<vmem>>)
      tpu.yield
    }) : () -> ()
    %run_scoped3A_37 = arith.constant 1 : i32
    "tpu.region"() ({
      %run_scoped3A_63 = tpu.sem_alloc : memref<!tpu.dma_semaphore, #tpu.memory_space<semaphore_mem>>
      %dma_start3A_64 = arith.constant 0 : i32
      %dma_start3A_65 = arith.constant 0 : i32
      %dma_start3A_66 = tpu.memref_slice %arg3[%run_scoped3A_37, %add3A, %dma_start3A_64, %dma_start3A_65] : memref<2x32x80x128xi32, #tpu.memory_space<hbm>> -> memref<1x1x80x128xi32, #tpu.memory_space<hbm>>
      %dma_start3A_67 = tpu.memref_squeeze %dma_start3A_66 : memref<1x1x80x128xi32, #tpu.memory_space<hbm>> -> memref<80x128xi32, #tpu.memory_space<hbm>>
      %dma_start3A_68 = arith.constant 40 : i32
      %dma_start3A_69 = arith.constant 0 : i32
      %dma_start3A_70 = tpu.memref_slice %dma_start3A_67[%dma_start3A_68, %dma_start3A_69] : memref<80x128xi32, #tpu.memory_space<hbm>> -> memref<40x128xi32, #tpu.memory_space<hbm>>
      %dma_start3A_71 = arith.constant 0 : i32
      %dma_start3A_72 = arith.constant 0 : i32
      %dma_start3A_73 = tpu.memref_slice %arg3[%run_scoped3A_37, %add3A, %dma_start3A_71, %dma_start3A_72] : memref<2x32x80x128xi32, #tpu.memory_space<hbm>> -> memref<1x1x80x128xi32, #tpu.memory_space<hbm>>
      %dma_start3A_74 = tpu.memref_squeeze %dma_start3A_73 : memref<1x1x80x128xi32, #tpu.memory_space<hbm>> -> memref<80x128xi32, #tpu.memory_space<hbm>>
      %dma_start3A_75 = arith.constant 40 : i32
      %dma_start3A_76 = arith.constant 0 : i32
      %dma_start3A_77 = tpu.memref_slice %dma_start3A_74[%dma_start3A_75, %dma_start3A_76] : memref<80x128xi32, #tpu.memory_space<hbm>> -> memref<40x128xi32, #tpu.memory_space<hbm>>
      tpu.enqueue_dma source(%dma_start3A_77 : memref<40x128xi32, #tpu.memory_space<hbm>>) target(%arg7 : memref<40x128xi32, #tpu.memory_space<vmem>>) target_semaphore(%run_scoped3A_63 : memref<!tpu.dma_semaphore, #tpu.memory_space<semaphore_mem>>)
      %dma_wait3A = arith.constant 0 : i32
      %dma_wait3A_78 = arith.constant 0 : i32
      %dma_wait3A_79 = tpu.memref_slice %arg3[%run_scoped3A_37, %add3A, %dma_wait3A, %dma_wait3A_78] : memref<2x32x80x128xi32, #tpu.memory_space<hbm>> -> memref<1x1x80x128xi32, #tpu.memory_space<hbm>>
      %dma_wait3A_80 = tpu.memref_squeeze %dma_wait3A_79 : memref<1x1x80x128xi32, #tpu.memory_space<hbm>> -> memref<80x128xi32, #tpu.memory_space<hbm>>
      %dma_wait3A_81 = arith.constant 40 : i32
      %dma_wait3A_82 = arith.constant 0 : i32
      %dma_wait3A_83 = tpu.memref_slice %dma_wait3A_80[%dma_wait3A_81, %dma_wait3A_82] : memref<80x128xi32, #tpu.memory_space<hbm>> -> memref<40x128xi32, #tpu.memory_space<hbm>>
      %dma_wait3A_84 = arith.constant 0 : i32
      %dma_wait3A_85 = arith.constant 0 : i32
      %dma_wait3A_86 = tpu.memref_slice %arg3[%run_scoped3A_37, %add3A, %dma_wait3A_84, %dma_wait3A_85] : memref<2x32x80x128xi32, #tpu.memory_space<hbm>> -> memref<1x1x80x128xi32, #tpu.memory_space<hbm>>
      %dma_wait3A_87 = tpu.memref_squeeze %dma_wait3A_86 : memref<1x1x80x128xi32, #tpu.memory_space<hbm>> -> memref<80x128xi32, #tpu.memory_space<hbm>>
      %dma_wait3A_88 = arith.constant 40 : i32
      %dma_wait3A_89 = arith.constant 0 : i32
      %dma_wait3A_90 = tpu.memref_slice %dma_wait3A_87[%dma_wait3A_88, %dma_wait3A_89] : memref<80x128xi32, #tpu.memory_space<hbm>> -> memref<40x128xi32, #tpu.memory_space<hbm>>
      tpu.wait_dma2 semaphore(%run_scoped3A_63 : memref<!tpu.dma_semaphore, #tpu.memory_space<semaphore_mem>>) src(%dma_wait3A_90 : memref<40x128xi32, #tpu.memory_space<hbm>>) dst(%arg7 : memref<40x128xi32, #tpu.memory_space<vmem>>)
      tpu.yield
    }) : () -> ()
    %dma_start3A_38 = arith.constant 0 : i32
    %dma_start3A_39 = arith.constant 0 : i32
    %dma_start3A_40 = tpu.memref_slice %arg6[%dma_start3A_38, %dma_start3A_39] : memref<40x128xi32, #tpu.memory_space<vmem>> -> memref<1x128xi32, #tpu.memory_space<vmem>>
    %dma_start3A_41 = tpu.memref_squeeze %dma_start3A_40 : memref<1x128xi32, #tpu.memory_space<vmem>> -> memref<128xi32, #tpu.memory_space<vmem>>
    %dma_start3A_42 = arith.constant 0 : i32
    %dma_start3A_43 = arith.constant 0 : i32
    %dma_start3A_44 = tpu.memref_slice %arg2[%dma_start3A_42, %dma_start3A_43] : memref<10000x128xf32, #tpu.memory_space<hbm>> -> memref<10000x128xf32, #tpu.memory_space<hbm>>
    tpu.enqueue_indirect_dma source(%dma_start3A_44 : memref<10000x128xf32, #tpu.memory_space<hbm>>) target(%arg8 : memref<128x128xf32, #tpu.memory_space<vmem>>) offsets(%dma_start3A_41 : memref<128xi32, #tpu.memory_space<vmem>>) semaphore(%arg11 : memref<!tpu.dma_semaphore, #tpu.memory_space<semaphore_mem>>)
    %dma_start3A_45 = arith.constant 1 : i32
    %dma_start3A_46 = arith.constant 0 : i32
    %dma_start3A_47 = tpu.memref_slice %arg6[%dma_start3A_45, %dma_start3A_46] : memref<40x128xi32, #tpu.memory_space<vmem>> -> memref<1x128xi32, #tpu.memory_space<vmem>>
    %dma_start3A_48 = tpu.memref_squeeze %dma_start3A_47 : memref<1x128xi32, #tpu.memory_space<vmem>> -> memref<128xi32, #tpu.memory_space<vmem>>
    %dma_start3A_49 = arith.constant 0 : i32
    %dma_start3A_50 = arith.constant 0 : i32
    %dma_start3A_51 = tpu.memref_slice %arg2[%dma_start3A_49, %dma_start3A_50] : memref<10000x128xf32, #tpu.memory_space<hbm>> -> memref<10000x128xf32, #tpu.memory_space<hbm>>
    tpu.enqueue_indirect_dma source(%dma_start3A_51 : memref<10000x128xf32, #tpu.memory_space<hbm>>) target(%arg9 : memref<128x128xf32, #tpu.memory_space<vmem>>) offsets(%dma_start3A_48 : memref<128xi32, #tpu.memory_space<vmem>>) semaphore(%arg12 : memref<!tpu.dma_semaphore, #tpu.memory_space<semaphore_mem>>)
    %scan3A_52 = arith.constant 0 : i32
    %scan3A_53 = arith.constant 0 : i32
    %scan3A_54 = arith.constant 20 : i32
    %scan3A_55 = arith.addi %scan3A_53, %scan3A_54 : i32
    %scan3A_56 = arith.constant 1 : i32
    scf.for %scan3A_63 = %scan3A_53 to %scan3A_55 step %scan3A_56  : i32 {
      %mul3A_64 = arith.constant 2 : i32
      %mul3A_65 = arith.muli %mul3A_64, %scan3A_63 : i32
      %dma_wait3A = arith.constant 0 : i32
      %dma_wait3A_66 = tpu.memref_slice %arg6[%mul3A_65, %dma_wait3A] : memref<40x128xi32, #tpu.memory_space<vmem>> -> memref<1x128xi32, #tpu.memory_space<vmem>>
      %dma_wait3A_67 = tpu.memref_squeeze %dma_wait3A_66 : memref<1x128xi32, #tpu.memory_space<vmem>> -> memref<128xi32, #tpu.memory_space<vmem>>
      %dma_wait3A_68 = arith.constant 0 : i32
      %dma_wait3A_69 = arith.constant 0 : i32
      %dma_wait3A_70 = tpu.memref_slice %arg2[%dma_wait3A_68, %dma_wait3A_69] : memref<10000x128xf32, #tpu.memory_space<hbm>> -> memref<10000x128xf32, #tpu.memory_space<hbm>>
      tpu.wait_indirect_dma semaphore(%arg11 : memref<!tpu.dma_semaphore, #tpu.memory_space<semaphore_mem>>) src(%dma_wait3A_70 : memref<10000x128xf32, #tpu.memory_space<hbm>>) dst(%arg8 : memref<128x128xf32, #tpu.memory_space<vmem>>)
      "tpu.region"() ({
        %run_scoped3A_89 = tpu.sem_alloc : memref<!tpu.dma_semaphore, #tpu.memory_space<semaphore_mem>>
        %dma_start3A_90 = arith.constant 0 : i32
        %dma_start3A_91 = tpu.memref_slice %arg7[%mul3A_65, %dma_start3A_90] : memref<40x128xi32, #tpu.memory_space<vmem>> -> memref<1x128xi32, #tpu.memory_space<vmem>>
        %dma_start3A_92 = tpu.memref_squeeze %dma_start3A_91 : memref<1x128xi32, #tpu.memory_space<vmem>> -> memref<128xi32, #tpu.memory_space<vmem>>
        %dma_start3A_93 = arith.constant 0 : i32
        %dma_start3A_94 = arith.constant 0 : i32
        %dma_start3A_95 = tpu.memref_slice %arg10[%dma_start3A_93, %dma_start3A_94] : memref<10240x128xf32, #tpu.memory_space<vmem_shared>> -> memref<10240x128xf32, #tpu.memory_space<vmem_shared>>
        tpu.enqueue_indirect_dma source(%arg8 : memref<128x128xf32, #tpu.memory_space<vmem>>) target(%dma_start3A_95 : memref<10240x128xf32, #tpu.memory_space<vmem_shared>>) offsets(%dma_start3A_92 : memref<128xi32, #tpu.memory_space<vmem>>) semaphore(%run_scoped3A_89 : memref<!tpu.dma_semaphore, #tpu.memory_space<semaphore_mem>>) {add = true}
        %dma_wait3A_96 = arith.constant 0 : i32
        %dma_wait3A_97 = tpu.memref_slice %arg7[%mul3A_65, %dma_wait3A_96] : memref<40x128xi32, #tpu.memory_space<vmem>> -> memref<1x128xi32, #tpu.memory_space<vmem>>
        %dma_wait3A_98 = tpu.memref_squeeze %dma_wait3A_97 : memref<1x128xi32, #tpu.memory_space<vmem>> -> memref<128xi32, #tpu.memory_space<vmem>>
        %dma_wait3A_99 = arith.constant 0 : i32
        %dma_wait3A_100 = arith.constant 0 : i32
        %dma_wait3A_101 = tpu.memref_slice %arg10[%dma_wait3A_99, %dma_wait3A_100] : memref<10240x128xf32, #tpu.memory_space<vmem_shared>> -> memref<10240x128xf32, #tpu.memory_space<vmem_shared>>
        tpu.wait_indirect_dma semaphore(%run_scoped3A_89 : memref<!tpu.dma_semaphore, #tpu.memory_space<semaphore_mem>>) src(%arg8 : memref<128x128xf32, #tpu.memory_space<vmem>>) dst(%dma_wait3A_101 : memref<10240x128xf32, #tpu.memory_space<vmem_shared>>)
        tpu.yield
      }) : () -> ()
      %lt3A_71 = arith.constant 19 : i32
      %lt3A_72 = arith.cmpi slt, %scan3A_63, %lt3A_71 : i32
      %convert_element_type3A_73 = arith.extui %lt3A_72 : i1 to i32
      %cond3A_74 = arith.constant 0 : i32
      %cond3A_75 = arith.cmpi ne, %convert_element_type3A_73, %cond3A_74 : i32
      scf.if %cond3A_75 {
        %add3A_89 = arith.constant 2 : i32
        %add3A_90 = arith.addi %mul3A_65, %add3A_89 : i32
        %dma_start3A_91 = arith.constant 0 : i32
        %dma_start3A_92 = tpu.memref_slice %arg6[%add3A_90, %dma_start3A_91] : memref<40x128xi32, #tpu.memory_space<vmem>> -> memref<1x128xi32, #tpu.memory_space<vmem>>
        %dma_start3A_93 = tpu.memref_squeeze %dma_start3A_92 : memref<1x128xi32, #tpu.memory_space<vmem>> -> memref<128xi32, #tpu.memory_space<vmem>>
        %dma_start3A_94 = arith.constant 0 : i32
        %dma_start3A_95 = arith.constant 0 : i32
        %dma_start3A_96 = tpu.memref_slice %arg2[%dma_start3A_94, %dma_start3A_95] : memref<10000x128xf32, #tpu.memory_space<hbm>> -> memref<10000x128xf32, #tpu.memory_space<hbm>>
        tpu.enqueue_indirect_dma source(%dma_start3A_96 : memref<10000x128xf32, #tpu.memory_space<hbm>>) target(%arg8 : memref<128x128xf32, #tpu.memory_space<vmem>>) offsets(%dma_start3A_93 : memref<128xi32, #tpu.memory_space<vmem>>) semaphore(%arg11 : memref<!tpu.dma_semaphore, #tpu.memory_space<semaphore_mem>>)
      } else {
      }
      %add3A_76 = arith.constant 1 : i32
      %add3A_77 = arith.addi %mul3A_65, %add3A_76 : i32
      %dma_wait3A_78 = arith.constant 0 : i32
      %dma_wait3A_79 = tpu.memref_slice %arg6[%add3A_77, %dma_wait3A_78] : memref<40x128xi32, #tpu.memory_space<vmem>> -> memref<1x128xi32, #tpu.memory_space<vmem>>
      %dma_wait3A_80 = tpu.memref_squeeze %dma_wait3A_79 : memref<1x128xi32, #tpu.memory_space<vmem>> -> memref<128xi32, #tpu.memory_space<vmem>>
      %dma_wait3A_81 = arith.constant 0 : i32
      %dma_wait3A_82 = arith.constant 0 : i32
      %dma_wait3A_83 = tpu.memref_slice %arg2[%dma_wait3A_81, %dma_wait3A_82] : memref<10000x128xf32, #tpu.memory_space<hbm>> -> memref<10000x128xf32, #tpu.memory_space<hbm>>
      tpu.wait_indirect_dma semaphore(%arg12 : memref<!tpu.dma_semaphore, #tpu.memory_space<semaphore_mem>>) src(%dma_wait3A_83 : memref<10000x128xf32, #tpu.memory_space<hbm>>) dst(%arg9 : memref<128x128xf32, #tpu.memory_space<vmem>>)
      "tpu.region"() ({
        %run_scoped3A_89 = tpu.sem_alloc : memref<!tpu.dma_semaphore, #tpu.memory_space<semaphore_mem>>
        %dma_start3A_90 = arith.constant 0 : i32
        %dma_start3A_91 = tpu.memref_slice %arg7[%add3A_77, %dma_start3A_90] : memref<40x128xi32, #tpu.memory_space<vmem>> -> memref<1x128xi32, #tpu.memory_space<vmem>>
        %dma_start3A_92 = tpu.memref_squeeze %dma_start3A_91 : memref<1x128xi32, #tpu.memory_space<vmem>> -> memref<128xi32, #tpu.memory_space<vmem>>
        %dma_start3A_93 = arith.constant 0 : i32
        %dma_start3A_94 = arith.constant 0 : i32
        %dma_start3A_95 = tpu.memref_slice %arg10[%dma_start3A_93, %dma_start3A_94] : memref<10240x128xf32, #tpu.memory_space<vmem_shared>> -> memref<10240x128xf32, #tpu.memory_space<vmem_shared>>
        tpu.enqueue_indirect_dma source(%arg9 : memref<128x128xf32, #tpu.memory_space<vmem>>) target(%dma_start3A_95 : memref<10240x128xf32, #tpu.memory_space<vmem_shared>>) offsets(%dma_start3A_92 : memref<128xi32, #tpu.memory_space<vmem>>) semaphore(%run_scoped3A_89 : memref<!tpu.dma_semaphore, #tpu.memory_space<semaphore_mem>>) {add = true}
        %dma_wait3A_96 = arith.constant 0 : i32
        %dma_wait3A_97 = tpu.memref_slice %arg7[%add3A_77, %dma_wait3A_96] : memref<40x128xi32, #tpu.memory_space<vmem>> -> memref<1x128xi32, #tpu.memory_space<vmem>>
        %dma_wait3A_98 = tpu.memref_squeeze %dma_wait3A_97 : memref<1x128xi32, #tpu.memory_space<vmem>> -> memref<128xi32, #tpu.memory_space<vmem>>
        %dma_wait3A_99 = arith.constant 0 : i32
        %dma_wait3A_100 = arith.constant 0 : i32
        %dma_wait3A_101 = tpu.memref_slice %arg10[%dma_wait3A_99, %dma_wait3A_100] : memref<10240x128xf32, #tpu.memory_space<vmem_shared>> -> memref<10240x128xf32, #tpu.memory_space<vmem_shared>>
        tpu.wait_indirect_dma semaphore(%run_scoped3A_89 : memref<!tpu.dma_semaphore, #tpu.memory_space<semaphore_mem>>) src(%arg9 : memref<128x128xf32, #tpu.memory_space<vmem>>) dst(%dma_wait3A_101 : memref<10240x128xf32, #tpu.memory_space<vmem_shared>>)
        tpu.yield
      }) : () -> ()
      %lt3A_84 = arith.constant 19 : i32
      %lt3A_85 = arith.cmpi slt, %scan3A_63, %lt3A_84 : i32
      %convert_element_type3A_86 = arith.extui %lt3A_85 : i1 to i32
      %cond3A_87 = arith.constant 0 : i32
      %cond3A_88 = arith.cmpi ne, %convert_element_type3A_86, %cond3A_87 : i32
      scf.if %cond3A_88 {
        %add3A_89 = arith.constant 2 : i32
        %add3A_90 = arith.addi %add3A_77, %add3A_89 : i32
        %dma_start3A_91 = arith.constant 0 : i32
        %dma_start3A_92 = tpu.memref_slice %arg6[%add3A_90, %dma_start3A_91] : memref<40x128xi32, #tpu.memory_space<vmem>> -> memref<1x128xi32, #tpu.memory_space<vmem>>
        %dma_start3A_93 = tpu.memref_squeeze %dma_start3A_92 : memref<1x128xi32, #tpu.memory_space<vmem>> -> memref<128xi32, #tpu.memory_space<vmem>>
        %dma_start3A_94 = arith.constant 0 : i32
        %dma_start3A_95 = arith.constant 0 : i32
        %dma_start3A_96 = tpu.memref_slice %arg2[%dma_start3A_94, %dma_start3A_95] : memref<10000x128xf32, #tpu.memory_space<hbm>> -> memref<10000x128xf32, #tpu.memory_space<hbm>>
        tpu.enqueue_indirect_dma source(%dma_start3A_96 : memref<10000x128xf32, #tpu.memory_space<hbm>>) target(%arg9 : memref<128x128xf32, #tpu.memory_space<vmem>>) offsets(%dma_start3A_93 : memref<128xi32, #tpu.memory_space<vmem>>) semaphore(%arg12 : memref<!tpu.dma_semaphore, #tpu.memory_space<semaphore_mem>>)
      } else {
      }
    }
    %scan3A_57 = arith.constant 20 : i32
    %barrier3A_58 = arith.constant 0 : index
    tpu.barrier barrier_id(%barrier3A_58)
    %mul3A_59 = arith.constant 640 : i32
    %mul3A_60 = arith.muli %arg1, %mul3A_59 : i32
    %mul3A_61 = arith.constant 640 : i32
    %mul3A_62 = arith.muli %arg1, %mul3A_61 : i32
    "tpu.region"() ({
      %run_scoped3A_63 = tpu.sem_alloc : memref<!tpu.dma_semaphore, #tpu.memory_space<semaphore_mem>>
      %dma_start3A_64 = arith.constant 0 : i32
      %dma_start3A_65 = arith.constant 0 : i32
      %dma_start3A_66 = tpu.memref_slice %arg5[%arg0, %dma_start3A_64, %dma_start3A_65] : memref<2x10240x128xf32, #tpu.memory_space<hbm>> -> memref<1x10240x128xf32, #tpu.memory_space<hbm>>
      %dma_start3A_67 = tpu.memref_squeeze %dma_start3A_66 : memref<1x10240x128xf32, #tpu.memory_space<hbm>> -> memref<10240x128xf32, #tpu.memory_space<hbm>>
      %dma_start3A_68 = arith.constant 0 : i32
      %dma_start3A_69 = tpu.memref_slice %dma_start3A_67[%mul3A_62, %dma_start3A_68] : memref<10240x128xf32, #tpu.memory_space<hbm>> -> memref<640x128xf32, #tpu.memory_space<hbm>>
      %dma_start3A_70 = arith.constant 0 : i32
      %dma_start3A_71 = tpu.memref_slice %arg10[%mul3A_60, %dma_start3A_70] : memref<10240x128xf32, #tpu.memory_space<vmem_shared>> -> memref<640x128xf32, #tpu.memory_space<vmem_shared>>
      tpu.enqueue_dma source(%dma_start3A_71 : memref<640x128xf32, #tpu.memory_space<vmem_shared>>) target(%dma_start3A_69 : memref<640x128xf32, #tpu.memory_space<hbm>>) target_semaphore(%run_scoped3A_63 : memref<!tpu.dma_semaphore, #tpu.memory_space<semaphore_mem>>)
      %dma_wait3A = arith.constant 0 : i32
      %dma_wait3A_72 = arith.constant 0 : i32
      %dma_wait3A_73 = tpu.memref_slice %arg5[%arg0, %dma_wait3A, %dma_wait3A_72] : memref<2x10240x128xf32, #tpu.memory_space<hbm>> -> memref<1x10240x128xf32, #tpu.memory_space<hbm>>
      %dma_wait3A_74 = tpu.memref_squeeze %dma_wait3A_73 : memref<1x10240x128xf32, #tpu.memory_space<hbm>> -> memref<10240x128xf32, #tpu.memory_space<hbm>>
      %dma_wait3A_75 = arith.constant 0 : i32
      %dma_wait3A_76 = tpu.memref_slice %dma_wait3A_74[%mul3A_62, %dma_wait3A_75] : memref<10240x128xf32, #tpu.memory_space<hbm>> -> memref<640x128xf32, #tpu.memory_space<hbm>>
      %dma_wait3A_77 = arith.constant 0 : i32
      %dma_wait3A_78 = tpu.memref_slice %arg10[%mul3A_60, %dma_wait3A_77] : memref<10240x128xf32, #tpu.memory_space<vmem_shared>> -> memref<640x128xf32, #tpu.memory_space<vmem_shared>>
      tpu.wait_dma2 semaphore(%run_scoped3A_63 : memref<!tpu.dma_semaphore, #tpu.memory_space<semaphore_mem>>) src(%dma_wait3A_78 : memref<640x128xf32, #tpu.memory_space<vmem_shared>>) dst(%dma_wait3A_76 : memref<640x128xf32, #tpu.memory_space<hbm>>)
      tpu.yield
    }) : () -> ()
    return
  }
}

module attributes {stable_mosaic.version = 14 : i64} {
  func.func @_tc0_body(%arg0: i32, %arg1: memref<1000x128xf32, #tpu.memory_space<vmem>>, %arg2: memref<128x128xf32, #tpu.memory_space<vmem>>, %arg3: memref<2x1000x1xf32, #tpu.memory_space<vmem>>, %arg4: memref<1000x128xf32, #tpu.memory_space<vmem>>, %arg5: memref<1000x1xf32, #tpu.memory_space<vmem>>) attributes {dimension_semantics = [#tpu.dimension_semantics<arbitrary>], iteration_bounds = array<i64: 10>, scalar_prefetch = 0 : i64, scratch_operands = 0 : i64, tpu.core_type = #tpu.core_type<tc>, window_params = [{transform_indices = @transform_0, window_bounds = array<i64: 1000, 128>}, {pipeline_mode = #tpu.pipeline_mode<synchronous>, transform_indices = @transform_1, window_bounds = array<i64: 128, 128>}, {transform_indices = @transform_2, window_bounds = array<i64: 2, 1000, 1>}, {transform_indices = @transform_3, window_bounds = array<i64: 1000, 128>}, {transform_indices = @transform_4, window_bounds = array<i64: 1000, 1>}]} {
    %get3A = arith.constant 0 : index
    %get3A_0 = arith.constant 0 : index
    %get3A_1 = arith.constant 0 : index
    %get3A_2 = vector.load %arg3[%get3A, %get3A_0, %get3A_1] : memref<2x1000x1xf32, #tpu.memory_space<vmem>>, vector<1x1000x1xf32>
    %get3A_3 = vector.shape_cast %get3A_2 : vector<1x1000x1xf32> to vector<1000x1xf32>
    %get3A_4 = arith.constant 1 : index
    %get3A_5 = arith.constant 0 : index
    %get3A_6 = arith.constant 0 : index
    %get3A_7 = vector.load %arg3[%get3A_4, %get3A_5, %get3A_6] : memref<2x1000x1xf32, #tpu.memory_space<vmem>>, vector<1x1000x1xf32>
    %get3A_8 = vector.shape_cast %get3A_7 : vector<1x1000x1xf32> to vector<1000x1xf32>
    %add3A = arith.addf %get3A_3, %get3A_8 : vector<1000x1xf32>
    %add3A_9 = arith.constant 1.000000e+00 : f32
    %add3A_10 = vector.broadcast %add3A_9 : f32 to vector<1000x1xf32>
    %add3A_11 = arith.addf %add3A, %add3A_10 : vector<1000x1xf32>
    %rsqrt3A = math.rsqrt %add3A_11 : vector<1000x1xf32>
    %swap3A = arith.constant 0 : index
    %swap3A_12 = arith.constant 0 : index
    %swap3A_13 = vector.load %arg5[%swap3A, %swap3A_12] : memref<1000x1xf32, #tpu.memory_space<vmem>>, vector<1000x1xf32>
    tpu.vector_store %arg5[%swap3A, %swap3A_12], %rsqrt3A {strides = array<i32>} : memref<1000x1xf32, #tpu.memory_space<vmem>>, vector<1000x1xf32>,
    %get3A_14 = arith.constant 0 : index
    %get3A_15 = arith.constant 0 : index
    %get3A_16 = vector.load %arg1[%get3A_14, %get3A_15] : memref<1000x128xf32, #tpu.memory_space<vmem>>, vector<1000x128xf32>
    %get3A_17 = arith.constant 0 : index
    %get3A_18 = arith.constant 0 : index
    %get3A_19 = vector.load %arg2[%get3A_17, %get3A_18] : memref<128x128xf32, #tpu.memory_space<vmem>>, vector<128x128xf32>
    %dot_general3A = arith.constant dense<0.000000e+00> : vector<1000x128xf32>
    %dot_general3A_20 = tpu.matmul %get3A_16, %get3A_19, %dot_general3A {dimension_numbers = #tpu.dot_dimension_numbers<[1], [0], [0], [1], [0, 0, 1, 1], [], []>, transpose_lhs_hint = false} : vector<1000x128xf32>, vector<128x128xf32>, vector<1000x128xf32> -> vector<1000x128xf32>
    %mul3A = vector.broadcast %rsqrt3A : vector<1000x1xf32> to vector<1000x128xf32>
    %mul3A_21 = arith.mulf %dot_general3A_20, %mul3A : vector<1000x128xf32>
    %swap3A_22 = arith.constant 0 : index
    %swap3A_23 = arith.constant 0 : index
    %swap3A_24 = vector.load %arg4[%swap3A_22, %swap3A_23] : memref<1000x128xf32, #tpu.memory_space<vmem>>, vector<1000x128xf32>
    tpu.vector_store %arg4[%swap3A_22, %swap3A_23], %mul3A_21 {strides = array<i32>} : memref<1000x128xf32, #tpu.memory_space<vmem>>, vector<1000x128xf32>,
    return
  }
  func.func @transform_0(%arg0: i32) -> (i32, i32) {
    %c0_i32 = arith.constant 0 : i32
    %c0_i32_0 = arith.constant 0 : i32
    return %arg0, %c0_i32 : i32, i32
  }
  func.func @transform_1(%arg0: i32) -> (i32, i32) {
    %c0_i32 = arith.constant 0 : i32
    %c0_i32_0 = arith.constant 0 : i32
    %c0_i32_1 = arith.constant 0 : i32
    return %c0_i32, %c0_i32_0 : i32, i32
  }
  func.func @transform_2(%arg0: i32) -> (i32, i32, i32) {
    %c0_i32 = arith.constant 0 : i32
    %c0_i32_0 = arith.constant 0 : i32
    %c0_i32_1 = arith.constant 0 : i32
    return %c0_i32, %arg0, %c0_i32_0 : i32, i32, i32
  }
  func.func @transform_3(%arg0: i32) -> (i32, i32) {
    %c0_i32 = arith.constant 0 : i32
    %c0_i32_0 = arith.constant 0 : i32
    return %arg0, %c0_i32 : i32, i32
  }
  func.func @transform_4(%arg0: i32) -> (i32, i32) {
    %c0_i32 = arith.constant 0 : i32
    %c0_i32_0 = arith.constant 0 : i32
    return %arg0, %c0_i32 : i32, i32
  }
}

module attributes {stable_mosaic.version = 14 : i64} {
  func.func @_tcmid_body(%arg0: i32, %arg1: memref<2x1000x128xf32, #tpu.memory_space<vmem>>, %arg2: memref<1000x1xf32, #tpu.memory_space<vmem>>, %arg3: memref<1x128xf32, #tpu.memory_space<vmem>>, %arg4: memref<128x128xf32, #tpu.memory_space<vmem>>, %arg5: memref<1000x128xf32, #tpu.memory_space<vmem>>) attributes {dimension_semantics = [#tpu.dimension_semantics<arbitrary>], iteration_bounds = array<i64: 10>, scalar_prefetch = 0 : i64, scratch_operands = 0 : i64, tpu.core_type = #tpu.core_type<tc>, window_params = [{transform_indices = @transform_0, window_bounds = array<i64: 2, 1000, 128>}, {transform_indices = @transform_1, window_bounds = array<i64: 1000, 1>}, {pipeline_mode = #tpu.pipeline_mode<synchronous>, transform_indices = @transform_2, window_bounds = array<i64: 1, 128>}, {pipeline_mode = #tpu.pipeline_mode<synchronous>, transform_indices = @transform_3, window_bounds = array<i64: 128, 128>}, {transform_indices = @transform_4, window_bounds = array<i64: 1000, 128>}]} {
    %get3A = arith.constant 0 : index
    %get3A_0 = arith.constant 0 : index
    %get3A_1 = arith.constant 0 : index
    %get3A_2 = vector.load %arg1[%get3A, %get3A_0, %get3A_1] : memref<2x1000x128xf32, #tpu.memory_space<vmem>>, vector<1x1000x128xf32>
    %get3A_3 = vector.shape_cast %get3A_2 : vector<1x1000x128xf32> to vector<1000x128xf32>
    %get3A_4 = arith.constant 1 : index
    %get3A_5 = arith.constant 0 : index
    %get3A_6 = arith.constant 0 : index
    %get3A_7 = vector.load %arg1[%get3A_4, %get3A_5, %get3A_6] : memref<2x1000x128xf32, #tpu.memory_space<vmem>>, vector<1x1000x128xf32>
    %get3A_8 = vector.shape_cast %get3A_7 : vector<1x1000x128xf32> to vector<1000x128xf32>
    %add3A = arith.addf %get3A_3, %get3A_8 : vector<1000x128xf32>
    %get3A_9 = arith.constant 0 : index
    %get3A_10 = arith.constant 0 : index
    %get3A_11 = vector.load %arg2[%get3A_9, %get3A_10] : memref<1000x1xf32, #tpu.memory_space<vmem>>, vector<1000x1xf32>
    %mul3A = vector.broadcast %get3A_11 : vector<1000x1xf32> to vector<1000x128xf32>
    %mul3A_12 = arith.mulf %add3A, %mul3A : vector<1000x128xf32>
    %get3A_13 = arith.constant 0 : index
    %get3A_14 = arith.constant 0 : index
    %get3A_15 = vector.load %arg3[%get3A_13, %get3A_14] : memref<1x128xf32, #tpu.memory_space<vmem>>, vector<1x128xf32>
    %add3A_16 = vector.broadcast %get3A_15 : vector<1x128xf32> to vector<1000x128xf32>
    %add3A_17 = arith.addf %mul3A_12, %add3A_16 : vector<1000x128xf32>
    %max3A = arith.constant 0.000000e+00 : f32
    %max3A_18 = vector.broadcast %max3A : f32 to vector<1000x128xf32>
    %max3A_19 = arith.maximumf %add3A_17, %max3A_18 : vector<1000x128xf32>
    %get3A_20 = arith.constant 0 : index
    %get3A_21 = arith.constant 0 : index
    %get3A_22 = vector.load %arg4[%get3A_20, %get3A_21] : memref<128x128xf32, #tpu.memory_space<vmem>>, vector<128x128xf32>
    %dot_general3A = arith.constant dense<0.000000e+00> : vector<1000x128xf32>
    %dot_general3A_23 = tpu.matmul %max3A_19, %get3A_22, %dot_general3A {dimension_numbers = #tpu.dot_dimension_numbers<[1], [0], [0], [1], [0, 0, 1, 1], [], []>, transpose_lhs_hint = false} : vector<1000x128xf32>, vector<128x128xf32>, vector<1000x128xf32> -> vector<1000x128xf32>
    %get3A_24 = arith.constant 0 : index
    %get3A_25 = arith.constant 0 : index
    %get3A_26 = vector.load %arg2[%get3A_24, %get3A_25] : memref<1000x1xf32, #tpu.memory_space<vmem>>, vector<1000x1xf32>
    %mul3A_27 = vector.broadcast %get3A_26 : vector<1000x1xf32> to vector<1000x128xf32>
    %mul3A_28 = arith.mulf %dot_general3A_23, %mul3A_27 : vector<1000x128xf32>
    %swap3A = arith.constant 0 : index
    %swap3A_29 = arith.constant 0 : index
    %swap3A_30 = vector.load %arg5[%swap3A, %swap3A_29] : memref<1000x128xf32, #tpu.memory_space<vmem>>, vector<1000x128xf32>
    tpu.vector_store %arg5[%swap3A, %swap3A_29], %mul3A_28 {strides = array<i32>} : memref<1000x128xf32, #tpu.memory_space<vmem>>, vector<1000x128xf32>,
    return
  }
  func.func @transform_0(%arg0: i32) -> (i32, i32, i32) {
    %c0_i32 = arith.constant 0 : i32
    %c0_i32_0 = arith.constant 0 : i32
    %c0_i32_1 = arith.constant 0 : i32
    return %c0_i32, %arg0, %c0_i32_0 : i32, i32, i32
  }
  func.func @transform_1(%arg0: i32) -> (i32, i32) {
    %c0_i32 = arith.constant 0 : i32
    %c0_i32_0 = arith.constant 0 : i32
    return %arg0, %c0_i32 : i32, i32
  }
  func.func @transform_2(%arg0: i32) -> (i32, i32) {
    %c0_i32 = arith.constant 0 : i32
    %c0_i32_0 = arith.constant 0 : i32
    %c0_i32_1 = arith.constant 0 : i32
    return %c0_i32, %c0_i32_0 : i32, i32
  }
  func.func @transform_3(%arg0: i32) -> (i32, i32) {
    %c0_i32 = arith.constant 0 : i32
    %c0_i32_0 = arith.constant 0 : i32
    %c0_i32_1 = arith.constant 0 : i32
    return %c0_i32, %c0_i32_0 : i32, i32
  }
  func.func @transform_4(%arg0: i32) -> (i32, i32) {
    %c0_i32 = arith.constant 0 : i32
    %c0_i32_0 = arith.constant 0 : i32
    return %arg0, %c0_i32 : i32, i32
  }
}

module attributes {stable_mosaic.version = 14 : i64} {
  func.func @_tcfin_body(%arg0: i32, %arg1: memref<2x1000x128xf32, #tpu.memory_space<vmem>>, %arg2: memref<1000x1xf32, #tpu.memory_space<vmem>>, %arg3: memref<1x64xf32, #tpu.memory_space<vmem>>, %arg4: memref<1x64xf32, #tpu.memory_space<vmem>>, %arg5: memref<2x1000x64xf32, #tpu.memory_space<vmem>>) attributes {dimension_semantics = [#tpu.dimension_semantics<arbitrary>], iteration_bounds = array<i64: 10>, scalar_prefetch = 0 : i64, scratch_operands = 0 : i64, tpu.core_type = #tpu.core_type<tc>, window_params = [{transform_indices = @transform_0, window_bounds = array<i64: 2, 1000, 128>}, {transform_indices = @transform_1, window_bounds = array<i64: 1000, 1>}, {pipeline_mode = #tpu.pipeline_mode<synchronous>, transform_indices = @transform_2, window_bounds = array<i64: 1, 64>}, {pipeline_mode = #tpu.pipeline_mode<synchronous>, transform_indices = @transform_3, window_bounds = array<i64: 1, 64>}, {transform_indices = @transform_4, window_bounds = array<i64: 2, 1000, 64>}]} {
    %get3A = arith.constant 0 : index
    %get3A_0 = arith.constant 0 : index
    %get3A_1 = arith.constant 0 : index
    %get3A_2 = vector.load %arg1[%get3A, %get3A_0, %get3A_1] : memref<2x1000x128xf32, #tpu.memory_space<vmem>>, vector<1x1000x128xf32>
    %get3A_3 = vector.shape_cast %get3A_2 : vector<1x1000x128xf32> to vector<1000x128xf32>
    %get3A_4 = arith.constant 1 : index
    %get3A_5 = arith.constant 0 : index
    %get3A_6 = arith.constant 0 : index
    %get3A_7 = vector.load %arg1[%get3A_4, %get3A_5, %get3A_6] : memref<2x1000x128xf32, #tpu.memory_space<vmem>>, vector<1x1000x128xf32>
    %get3A_8 = vector.shape_cast %get3A_7 : vector<1x1000x128xf32> to vector<1000x128xf32>
    %add3A = arith.addf %get3A_3, %get3A_8 : vector<1000x128xf32>
    %get3A_9 = arith.constant 0 : index
    %get3A_10 = arith.constant 0 : index
    %get3A_11 = vector.load %arg2[%get3A_9, %get3A_10] : memref<1000x1xf32, #tpu.memory_space<vmem>>, vector<1000x1xf32>
    %mul3A = vector.broadcast %get3A_11 : vector<1000x1xf32> to vector<1000x128xf32>
    %mul3A_12 = arith.mulf %add3A, %mul3A : vector<1000x128xf32>
    %slice3A = vector.extract_strided_slice %mul3A_12 {offsets = [0, 0], sizes = [1000, 64], strides = [1, 1]} : vector<1000x128xf32> to vector<1000x64xf32>
    %get3A_13 = arith.constant 0 : index
    %get3A_14 = arith.constant 0 : index
    %get3A_15 = vector.load %arg3[%get3A_13, %get3A_14] : memref<1x64xf32, #tpu.memory_space<vmem>>, vector<1x64xf32>
    %add3A_16 = vector.broadcast %get3A_15 : vector<1x64xf32> to vector<1000x64xf32>
    %add3A_17 = arith.addf %slice3A, %add3A_16 : vector<1000x64xf32>
    %swap3A = arith.constant 0 : index
    %swap3A_18 = arith.constant 0 : index
    %swap3A_19 = arith.constant 0 : index
    %swap3A_20 = vector.load %arg5[%swap3A, %swap3A_18, %swap3A_19] : memref<2x1000x64xf32, #tpu.memory_space<vmem>>, vector<1x1000x64xf32>
    %swap3A_21 = vector.shape_cast %swap3A_20 : vector<1x1000x64xf32> to vector<1000x64xf32>
    %swap3A_22 = vector.shape_cast %add3A_17 : vector<1000x64xf32> to vector<1x1000x64xf32>
    tpu.vector_store %arg5[%swap3A, %swap3A_18, %swap3A_19], %swap3A_22 {strides = array<i32>} : memref<2x1000x64xf32, #tpu.memory_space<vmem>>, vector<1x1000x64xf32>,
    %slice3A_23 = vector.extract_strided_slice %mul3A_12 {offsets = [0, 64], sizes = [1000, 64], strides = [1, 1]} : vector<1000x128xf32> to vector<1000x64xf32>
    %get3A_24 = arith.constant 0 : index
    %get3A_25 = arith.constant 0 : index
    %get3A_26 = vector.load %arg4[%get3A_24, %get3A_25] : memref<1x64xf32, #tpu.memory_space<vmem>>, vector<1x64xf32>
    %add3A_27 = vector.broadcast %get3A_26 : vector<1x64xf32> to vector<1000x64xf32>
    %add3A_28 = arith.addf %slice3A_23, %add3A_27 : vector<1000x64xf32>
    %swap3A_29 = arith.constant 1 : index
    %swap3A_30 = arith.constant 0 : index
    %swap3A_31 = arith.constant 0 : index
    %swap3A_32 = vector.load %arg5[%swap3A_29, %swap3A_30, %swap3A_31] : memref<2x1000x64xf32, #tpu.memory_space<vmem>>, vector<1x1000x64xf32>
    %swap3A_33 = vector.shape_cast %swap3A_32 : vector<1x1000x64xf32> to vector<1000x64xf32>
    %swap3A_34 = vector.shape_cast %add3A_28 : vector<1000x64xf32> to vector<1x1000x64xf32>
    tpu.vector_store %arg5[%swap3A_29, %swap3A_30, %swap3A_31], %swap3A_34 {strides = array<i32>} : memref<2x1000x64xf32, #tpu.memory_space<vmem>>, vector<1x1000x64xf32>,
    return
  }
  func.func @transform_0(%arg0: i32) -> (i32, i32, i32) {
    %c0_i32 = arith.constant 0 : i32
    %c0_i32_0 = arith.constant 0 : i32
    %c0_i32_1 = arith.constant 0 : i32
    return %c0_i32, %arg0, %c0_i32_0 : i32, i32, i32
  }
  func.func @transform_1(%arg0: i32) -> (i32, i32) {
    %c0_i32 = arith.constant 0 : i32
    %c0_i32_0 = arith.constant 0 : i32
    return %arg0, %c0_i32 : i32, i32
  }
  func.func @transform_2(%arg0: i32) -> (i32, i32) {
    %c0_i32 = arith.constant 0 : i32
    %c0_i32_0 = arith.constant 0 : i32
    %c0_i32_1 = arith.constant 0 : i32
    return %c0_i32, %c0_i32_0 : i32, i32
  }
  func.func @transform_3(%arg0: i32) -> (i32, i32) {
    %c0_i32 = arith.constant 0 : i32
    %c0_i32_0 = arith.constant 0 : i32
    %c0_i32_1 = arith.constant 0 : i32
    return %c0_i32, %c0_i32_0 : i32, i32
  }
  func.func @transform_4(%arg0: i32) -> (i32, i32, i32) {
    %c0_i32 = arith.constant 0 : i32
    %c0_i32_0 = arith.constant 0 : i32
    %c0_i32_1 = arith.constant 0 : i32
    return %c0_i32, %arg0, %c0_i32_0 : i32, i32, i32
  }
}

</mosaic_0001>

<sc_bundles>
// kernel: kernel.10.cloned.1.call-start
scs
__scs_entry_jumppad:
0x0: {  	(pc) =	sbr.rel $0x88, $3  }
0x1: {  	(tag) =	ssettag $0x0;
	lr =	simm.s32 $0x1  }
0x2: {  	[smem:$0x3F97] =	sst lr;
	_ =	strace $0xD0000000  }
0x3: {  	_ = 	snop  }
0x4: {  	_ = 	snop  }
0x5: {  	_ = 	snop  }
0x6: {  	_ = 	snop  }
0x7: {  	_ = 	snop  }
__scs_overlays_trampoline_lowered:
0x8: {  	[smem:$0x3FA6] =	sst s0  }
0x9: {  	[smem:$0x3FA7] =	sst s1  }
0xa: {  	[smem:$0x3FA8] =	sst s2  }
0xb: {  	[smem:$0x3FA9] =	sst s3  }
0xc: {  	[smem:$0x3FAA] =	sst s4  }
0xd: {  	[smem:$0x3FAB] =	sst s5  }
0xe: {  	[smem:$0x3FAC] =	sst s6  }
0xf: {  	[smem:$0x3FAD] =	sst s7  }
0x10: {  	[smem:$0x3FAE] =	sst s8  }
0x11: {  	[smem:$0x3FAF] =	sst s9;
	s0 =	simm.s32 @!p0 $0x0  }
0x12: {  	s1 =	sld [smem:$0x3F95];
	s0 =	simm.s32 @p0 $0x1  }
0x13: {  	[smem:$0x3FB0] =	sst s0;
	s0 =	simm.s32 @!p1 $0x0  }
0x14: {  	s2 =	sld [smem:$0x3F94];
	s0 =	simm.s32 @p1 $0x1  }
0x15: {  	[smem:$0x3FB1] =	sst s0;
	s0 =	simm.s32 @!p2 $0x0  }
0x16: {  	s3 =	sld [smem:$0x3FDB];
	s0 =	simm.s32 @p2 $0x1  }
0x17: {  	s4 =	simm.s32 $0x1BF5;
	[smem:$0x3FB3] =	sst s0  }
0x18: {  	s0 =	sld [smem:$0x3F96];
	_ =	swait.ge [sflag:s4], $0x0  }
0x19: {  	s7 =	sld [smem:$0x3F97]  }
0x1a: {  	s8 =	sadd.s32 $0xFFFFE003, lr  }
0x1b: {  	s9 =	sadd.s32 $0xFFFFFEF7, lr;
	s5 =	simm.s32 $0xFFFFFFFF;
	p2 =	slt.u32 s8, $0xFFFFF086  }
0x1c: {  	p1 =	slt.u32 s9, $0xF7A;
	s5 =	simm.s32 @!p2 $0x0  }
0x1d: {  	s5 =	simm.s32 @p1 $0x1;
	p0 =	seq.s32 s7, s2  }
0x1e: {  	s7 =	smul.u32 @!p0 $0xF7A, s2;
	p2 =	seq.s32 @!p0 s5, $0x0  }
0x1f: {  	s9 =	smul.u32 $0xF7A, s1;
	s8 =	simm.s32 @!p0 $0x1BF5;
	p2 =	por !p2, p0  }
0x20: {  	[sflag:s8] =	ssyncset.s32 @!p0 $0xFFFFF086;
	s6 =	sadd.s32 @!p0 s3, s7;
	s7 =	simm.s32 @!p0 $0x108  }
0x21: {  	s3 =	sadd.s32 s3, s9;
	s6 =	sadd.s32 @!p0 $0x88, s6;
	s7 =	simm.s32 @p2 $0x1082  }
0x22: {  	[simem:s7], [sflag:s8] =	dma.local @!p0 [hbm:s6], $0xF7A  }
0x23: {  	s9 =	sor.u32 $0xD0000000, s2;
	s6 =	simm.s32 $0x108;
	_ =	swait.ge @!p0 [sflag:s8], $0x0  }
0x24: {  	s3 =	sadd.s32 $0x88, s3;
	s6 =	simm.s32 @!p1 $0x1082;
	[sflag:s4] =	ssyncset.s32 $0xFFFFF086  }
0x25: {  	[simem:s6], [sflag:s4] =	dma.local [hbm:s3], $0xF7A  }
0x26: {  	[smem:$0x3F97] =	sst s1;
	(tag) =	ssettag s2;
	_ =	strace s9  }
0x27: {  	s1 =	sld [smem:$0x3FA7]  }
0x28: {  	s2 =	sld [smem:$0x3FA8]  }
0x29: {  	s4 =	sld [smem:$0x3FAA]  }
0x2a: {  	p0 =	seq.s32 s5, $0x0;
	s5 =	sld [smem:$0x3FAB]  }
0x2b: {  	s6 =	sld [smem:$0x3FAC]  }
0x2c: {  	s7 =	sld [smem:$0x3FAD]  }
0x2d: {  	s3 =	simm.s32 $0x108;
	s8 =	sld [smem:$0x3FAE]  }
0x2e: {  	s3 =	simm.s32 @!p0 $0x1082;
	s9 =	sld [smem:$0x3FAF]  }
0x2f: {  	lr =	sadd.s32 s0, s3;
	s0 =	sld [smem:$0x3FA6]  }
0x30: {  	s3 =	sld [smem:$0x3FA9]  }
0x31: {  	[smem:$0x3FB2] =	sst s10  }
0x32: {  	s10 =	sld [smem:$0x3FB0];
	_ =	sdelay $0x3  }
0x33: {  	p0 =	seq.s32 s10, $0x1;
	s10 =	sld [smem:$0x3FB2];
	_ =	sdelay $0x3  }
0x34: {  	[smem:$0x3FB2] =	sst s10  }
0x35: {  	s10 =	sld [smem:$0x3FB1];
	_ =	sdelay $0x3  }
0x36: {  	p1 =	seq.s32 s10, $0x1;
	s10 =	sld [smem:$0x3FB2];
	_ =	sdelay $0x3  }
0x37: {  	[smem:$0x3FB2] =	sst s10  }
0x38: {  	s10 =	sld [smem:$0x3FB3]  }
0x39: {  	_ = 	snop;
	(pc) =	sbr.ind lr, $3  }
0x3a: {  	_ = 	snop  }
0x3b: {  	_ = 	snop  }
0x3c: {  	p2 =	seq.s32 s10, $0x1;
	s10 =	sld [smem:$0x3FB2]  }
0x3d: {  	_ =	shalt  }
0x3e: {  	_ =	shalt  }
0x3f: {  	_ =	shalt  }
0x40: {  	_ =	shalt  }
0x41: {  	_ =	shalt  }
0x42: {  	_ =	shalt  }
0x43: {  	_ =	shalt  }
0x44: {  	_ =	shalt  }
0x45: {  	_ =	shalt  }
0x46: {  	_ =	shalt  }
0x47: {  	_ =	shalt  }
0x48: {  	_ =	shalt  }
0x49: {  	_ =	shalt  }
0x4a: {  	_ =	shalt  }
0x4b: {  	_ =	shalt  }
0x4c: {  	_ =	shalt  }
0x4d: {  	_ =	shalt  }
0x4e: {  	_ =	shalt  }
0x4f: {  	_ =	shalt  }
0x50: {  	_ =	shalt  }
0x51: {  	_ =	shalt  }
0x52: {  	_ =	shalt  }
0x53: {  	_ =	shalt  }
0x54: {  	_ =	shalt  }
0x55: {  	_ =	shalt  }
0x56: {  	_ =	shalt  }
0x57: {  	_ =	shalt  }
0x58: {  	_ =	shalt  }
0x59: {  	_ =	shalt  }
0x5a: {  	_ =	shalt  }
0x5b: {  	_ =	shalt  }
0x5c: {  	_ =	shalt  }
0x5d: {  	_ =	shalt  }
0x5e: {  	_ =	shalt  }
0x5f: {  	_ =	shalt  }
0x60: {  	_ =	shalt  }
0x61: {  	_ =	shalt  }
0x62: {  	_ =	shalt  }
0x63: {  	_ =	shalt  }
0x64: {  	_ =	shalt  }
0x65: {  	_ =	shalt  }
0x66: {  	_ =	shalt  }
0x67: {  	_ =	shalt  }
0x68: {  	_ =	shalt  }
0x69: {  	_ =	shalt  }
0x6a: {  	_ =	shalt  }
0x6b: {  	_ =	shalt  }
0x6c: {  	_ =	shalt  }
0x6d: {  	_ =	shalt  }
0x6e: {  	_ =	shalt  }
0x6f: {  	_ =	shalt  }
0x70: {  	_ =	shalt  }
0x71: {  	_ =	shalt  }
0x72: {  	_ =	shalt  }
0x73: {  	_ =	shalt  }
0x74: {  	_ =	shalt  }
0x75: {  	_ =	shalt  }
0x76: {  	_ =	shalt  }
0x77: {  	_ =	shalt  }
0x78: {  	_ =	shalt  }
0x79: {  	_ =	shalt  }
0x7a: {  	_ =	shalt  }
0x7b: {  	_ =	shalt  }
0x7c: {  	_ =	shalt  }
0x7d: {  	_ =	shalt  }
0x7e: {  	_ =	shalt  }
0x7f: {  	_ =	shalt  }
0x80: {  	_ =	shalt  }
0x81: {  	_ =	shalt  }
0x82: {  	_ =	shalt  }
0x83: {  	_ =	shalt  }
0x84: {  	_ =	shalt  }
0x85: {  	_ =	shalt  }
0x86: {  	_ =	shalt  }
0x87: {  	_ =	shalt  }
.Lfunc_end0:
.L_simem_size_0:
called_computation_lowered:
.L_overlay_start_0:
0x88: {  	s2 =	sld [smem:$0x3FD9]  }
0x89: {  	s3 =	sld [smem:$0x3FFE];
	_ =	sdelay $0x1  }
0x8a: {  	s1 =	srdreg.scid  }
0x8b: {  	s0 =	sand.u32 $0x1, s1  }
0x8c: {  	s14 =	sshll.u32 s0, $0xA;
	s2 =	sadd.s32 s3, s2  }
0x8d: {  	s2 =	sadd.s32 s2, s14  }
0x8e: {  	[smem:$0x3FBE] =	sst s2  }
0x8f: {  	_ = 	snop  }
0x90: {  	s2 =	sld [smem:$0x3FD0];
	_ =	sdelay $0x2  }
0x91: {  	s15 =	simm.s32 $0xA;
	s4 =	simm.s32 $0x10  }
0x92: {  	[smem:s4], [sflag:s15] =	dma.local [hbm:s2], $0x1  }
0x93: {  	_ =	swait.eq [sflag:s15], $0x1  }
0x94: {  	[sflag:s15] =	ssyncset.done $0x0  }
0x95: {  	[sflag:s15] =	ssyncadd.s32 $0xFFFFFFFF  }
0x96: {  	s16 =	sld [smem:$0x11];
	(tm) =	ssettm $0x1  }
0x97: {  	s17 =	sld [smem:$0x3FFB];
	_ =	sdelay $0x3  }
0x98: {  	_ =	strace s17  }
0x99: {  	s3 =	sld [smem:$0x3FFC];
	_ =	sdelay $0x3  }
0x9a: {  	_ =	strace s3  }
0x9b: {  	s3 =	sld [smem:$0x3FFD];
	_ =	sdelay $0x3  }
0x9c: {  	_ =	strace s3  }
0x9d: {  	_ =	strace $0x8FFFFFFF  }
0x9e: {  	s18 =	sld [smem:$0x3FDB];
	_ =	sdelay $0x1  }
0x9f: {  	s19 =	simm.s32 $_scs_section_size  }
0xa0: {  	s5 =	simm.s32 $_size__tile_overlayer_lowered;
	s6 =	simm.s32 $_tile_overlayer_lowered  }
0xa1: {  	s22 =	simm.s32 $0x1BFF;
	s21 =	sshll.u32 s6, $0x1;
	s3 =	sadd.s32 s19, s18  }
0xa2: {  	s7 =	simm.s32 $0x0;
	s20 =	sshll.u32 s5, $0x1;
	s5 =	sadd.s32 s21, s3  }
0xa3: {  	[timem:s7], [sflag:s22] =	dma.local [hbm:s5], s20  }
0xa4: {  	_ =	swait.ge [sflag:s22], s20  }
0xa5: {  	s4 =	ssub.s32 $0x0, s20;
	[sflag:s22] =	ssyncset.done $0x0  }
0xa6: {  	[sflag:s22] =	ssyncadd.s32 s4;
	_ =	sdelay $0x1  }
0xa7: {  	s23 =	simm.s32 $0x1B8B  }
0xa8: {  	_ =	swait.ge [sflag:s23], $0x1  }
0xa9: {  	[sflag:s23] =	ssyncset.done $0x0  }
0xaa: {  	s25 =	simm.s32 $0x1B8E;
	s24 =	sld [smem:$0x3FFE];
	[sflag:s23] =	ssyncadd.s32 $0xFFFFFFFF  }
0xab: {  	s26 =	simm.s32 $execute0_lowered;
	[smem:$0x3FD2] =	sst s25  }
0xac: {  	s5 =	sshll.u32 s26, $0x1;
	_ =	strace $0x80000046;
	[dreg:$0x1] =	wrdreg $0xFFFFFFFF  }
0xad: {  	s28 =	simm.s32 $_size_execute0_lowered;
	s3 =	sadd.s32 s3, s5;
	[dreg:$0x0] =	wrdreg $0x0  }
0xae: {  	s5 =	sshll.u32 s28, $0x1;
	[dreg:$0x2] =	wrdreg s3  }
0xaf: {  	[dreg:$0x3] =	wrdreg s5  }
0xb0: {  	[dreg:$0x4] =	wrdreg $0xC0  }
0xb1: {  	_ =	task [dreg:s7], $0x5FFFF  }
0xb2: {  	[dreg:$0x1] =	wrdreg $0xFFFFFFFF  }
0xb3: {  	[dreg:$0x0] =	wrdreg $0x60  }
0xb4: {  	[dreg:$0x2] =	wrdreg s24  }
0xb5: {  	[dreg:$0x3] =	wrdreg s16  }
0xb6: {  	[dreg:$0x4] =	wrdreg $0x17000  }
0xb7: {  	[dreg:$0x5] =	wrdreg $0x9  }
0xb8: {  	_ =	task.clear_ibuf [dreg:s7], $0x6FFFF;
	_ =	strace $0x90000046  }
0xb9: {  	s29 =	simm.s32 $0x9;
	_ =	strace $0x80000048  }
0xba: {  	_ =	swait.ge [sflag:s29], $0x1  }
0xbb: {  	[sflag:s29] =	ssyncadd.s32 $0xFFFFFFFF  }
0xbc: {  	_ =	strace $0x90000048  }
0xbd: {  	_ =	sfence  }
0xbe: {  	s30 =	sld [smem:$0x0];
	_ =	sdelay $0x2  }
0xbf: {  	s31 =	sshll.u32 s1, $0xD;
	s1 =	sshrl.u32 s1, $0x2  }
0xc0: {  	s3 =	sand.u32 $0x4000, s31;
	s1 =	sadd.s32 s1, s30  }
0xc1: {  	s0 =	sor.u32 s3, s0;
	s1 =	sshll.u32 s1, $0x11  }
0xc2: {  	s0 =	sor.u32 s1, s0  }
0xc3: {  	s0 =	sadd.s32 $0x8F2B, s0  }
0xc4: {  	[sflag:s0] =	ssyncadd.remote.s32 $0x1  }
0xc5: {  	_ =	sfence.sel $0xFFFF  }
0xc6: {  	[dreg:$0x0] =	wrdreg $0xFFFFFFFF;
	(pc) =	sbr.abs _section_cstart, $3  }
0xc7: {  	[dreg:$0x1] =	wrdreg $0xFFFFFFFF  }
0xc8: {  	_ =	task.clear_ibuf [dreg:s7], $0x2FFFF;
	_ =	strace $0x9FFFFFFF  }
0xc9: {  	(tm) =	ssettm $0x7FFFFFFF  }
tec
execute0_lowered:
.L_overlay_start_1:
0x0: {  	(tag) =	ssettag $0x1  }
0x1: {  	s0 =	rddreg [dreg:$0x0]  }
0x2: {  	s3 =	rddreg [dreg:$0x1];
	s28 =	simm.s32 $0x0  }
0x3: {  	v0 =	vimm.f32 $0.0e+00;
	[smem:$0x7FF] =	sst s28  }
0x4: {  	s1 =	rddreg [dreg:$0x2];
	_ =	strace $0x80000047;
	[tilespmem:$0x1480] =	vst v0  }
0x5: {  	[tilespmem:$0x16F0] =	vst v0  }
0x6: {  	[tilespmem:$0x16E0] =	vst v0  }
0x7: {  	[tilespmem:$0x16D0] =	vst v0  }
0x8: {  	[tilespmem:$0x16C0] =	vst v0  }
0x9: {  	[tilespmem:$0x16B0] =	vst v0  }
0xa: {  	[tilespmem:$0x16A0] =	vst v0  }
0xb: {  	[tilespmem:$0x1690] =	vst v0  }
0xc: {  	[tilespmem:$0x1680] =	vst v0  }
0xd: {  	[tilespmem:$0x1670] =	vst v0  }
0xe: {  	[tilespmem:$0x1660] =	vst v0  }
0xf: {  	[tilespmem:$0x1650] =	vst v0  }
0x10: {  	[tilespmem:$0x1640] =	vst v0  }
0x11: {  	[tilespmem:$0x1630] =	vst v0  }
0x12: {  	[tilespmem:$0x1620] =	vst v0  }
0x13: {  	[tilespmem:$0x1610] =	vst v0  }
0x14: {  	[tilespmem:$0x1600] =	vst v0  }
0x15: {  	[tilespmem:$0x15F0] =	vst v0  }
0x16: {  	[tilespmem:$0x15E0] =	vst v0  }
0x17: {  	[tilespmem:$0x15D0] =	vst v0  }
0x18: {  	[tilespmem:$0x15C0] =	vst v0  }
0x19: {  	[tilespmem:$0x15B0] =	vst v0  }
0x1a: {  	[tilespmem:$0x15A0] =	vst v0  }
0x1b: {  	[tilespmem:$0x1590] =	vst v0  }
0x1c: {  	[tilespmem:$0x1580] =	vst v0  }
0x1d: {  	[tilespmem:$0x1570] =	vst v0  }
0x1e: {  	[tilespmem:$0x1560] =	vst v0  }
0x1f: {  	[tilespmem:$0x1550] =	vst v0  }
0x20: {  	[tilespmem:$0x1540] =	vst v0  }
0x21: {  	[tilespmem:$0x1530] =	vst v0  }
0x22: {  	[tilespmem:$0x1520] =	vst v0  }
0x23: {  	[tilespmem:$0x1510] =	vst v0  }
0x24: {  	s4 =	srdreg.scid;
	s7 =	stileid.u32;
	[tilespmem:$0x1500] =	vst v0  }
0x25: {  	s31 =	simm.s32 $0x1480;
	s8 =	simm.s32 $0x10;
	s25 =	sand.u32 $0x1, s4;
	[tilespmem:$0x14F0] =	vst v0  }
0x26: {  	s5 =	smul.u32 $0xA0, s7;
	s4 =	sshll.u32 s25, $0x4;
	[tilespmem:$0x14E0] =	vst v0;
	[dreg:$0x4] =	wrdreg s31  }
0x27: {  	s2 =	smul.u32 $0xA00, s7;
	[tilespmem:$0x14D0] =	vst v0;
	[dreg:$0x7] =	wrdreg s8;
	s3 =	sadd.s32 s3, s4  }
0x28: {  	[tilespmem:$0x14C0] =	vst v0;
	s6 =	rddreg [dreg:$0x4];
	s3 =	sadd.s32 s5, s3  }
0x29: {  	[tilespmem:$0x14B0] =	vst v0;
	s4 =	sshrl.u32 s2, $0x2;
	s5 =	simm.s32 $0x20;
	[dreg:$0x5] =	wrdreg s3  }
0x2a: {  	[tilespmem:$0x14A0] =	vst v0;
	s2 =	sadd.s32 s4, s1;
	[dreg:$0x6] =	wrdreg s5  }
0x2b: {  	[tilespmem:$0x1490] =	vst v0;
	s4 =	simm.s32 $0x2;
	[dreg:$0x9] =	wrdreg s2  }
0x2c: {  	[spmem:s2] =	stream.linear.scatter [tilespmem:s6], [sflag:$0x2], $0x280, $0x38;
	[tilespmem:$0x1980] =	vst v63  }
0x2d: {  	_ =	swait.ge [sflag:s4], $0x280  }
0x2e: {  	[sflag:s4] =	ssyncset.done $0x0  }
0x2f: {  	v1 =	vimm.f32 $1.000000000e+00;
	[sflag:s4] =	ssyncadd.s32 $0xFFFFFD80  }
0x30: {  	[tilespmem:$0x1470] =	vst v1  }
0x31: {  	[tilespmem:$0x1460] =	vst v1  }
0x32: {  	s9 =	sshll.u32 s7, $0x1;
	[tilespmem:$0x1450] =	vst v1  }
0x33: {  	s3 =	sor.u32 s25, s9;
	[tilespmem:$0x1440] =	vst v1  }
0x34: {  	s3 =	smul.u32 $0x2800, s3;
	[tilespmem:$0x1430] =	vst v1  }
0x35: {  	[tilespmem:$0x1420] =	vst v1  }
0x36: {  	s3 =	sshrl.u32 s3, $0x3;
	[tilespmem:$0x1400] =	vst v1  }
0x37: {  	s0 =	sadd.s32 s0, s3;
	[tilespmem:$0x1410] =	vst v1  }
0x38: {  	s24 =	sadd.s32 $0xD600, s0;
	[bflag:$0x0] =	sbarrier.arrive $0xFFFF  }
0x39: {  	[tilespmem:s28], [sflag:$0x2] =	stream.linear.gather [hbm4b:s24+s28], $0x1400, $0x38;
	[tilespmem:$0x1980] =	vst v63  }
0x3a: {  	_ =	swait.ge [sflag:s4], $0x1400  }
0x3b: {  	[sflag:s4] =	ssyncset.done $0x0  }
0x3c: {  	s8 =	simm.s32 $0x80;
	s9 =	simm.s32 $0x1400;
	[sflag:s4] =	ssyncadd.s32 $0xFFFFEC00  }
0x3d: {  	[spmem:s1] =	stream.indirect.scatter.add.f32 [tilespmem:s9], [sflag:$0x1], $0x1, s28, s8, $0xb8;
	[tilespmem:$0x1980] =	vst v63  }
0x3e: {  	_ = 	snop  }
0x3f: {  	[spmem:s1] =	stream.indirect.scatter.add.f32 [tilespmem:s9], [sflag:$0x1], $0x1, s8, s8, $0xb8;
	[tilespmem:$0x1980] =	vst v63  }
0x40: {  	s10 =	simm.s32 $0x100  }
0x41: {  	[spmem:s1] =	stream.indirect.scatter.add.f32 [tilespmem:s9], [sflag:$0x1], $0x1, s10, s8, $0xb8;
	[tilespmem:$0x1980] =	vst v63  }
0x42: {  	s11 =	simm.s32 $0x180;
	s7 =	simm.s32 $0x1  }
0x43: {  	[spmem:s1] =	stream.indirect.scatter.add.f32 [tilespmem:s9], [sflag:$0x1], $0x1, s11, s8, $0xb8;
	[tilespmem:$0x1980] =	vst v63  }
0x44: {  	_ =	swait.ge [sflag:s7], $0x80  }
0x45: {  	[sflag:s7] =	ssyncset.done $0x0  }
0x46: {  	[sflag:s7] =	ssyncadd.s32 $0xFFFFFF80  }
0x47: {  	_ =	swait.ge [sflag:s7], $0x80  }
0x48: {  	[sflag:s7] =	ssyncset.done $0x0  }
0x49: {  	[sflag:s7] =	ssyncadd.s32 $0xFFFFFF80  }
0x4a: {  	_ =	swait.ge [sflag:s7], $0x80  }
0x4b: {  	[sflag:s7] =	ssyncset.done $0x0  }
0x4c: {  	[sflag:s7] =	ssyncadd.s32 $0xFFFFFF80  }
0x4d: {  	_ =	swait.ge [sflag:s7], $0x80  }
0x4e: {  	[sflag:s7] =	ssyncset.done $0x0  }
0x4f: {  	s12 =	simm.s32 $0x200;
	[sflag:s7] =	ssyncadd.s32 $0xFFFFFF80  }
0x50: {  	[spmem:s1] =	stream.indirect.scatter.add.f32 [tilespmem:s9], [sflag:$0x1], $0x1, s12, s8, $0xb8;
	[tilespmem:$0x1980] =	vst v63  }
0x51: {  	s13 =	simm.s32 $0x280  }
0x52: {  	[spmem:s1] =	stream.indirect.scatter.add.f32 [tilespmem:s9], [sflag:$0x1], $0x1, s13, s8, $0xb8;
	[tilespmem:$0x1980] =	vst v63  }
0x53: {  	s14 =	simm.s32 $0x300  }
0x54: {  	[spmem:s1] =	stream.indirect.scatter.add.f32 [tilespmem:s9], [sflag:$0x1], $0x1, s14, s8, $0xb8;
	[tilespmem:$0x1980] =	vst v63  }
0x55: {  	s15 =	simm.s32 $0x380  }
0x56: {  	[spmem:s1] =	stream.indirect.scatter.add.f32 [tilespmem:s9], [sflag:$0x1], $0x1, s15, s8, $0xb8;
	[tilespmem:$0x1980] =	vst v63  }
0x57: {  	_ =	swait.ge [sflag:s7], $0x80  }
0x58: {  	[sflag:s7] =	ssyncset.done $0x0  }
0x59: {  	[sflag:s7] =	ssyncadd.s32 $0xFFFFFF80  }
0x5a: {  	_ =	swait.ge [sflag:s7], $0x80  }
0x5b: {  	[sflag:s7] =	ssyncset.done $0x0  }
0x5c: {  	[sflag:s7] =	ssyncadd.s32 $0xFFFFFF80  }
0x5d: {  	_ =	swait.ge [sflag:s7], $0x80  }
0x5e: {  	[sflag:s7] =	ssyncset.done $0x0  }
0x5f: {  	[sflag:s7] =	ssyncadd.s32 $0xFFFFFF80  }
0x60: {  	_ =	swait.ge [sflag:s7], $0x80  }
0x61: {  	[sflag:s7] =	ssyncset.done $0x0  }
0x62: {  	s16 =	simm.s32 $0x400;
	[sflag:s7] =	ssyncadd.s32 $0xFFFFFF80  }
0x63: {  	[spmem:s1] =	stream.indirect.scatter.add.f32 [tilespmem:s9], [sflag:$0x1], $0x1, s16, s8, $0xb8;
	[tilespmem:$0x1980] =	vst v63  }
0x64: {  	s17 =	simm.s32 $0x480  }
0x65: {  	[spmem:s1] =	stream.indirect.scatter.add.f32 [tilespmem:s9], [sflag:$0x1], $0x1, s17, s8, $0xb8;
	[tilespmem:$0x1980] =	vst v63  }
0x66: {  	s18 =	simm.s32 $0x500  }
0x67: {  	[spmem:s1] =	stream.indirect.scatter.add.f32 [tilespmem:s9], [sflag:$0x1], $0x1, s18, s8, $0xb8;
	[tilespmem:$0x1980] =	vst v63  }
0x68: {  	s19 =	simm.s32 $0x580  }
0x69: {  	[spmem:s1] =	stream.indirect.scatter.add.f32 [tilespmem:s9], [sflag:$0x1], $0x1, s19, s8, $0xb8;
	[tilespmem:$0x1980] =	vst v63  }
0x6a: {  	_ =	swait.ge [sflag:s7], $0x80  }
0x6b: {  	[sflag:s7] =	ssyncset.done $0x0  }
0x6c: {  	[sflag:s7] =	ssyncadd.s32 $0xFFFFFF80  }
0x6d: {  	_ =	swait.ge [sflag:s7], $0x80  }
0x6e: {  	[sflag:s7] =	ssyncset.done $0x0  }
0x6f: {  	[sflag:s7] =	ssyncadd.s32 $0xFFFFFF80  }
0x70: {  	_ =	swait.ge [sflag:s7], $0x80  }
0x71: {  	[sflag:s7] =	ssyncset.done $0x0  }
0x72: {  	[sflag:s7] =	ssyncadd.s32 $0xFFFFFF80  }
0x73: {  	_ =	swait.ge [sflag:s7], $0x80  }
0x74: {  	[sflag:s7] =	ssyncset.done $0x0  }
0x75: {  	s20 =	simm.s32 $0x600;
	[sflag:s7] =	ssyncadd.s32 $0xFFFFFF80  }
0x76: {  	[spmem:s1] =	stream.indirect.scatter.add.f32 [tilespmem:s9], [sflag:$0x1], $0x1, s20, s8, $0xb8;
	[tilespmem:$0x1980] =	vst v63  }
0x77: {  	s21 =	simm.s32 $0x680  }
0x78: {  	[spmem:s1] =	stream.indirect.scatter.add.f32 [tilespmem:s9], [sflag:$0x1], $0x1, s21, s8, $0xb8;
	[tilespmem:$0x1980] =	vst v63  }
0x79: {  	s22 =	simm.s32 $0x700  }
0x7a: {  	[spmem:s1] =	stream.indirect.scatter.add.f32 [tilespmem:s9], [sflag:$0x1], $0x1, s22, s8, $0xb8;
	[tilespmem:$0x1980] =	vst v63  }
0x7b: {  	s23 =	simm.s32 $0x780  }
0x7c: {  	[spmem:s1] =	stream.indirect.scatter.add.f32 [tilespmem:s9], [sflag:$0x1], $0x1, s23, s8, $0xb8;
	[tilespmem:$0x1980] =	vst v63  }
0x7d: {  	_ =	swait.ge [sflag:s7], $0x80  }
0x7e: {  	[sflag:s7] =	ssyncset.done $0x0  }
0x7f: {  	[sflag:s7] =	ssyncadd.s32 $0xFFFFFF80  }
0x80: {  	_ =	swait.ge [sflag:s7], $0x80  }
0x81: {  	[sflag:s7] =	ssyncset.done $0x0  }
0x82: {  	[sflag:s7] =	ssyncadd.s32 $0xFFFFFF80  }
0x83: {  	_ =	swait.ge [sflag:s7], $0x80  }
0x84: {  	[sflag:s7] =	ssyncset.done $0x0  }
0x85: {  	[sflag:s7] =	ssyncadd.s32 $0xFFFFFF80  }
0x86: {  	_ =	swait.ge [sflag:s7], $0x80  }
0x87: {  	[sflag:s7] =	ssyncset.done $0x0  }
0x88: {  	s26 =	simm.s32 $0x800;
	[sflag:s7] =	ssyncadd.s32 $0xFFFFFF80  }
0x89: {  	[spmem:s1] =	stream.indirect.scatter.add.f32 [tilespmem:s9], [sflag:$0x1], $0x1, s26, s8, $0xb8;
	[tilespmem:$0x1980] =	vst v63  }
0x8a: {  	s31 =	simm.s32 $0x880  }
0x8b: {  	[spmem:s1] =	stream.indirect.scatter.add.f32 [tilespmem:s9], [sflag:$0x1], $0x1, s31, s8, $0xb8;
	[tilespmem:$0x1980] =	vst v63  }
0x8c: {  	s30 =	simm.s32 $0x900  }
0x8d: {  	[spmem:s1] =	stream.indirect.scatter.add.f32 [tilespmem:s9], [sflag:$0x1], $0x1, s30, s8, $0xb8;
	[tilespmem:$0x1980] =	vst v63  }
0x8e: {  	s29 =	simm.s32 $0x980  }
0x8f: {  	[spmem:s1] =	stream.indirect.scatter.add.f32 [tilespmem:s9], [sflag:$0x1], $0x1, s29, s8, $0xb8;
	[tilespmem:$0x1980] =	vst v63  }
0x90: {  	_ =	swait.ge [sflag:s7], $0x80  }
0x91: {  	[sflag:s7] =	ssyncset.done $0x0  }
0x92: {  	[sflag:s7] =	ssyncadd.s32 $0xFFFFFF80  }
0x93: {  	_ =	swait.ge [sflag:s7], $0x80  }
0x94: {  	[sflag:s7] =	ssyncset.done $0x0  }
0x95: {  	[sflag:s7] =	ssyncadd.s32 $0xFFFFFF80  }
0x96: {  	_ =	swait.ge [sflag:s7], $0x80  }
0x97: {  	[sflag:s7] =	ssyncset.done $0x0  }
0x98: {  	[sflag:s7] =	ssyncadd.s32 $0xFFFFFF80  }
0x99: {  	_ =	swait.ge [sflag:s7], $0x80  }
0x9a: {  	[sflag:s7] =	ssyncset.done $0x0  }
0x9b: {  	s26 =	simm.s32 $0xA00;
	[sflag:s7] =	ssyncadd.s32 $0xFFFFFF80  }
0x9c: {  	[spmem:s1] =	stream.indirect.scatter.add.f32 [tilespmem:s9], [sflag:$0x1], $0x1, s26, s8, $0xb8;
	[tilespmem:$0x1980] =	vst v63  }
0x9d: {  	s22 =	simm.s32 $0xA80  }
0x9e: {  	[spmem:s1] =	stream.indirect.scatter.add.f32 [tilespmem:s9], [sflag:$0x1], $0x1, s22, s8, $0xb8;
	[tilespmem:$0x1980] =	vst v63  }
0x9f: {  	s23 =	simm.s32 $0xB00  }
0xa0: {  	[spmem:s1] =	stream.indirect.scatter.add.f32 [tilespmem:s9], [sflag:$0x1], $0x1, s23, s8, $0xb8;
	[tilespmem:$0x1980] =	vst v63  }
0xa1: {  	s21 =	simm.s32 $0xB80  }
0xa2: {  	[spmem:s1] =	stream.indirect.scatter.add.f32 [tilespmem:s9], [sflag:$0x1], $0x1, s21, s8, $0xb8;
	[tilespmem:$0x1980] =	vst v63  }
0xa3: {  	_ =	swait.ge [sflag:s7], $0x80  }
0xa4: {  	[sflag:s7] =	ssyncset.done $0x0  }
0xa5: {  	[sflag:s7] =	ssyncadd.s32 $0xFFFFFF80  }
0xa6: {  	_ =	swait.ge [sflag:s7], $0x80  }
0xa7: {  	[sflag:s7] =	ssyncset.done $0x0  }
0xa8: {  	[sflag:s7] =	ssyncadd.s32 $0xFFFFFF80  }
0xa9: {  	_ =	swait.ge [sflag:s7], $0x80  }
0xaa: {  	[sflag:s7] =	ssyncset.done $0x0  }
0xab: {  	[sflag:s7] =	ssyncadd.s32 $0xFFFFFF80  }
0xac: {  	_ =	swait.ge [sflag:s7], $0x80  }
0xad: {  	[sflag:s7] =	ssyncset.done $0x0  }
0xae: {  	s20 =	simm.s32 $0xC00;
	[sflag:s7] =	ssyncadd.s32 $0xFFFFFF80  }
0xaf: {  	[spmem:s1] =	stream.indirect.scatter.add.f32 [tilespmem:s9], [sflag:$0x1], $0x1, s20, s8, $0xb8;
	[tilespmem:$0x1980] =	vst v63  }
0xb0: {  	s19 =	simm.s32 $0xC80  }
0xb1: {  	[spmem:s1] =	stream.indirect.scatter.add.f32 [tilespmem:s9], [sflag:$0x1], $0x1, s19, s8, $0xb8;
	[tilespmem:$0x1980] =	vst v63  }
0xb2: {  	s18 =	simm.s32 $0xD00  }
0xb3: {  	[spmem:s1] =	stream.indirect.scatter.add.f32 [tilespmem:s9], [sflag:$0x1], $0x1, s18, s8, $0xb8;
	[tilespmem:$0x1980] =	vst v63  }
0xb4: {  	s17 =	simm.s32 $0xD80  }
0xb5: {  	[spmem:s1] =	stream.indirect.scatter.add.f32 [tilespmem:s9], [sflag:$0x1], $0x1, s17, s8, $0xb8;
	[tilespmem:$0x1980] =	vst v63  }
0xb6: {  	_ =	swait.ge [sflag:s7], $0x80  }
0xb7: {  	[sflag:s7] =	ssyncset.done $0x0  }
0xb8: {  	[sflag:s7] =	ssyncadd.s32 $0xFFFFFF80  }
0xb9: {  	_ =	swait.ge [sflag:s7], $0x80  }
0xba: {  	[sflag:s7] =	ssyncset.done $0x0  }
0xbb: {  	[sflag:s7] =	ssyncadd.s32 $0xFFFFFF80  }
0xbc: {  	_ =	swait.ge [sflag:s7], $0x80  }
0xbd: {  	[sflag:s7] =	ssyncset.done $0x0  }
0xbe: {  	[sflag:s7] =	ssyncadd.s32 $0xFFFFFF80  }
0xbf: {  	_ =	swait.ge [sflag:s7], $0x80  }
0xc0: {  	[sflag:s7] =	ssyncset.done $0x0  }
0xc1: {  	s16 =	simm.s32 $0xE00;
	[sflag:s7] =	ssyncadd.s32 $0xFFFFFF80  }
0xc2: {  	[spmem:s1] =	stream.indirect.scatter.add.f32 [tilespmem:s9], [sflag:$0x1], $0x1, s16, s8, $0xb8;
	[tilespmem:$0x1980] =	vst v63  }
0xc3: {  	s15 =	simm.s32 $0xE80  }
0xc4: {  	[spmem:s1] =	stream.indirect.scatter.add.f32 [tilespmem:s9], [sflag:$0x1], $0x1, s15, s8, $0xb8;
	[tilespmem:$0x1980] =	vst v63  }
0xc5: {  	s14 =	simm.s32 $0xF00  }
0xc6: {  	[spmem:s1] =	stream.indirect.scatter.add.f32 [tilespmem:s9], [sflag:$0x1], $0x1, s14, s8, $0xb8;
	[tilespmem:$0x1980] =	vst v63  }
0xc7: {  	s13 =	simm.s32 $0xF80  }
0xc8: {  	[spmem:s1] =	stream.indirect.scatter.add.f32 [tilespmem:s9], [sflag:$0x1], $0x1, s13, s8, $0xb8;
	[tilespmem:$0x1980] =	vst v63  }
0xc9: {  	_ =	swait.ge [sflag:s7], $0x80  }
0xca: {  	[sflag:s7] =	ssyncset.done $0x0  }
0xcb: {  	[sflag:s7] =	ssyncadd.s32 $0xFFFFFF80  }
0xcc: {  	_ =	swait.ge [sflag:s7], $0x80  }
0xcd: {  	[sflag:s7] =	ssyncset.done $0x0  }
0xce: {  	[sflag:s7] =	ssyncadd.s32 $0xFFFFFF80  }
0xcf: {  	_ =	swait.ge [sflag:s7], $0x80  }
0xd0: {  	[sflag:s7] =	ssyncset.done $0x0  }
0xd1: {  	[sflag:s7] =	ssyncadd.s32 $0xFFFFFF80  }
0xd2: {  	_ =	swait.ge [sflag:s7], $0x80  }
0xd3: {  	[sflag:s7] =	ssyncset.done $0x0  }
0xd4: {  	s12 =	simm.s32 $0x1000;
	[sflag:s7] =	ssyncadd.s32 $0xFFFFFF80  }
0xd5: {  	[spmem:s1] =	stream.indirect.scatter.add.f32 [tilespmem:s9], [sflag:$0x1], $0x1, s12, s8, $0xb8;
	[tilespmem:$0x1980] =	vst v63  }
0xd6: {  	s11 =	simm.s32 $0x1080  }
0xd7: {  	[spmem:s1] =	stream.indirect.scatter.add.f32 [tilespmem:s9], [sflag:$0x1], $0x1, s11, s8, $0xb8;
	[tilespmem:$0x1980] =	vst v63  }
0xd8: {  	s10 =	simm.s32 $0x1100  }
0xd9: {  	[spmem:s1] =	stream.indirect.scatter.add.f32 [tilespmem:s9], [sflag:$0x1], $0x1, s10, s8, $0xb8;
	[tilespmem:$0x1980] =	vst v63  }
0xda: {  	s6 =	simm.s32 $0x1180  }
0xdb: {  	[spmem:s1] =	stream.indirect.scatter.add.f32 [tilespmem:s9], [sflag:$0x1], $0x1, s6, s8, $0xb8;
	[tilespmem:$0x1980] =	vst v63  }
0xdc: {  	_ =	swait.ge [sflag:s7], $0x80  }
0xdd: {  	[sflag:s7] =	ssyncset.done $0x0  }
0xde: {  	[sflag:s7] =	ssyncadd.s32 $0xFFFFFF80  }
0xdf: {  	_ =	swait.ge [sflag:s7], $0x80  }
0xe0: {  	[sflag:s7] =	ssyncset.done $0x0  }
0xe1: {  	[sflag:s7] =	ssyncadd.s32 $0xFFFFFF80  }
0xe2: {  	_ =	swait.ge [sflag:s7], $0x80  }
0xe3: {  	[sflag:s7] =	ssyncset.done $0x0  }
0xe4: {  	[sflag:s7] =	ssyncadd.s32 $0xFFFFFF80  }
0xe5: {  	_ =	swait.ge [sflag:s7], $0x80  }
0xe6: {  	[sflag:s7] =	ssyncset.done $0x0  }
0xe7: {  	s5 =	simm.s32 $0x1200;
	[sflag:s7] =	ssyncadd.s32 $0xFFFFFF80  }
0xe8: {  	[spmem:s1] =	stream.indirect.scatter.add.f32 [tilespmem:s9], [sflag:$0x1], $0x1, s5, s8, $0xb8;
	[tilespmem:$0x1980] =	vst v63  }
0xe9: {  	s3 =	simm.s32 $0x1280  }
0xea: {  	[spmem:s1] =	stream.indirect.scatter.add.f32 [tilespmem:s9], [sflag:$0x1], $0x1, s3, s8, $0xb8;
	[tilespmem:$0x1980] =	vst v63  }
0xeb: {  	s2 =	simm.s32 $0x1300  }
0xec: {  	[spmem:s1] =	stream.indirect.scatter.add.f32 [tilespmem:s9], [sflag:$0x1], $0x1, s2, s8, $0xb8;
	[tilespmem:$0x1980] =	vst v63  }
0xed: {  	s0 =	simm.s32 $0x1380  }
0xee: {  	[spmem:s1] =	stream.indirect.scatter.add.f32 [tilespmem:s9], [sflag:$0x1], $0x1, s0, s8, $0xb8;
	[tilespmem:$0x1980] =	vst v63  }
0xef: {  	_ =	swait.ge [sflag:s7], $0x80  }
0xf0: {  	[sflag:s7] =	ssyncset.done $0x0  }
0xf1: {  	[sflag:s7] =	ssyncadd.s32 $0xFFFFFF80  }
0xf2: {  	_ =	swait.ge [sflag:s7], $0x80  }
0xf3: {  	[sflag:s7] =	ssyncset.done $0x0  }
0xf4: {  	[sflag:s7] =	ssyncadd.s32 $0xFFFFFF80  }
0xf5: {  	_ =	swait.ge [sflag:s7], $0x80  }
0xf6: {  	[sflag:s7] =	ssyncset.done $0x0  }
0xf7: {  	[sflag:s7] =	ssyncadd.s32 $0xFFFFFF80  }
0xf8: {  	_ =	swait.ge [sflag:s7], $0x80  }
0xf9: {  	[dreg:$0x8] =	wrdreg s24;
	s24 =	sadd.s32 $0x280, s24;
	[sflag:s7] =	ssyncset.done $0x0  }
0xfa: {  	[dreg:$0xa] =	wrdreg s24;
	[sflag:s7] =	ssyncadd.s32 $0xFFFFFF80  }
0xfb: {  	[tilespmem:s28], [sflag:$0x2] =	stream.linear.gather [hbm4b:s24+s28], $0x1400, $0x38;
	[tilespmem:$0x1980] =	vst v63  }
0xfc: {  	_ =	swait.ge [sflag:s4], $0x1400  }
0xfd: {  	[sflag:s4] =	ssyncset.done $0x0  }
0xfe: {  	[sflag:s4] =	ssyncadd.s32 $0xFFFFEC00  }
0xff: {  	[spmem:s1] =	stream.indirect.scatter.add.f32 [tilespmem:s9], [sflag:$0x1], $0x1, s28, s8, $0xb8;
	[tilespmem:$0x1980] =	vst v63  }
0x100: {  	_ = 	snop  }
0x101: {  	[spmem:s1] =	stream.indirect.scatter.add.f32 [tilespmem:s9], [sflag:$0x1], $0x1, s8, s8, $0xb8;
	[tilespmem:$0x1980] =	vst v63  }
0x102: {  	s28 =	simm.s32 $0x100  }
0x103: {  	[spmem:s1] =	stream.indirect.scatter.add.f32 [tilespmem:s9], [sflag:$0x1], $0x1, s28, s8, $0xb8;
	[tilespmem:$0x1980] =	vst v63  }
0x104: {  	s28 =	simm.s32 $0x180  }
0x105: {  	[spmem:s1] =	stream.indirect.scatter.add.f32 [tilespmem:s9], [sflag:$0x1], $0x1, s28, s8, $0xb8;
	[tilespmem:$0x1980] =	vst v63  }
0x106: {  	_ =	swait.ge [sflag:s7], $0x80  }
0x107: {  	[sflag:s7] =	ssyncset.done $0x0  }
0x108: {  	[sflag:s7] =	ssyncadd.s32 $0xFFFFFF80  }
0x109: {  	_ =	swait.ge [sflag:s7], $0x80  }
0x10a: {  	[sflag:s7] =	ssyncset.done $0x0  }
0x10b: {  	[sflag:s7] =	ssyncadd.s32 $0xFFFFFF80  }
0x10c: {  	_ =	swait.ge [sflag:s7], $0x80  }
0x10d: {  	[sflag:s7] =	ssyncset.done $0x0  }
0x10e: {  	[sflag:s7] =	ssyncadd.s32 $0xFFFFFF80  }
0x10f: {  	_ =	swait.ge [sflag:s7], $0x80  }
0x110: {  	[sflag:s7] =	ssyncset.done $0x0  }
0x111: {  	s28 =	simm.s32 $0x200;
	[sflag:s7] =	ssyncadd.s32 $0xFFFFFF80  }
0x112: {  	[spmem:s1] =	stream.indirect.scatter.add.f32 [tilespmem:s9], [sflag:$0x1], $0x1, s28, s8, $0xb8;
	[tilespmem:$0x1980] =	vst v63  }
0x113: {  	s28 =	simm.s32 $0x280  }
0x114: {  	[spmem:s1] =	stream.indirect.scatter.add.f32 [tilespmem:s9], [sflag:$0x1], $0x1, s28, s8, $0xb8;
	[tilespmem:$0x1980] =	vst v63  }
0x115: {  	s28 =	simm.s32 $0x300  }
0x116: {  	[spmem:s1] =	stream.indirect.scatter.add.f32 [tilespmem:s9], [sflag:$0x1], $0x1, s28, s8, $0xb8;
	[tilespmem:$0x1980] =	vst v63  }
0x117: {  	s28 =	simm.s32 $0x380  }
0x118: {  	[spmem:s1] =	stream.indirect.scatter.add.f32 [tilespmem:s9], [sflag:$0x1], $0x1, s28, s8, $0xb8;
	[tilespmem:$0x1980] =	vst v63  }
0x119: {  	_ =	swait.ge [sflag:s7], $0x80  }
0x11a: {  	[sflag:s7] =	ssyncset.done $0x0  }
0x11b: {  	[sflag:s7] =	ssyncadd.s32 $0xFFFFFF80  }
0x11c: {  	_ =	swait.ge [sflag:s7], $0x80  }
0x11d: {  	[sflag:s7] =	ssyncset.done $0x0  }
0x11e: {  	[sflag:s7] =	ssyncadd.s32 $0xFFFFFF80  }
0x11f: {  	_ =	swait.ge [sflag:s7], $0x80  }
0x120: {  	[sflag:s7] =	ssyncset.done $0x0  }
0x121: {  	[sflag:s7] =	ssyncadd.s32 $0xFFFFFF80  }
0x122: {  	_ =	swait.ge [sflag:s7], $0x80  }
0x123: {  	[sflag:s7] =	ssyncset.done $0x0  }
0x124: {  	s28 =	simm.s32 $0x400;
	[sflag:s7] =	ssyncadd.s32 $0xFFFFFF80  }
0x125: {  	[spmem:s1] =	stream.indirect.scatter.add.f32 [tilespmem:s9], [sflag:$0x1], $0x1, s28, s8, $0xb8;
	[tilespmem:$0x1980] =	vst v63  }
0x126: {  	s28 =	simm.s32 $0x480  }
0x127: {  	[spmem:s1] =	stream.indirect.scatter.add.f32 [tilespmem:s9], [sflag:$0x1], $0x1, s28, s8, $0xb8;
	[tilespmem:$0x1980] =	vst v63  }
0x128: {  	s28 =	simm.s32 $0x500  }
0x129: {  	[spmem:s1] =	stream.indirect.scatter.add.f32 [tilespmem:s9], [sflag:$0x1], $0x1, s28, s8, $0xb8;
	[tilespmem:$0x1980] =	vst v63  }
0x12a: {  	s28 =	simm.s32 $0x580  }
0x12b: {  	[spmem:s1] =	stream.indirect.scatter.add.f32 [tilespmem:s9], [sflag:$0x1], $0x1, s28, s8, $0xb8;
	[tilespmem:$0x1980] =	vst v63  }
0x12c: {  	_ =	swait.ge [sflag:s7], $0x80  }
0x12d: {  	[sflag:s7] =	ssyncset.done $0x0  }
0x12e: {  	[sflag:s7] =	ssyncadd.s32 $0xFFFFFF80  }
0x12f: {  	_ =	swait.ge [sflag:s7], $0x80  }
0x130: {  	[sflag:s7] =	ssyncset.done $0x0  }
0x131: {  	[sflag:s7] =	ssyncadd.s32 $0xFFFFFF80  }
0x132: {  	_ =	swait.ge [sflag:s7], $0x80  }
0x133: {  	[sflag:s7] =	ssyncset.done $0x0  }
0x134: {  	[sflag:s7] =	ssyncadd.s32 $0xFFFFFF80  }
0x135: {  	_ =	swait.ge [sflag:s7], $0x80  }
0x136: {  	[sflag:s7] =	ssyncset.done $0x0  }
0x137: {  	s28 =	simm.s32 $0x600;
	[sflag:s7] =	ssyncadd.s32 $0xFFFFFF80  }
0x138: {  	[spmem:s1] =	stream.indirect.scatter.add.f32 [tilespmem:s9], [sflag:$0x1], $0x1, s28, s8, $0xb8;
	[tilespmem:$0x1980] =	vst v63  }
0x139: {  	s28 =	simm.s32 $0x680  }
0x13a: {  	[spmem:s1] =	stream.indirect.scatter.add.f32 [tilespmem:s9], [sflag:$0x1], $0x1, s28, s8, $0xb8;
	[tilespmem:$0x1980] =	vst v63  }
0x13b: {  	s28 =	simm.s32 $0x700  }
0x13c: {  	[spmem:s1] =	stream.indirect.scatter.add.f32 [tilespmem:s9], [sflag:$0x1], $0x1, s28, s8, $0xb8;
	[tilespmem:$0x1980] =	vst v63  }
0x13d: {  	s28 =	simm.s32 $0x780  }
0x13e: {  	[spmem:s1] =	stream.indirect.scatter.add.f32 [tilespmem:s9], [sflag:$0x1], $0x1, s28, s8, $0xb8;
	[tilespmem:$0x1980] =	vst v63  }
0x13f: {  	_ =	swait.ge [sflag:s7], $0x80  }
0x140: {  	[sflag:s7] =	ssyncset.done $0x0  }
0x141: {  	[sflag:s7] =	ssyncadd.s32 $0xFFFFFF80  }
0x142: {  	_ =	swait.ge [sflag:s7], $0x80  }
0x143: {  	[sflag:s7] =	ssyncset.done $0x0  }
0x144: {  	[sflag:s7] =	ssyncadd.s32 $0xFFFFFF80  }
0x145: {  	_ =	swait.ge [sflag:s7], $0x80  }
0x146: {  	[sflag:s7] =	ssyncset.done $0x0  }
0x147: {  	[sflag:s7] =	ssyncadd.s32 $0xFFFFFF80  }
0x148: {  	_ =	swait.ge [sflag:s7], $0x80  }
0x149: {  	[sflag:s7] =	ssyncset.done $0x0  }
0x14a: {  	s28 =	simm.s32 $0x800;
	[sflag:s7] =	ssyncadd.s32 $0xFFFFFF80  }
0x14b: {  	[spmem:s1] =	stream.indirect.scatter.add.f32 [tilespmem:s9], [sflag:$0x1], $0x1, s28, s8, $0xb8;
	[tilespmem:$0x1980] =	vst v63  }
0x14c: {  	_ = 	snop  }
0x14d: {  	[spmem:s1] =	stream.indirect.scatter.add.f32 [tilespmem:s9], [sflag:$0x1], $0x1, s31, s8, $0xb8;
	[tilespmem:$0x1980] =	vst v63  }
0x14e: {  	_ = 	snop  }
0x14f: {  	[spmem:s1] =	stream.indirect.scatter.add.f32 [tilespmem:s9], [sflag:$0x1], $0x1, s30, s8, $0xb8;
	[tilespmem:$0x1980] =	vst v63  }
0x150: {  	_ = 	snop  }
0x151: {  	[spmem:s1] =	stream.indirect.scatter.add.f32 [tilespmem:s9], [sflag:$0x1], $0x1, s29, s8, $0xb8;
	[tilespmem:$0x1980] =	vst v63  }
0x152: {  	_ =	swait.ge [sflag:s7], $0x80  }
0x153: {  	[sflag:s7] =	ssyncset.done $0x0  }
0x154: {  	[sflag:s7] =	ssyncadd.s32 $0xFFFFFF80  }
0x155: {  	_ =	swait.ge [sflag:s7], $0x80  }
0x156: {  	[sflag:s7] =	ssyncset.done $0x0  }
0x157: {  	[sflag:s7] =	ssyncadd.s32 $0xFFFFFF80  }
0x158: {  	_ =	swait.ge [sflag:s7], $0x80  }
0x159: {  	[sflag:s7] =	ssyncset.done $0x0  }
0x15a: {  	[sflag:s7] =	ssyncadd.s32 $0xFFFFFF80  }
0x15b: {  	_ =	swait.ge [sflag:s7], $0x80  }
0x15c: {  	[sflag:s7] =	ssyncset.done $0x0  }
0x15d: {  	[sflag:s7] =	ssyncadd.s32 $0xFFFFFF80  }
0x15e: {  	[spmem:s1] =	stream.indirect.scatter.add.f32 [tilespmem:s9], [sflag:$0x1], $0x1, s26, s8, $0xb8;
	[tilespmem:$0x1980] =	vst v63  }
0x15f: {  	_ = 	snop  }
0x160: {  	[spmem:s1] =	stream.indirect.scatter.add.f32 [tilespmem:s9], [sflag:$0x1], $0x1, s22, s8, $0xb8;
	[tilespmem:$0x1980] =	vst v63  }
0x161: {  	_ = 	snop  }
0x162: {  	[spmem:s1] =	stream.indirect.scatter.add.f32 [tilespmem:s9], [sflag:$0x1], $0x1, s23, s8, $0xb8;
	[tilespmem:$0x1980] =	vst v63  }
0x163: {  	_ = 	snop  }
0x164: {  	[spmem:s1] =	stream.indirect.scatter.add.f32 [tilespmem:s9], [sflag:$0x1], $0x1, s21, s8, $0xb8;
	[tilespmem:$0x1980] =	vst v63  }
0x165: {  	_ =	swait.ge [sflag:s7], $0x80  }
0x166: {  	[sflag:s7] =	ssyncset.done $0x0  }
0x167: {  	[sflag:s7] =	ssyncadd.s32 $0xFFFFFF80  }
0x168: {  	_ =	swait.ge [sflag:s7], $0x80  }
0x169: {  	[sflag:s7] =	ssyncset.done $0x0  }
0x16a: {  	[sflag:s7] =	ssyncadd.s32 $0xFFFFFF80  }
0x16b: {  	_ =	swait.ge [sflag:s7], $0x80  }
0x16c: {  	[sflag:s7] =	ssyncset.done $0x0  }
0x16d: {  	[sflag:s7] =	ssyncadd.s32 $0xFFFFFF80  }
0x16e: {  	_ =	swait.ge [sflag:s7], $0x80  }
0x16f: {  	[sflag:s7] =	ssyncset.done $0x0  }
0x170: {  	[sflag:s7] =	ssyncadd.s32 $0xFFFFFF80  }
0x171: {  	[spmem:s1] =	stream.indirect.scatter.add.f32 [tilespmem:s9], [sflag:$0x1], $0x1, s20, s8, $0xb8;
	[tilespmem:$0x1980] =	vst v63  }
0x172: {  	_ = 	snop  }
0x173: {  	[spmem:s1] =	stream.indirect.scatter.add.f32 [tilespmem:s9], [sflag:$0x1], $0x1, s19, s8, $0xb8;
	[tilespmem:$0x1980] =	vst v63  }
0x174: {  	_ = 	snop  }
0x175: {  	[spmem:s1] =	stream.indirect.scatter.add.f32 [tilespmem:s9], [sflag:$0x1], $0x1, s18, s8, $0xb8;
	[tilespmem:$0x1980] =	vst v63  }
0x176: {  	_ = 	snop  }
0x177: {  	[spmem:s1] =	stream.indirect.scatter.add.f32 [tilespmem:s9], [sflag:$0x1], $0x1, s17, s8, $0xb8;
	[tilespmem:$0x1980] =	vst v63  }
0x178: {  	_ =	swait.ge [sflag:s7], $0x80  }
0x179: {  	[sflag:s7] =	ssyncset.done $0x0  }
0x17a: {  	[sflag:s7] =	ssyncadd.s32 $0xFFFFFF80  }
0x17b: {  	_ =	swait.ge [sflag:s7], $0x80  }
0x17c: {  	[sflag:s7] =	ssyncset.done $0x0  }
0x17d: {  	[sflag:s7] =	ssyncadd.s32 $0xFFFFFF80  }
0x17e: {  	_ =	swait.ge [sflag:s7], $0x80  }
0x17f: {  	[sflag:s7] =	ssyncset.done $0x0  }
0x180: {  	[sflag:s7] =	ssyncadd.s32 $0xFFFFFF80  }
0x181: {  	_ =	swait.ge [sflag:s7], $0x80  }
0x182: {  	[sflag:s7] =	ssyncset.done $0x0  }
0x183: {  	[sflag:s7] =	ssyncadd.s32 $0xFFFFFF80  }
0x184: {  	[spmem:s1] =	stream.indirect.scatter.add.f32 [tilespmem:s9], [sflag:$0x1], $0x1, s16, s8, $0xb8;
	[tilespmem:$0x1980] =	vst v63  }
0x185: {  	_ = 	snop  }
0x186: {  	[spmem:s1] =	stream.indirect.scatter.add.f32 [tilespmem:s9], [sflag:$0x1], $0x1, s15, s8, $0xb8;
	[tilespmem:$0x1980] =	vst v63  }
0x187: {  	_ = 	snop  }
0x188: {  	[spmem:s1] =	stream.indirect.scatter.add.f32 [tilespmem:s9], [sflag:$0x1], $0x1, s14, s8, $0xb8;
	[tilespmem:$0x1980] =	vst v63  }
0x189: {  	_ = 	snop  }
0x18a: {  	[spmem:s1] =	stream.indirect.scatter.add.f32 [tilespmem:s9], [sflag:$0x1], $0x1, s13, s8, $0xb8;
	[tilespmem:$0x1980] =	vst v63  }
0x18b: {  	_ =	swait.ge [sflag:s7], $0x80  }
0x18c: {  	[sflag:s7] =	ssyncset.done $0x0  }
0x18d: {  	[sflag:s7] =	ssyncadd.s32 $0xFFFFFF80  }
0x18e: {  	_ =	swait.ge [sflag:s7], $0x80  }
0x18f: {  	[sflag:s7] =	ssyncset.done $0x0  }
0x190: {  	[sflag:s7] =	ssyncadd.s32 $0xFFFFFF80  }
0x191: {  	_ =	swait.ge [sflag:s7], $0x80  }
0x192: {  	[sflag:s7] =	ssyncset.done $0x0  }
0x193: {  	[sflag:s7] =	ssyncadd.s32 $0xFFFFFF80  }
0x194: {  	_ =	swait.ge [sflag:s7], $0x80  }
0x195: {  	[sflag:s7] =	ssyncset.done $0x0  }
0x196: {  	[sflag:s7] =	ssyncadd.s32 $0xFFFFFF80  }
0x197: {  	[spmem:s1] =	stream.indirect.scatter.add.f32 [tilespmem:s9], [sflag:$0x1], $0x1, s12, s8, $0xb8;
	[tilespmem:$0x1980] =	vst v63  }
0x198: {  	_ = 	snop  }
0x199: {  	[spmem:s1] =	stream.indirect.scatter.add.f32 [tilespmem:s9], [sflag:$0x1], $0x1, s11, s8, $0xb8;
	[tilespmem:$0x1980] =	vst v63  }
0x19a: {  	_ = 	snop  }
0x19b: {  	[spmem:s1] =	stream.indirect.scatter.add.f32 [tilespmem:s9], [sflag:$0x1], $0x1, s10, s8, $0xb8;
	[tilespmem:$0x1980] =	vst v63  }
0x19c: {  	_ = 	snop  }
0x19d: {  	[spmem:s1] =	stream.indirect.scatter.add.f32 [tilespmem:s9], [sflag:$0x1], $0x1, s6, s8, $0xb8;
	[tilespmem:$0x1980] =	vst v63  }
0x19e: {  	_ =	swait.ge [sflag:s7], $0x80  }
0x19f: {  	[sflag:s7] =	ssyncset.done $0x0  }
0x1a0: {  	[sflag:s7] =	ssyncadd.s32 $0xFFFFFF80  }
0x1a1: {  	_ =	swait.ge [sflag:s7], $0x80  }
0x1a2: {  	[sflag:s7] =	ssyncset.done $0x0  }
0x1a3: {  	[sflag:s7] =	ssyncadd.s32 $0xFFFFFF80  }
0x1a4: {  	_ =	swait.ge [sflag:s7], $0x80  }
0x1a5: {  	[sflag:s7] =	ssyncset.done $0x0  }
0x1a6: {  	[sflag:s7] =	ssyncadd.s32 $0xFFFFFF80  }
0x1a7: {  	_ =	swait.ge [sflag:s7], $0x80  }
0x1a8: {  	[sflag:s7] =	ssyncset.done $0x0  }
0x1a9: {  	[sflag:s7] =	ssyncadd.s32 $0xFFFFFF80  }
0x1aa: {  	[spmem:s1] =	stream.indirect.scatter.add.f32 [tilespmem:s9], [sflag:$0x1], $0x1, s5, s8, $0xb8;
	[tilespmem:$0x1980] =	vst v63  }
0x1ab: {  	_ = 	snop  }
0x1ac: {  	[spmem:s1] =	stream.indirect.scatter.add.f32 [tilespmem:s9], [sflag:$0x1], $0x1, s3, s8, $0xb8;
	[tilespmem:$0x1980] =	vst v63  }
0x1ad: {  	_ = 	snop  }
0x1ae: {  	[spmem:s1] =	stream.indirect.scatter.add.f32 [tilespmem:s9], [sflag:$0x1], $0x1, s2, s8, $0xb8;
	[tilespmem:$0x1980] =	vst v63  }
0x1af: {  	_ = 	snop  }
0x1b0: {  	[spmem:s1] =	stream.indirect.scatter.add.f32 [tilespmem:s9], [sflag:$0x1], $0x1, s0, s8, $0xb8;
	[tilespmem:$0x1980] =	vst v63  }
0x1b1: {  	_ =	swait.ge [sflag:s7], $0x80  }
0x1b2: {  	[sflag:s7] =	ssyncset.done $0x0  }
0x1b3: {  	s31 =	ssub.s32 $0x2, s25;
	[sflag:s7] =	ssyncadd.s32 $0xFFFFFF80  }
0x1b4: {  	s25 =	sshrl.u32 s31, $0x1;
	_ =	swait.ge [sflag:s7], $0x80  }
0x1b5: {  	s25 =	ssub.s32 s31, s25;
	[sflag:s7] =	ssyncset.done $0x0  }
0x1b6: {  	s25 =	smax.u32 s25, $0x1;
	[sflag:s7] =	ssyncadd.s32 $0xFFFFFF80  }
0x1b7: {  	p0 =	sne.s32 s25, $0x1;
	_ =	swait.ge [sflag:s7], $0x80  }
.Ltmp0:
0x1b8: {  	[sflag:s7] =	ssyncset.done $0x0;
	(pc) =	sbr.rel @!p0 .LBB2_3-.Ltmp0, $4  }
0x1b9: {  	[sflag:s7] =	ssyncadd.s32 $0xFFFFFF80  }
0x1ba: {  	_ =	swait.ge [sflag:s7], $0x80  }
0x1bb: {  	[sflag:s7] =	ssyncset.done $0x0  }
0x1bc: {  	s25 =	sadd.s32 $0xFFFFFFFF, s25;
	[sflag:s7] =	ssyncadd.s32 $0xFFFFFF80  }
0x1bd: {  	s5 =	simm.s32 $0x0  }
0x1be: {  	s3 =	simm.s32 $0x380;
	s6 =	simm.s32 $0x400;
	s10 =	simm.s32 $0x480  }
0x1bf: {  	s11 =	simm.s32 $0x500;
	s12 =	simm.s32 $0x580;
	s13 =	simm.s32 $0x600  }
0x1c0: {  	s14 =	simm.s32 $0x680;
	s15 =	simm.s32 $0x700;
	s16 =	simm.s32 $0x780  }
0x1c1: {  	s17 =	simm.s32 $0x800;
	s18 =	simm.s32 $0x880;
	s19 =	simm.s32 $0x900  }
0x1c2: {  	s20 =	simm.s32 $0x980;
	s21 =	simm.s32 $0xA00;
	s22 =	simm.s32 $0xA80  }
0x1c3: {  	s23 =	simm.s32 $0xB00;
	s24 =	simm.s32 $0xB80;
	s2 =	simm.s32 $0xC80  }
.LBB2_2:
0x1c4: {  	[bflag:$0x0] =	sbarrier.arrive $0xFFFF  }
0x1c5: {  	s26 =	rddreg [dreg:$0x5]  }
0x1c6: {  	s29 =	stileid.u32;
	s28 =	rddreg [dreg:$0x7]  }
0x1c7: {  	s29 =	sshll.u32 s29, $0x6;
	s0 =	rddreg [dreg:$0x9]  }
0x1c8: {  	s30 =	rddreg [dreg:$0x6];
	s29 =	sor.u32 $0x1C02, s29;
	s31 =	sshrl.u32 s0, $0x3  }
0x1c9: {  	[hbm:s26@s30], [sflag:s29] =	dma.strided [spmem:s31@s28], $0x50, s7, $0x10   }
0x1ca: {  	_ =	swait.ge [sflag:s4], $0x50  }
0x1cb: {  	[sflag:s4] =	ssyncset.done $0x0  }
0x1cc: {  	[sflag:s4] =	ssyncadd.s32 $0xFFFFFFB0  }
0x1cd: {  	[tilespmem:$0x1480] =	vst v0  }
0x1ce: {  	[tilespmem:$0x16F0] =	vst v0  }
0x1cf: {  	[tilespmem:$0x16E0] =	vst v0  }
0x1d0: {  	[tilespmem:$0x16D0] =	vst v0  }
0x1d1: {  	[tilespmem:$0x16C0] =	vst v0  }
0x1d2: {  	[tilespmem:$0x16B0] =	vst v0  }
0x1d3: {  	[tilespmem:$0x16A0] =	vst v0  }
0x1d4: {  	[tilespmem:$0x1690] =	vst v0  }
0x1d5: {  	[tilespmem:$0x1680] =	vst v0  }
0x1d6: {  	[tilespmem:$0x1670] =	vst v0  }
0x1d7: {  	[tilespmem:$0x1660] =	vst v0  }
0x1d8: {  	[tilespmem:$0x1650] =	vst v0  }
0x1d9: {  	[tilespmem:$0x1640] =	vst v0  }
0x1da: {  	[tilespmem:$0x1630] =	vst v0  }
0x1db: {  	[tilespmem:$0x1620] =	vst v0  }
0x1dc: {  	[tilespmem:$0x1610] =	vst v0  }
0x1dd: {  	[tilespmem:$0x1600] =	vst v0  }
0x1de: {  	[tilespmem:$0x15F0] =	vst v0  }
0x1df: {  	[tilespmem:$0x15E0] =	vst v0  }
0x1e0: {  	[tilespmem:$0x15D0] =	vst v0  }
0x1e1: {  	[tilespmem:$0x15C0] =	vst v0  }
0x1e2: {  	[tilespmem:$0x15B0] =	vst v0  }
0x1e3: {  	[tilespmem:$0x15A0] =	vst v0  }
0x1e4: {  	[tilespmem:$0x1590] =	vst v0  }
0x1e5: {  	[tilespmem:$0x1580] =	vst v0  }
0x1e6: {  	[tilespmem:$0x1570] =	vst v0  }
0x1e7: {  	[tilespmem:$0x1560] =	vst v0  }
0x1e8: {  	[tilespmem:$0x1550] =	vst v0  }
0x1e9: {  	[tilespmem:$0x1540] =	vst v0  }
0x1ea: {  	[tilespmem:$0x1530] =	vst v0  }
0x1eb: {  	[tilespmem:$0x1520] =	vst v0  }
0x1ec: {  	[tilespmem:$0x1510] =	vst v0  }
0x1ed: {  	[tilespmem:$0x1500] =	vst v0  }
0x1ee: {  	[tilespmem:$0x14F0] =	vst v0  }
0x1ef: {  	[tilespmem:$0x14E0] =	vst v0  }
0x1f0: {  	[tilespmem:$0x14D0] =	vst v0  }
0x1f1: {  	[tilespmem:$0x14C0] =	vst v0  }
0x1f2: {  	[tilespmem:$0x14B0] =	vst v0  }
0x1f3: {  	[tilespmem:$0x14A0] =	vst v0  }
0x1f4: {  	s30 =	rddreg [dreg:$0x4];
	[tilespmem:$0x1490] =	vst v0  }
0x1f5: {  	[spmem:s0] =	stream.linear.scatter [tilespmem:s30], [sflag:$0x2], $0x280, $0x38;
	[tilespmem:$0x1980] =	vst v63  }
0x1f6: {  	_ =	swait.ge [sflag:s4], $0x280  }
0x1f7: {  	[sflag:s4] =	ssyncset.done $0x0  }
0x1f8: {  	[sflag:s4] =	ssyncadd.s32 $0xFFFFFD80  }
0x1f9: {  	[tilespmem:$0x1470] =	vst v1  }
0x1fa: {  	[tilespmem:$0x1460] =	vst v1  }
0x1fb: {  	[tilespmem:$0x1450] =	vst v1  }
0x1fc: {  	[tilespmem:$0x1440] =	vst v1  }
0x1fd: {  	[tilespmem:$0x1430] =	vst v1  }
0x1fe: {  	[tilespmem:$0x1420] =	vst v1  }
0x1ff: {  	[tilespmem:$0x1400] =	vst v1  }
0x200: {  	[tilespmem:$0x1410] =	vst v1  }
0x201: {  	[bflag:$0x0] =	sbarrier.arrive $0xFFFF  }
0x202: {  	s31 =	rddreg [dreg:$0x8]  }
0x203: {  	[tilespmem:s5], [sflag:$0x2] =	stream.linear.gather [hbm4b:s31+s5], $0x1400, $0x38;
	[tilespmem:$0x1980] =	vst v63  }
0x204: {  	_ =	swait.ge [sflag:s4], $0x1400  }
0x205: {  	[sflag:s4] =	ssyncset.done $0x0  }
0x206: {  	[sflag:s4] =	ssyncadd.s32 $0xFFFFEC00  }
0x207: {  	[spmem:s1] =	stream.indirect.scatter.add.f32 [tilespmem:s9], [sflag:$0x1], $0x1, s5, s8, $0xb8;
	[tilespmem:$0x1980] =	vst v63  }
0x208: {  	_ = 	snop  }
0x209: {  	[spmem:s1] =	stream.indirect.scatter.add.f32 [tilespmem:s9], [sflag:$0x1], $0x1, s8, s8, $0xb8;
	[tilespmem:$0x1980] =	vst v63  }
0x20a: {  	s26 =	simm.s32 $0x100  }
0x20b: {  	[spmem:s1] =	stream.indirect.scatter.add.f32 [tilespmem:s9], [sflag:$0x1], $0x1, s26, s8, $0xb8;
	[tilespmem:$0x1980] =	vst v63  }
0x20c: {  	s28 =	simm.s32 $0x180  }
0x20d: {  	[spmem:s1] =	stream.indirect.scatter.add.f32 [tilespmem:s9], [sflag:$0x1], $0x1, s28, s8, $0xb8;
	[tilespmem:$0x1980] =	vst v63  }
0x20e: {  	_ =	swait.ge [sflag:s7], $0x80  }
0x20f: {  	[sflag:s7] =	ssyncset.done $0x0  }
0x210: {  	[sflag:s7] =	ssyncadd.s32 $0xFFFFFF80  }
0x211: {  	_ =	swait.ge [sflag:s7], $0x80  }
0x212: {  	[sflag:s7] =	ssyncset.done $0x0  }
0x213: {  	[sflag:s7] =	ssyncadd.s32 $0xFFFFFF80  }
0x214: {  	_ =	swait.ge [sflag:s7], $0x80  }
0x215: {  	[sflag:s7] =	ssyncset.done $0x0  }
0x216: {  	[sflag:s7] =	ssyncadd.s32 $0xFFFFFF80  }
0x217: {  	_ =	swait.ge [sflag:s7], $0x80  }
0x218: {  	[sflag:s7] =	ssyncset.done $0x0  }
0x219: {  	s29 =	simm.s32 $0x200;
	[sflag:s7] =	ssyncadd.s32 $0xFFFFFF80  }
0x21a: {  	[spmem:s1] =	stream.indirect.scatter.add.f32 [tilespmem:s9], [sflag:$0x1], $0x1, s29, s8, $0xb8;
	[tilespmem:$0x1980] =	vst v63  }
0x21b: {  	s30 =	simm.s32 $0x280  }
0x21c: {  	[spmem:s1] =	stream.indirect.scatter.add.f32 [tilespmem:s9], [sflag:$0x1], $0x1, s30, s8, $0xb8;
	[tilespmem:$0x1980] =	vst v63  }
0x21d: {  	s31 =	simm.s32 $0x300  }
0x21e: {  	[spmem:s1] =	stream.indirect.scatter.add.f32 [tilespmem:s9], [sflag:$0x1], $0x1, s31, s8, $0xb8;
	[tilespmem:$0x1980] =	vst v63  }
0x21f: {  	_ = 	snop  }
0x220: {  	[spmem:s1] =	stream.indirect.scatter.add.f32 [tilespmem:s9], [sflag:$0x1], $0x1, s3, s8, $0xb8;
	[tilespmem:$0x1980] =	vst v63  }
0x221: {  	_ =	swait.ge [sflag:s7], $0x80  }
0x222: {  	[sflag:s7] =	ssyncset.done $0x0  }
0x223: {  	[sflag:s7] =	ssyncadd.s32 $0xFFFFFF80  }
0x224: {  	_ =	swait.ge [sflag:s7], $0x80  }
0x225: {  	[sflag:s7] =	ssyncset.done $0x0  }
0x226: {  	[sflag:s7] =	ssyncadd.s32 $0xFFFFFF80  }
0x227: {  	_ =	swait.ge [sflag:s7], $0x80  }
0x228: {  	[sflag:s7] =	ssyncset.done $0x0  }
0x229: {  	[sflag:s7] =	ssyncadd.s32 $0xFFFFFF80  }
0x22a: {  	_ =	swait.ge [sflag:s7], $0x80  }
0x22b: {  	[sflag:s7] =	ssyncset.done $0x0  }
0x22c: {  	[sflag:s7] =	ssyncadd.s32 $0xFFFFFF80  }
0x22d: {  	[spmem:s1] =	stream.indirect.scatter.add.f32 [tilespmem:s9], [sflag:$0x1], $0x1, s6, s8, $0xb8;
	[tilespmem:$0x1980] =	vst v63  }
0x22e: {  	_ = 	snop  }
0x22f: {  	[spmem:s1] =	stream.indirect.scatter.add.f32 [tilespmem:s9], [sflag:$0x1], $0x1, s10, s8, $0xb8;
	[tilespmem:$0x1980] =	vst v63  }
0x230: {  	_ = 	snop  }
0x231: {  	[spmem:s1] =	stream.indirect.scatter.add.f32 [tilespmem:s9], [sflag:$0x1], $0x1, s11, s8, $0xb8;
	[tilespmem:$0x1980] =	vst v63  }
0x232: {  	_ = 	snop  }
0x233: {  	[spmem:s1] =	stream.indirect.scatter.add.f32 [tilespmem:s9], [sflag:$0x1], $0x1, s12, s8, $0xb8;
	[tilespmem:$0x1980] =	vst v63  }
0x234: {  	_ =	swait.ge [sflag:s7], $0x80  }
0x235: {  	[sflag:s7] =	ssyncset.done $0x0  }
0x236: {  	[sflag:s7] =	ssyncadd.s32 $0xFFFFFF80  }
0x237: {  	_ =	swait.ge [sflag:s7], $0x80  }
0x238: {  	[sflag:s7] =	ssyncset.done $0x0  }
0x239: {  	[sflag:s7] =	ssyncadd.s32 $0xFFFFFF80  }
0x23a: {  	_ =	swait.ge [sflag:s7], $0x80  }
0x23b: {  	[sflag:s7] =	ssyncset.done $0x0  }
0x23c: {  	[sflag:s7] =	ssyncadd.s32 $0xFFFFFF80  }
0x23d: {  	_ =	swait.ge [sflag:s7], $0x80  }
0x23e: {  	[sflag:s7] =	ssyncset.done $0x0  }
0x23f: {  	[sflag:s7] =	ssyncadd.s32 $0xFFFFFF80  }
0x240: {  	[spmem:s1] =	stream.indirect.scatter.add.f32 [tilespmem:s9], [sflag:$0x1], $0x1, s13, s8, $0xb8;
	[tilespmem:$0x1980] =	vst v63  }
0x241: {  	_ = 	snop  }
0x242: {  	[spmem:s1] =	stream.indirect.scatter.add.f32 [tilespmem:s9], [sflag:$0x1], $0x1, s14, s8, $0xb8;
	[tilespmem:$0x1980] =	vst v63  }
0x243: {  	_ = 	snop  }
0x244: {  	[spmem:s1] =	stream.indirect.scatter.add.f32 [tilespmem:s9], [sflag:$0x1], $0x1, s15, s8, $0xb8;
	[tilespmem:$0x1980] =	vst v63  }
0x245: {  	_ = 	snop  }
0x246: {  	[spmem:s1] =	stream.indirect.scatter.add.f32 [tilespmem:s9], [sflag:$0x1], $0x1, s16, s8, $0xb8;
	[tilespmem:$0x1980] =	vst v63  }
0x247: {  	_ =	swait.ge [sflag:s7], $0x80  }
0x248: {  	[sflag:s7] =	ssyncset.done $0x0  }
0x249: {  	[sflag:s7] =	ssyncadd.s32 $0xFFFFFF80  }
0x24a: {  	_ =	swait.ge [sflag:s7], $0x80  }
0x24b: {  	[sflag:s7] =	ssyncset.done $0x0  }
0x24c: {  	[sflag:s7] =	ssyncadd.s32 $0xFFFFFF80  }
0x24d: {  	_ =	swait.ge [sflag:s7], $0x80  }
0x24e: {  	[sflag:s7] =	ssyncset.done $0x0  }
0x24f: {  	[sflag:s7] =	ssyncadd.s32 $0xFFFFFF80  }
0x250: {  	_ =	swait.ge [sflag:s7], $0x80  }
0x251: {  	[sflag:s7] =	ssyncset.done $0x0  }
0x252: {  	[sflag:s7] =	ssyncadd.s32 $0xFFFFFF80  }
0x253: {  	[spmem:s1] =	stream.indirect.scatter.add.f32 [tilespmem:s9], [sflag:$0x1], $0x1, s17, s8, $0xb8;
	[tilespmem:$0x1980] =	vst v63  }
0x254: {  	_ = 	snop  }
0x255: {  	[spmem:s1] =	stream.indirect.scatter.add.f32 [tilespmem:s9], [sflag:$0x1], $0x1, s18, s8, $0xb8;
	[tilespmem:$0x1980] =	vst v63  }
0x256: {  	_ = 	snop  }
0x257: {  	[spmem:s1] =	stream.indirect.scatter.add.f32 [tilespmem:s9], [sflag:$0x1], $0x1, s19, s8, $0xb8;
	[tilespmem:$0x1980] =	vst v63  }
0x258: {  	_ = 	snop  }
0x259: {  	[spmem:s1] =	stream.indirect.scatter.add.f32 [tilespmem:s9], [sflag:$0x1], $0x1, s20, s8, $0xb8;
	[tilespmem:$0x1980] =	vst v63  }
0x25a: {  	_ =	swait.ge [sflag:s7], $0x80  }
0x25b: {  	[sflag:s7] =	ssyncset.done $0x0  }
0x25c: {  	[sflag:s7] =	ssyncadd.s32 $0xFFFFFF80  }
0x25d: {  	_ =	swait.ge [sflag:s7], $0x80  }
0x25e: {  	[sflag:s7] =	ssyncset.done $0x0  }
0x25f: {  	[sflag:s7] =	ssyncadd.s32 $0xFFFFFF80  }
0x260: {  	_ =	swait.ge [sflag:s7], $0x80  }
0x261: {  	[sflag:s7] =	ssyncset.done $0x0  }
0x262: {  	[sflag:s7] =	ssyncadd.s32 $0xFFFFFF80  }
0x263: {  	_ =	swait.ge [sflag:s7], $0x80  }
0x264: {  	[sflag:s7] =	ssyncset.done $0x0  }
0x265: {  	[sflag:s7] =	ssyncadd.s32 $0xFFFFFF80  }
0x266: {  	[spmem:s1] =	stream.indirect.scatter.add.f32 [tilespmem:s9], [sflag:$0x1], $0x1, s21, s8, $0xb8;
	[tilespmem:$0x1980] =	vst v63  }
0x267: {  	_ = 	snop  }
0x268: {  	[spmem:s1] =	stream.indirect.scatter.add.f32 [tilespmem:s9], [sflag:$0x1], $0x1, s22, s8, $0xb8;
	[tilespmem:$0x1980] =	vst v63  }
0x269: {  	_ = 	snop  }
0x26a: {  	[spmem:s1] =	stream.indirect.scatter.add.f32 [tilespmem:s9], [sflag:$0x1], $0x1, s23, s8, $0xb8;
	[tilespmem:$0x1980] =	vst v63  }
0x26b: {  	_ = 	snop  }
0x26c: {  	[spmem:s1] =	stream.indirect.scatter.add.f32 [tilespmem:s9], [sflag:$0x1], $0x1, s24, s8, $0xb8;
	[tilespmem:$0x1980] =	vst v63  }
0x26d: {  	_ =	swait.ge [sflag:s7], $0x80  }
0x26e: {  	[sflag:s7] =	ssyncset.done $0x0  }
0x26f: {  	[sflag:s7] =	ssyncadd.s32 $0xFFFFFF80  }
0x270: {  	_ =	swait.ge [sflag:s7], $0x80  }
0x271: {  	[sflag:s7] =	ssyncset.done $0x0  }
0x272: {  	[sflag:s7] =	ssyncadd.s32 $0xFFFFFF80  }
0x273: {  	_ =	swait.ge [sflag:s7], $0x80  }
0x274: {  	[sflag:s7] =	ssyncset.done $0x0  }
0x275: {  	[sflag:s7] =	ssyncadd.s32 $0xFFFFFF80  }
0x276: {  	_ =	swait.ge [sflag:s7], $0x80  }
0x277: {  	[sflag:s7] =	ssyncset.done $0x0  }
0x278: {  	s0 =	simm.s32 $0xC00;
	[sflag:s7] =	ssyncadd.s32 $0xFFFFFF80  }
0x279: {  	[spmem:s1] =	stream.indirect.scatter.add.f32 [tilespmem:s9], [sflag:$0x1], $0x1, s0, s8, $0xb8;
	[tilespmem:$0x1980] =	vst v63  }
0x27a: {  	_ = 	snop  }
0x27b: {  	[spmem:s1] =	stream.indirect.scatter.add.f32 [tilespmem:s9], [sflag:$0x1], $0x1, s2, s8, $0xb8;
	[tilespmem:$0x1980] =	vst v63  }
0x27c: {  	s0 =	simm.s32 $0xD00  }
0x27d: {  	[spmem:s1] =	stream.indirect.scatter.add.f32 [tilespmem:s9], [sflag:$0x1], $0x1, s0, s8, $0xb8;
	[tilespmem:$0x1980] =	vst v63  }
0x27e: {  	s0 =	simm.s32 $0xD80  }
0x27f: {  	[spmem:s1] =	stream.indirect.scatter.add.f32 [tilespmem:s9], [sflag:$0x1], $0x1, s0, s8, $0xb8;
	[tilespmem:$0x1980] =	vst v63  }
0x280: {  	_ =	swait.ge [sflag:s7], $0x80  }
0x281: {  	[sflag:s7] =	ssyncset.done $0x0  }
0x282: {  	[sflag:s7] =	ssyncadd.s32 $0xFFFFFF80  }
0x283: {  	_ =	swait.ge [sflag:s7], $0x80  }
0x284: {  	[sflag:s7] =	ssyncset.done $0x0  }
0x285: {  	[sflag:s7] =	ssyncadd.s32 $0xFFFFFF80  }
0x286: {  	_ =	swait.ge [sflag:s7], $0x80  }
0x287: {  	[sflag:s7] =	ssyncset.done $0x0  }
0x288: {  	[sflag:s7] =	ssyncadd.s32 $0xFFFFFF80  }
0x289: {  	_ =	swait.ge [sflag:s7], $0x80  }
0x28a: {  	[sflag:s7] =	ssyncset.done $0x0  }
0x28b: {  	s0 =	simm.s32 $0xE00;
	[sflag:s7] =	ssyncadd.s32 $0xFFFFFF80  }
0x28c: {  	[spmem:s1] =	stream.indirect.scatter.add.f32 [tilespmem:s9], [sflag:$0x1], $0x1, s0, s8, $0xb8;
	[tilespmem:$0x1980] =	vst v63  }
0x28d: {  	s0 =	simm.s32 $0xE80  }
0x28e: {  	[spmem:s1] =	stream.indirect.scatter.add.f32 [tilespmem:s9], [sflag:$0x1], $0x1, s0, s8, $0xb8;
	[tilespmem:$0x1980] =	vst v63  }
0x28f: {  	s0 =	simm.s32 $0xF00  }
0x290: {  	[spmem:s1] =	stream.indirect.scatter.add.f32 [tilespmem:s9], [sflag:$0x1], $0x1, s0, s8, $0xb8;
	[tilespmem:$0x1980] =	vst v63  }
0x291: {  	s0 =	simm.s32 $0xF80  }
0x292: {  	[spmem:s1] =	stream.indirect.scatter.add.f32 [tilespmem:s9], [sflag:$0x1], $0x1, s0, s8, $0xb8;
	[tilespmem:$0x1980] =	vst v63  }
0x293: {  	_ =	swait.ge [sflag:s7], $0x80  }
0x294: {  	[sflag:s7] =	ssyncset.done $0x0  }
0x295: {  	[sflag:s7] =	ssyncadd.s32 $0xFFFFFF80  }
0x296: {  	_ =	swait.ge [sflag:s7], $0x80  }
0x297: {  	[sflag:s7] =	ssyncset.done $0x0  }
0x298: {  	[sflag:s7] =	ssyncadd.s32 $0xFFFFFF80  }
0x299: {  	_ =	swait.ge [sflag:s7], $0x80  }
0x29a: {  	[sflag:s7] =	ssyncset.done $0x0  }
0x29b: {  	[sflag:s7] =	ssyncadd.s32 $0xFFFFFF80  }
0x29c: {  	_ =	swait.ge [sflag:s7], $0x80  }
0x29d: {  	[sflag:s7] =	ssyncset.done $0x0  }
0x29e: {  	s0 =	simm.s32 $0x1000;
	[sflag:s7] =	ssyncadd.s32 $0xFFFFFF80  }
0x29f: {  	[spmem:s1] =	stream.indirect.scatter.add.f32 [tilespmem:s9], [sflag:$0x1], $0x1, s0, s8, $0xb8;
	[tilespmem:$0x1980] =	vst v63  }
0x2a0: {  	s0 =	simm.s32 $0x1080  }
0x2a1: {  	[spmem:s1] =	stream.indirect.scatter.add.f32 [tilespmem:s9], [sflag:$0x1], $0x1, s0, s8, $0xb8;
	[tilespmem:$0x1980] =	vst v63  }
0x2a2: {  	s0 =	simm.s32 $0x1100  }
0x2a3: {  	[spmem:s1] =	stream.indirect.scatter.add.f32 [tilespmem:s9], [sflag:$0x1], $0x1, s0, s8, $0xb8;
	[tilespmem:$0x1980] =	vst v63  }
0x2a4: {  	s0 =	simm.s32 $0x1180  }
0x2a5: {  	[spmem:s1] =	stream.indirect.scatter.add.f32 [tilespmem:s9], [sflag:$0x1], $0x1, s0, s8, $0xb8;
	[tilespmem:$0x1980] =	vst v63  }
0x2a6: {  	_ =	swait.ge [sflag:s7], $0x80  }
0x2a7: {  	[sflag:s7] =	ssyncset.done $0x0  }
0x2a8: {  	[sflag:s7] =	ssyncadd.s32 $0xFFFFFF80  }
0x2a9: {  	_ =	swait.ge [sflag:s7], $0x80  }
0x2aa: {  	[sflag:s7] =	ssyncset.done $0x0  }
0x2ab: {  	[sflag:s7] =	ssyncadd.s32 $0xFFFFFF80  }
0x2ac: {  	_ =	swait.ge [sflag:s7], $0x80  }
0x2ad: {  	[sflag:s7] =	ssyncset.done $0x0  }
0x2ae: {  	[sflag:s7] =	ssyncadd.s32 $0xFFFFFF80  }
0x2af: {  	_ =	swait.ge [sflag:s7], $0x80  }
0x2b0: {  	[sflag:s7] =	ssyncset.done $0x0  }
0x2b1: {  	s0 =	simm.s32 $0x1200;
	[sflag:s7] =	ssyncadd.s32 $0xFFFFFF80  }
0x2b2: {  	[spmem:s1] =	stream.indirect.scatter.add.f32 [tilespmem:s9], [sflag:$0x1], $0x1, s0, s8, $0xb8;
	[tilespmem:$0x1980] =	vst v63  }
0x2b3: {  	s0 =	simm.s32 $0x1280  }
0x2b4: {  	[spmem:s1] =	stream.indirect.scatter.add.f32 [tilespmem:s9], [sflag:$0x1], $0x1, s0, s8, $0xb8;
	[tilespmem:$0x1980] =	vst v63  }
0x2b5: {  	s0 =	simm.s32 $0x1300  }
0x2b6: {  	[spmem:s1] =	stream.indirect.scatter.add.f32 [tilespmem:s9], [sflag:$0x1], $0x1, s0, s8, $0xb8;
	[tilespmem:$0x1980] =	vst v63  }
0x2b7: {  	s0 =	simm.s32 $0x1380  }
0x2b8: {  	[spmem:s1] =	stream.indirect.scatter.add.f32 [tilespmem:s9], [sflag:$0x1], $0x1, s0, s8, $0xb8;
	[tilespmem:$0x1980] =	vst v63  }
0x2b9: {  	_ =	swait.ge [sflag:s7], $0x80  }
0x2ba: {  	[sflag:s7] =	ssyncset.done $0x0  }
0x2bb: {  	[sflag:s7] =	ssyncadd.s32 $0xFFFFFF80  }
0x2bc: {  	_ =	swait.ge [sflag:s7], $0x80  }
0x2bd: {  	[sflag:s7] =	ssyncset.done $0x0  }
0x2be: {  	[sflag:s7] =	ssyncadd.s32 $0xFFFFFF80  }
0x2bf: {  	_ =	swait.ge [sflag:s7], $0x80  }
0x2c0: {  	[sflag:s7] =	ssyncset.done $0x0  }
0x2c1: {  	[sflag:s7] =	ssyncadd.s32 $0xFFFFFF80  }
0x2c2: {  	_ =	swait.ge [sflag:s7], $0x80  }
0x2c3: {  	[sflag:s7] =	ssyncset.done $0x0  }
0x2c4: {  	s0 =	rddreg [dreg:$0xa];
	[sflag:s7] =	ssyncadd.s32 $0xFFFFFF80  }
0x2c5: {  	[tilespmem:s5], [sflag:$0x2] =	stream.linear.gather [hbm4b:s0+s5], $0x1400, $0x38;
	[tilespmem:$0x1980] =	vst v63  }
0x2c6: {  	_ =	swait.ge [sflag:s4], $0x1400  }
0x2c7: {  	[sflag:s4] =	ssyncset.done $0x0  }
0x2c8: {  	[sflag:s4] =	ssyncadd.s32 $0xFFFFEC00  }
0x2c9: {  	[spmem:s1] =	stream.indirect.scatter.add.f32 [tilespmem:s9], [sflag:$0x1], $0x1, s5, s8, $0xb8;
	[tilespmem:$0x1980] =	vst v63  }
0x2ca: {  	_ = 	snop  }
0x2cb: {  	[spmem:s1] =	stream.indirect.scatter.add.f32 [tilespmem:s9], [sflag:$0x1], $0x1, s8, s8, $0xb8;
	[tilespmem:$0x1980] =	vst v63  }
0x2cc: {  	_ = 	snop  }
0x2cd: {  	[spmem:s1] =	stream.indirect.scatter.add.f32 [tilespmem:s9], [sflag:$0x1], $0x1, s26, s8, $0xb8;
	[tilespmem:$0x1980] =	vst v63  }
0x2ce: {  	_ = 	snop  }
0x2cf: {  	[spmem:s1] =	stream.indirect.scatter.add.f32 [tilespmem:s9], [sflag:$0x1], $0x1, s28, s8, $0xb8;
	[tilespmem:$0x1980] =	vst v63  }
0x2d0: {  	_ =	swait.ge [sflag:s7], $0x80  }
0x2d1: {  	[sflag:s7] =	ssyncset.done $0x0  }
0x2d2: {  	[sflag:s7] =	ssyncadd.s32 $0xFFFFFF80  }
0x2d3: {  	_ =	swait.ge [sflag:s7], $0x80  }
0x2d4: {  	[sflag:s7] =	ssyncset.done $0x0  }
0x2d5: {  	[sflag:s7] =	ssyncadd.s32 $0xFFFFFF80  }
0x2d6: {  	_ =	swait.ge [sflag:s7], $0x80  }
0x2d7: {  	[sflag:s7] =	ssyncset.done $0x0  }
0x2d8: {  	[sflag:s7] =	ssyncadd.s32 $0xFFFFFF80  }
0x2d9: {  	_ =	swait.ge [sflag:s7], $0x80  }
0x2da: {  	[sflag:s7] =	ssyncset.done $0x0  }
0x2db: {  	[sflag:s7] =	ssyncadd.s32 $0xFFFFFF80  }
0x2dc: {  	[spmem:s1] =	stream.indirect.scatter.add.f32 [tilespmem:s9], [sflag:$0x1], $0x1, s29, s8, $0xb8;
	[tilespmem:$0x1980] =	vst v63  }
0x2dd: {  	_ = 	snop  }
0x2de: {  	[spmem:s1] =	stream.indirect.scatter.add.f32 [tilespmem:s9], [sflag:$0x1], $0x1, s30, s8, $0xb8;
	[tilespmem:$0x1980] =	vst v63  }
0x2df: {  	_ = 	snop  }
0x2e0: {  	[spmem:s1] =	stream.indirect.scatter.add.f32 [tilespmem:s9], [sflag:$0x1], $0x1, s31, s8, $0xb8;
	[tilespmem:$0x1980] =	vst v63  }
0x2e1: {  	_ = 	snop  }
0x2e2: {  	[spmem:s1] =	stream.indirect.scatter.add.f32 [tilespmem:s9], [sflag:$0x1], $0x1, s3, s8, $0xb8;
	[tilespmem:$0x1980] =	vst v63  }
0x2e3: {  	_ =	swait.ge [sflag:s7], $0x80  }
0x2e4: {  	[sflag:s7] =	ssyncset.done $0x0  }
0x2e5: {  	[sflag:s7] =	ssyncadd.s32 $0xFFFFFF80  }
0x2e6: {  	_ =	swait.ge [sflag:s7], $0x80  }
0x2e7: {  	[sflag:s7] =	ssyncset.done $0x0  }
0x2e8: {  	[sflag:s7] =	ssyncadd.s32 $0xFFFFFF80  }
0x2e9: {  	_ =	swait.ge [sflag:s7], $0x80  }
0x2ea: {  	[sflag:s7] =	ssyncset.done $0x0  }
0x2eb: {  	[sflag:s7] =	ssyncadd.s32 $0xFFFFFF80  }
0x2ec: {  	_ =	swait.ge [sflag:s7], $0x80  }
0x2ed: {  	[sflag:s7] =	ssyncset.done $0x0  }
0x2ee: {  	[sflag:s7] =	ssyncadd.s32 $0xFFFFFF80  }
0x2ef: {  	[spmem:s1] =	stream.indirect.scatter.add.f32 [tilespmem:s9], [sflag:$0x1], $0x1, s6, s8, $0xb8;
	[tilespmem:$0x1980] =	vst v63  }
0x2f0: {  	_ = 	snop  }
0x2f1: {  	[spmem:s1] =	stream.indirect.scatter.add.f32 [tilespmem:s9], [sflag:$0x1], $0x1, s10, s8, $0xb8;
	[tilespmem:$0x1980] =	vst v63  }
0x2f2: {  	_ = 	snop  }
0x2f3: {  	[spmem:s1] =	stream.indirect.scatter.add.f32 [tilespmem:s9], [sflag:$0x1], $0x1, s11, s8, $0xb8;
	[tilespmem:$0x1980] =	vst v63  }
0x2f4: {  	_ = 	snop  }
0x2f5: {  	[spmem:s1] =	stream.indirect.scatter.add.f32 [tilespmem:s9], [sflag:$0x1], $0x1, s12, s8, $0xb8;
	[tilespmem:$0x1980] =	vst v63  }
0x2f6: {  	_ =	swait.ge [sflag:s7], $0x80  }
0x2f7: {  	[sflag:s7] =	ssyncset.done $0x0  }
0x2f8: {  	[sflag:s7] =	ssyncadd.s32 $0xFFFFFF80  }
0x2f9: {  	_ =	swait.ge [sflag:s7], $0x80  }
0x2fa: {  	[sflag:s7] =	ssyncset.done $0x0  }
0x2fb: {  	[sflag:s7] =	ssyncadd.s32 $0xFFFFFF80  }
0x2fc: {  	_ =	swait.ge [sflag:s7], $0x80  }
0x2fd: {  	[sflag:s7] =	ssyncset.done $0x0  }
0x2fe: {  	[sflag:s7] =	ssyncadd.s32 $0xFFFFFF80  }
0x2ff: {  	_ =	swait.ge [sflag:s7], $0x80  }
0x300: {  	[sflag:s7] =	ssyncset.done $0x0  }
0x301: {  	[sflag:s7] =	ssyncadd.s32 $0xFFFFFF80  }
0x302: {  	[spmem:s1] =	stream.indirect.scatter.add.f32 [tilespmem:s9], [sflag:$0x1], $0x1, s13, s8, $0xb8;
	[tilespmem:$0x1980] =	vst v63  }
0x303: {  	_ = 	snop  }
0x304: {  	[spmem:s1] =	stream.indirect.scatter.add.f32 [tilespmem:s9], [sflag:$0x1], $0x1, s14, s8, $0xb8;
	[tilespmem:$0x1980] =	vst v63  }
0x305: {  	_ = 	snop  }
0x306: {  	[spmem:s1] =	stream.indirect.scatter.add.f32 [tilespmem:s9], [sflag:$0x1], $0x1, s15, s8, $0xb8;
	[tilespmem:$0x1980] =	vst v63  }
0x307: {  	_ = 	snop  }
0x308: {  	[spmem:s1] =	stream.indirect.scatter.add.f32 [tilespmem:s9], [sflag:$0x1], $0x1, s16, s8, $0xb8;
	[tilespmem:$0x1980] =	vst v63  }
0x309: {  	_ =	swait.ge [sflag:s7], $0x80  }
0x30a: {  	[sflag:s7] =	ssyncset.done $0x0  }
0x30b: {  	[sflag:s7] =	ssyncadd.s32 $0xFFFFFF80  }
0x30c: {  	_ =	swait.ge [sflag:s7], $0x80  }
0x30d: {  	[sflag:s7] =	ssyncset.done $0x0  }
0x30e: {  	[sflag:s7] =	ssyncadd.s32 $0xFFFFFF80  }
0x30f: {  	_ =	swait.ge [sflag:s7], $0x80  }
0x310: {  	[sflag:s7] =	ssyncset.done $0x0  }
0x311: {  	[sflag:s7] =	ssyncadd.s32 $0xFFFFFF80  }
0x312: {  	_ =	swait.ge [sflag:s7], $0x80  }
0x313: {  	[sflag:s7] =	ssyncset.done $0x0  }
0x314: {  	[sflag:s7] =	ssyncadd.s32 $0xFFFFFF80  }
0x315: {  	[spmem:s1] =	stream.indirect.scatter.add.f32 [tilespmem:s9], [sflag:$0x1], $0x1, s17, s8, $0xb8;
	[tilespmem:$0x1980] =	vst v63  }
0x316: {  	_ = 	snop  }
0x317: {  	[spmem:s1] =	stream.indirect.scatter.add.f32 [tilespmem:s9], [sflag:$0x1], $0x1, s18, s8, $0xb8;
	[tilespmem:$0x1980] =	vst v63  }
0x318: {  	_ = 	snop  }
0x319: {  	[spmem:s1] =	stream.indirect.scatter.add.f32 [tilespmem:s9], [sflag:$0x1], $0x1, s19, s8, $0xb8;
	[tilespmem:$0x1980] =	vst v63  }
0x31a: {  	_ = 	snop  }
0x31b: {  	[spmem:s1] =	stream.indirect.scatter.add.f32 [tilespmem:s9], [sflag:$0x1], $0x1, s20, s8, $0xb8;
	[tilespmem:$0x1980] =	vst v63  }
0x31c: {  	_ =	swait.ge [sflag:s7], $0x80  }
0x31d: {  	[sflag:s7] =	ssyncset.done $0x0  }
0x31e: {  	[sflag:s7] =	ssyncadd.s32 $0xFFFFFF80  }
0x31f: {  	_ =	swait.ge [sflag:s7], $0x80  }
0x320: {  	[sflag:s7] =	ssyncset.done $0x0  }
0x321: {  	[sflag:s7] =	ssyncadd.s32 $0xFFFFFF80  }
0x322: {  	_ =	swait.ge [sflag:s7], $0x80  }
0x323: {  	[sflag:s7] =	ssyncset.done $0x0  }
0x324: {  	[sflag:s7] =	ssyncadd.s32 $0xFFFFFF80  }
0x325: {  	_ =	swait.ge [sflag:s7], $0x80  }
0x326: {  	[sflag:s7] =	ssyncset.done $0x0  }
0x327: {  	[sflag:s7] =	ssyncadd.s32 $0xFFFFFF80  }
0x328: {  	[spmem:s1] =	stream.indirect.scatter.add.f32 [tilespmem:s9], [sflag:$0x1], $0x1, s21, s8, $0xb8;
	[tilespmem:$0x1980] =	vst v63  }
0x329: {  	_ = 	snop  }
0x32a: {  	[spmem:s1] =	stream.indirect.scatter.add.f32 [tilespmem:s9], [sflag:$0x1], $0x1, s22, s8, $0xb8;
	[tilespmem:$0x1980] =	vst v63  }
0x32b: {  	_ = 	snop  }
0x32c: {  	[spmem:s1] =	stream.indirect.scatter.add.f32 [tilespmem:s9], [sflag:$0x1], $0x1, s23, s8, $0xb8;
	[tilespmem:$0x1980] =	vst v63  }
0x32d: {  	_ = 	snop  }
0x32e: {  	[spmem:s1] =	stream.indirect.scatter.add.f32 [tilespmem:s9], [sflag:$0x1], $0x1, s24, s8, $0xb8;
	[tilespmem:$0x1980] =	vst v63  }
0x32f: {  	_ =	swait.ge [sflag:s7], $0x80  }
0x330: {  	[sflag:s7] =	ssyncset.done $0x0  }
0x331: {  	[sflag:s7] =	ssyncadd.s32 $0xFFFFFF80  }
0x332: {  	_ =	swait.ge [sflag:s7], $0x80  }
0x333: {  	[sflag:s7] =	ssyncset.done $0x0  }
0x334: {  	[sflag:s7] =	ssyncadd.s32 $0xFFFFFF80  }
0x335: {  	_ =	swait.ge [sflag:s7], $0x80  }
0x336: {  	[sflag:s7] =	ssyncset.done $0x0  }
0x337: {  	[sflag:s7] =	ssyncadd.s32 $0xFFFFFF80  }
0x338: {  	_ =	swait.ge [sflag:s7], $0x80  }
0x339: {  	[sflag:s7] =	ssyncset.done $0x0  }
0x33a: {  	s26 =	simm.s32 $0xC00;
	[sflag:s7] =	ssyncadd.s32 $0xFFFFFF80  }
0x33b: {  	[spmem:s1] =	stream.indirect.scatter.add.f32 [tilespmem:s9], [sflag:$0x1], $0x1, s26, s8, $0xb8;
	[tilespmem:$0x1980] =	vst v63  }
0x33c: {  	_ = 	snop  }
0x33d: {  	[spmem:s1] =	stream.indirect.scatter.add.f32 [tilespmem:s9], [sflag:$0x1], $0x1, s2, s8, $0xb8;
	[tilespmem:$0x1980] =	vst v63  }
0x33e: {  	s28 =	simm.s32 $0xD00  }
0x33f: {  	[spmem:s1] =	stream.indirect.scatter.add.f32 [tilespmem:s9], [sflag:$0x1], $0x1, s28, s8, $0xb8;
	[tilespmem:$0x1980] =	vst v63  }
0x340: {  	s29 =	simm.s32 $0xD80  }
0x341: {  	[spmem:s1] =	stream.indirect.scatter.add.f32 [tilespmem:s9], [sflag:$0x1], $0x1, s29, s8, $0xb8;
	[tilespmem:$0x1980] =	vst v63  }
0x342: {  	_ =	swait.ge [sflag:s7], $0x80  }
0x343: {  	[sflag:s7] =	ssyncset.done $0x0  }
0x344: {  	[sflag:s7] =	ssyncadd.s32 $0xFFFFFF80  }
0x345: {  	_ =	swait.ge [sflag:s7], $0x80  }
0x346: {  	[sflag:s7] =	ssyncset.done $0x0  }
0x347: {  	[sflag:s7] =	ssyncadd.s32 $0xFFFFFF80  }
0x348: {  	_ =	swait.ge [sflag:s7], $0x80  }
0x349: {  	[sflag:s7] =	ssyncset.done $0x0  }
0x34a: {  	[sflag:s7] =	ssyncadd.s32 $0xFFFFFF80  }
0x34b: {  	_ =	swait.ge [sflag:s7], $0x80  }
0x34c: {  	[sflag:s7] =	ssyncset.done $0x0  }
0x34d: {  	s30 =	simm.s32 $0xE00;
	[sflag:s7] =	ssyncadd.s32 $0xFFFFFF80  }
0x34e: {  	[spmem:s1] =	stream.indirect.scatter.add.f32 [tilespmem:s9], [sflag:$0x1], $0x1, s30, s8, $0xb8;
	[tilespmem:$0x1980] =	vst v63  }
0x34f: {  	s31 =	simm.s32 $0xE80  }
0x350: {  	[spmem:s1] =	stream.indirect.scatter.add.f32 [tilespmem:s9], [sflag:$0x1], $0x1, s31, s8, $0xb8;
	[tilespmem:$0x1980] =	vst v63  }
0x351: {  	s26 =	simm.s32 $0xF00  }
0x352: {  	[spmem:s1] =	stream.indirect.scatter.add.f32 [tilespmem:s9], [sflag:$0x1], $0x1, s26, s8, $0xb8;
	[tilespmem:$0x1980] =	vst v63  }
0x353: {  	s28 =	simm.s32 $0xF80  }
0x354: {  	[spmem:s1] =	stream.indirect.scatter.add.f32 [tilespmem:s9], [sflag:$0x1], $0x1, s28, s8, $0xb8;
	[tilespmem:$0x1980] =	vst v63  }
0x355: {  	_ =	swait.ge [sflag:s7], $0x80  }
0x356: {  	[sflag:s7] =	ssyncset.done $0x0  }
0x357: {  	[sflag:s7] =	ssyncadd.s32 $0xFFFFFF80  }
0x358: {  	_ =	swait.ge [sflag:s7], $0x80  }
0x359: {  	[sflag:s7] =	ssyncset.done $0x0  }
0x35a: {  	[sflag:s7] =	ssyncadd.s32 $0xFFFFFF80  }
0x35b: {  	_ =	swait.ge [sflag:s7], $0x80  }
0x35c: {  	[sflag:s7] =	ssyncset.done $0x0  }
0x35d: {  	[sflag:s7] =	ssyncadd.s32 $0xFFFFFF80  }
0x35e: {  	_ =	swait.ge [sflag:s7], $0x80  }
0x35f: {  	[sflag:s7] =	ssyncset.done $0x0  }
0x360: {  	s29 =	simm.s32 $0x1000;
	[sflag:s7] =	ssyncadd.s32 $0xFFFFFF80  }
0x361: {  	[spmem:s1] =	stream.indirect.scatter.add.f32 [tilespmem:s9], [sflag:$0x1], $0x1, s29, s8, $0xb8;
	[tilespmem:$0x1980] =	vst v63  }
0x362: {  	s30 =	simm.s32 $0x1080  }
0x363: {  	[spmem:s1] =	stream.indirect.scatter.add.f32 [tilespmem:s9], [sflag:$0x1], $0x1, s30, s8, $0xb8;
	[tilespmem:$0x1980] =	vst v63  }
0x364: {  	s31 =	simm.s32 $0x1100  }
0x365: {  	[spmem:s1] =	stream.indirect.scatter.add.f32 [tilespmem:s9], [sflag:$0x1], $0x1, s31, s8, $0xb8;
	[tilespmem:$0x1980] =	vst v63  }
0x366: {  	s26 =	simm.s32 $0x1180  }
0x367: {  	[spmem:s1] =	stream.indirect.scatter.add.f32 [tilespmem:s9], [sflag:$0x1], $0x1, s26, s8, $0xb8;
	[tilespmem:$0x1980] =	vst v63  }
0x368: {  	_ =	swait.ge [sflag:s7], $0x80  }
0x369: {  	[sflag:s7] =	ssyncset.done $0x0  }
0x36a: {  	[sflag:s7] =	ssyncadd.s32 $0xFFFFFF80  }
0x36b: {  	_ =	swait.ge [sflag:s7], $0x80  }
0x36c: {  	[sflag:s7] =	ssyncset.done $0x0  }
0x36d: {  	[sflag:s7] =	ssyncadd.s32 $0xFFFFFF80  }
0x36e: {  	_ =	swait.ge [sflag:s7], $0x80  }
0x36f: {  	[sflag:s7] =	ssyncset.done $0x0  }
0x370: {  	[sflag:s7] =	ssyncadd.s32 $0xFFFFFF80  }
0x371: {  	_ =	swait.ge [sflag:s7], $0x80  }
0x372: {  	[sflag:s7] =	ssyncset.done $0x0  }
0x373: {  	s28 =	simm.s32 $0x1200;
	[sflag:s7] =	ssyncadd.s32 $0xFFFFFF80  }
0x374: {  	[spmem:s1] =	stream.indirect.scatter.add.f32 [tilespmem:s9], [sflag:$0x1], $0x1, s28, s8, $0xb8;
	[tilespmem:$0x1980] =	vst v63  }
0x375: {  	s29 =	simm.s32 $0x1280  }
0x376: {  	[spmem:s1] =	stream.indirect.scatter.add.f32 [tilespmem:s9], [sflag:$0x1], $0x1, s29, s8, $0xb8;
	[tilespmem:$0x1980] =	vst v63  }
0x377: {  	s30 =	simm.s32 $0x1300  }
0x378: {  	[spmem:s1] =	stream.indirect.scatter.add.f32 [tilespmem:s9], [sflag:$0x1], $0x1, s30, s8, $0xb8;
	[tilespmem:$0x1980] =	vst v63  }
0x379: {  	s31 =	simm.s32 $0x1380  }
0x37a: {  	[spmem:s1] =	stream.indirect.scatter.add.f32 [tilespmem:s9], [sflag:$0x1], $0x1, s31, s8, $0xb8;
	[tilespmem:$0x1980] =	vst v63  }
0x37b: {  	_ =	swait.ge [sflag:s7], $0x80  }
0x37c: {  	[sflag:s7] =	ssyncset.done $0x0  }
0x37d: {  	[sflag:s7] =	ssyncadd.s32 $0xFFFFFF80  }
0x37e: {  	_ =	swait.ge [sflag:s7], $0x80  }
0x37f: {  	[sflag:s7] =	ssyncset.done $0x0  }
0x380: {  	[sflag:s7] =	ssyncadd.s32 $0xFFFFFF80  }
0x381: {  	p0 =	sne.s32 s25, $0x1;
	_ =	swait.ge [sflag:s7], $0x80  }
.Ltmp1:
0x382: {  	[sflag:s7] =	ssyncset.done $0x0;
	(pc) =	sbr.rel @p0 .LBB2_2-.Ltmp1, $4  }
0x383: {  	[sflag:s7] =	ssyncadd.s32 $0xFFFFFF80  }
0x384: {  	_ =	swait.ge [sflag:s7], $0x80  }
0x385: {  	[sflag:s7] =	ssyncset.done $0x0  }
0x386: {  	s25 =	sadd.s32 $0xFFFFFFFF, s25;
	[sflag:s7] =	ssyncadd.s32 $0xFFFFFF80  }
.LBB2_3:
0x387: {  	[bflag:$0x0] =	sbarrier.arrive $0xFFFF  }
0x388: {  	s0 =	rddreg [dreg:$0x5]  }
0x389: {  	s6 =	stileid.u32;
	s1 =	rddreg [dreg:$0x7]  }
0x38a: {  	s3 =	sshll.u32 s6, $0x6;
	s5 =	rddreg [dreg:$0x9]  }
0x38b: {  	s2 =	rddreg [dreg:$0x6];
	s3 =	sor.u32 $0x1C02, s3;
	s5 =	sshrl.u32 s5, $0x3  }
0x38c: {  	[hbm:s0@s2], [sflag:s3] =	dma.strided [spmem:s5@s1], $0x50, s7, $0x10   }
0x38d: {  	_ =	swait.ge [sflag:s4], $0x50  }
0x38e: {  	[sflag:s4] =	ssyncset.done $0x0  }
0x38f: {  	[sflag:s4] =	ssyncadd.s32 $0xFFFFFFB0  }
0x390: {  	_ =	sfence.sel $0x180000  }
0x391: {  	[bflag:$0x0] =	sbarrier.arrive $0xFFFF  }
0x392: {  	_ =	strace $0x90000047  }
0x393: {  	[bflag:$0x2] =	sbarrier.arrive $0xFFFF  }
0x394: {  	p0 =	sne.s32 s6, $0x0;
	s0 =	rddreg [dreg:$0x3]  }
0x395: {  	s0 =	sadd.s32 @!p0 $0x100000, s0  }
0x396: {  	[sflag:s0] =	ssyncadd.tile.s32 @!p0 $0x1;
	_ =	shalt  }
.Lfunc_end2:
_tile_overlayer_lowered:
.L_overlay_start_2:
0x397: {  	(tag) =	ssettag $0x2  }
0x398: {  	s0 =	rddreg [dreg:$0x0];
	s2 =	stileid.u32  }
0x399: {  	s1 =	rddreg [dreg:$0x1];
	p0 =	sne.s32 s2, $0x0  }
0x39a: {  	s3 =	rddreg [dreg:$0x2];
	[bflag:$0x3] =	sbarrier.arrive $0xFFFF;
	s2 =	simm.s32 @!p0 $0x1C02  }
0x39b: {  	[timem:s3], [sflag:s2] =	dma.local @!p0 [hbm:s0], s1  }
0x39c: {  	s0 =	simm.s32 @!p0 $0x2  }
0x39d: {  	_ =	swait.ge @!p0 [sflag:s0], s1  }
0x39e: {  	s1 =	ssub.s32 @!p0 $0x0, s1;
	[sflag:s0] =	ssyncset.done @!p0 $0x0  }
0x39f: {  	[sflag:s0] =	ssyncadd.s32 @!p0 s1  }
0x3a0: {  	[bflag:$0x3] =	sbarrier.arrive $0xFFFF  }
0x3a1: {  	_ =	shalt  }

// kernel: kernel.13.cloned.1.call-start
scs
__scs_entry_jumppad:
0x0: {  	(pc) =	sbr.rel $0x88, $3  }
0x1: {  	(tag) =	ssettag $0x0;
	lr =	simm.s32 $0x1  }
0x2: {  	[smem:$0x3F97] =	sst lr;
	_ =	strace $0xD0000000  }
0x3: {  	_ = 	snop  }
0x4: {  	_ = 	snop  }
0x5: {  	_ = 	snop  }
0x6: {  	_ = 	snop  }
0x7: {  	_ = 	snop  }
__scs_overlays_trampoline_lowered:
0x8: {  	[smem:$0x3FA6] =	sst s0  }
0x9: {  	[smem:$0x3FA7] =	sst s1  }
0xa: {  	[smem:$0x3FA8] =	sst s2  }
0xb: {  	[smem:$0x3FA9] =	sst s3  }
0xc: {  	[smem:$0x3FAA] =	sst s4  }
0xd: {  	[smem:$0x3FAB] =	sst s5  }
0xe: {  	[smem:$0x3FAC] =	sst s6  }
0xf: {  	[smem:$0x3FAD] =	sst s7  }
0x10: {  	[smem:$0x3FAE] =	sst s8  }
0x11: {  	[smem:$0x3FAF] =	sst s9;
	s0 =	simm.s32 @!p0 $0x0  }
0x12: {  	s1 =	sld [smem:$0x3F95];
	s0 =	simm.s32 @p0 $0x1  }
0x13: {  	[smem:$0x3FB0] =	sst s0;
	s0 =	simm.s32 @!p1 $0x0  }
0x14: {  	s2 =	sld [smem:$0x3F94];
	s0 =	simm.s32 @p1 $0x1  }
0x15: {  	[smem:$0x3FB1] =	sst s0;
	s0 =	simm.s32 @!p2 $0x0  }
0x16: {  	s3 =	sld [smem:$0x3FDB];
	s0 =	simm.s32 @p2 $0x1  }
0x17: {  	s4 =	simm.s32 $0x1BF5;
	[smem:$0x3FB3] =	sst s0  }
0x18: {  	s0 =	sld [smem:$0x3F96];
	_ =	swait.ge [sflag:s4], $0x0  }
0x19: {  	s7 =	sld [smem:$0x3F97]  }
0x1a: {  	s8 =	sadd.s32 $0xFFFFE003, lr  }
0x1b: {  	s9 =	sadd.s32 $0xFFFFFEF7, lr;
	s5 =	simm.s32 $0xFFFFFFFF;
	p2 =	slt.u32 s8, $0xFFFFF086  }
0x1c: {  	p1 =	slt.u32 s9, $0xF7A;
	s5 =	simm.s32 @!p2 $0x0  }
0x1d: {  	s5 =	simm.s32 @p1 $0x1;
	p0 =	seq.s32 s7, s2  }
0x1e: {  	s7 =	smul.u32 @!p0 $0xF7A, s2;
	p2 =	seq.s32 @!p0 s5, $0x0  }
0x1f: {  	s9 =	smul.u32 $0xF7A, s1;
	s8 =	simm.s32 @!p0 $0x1BF5;
	p2 =	por !p2, p0  }
0x20: {  	[sflag:s8] =	ssyncset.s32 @!p0 $0xFFFFF086;
	s6 =	sadd.s32 @!p0 s3, s7;
	s7 =	simm.s32 @!p0 $0x108  }
0x21: {  	s3 =	sadd.s32 s3, s9;
	s6 =	sadd.s32 @!p0 $0x88, s6;
	s7 =	simm.s32 @p2 $0x1082  }
0x22: {  	[simem:s7], [sflag:s8] =	dma.local @!p0 [hbm:s6], $0xF7A  }
0x23: {  	s9 =	sor.u32 $0xD0000000, s2;
	s6 =	simm.s32 $0x108;
	_ =	swait.ge @!p0 [sflag:s8], $0x0  }
0x24: {  	s3 =	sadd.s32 $0x88, s3;
	s6 =	simm.s32 @!p1 $0x1082;
	[sflag:s4] =	ssyncset.s32 $0xFFFFF086  }
0x25: {  	[simem:s6], [sflag:s4] =	dma.local [hbm:s3], $0xF7A  }
0x26: {  	[smem:$0x3F97] =	sst s1;
	(tag) =	ssettag s2;
	_ =	strace s9  }
0x27: {  	s1 =	sld [smem:$0x3FA7]  }
0x28: {  	s2 =	sld [smem:$0x3FA8]  }
0x29: {  	s4 =	sld [smem:$0x3FAA]  }
0x2a: {  	p0 =	seq.s32 s5, $0x0;
	s5 =	sld [smem:$0x3FAB]  }
0x2b: {  	s6 =	sld [smem:$0x3FAC]  }
0x2c: {  	s7 =	sld [smem:$0x3FAD]  }
0x2d: {  	s3 =	simm.s32 $0x108;
	s8 =	sld [smem:$0x3FAE]  }
0x2e: {  	s3 =	simm.s32 @!p0 $0x1082;
	s9 =	sld [smem:$0x3FAF]  }
0x2f: {  	lr =	sadd.s32 s0, s3;
	s0 =	sld [smem:$0x3FA6]  }
0x30: {  	s3 =	sld [smem:$0x3FA9]  }
0x31: {  	[smem:$0x3FB2] =	sst s10  }
0x32: {  	s10 =	sld [smem:$0x3FB0];
	_ =	sdelay $0x3  }
0x33: {  	p0 =	seq.s32 s10, $0x1;
	s10 =	sld [smem:$0x3FB2];
	_ =	sdelay $0x3  }
0x34: {  	[smem:$0x3FB2] =	sst s10  }
0x35: {  	s10 =	sld [smem:$0x3FB1];
	_ =	sdelay $0x3  }
0x36: {  	p1 =	seq.s32 s10, $0x1;
	s10 =	sld [smem:$0x3FB2];
	_ =	sdelay $0x3  }
0x37: {  	[smem:$0x3FB2] =	sst s10  }
0x38: {  	s10 =	sld [smem:$0x3FB3]  }
0x39: {  	_ = 	snop;
	(pc) =	sbr.ind lr, $3  }
0x3a: {  	_ = 	snop  }
0x3b: {  	_ = 	snop  }
0x3c: {  	p2 =	seq.s32 s10, $0x1;
	s10 =	sld [smem:$0x3FB2]  }
0x3d: {  	_ =	shalt  }
0x3e: {  	_ =	shalt  }
0x3f: {  	_ =	shalt  }
0x40: {  	_ =	shalt  }
0x41: {  	_ =	shalt  }
0x42: {  	_ =	shalt  }
0x43: {  	_ =	shalt  }
0x44: {  	_ =	shalt  }
0x45: {  	_ =	shalt  }
0x46: {  	_ =	shalt  }
0x47: {  	_ =	shalt  }
0x48: {  	_ =	shalt  }
0x49: {  	_ =	shalt  }
0x4a: {  	_ =	shalt  }
0x4b: {  	_ =	shalt  }
0x4c: {  	_ =	shalt  }
0x4d: {  	_ =	shalt  }
0x4e: {  	_ =	shalt  }
0x4f: {  	_ =	shalt  }
0x50: {  	_ =	shalt  }
0x51: {  	_ =	shalt  }
0x52: {  	_ =	shalt  }
0x53: {  	_ =	shalt  }
0x54: {  	_ =	shalt  }
0x55: {  	_ =	shalt  }
0x56: {  	_ =	shalt  }
0x57: {  	_ =	shalt  }
0x58: {  	_ =	shalt  }
0x59: {  	_ =	shalt  }
0x5a: {  	_ =	shalt  }
0x5b: {  	_ =	shalt  }
0x5c: {  	_ =	shalt  }
0x5d: {  	_ =	shalt  }
0x5e: {  	_ =	shalt  }
0x5f: {  	_ =	shalt  }
0x60: {  	_ =	shalt  }
0x61: {  	_ =	shalt  }
0x62: {  	_ =	shalt  }
0x63: {  	_ =	shalt  }
0x64: {  	_ =	shalt  }
0x65: {  	_ =	shalt  }
0x66: {  	_ =	shalt  }
0x67: {  	_ =	shalt  }
0x68: {  	_ =	shalt  }
0x69: {  	_ =	shalt  }
0x6a: {  	_ =	shalt  }
0x6b: {  	_ =	shalt  }
0x6c: {  	_ =	shalt  }
0x6d: {  	_ =	shalt  }
0x6e: {  	_ =	shalt  }
0x6f: {  	_ =	shalt  }
0x70: {  	_ =	shalt  }
0x71: {  	_ =	shalt  }
0x72: {  	_ =	shalt  }
0x73: {  	_ =	shalt  }
0x74: {  	_ =	shalt  }
0x75: {  	_ =	shalt  }
0x76: {  	_ =	shalt  }
0x77: {  	_ =	shalt  }
0x78: {  	_ =	shalt  }
0x79: {  	_ =	shalt  }
0x7a: {  	_ =	shalt  }
0x7b: {  	_ =	shalt  }
0x7c: {  	_ =	shalt  }
0x7d: {  	_ =	shalt  }
0x7e: {  	_ =	shalt  }
0x7f: {  	_ =	shalt  }
0x80: {  	_ =	shalt  }
0x81: {  	_ =	shalt  }
0x82: {  	_ =	shalt  }
0x83: {  	_ =	shalt  }
0x84: {  	_ =	shalt  }
0x85: {  	_ =	shalt  }
0x86: {  	_ =	shalt  }
0x87: {  	_ =	shalt  }
.Lfunc_end0:
.L_simem_size_0:
called_computation.1_lowered:
.L_overlay_start_0:
0x88: {  	s2 =	sld [smem:$0x3FD9]  }
0x89: {  	s3 =	sld [smem:$0x3FFE];
	_ =	sdelay $0x1  }
0x8a: {  	s1 =	srdreg.scid  }
0x8b: {  	s0 =	sand.u32 $0x1, s1  }
0x8c: {  	s16 =	sshll.u32 s0, $0xA;
	s2 =	sadd.s32 s3, s2  }
0x8d: {  	s2 =	sadd.s32 s2, s16  }
0x8e: {  	[smem:$0x3FBE] =	sst s2  }
0x8f: {  	_ = 	snop  }
0x90: {  	(tm) =	ssettm $0x1  }
0x91: {  	s17 =	sld [smem:$0x3FFB];
	_ =	sdelay $0x3  }
0x92: {  	_ =	strace s17  }
0x93: {  	s2 =	sld [smem:$0x3FFC];
	_ =	sdelay $0x3  }
0x94: {  	_ =	strace s2  }
0x95: {  	s2 =	sld [smem:$0x3FFD];
	_ =	sdelay $0x3  }
0x96: {  	_ =	strace s2  }
0x97: {  	_ =	strace $0x8FFFFFFF  }
0x98: {  	s18 =	sld [smem:$0x3FDB];
	_ =	sdelay $0x1  }
0x99: {  	s19 =	simm.s32 $_scs_section_size  }
0x9a: {  	s4 =	simm.s32 $_size__tile_overlayer_lowered;
	s5 =	simm.s32 $_tile_overlayer_lowered  }
0x9b: {  	s22 =	simm.s32 $0x1BFF;
	s21 =	sshll.u32 s5, $0x1;
	s2 =	sadd.s32 s19, s18  }
0x9c: {  	s6 =	simm.s32 $0x0;
	s20 =	sshll.u32 s4, $0x1;
	s4 =	sadd.s32 s21, s2  }
0x9d: {  	[timem:s6], [sflag:s22] =	dma.local [hbm:s4], s20  }
0x9e: {  	_ =	swait.ge [sflag:s22], s20  }
0x9f: {  	s3 =	ssub.s32 $0x0, s20;
	[sflag:s22] =	ssyncset.done $0x0  }
0xa0: {  	[sflag:s22] =	ssyncadd.s32 s3;
	_ =	sdelay $0x1  }
0xa1: {  	s23 =	simm.s32 $0x1B8B  }
0xa2: {  	_ =	swait.ge [sflag:s23], $0x1  }
0xa3: {  	[sflag:s23] =	ssyncset.done $0x0  }
0xa4: {  	s25 =	simm.s32 $0x1B8E;
	s24 =	sld [smem:$0x3FFE];
	[sflag:s23] =	ssyncadd.s32 $0xFFFFFFFF  }
0xa5: {  	s26 =	simm.s32 $execute0_lowered;
	[smem:$0x3FD2] =	sst s25  }
0xa6: {  	s4 =	sshll.u32 s26, $0x1;
	_ =	strace $0x80000049;
	[dreg:$0x1] =	wrdreg $0xFFFFFFFF  }
0xa7: {  	s28 =	simm.s32 $_size_execute0_lowered;
	s2 =	sadd.s32 s2, s4;
	[dreg:$0x0] =	wrdreg $0x0  }
0xa8: {  	s4 =	sshll.u32 s28, $0x1;
	[dreg:$0x2] =	wrdreg s2  }
0xa9: {  	[dreg:$0x3] =	wrdreg s4  }
0xaa: {  	[dreg:$0x4] =	wrdreg $0xC0  }
0xab: {  	_ =	task [dreg:s6], $0x5FFFF  }
0xac: {  	[dreg:$0x1] =	wrdreg $0xFFFFFFFF  }
0xad: {  	[dreg:$0x0] =	wrdreg $0x60  }
0xae: {  	[dreg:$0x2] =	wrdreg s24  }
0xaf: {  	[dreg:$0x3] =	wrdreg $0xA8000  }
0xb0: {  	[dreg:$0x4] =	wrdreg $0x9  }
0xb1: {  	_ =	task.clear_ibuf [dreg:s6], $0x5FFFF;
	_ =	strace $0x90000049  }
0xb2: {  	s29 =	simm.s32 $0x9;
	_ =	strace $0x8000004B  }
0xb3: {  	_ =	swait.ge [sflag:s29], $0x1  }
0xb4: {  	[sflag:s29] =	ssyncadd.s32 $0xFFFFFFFF  }
0xb5: {  	_ =	strace $0x9000004B  }
0xb6: {  	_ =	sfence  }
0xb7: {  	s30 =	sld [smem:$0x0];
	_ =	sdelay $0x2  }
0xb8: {  	s31 =	sshll.u32 s1, $0xD;
	s1 =	sshrl.u32 s1, $0x2  }
0xb9: {  	s3 =	sand.u32 $0x4000, s31;
	s1 =	sadd.s32 s1, s30  }
0xba: {  	s0 =	sor.u32 s3, s0;
	s1 =	sshll.u32 s1, $0x11  }
0xbb: {  	s0 =	sor.u32 s1, s0  }
0xbc: {  	s0 =	sadd.s32 $0x8F2B, s0  }
0xbd: {  	[sflag:s0] =	ssyncadd.remote.s32 $0x1  }
0xbe: {  	_ =	sfence.sel $0xFFFF  }
0xbf: {  	[dreg:$0x0] =	wrdreg $0xFFFFFFFF;
	(pc) =	sbr.abs _section_cstart, $3  }
0xc0: {  	[dreg:$0x1] =	wrdreg $0xFFFFFFFF  }
0xc1: {  	_ =	task.clear_ibuf [dreg:s6], $0x2FFFF;
	_ =	strace $0x9FFFFFFF  }
0xc2: {  	(tm) =	ssettm $0x7FFFFFFF  }
0xc3: {  	_ =	shalt  }
tec
execute0_lowered:
.L_overlay_start_1:
0x0: {  	(tag) =	ssettag $0x1  }
0x1: {  	s0 =	rddreg [dreg:$0x0];
	s1 =	srdreg.scid  }
0x2: {  	s23 =	stileid.u32;
	s2 =	rddreg [dreg:$0x1]  }
0x3: {  	s3 =	simm.s32 $0x0;
	s15 =	simm.s32 $0x1400;
	s16 =	simm.s32 $0x80  }
0x4: {  	s17 =	simm.s32 $0x2800;
	s18 =	simm.s32 $0x6800;
	s28 =	simm.s32 $0x2  }
0x5: {  	s29 =	simm.s32 $0x2700;
	s30 =	simm.s32 $0x2780;
	s31 =	simm.s32 $0x0  }
0x6: {  	s1 =	sand.u32 $0x1, s1;
	s4 =	sshll.u32 s23, $0x1;
	s24 =	smul.u32 $0x2800, s23  }
0x7: {  	[smem:$0x7FF] =	sst s3;
	s25 =	smul.u32 $0x50000, s23;
	p1 =	sne.s32 s23, $0xF  }
0x8: {  	p2 =	seq.s32 s23, $0xF;
	s9 =	sadd.s32 $0x3CE00, s0;
	s10 =	sadd.s32 $0x65900, s0  }
0x9: {  	s4 =	sor.u32 s1, s4;
	_ =	strace $0x8000004A;
	s6 =	smul.u32 $0x28000, s1  }
0xa: {  	s7 =	ssub.s32 $0x2, s1;
	p0 =	seq.s32 s1, $0x0;
	s4 =	smul.u32 $0x2800, s4  }
0xb: {  	s21 =	sshrl.u32 s7, $0x1;
	s8 =	sadd.s32 s24, s0;
	p1 =	por !p0, !p1  }
0xc: {  	p2 =	por !p0, !p2;
	s13 =	sadd.s32 s6, s0;
	s14 =	ssub.s32 s7, s21  }
0xd: {  	s7 =	sshrl.u32 s25, $0x2;
	p0 =	por !p1, !p1;
	p2 =	por !p2, !p2  }
0xe: {  	s8 =	sadd.s32 $0x3E800, s8;
	s21 =	sadd.s32 $0x12C000, s2;
	s5 =	sshrl.u32 s4, $0x3  }
0xf: {  	s4 =	sadd.s32 $0x17600, s0;
	s7 =	sadd.s32 s7, s2;
	p1 =	por p2, p0  }
0x10: {  	s26 =	sadd.s32 $0x66800, s13;
	s13 =	smax.u32 s14, $0x1;
	s14 =	simm.s32 $0x3  }
0x11: {  	s12 =	sadd.s32 s5, s0;
	s11 =	sadd.s32 s4, s24;
	p1 =	seq.s32 @!p1 s1, $0x0  }
0x12: {  	s24 =	sadd.s32 s24, s26;
	s25 =	sshrl.u32 @p0 s7, $0x3;
	s26 =	simm.s32 $0x1  }
0x13: {  	s22 =	sadd.s32 $0x3600, s12;
	s6 =	sadd.s32 $0xD600, s12;
	p1 =	por @!p0 p1, p2  }
0x14: {  	s12 =	sadd.s32 $0x3880, s12;
	p2 =	por !p2, p0;
	p1 =	por p1, p0  }
0x15: {  	[dreg:$0x3] =	wrdreg s22;
	s22 =	sadd.s32 $0x138800, s2;
	s1 =	sshll.u32 @!p1 s23, $0x6  }
0x16: {  	s21 =	sshrl.u32 @!p2 s21, $0x3;
	s19 =	sor.u32 @!p1 $0x1C03, s1;
	s1 =	sshll.u32 @p0 s23, $0x6  }
0x17: {  	s20 =	sshrl.u32 @!p1 s7, $0x3;
	s22 =	sshrl.u32 @!p2 s22, $0x3;
	s23 =	sor.u32 @p0 $0x1C03, s1  }
.LBB2_1:
0x18: {  	s0 =	rddreg [dreg:$0x3]  }
0x19: {  	[tilespmem:s3], [sflag:$0x3] =	stream.linear.gather [hbm4b:s0+s3], $0x1400, $0x38;
	[tilespmem:$0x1E800] =	vst v63  }
0x1a: {  	_ =	swait.ge [sflag:s14], $0x1400  }
0x1b: {  	[sflag:s14] =	ssyncset.done $0x0  }
0x1c: {  	[sflag:s14] =	ssyncadd.s32 $0xFFFFEC00  }
0x1d: {  	[tilespmem:s15], [sflag:$0x3] =	stream.linear.gather [hbm4b:s6+s3], $0x1400, $0x38;
	[tilespmem:$0x1E800] =	vst v63  }
0x1e: {  	_ =	swait.ge [sflag:s14], $0x1400  }
0x1f: {  	[sflag:s14] =	ssyncset.done $0x0  }
0x20: {  	[sflag:s14] =	ssyncadd.s32 $0xFFFFEC00  }
0x21: {  	[tilespmem:s17], [sflag:$0x1] =	stream.indirect.gather [hbm4b:s4+s16], $0x80, s3, s16, $0xb8;
	[tilespmem:$0x1E800] =	vst v63  }
0x22: {  	s0 =	simm.s32 @!p1 $0x3  }
0x23: {  	[tilespmem:s18], [sflag:$0x2] =	stream.indirect.gather [hbm4b:s4+s16], $0x80, s16, s16, $0xb8;
	[tilespmem:$0x1E800] =	vst v63  }
0x24: {  	[spmem:s20], [sflag:s19] =	dma.local @!p1 [hbm:s8], $0x2800  }
0x25: {  	_ =	swait.ge @!p1 [sflag:s0], $0x2800  }
0x26: {  	[sflag:s0] =	ssyncset.done @!p1 $0x0  }
0x27: {  	s1 =	simm.s32 @!p2 $0x3;
	[sflag:s0] =	ssyncadd.s32 @!p1 $0xFFFFD800;
	s0 =	simm.s32 @!p2 $0x1FC3  }
0x28: {  	[spmem:s21], [sflag:s0] =	dma.local @!p2 [hbm:s9], $0x1900  }
0x29: {  	_ =	swait.ge @!p2 [sflag:s1], $0x1900  }
0x2a: {  	[sflag:s1] =	ssyncset.done @!p2 $0x0  }
0x2b: {  	[sflag:s1] =	ssyncadd.s32 @!p2 $0xFFFFE700  }
0x2c: {  	[spmem:s22], [sflag:s0] =	dma.local @!p2 [hbm:s10], $0xF00  }
0x2d: {  	_ =	swait.ge @!p2 [sflag:s1], $0xF00  }
0x2e: {  	[sflag:s1] =	ssyncset.done @!p2 $0x0  }
0x2f: {  	s0 =	simm.s32 @p0 $0x3;
	[sflag:s1] =	ssyncadd.s32 @!p2 $0xFFFFF100  }
0x30: {  	[spmem:s25], [sflag:s23] =	dma.local @p0 [hbm:s11], $0x2800  }
0x31: {  	_ =	swait.ge @p0 [sflag:s0], $0x2800  }
0x32: {  	[sflag:s0] =	ssyncset.done @p0 $0x0  }
0x33: {  	[sflag:s0] =	ssyncadd.s32 @p0 $0xFFFFD800  }
0x34: {  	[bflag:$0x0] =	sbarrier.arrive $0xFFFF  }
0x35: {  	_ =	swait.ge [sflag:s26], $0x4000  }
0x36: {  	[sflag:s26] =	ssyncset.done $0x0  }
0x37: {  	s5 =	simm.s32 $0x1400;
	[sflag:s26] =	ssyncadd.s32 $0xFFFFC000  }
0x38: {  	[spmem:s2] =	stream.indirect.scatter.add.f32 [tilespmem:s17], [sflag:$0x3], $0x80, s5, s16, $0xb8;
	[tilespmem:$0x1E800] =	vst v63  }
0x39: {  	_ =	swait.ge [sflag:s14], $0x4000  }
0x3a: {  	[sflag:s14] =	ssyncset.done $0x0  }
0x3b: {  	s1 =	simm.s32 $0x100;
	[sflag:s14] =	ssyncadd.s32 $0xFFFFC000  }
0x3c: {  	[tilespmem:s17], [sflag:$0x1] =	stream.indirect.gather [hbm4b:s4+s16], $0x80, s1, s16, $0xb8;
	[tilespmem:$0x1E800] =	vst v63  }
0x3d: {  	_ =	swait.ge [sflag:s28], $0x4000  }
0x3e: {  	[sflag:s28] =	ssyncset.done $0x0  }
0x3f: {  	s5 =	simm.s32 $0x1480;
	[sflag:s28] =	ssyncadd.s32 $0xFFFFC000  }
0x40: {  	[spmem:s2] =	stream.indirect.scatter.add.f32 [tilespmem:s18], [sflag:$0x3], $0x80, s5, s16, $0xb8;
	[tilespmem:$0x1E800] =	vst v63  }
0x41: {  	_ =	swait.ge [sflag:s14], $0x4000  }
0x42: {  	[sflag:s14] =	ssyncset.done $0x0  }
0x43: {  	s0 =	simm.s32 $0x180;
	s1 =	simm.s32 $0x400;
	[sflag:s14] =	ssyncadd.s32 $0xFFFFC000  }
.LBB2_2:
0x44: {  	[tilespmem:s18], [sflag:$0x2] =	stream.indirect.gather [hbm4b:s4+s16], $0x80, s0, s16, $0xb8;
	[tilespmem:$0x1E800] =	vst v63  }
0x45: {  	s0 =	smov.u32 s1  }
0x46: {  	p3 =	sne.s32 s1, $0x4800;
	s1 =	sadd.s32 $0x400, s1;
	_ =	swait.ge [sflag:s26], $0x4000  }
0x47: {  	s0 =	sshra.s32 s0, $0x2;
	[sflag:s26] =	ssyncset.done $0x0  }
0x48: {  	s5 =	sadd.s32 $0x1400, s0;
	[sflag:s26] =	ssyncadd.s32 $0xFFFFC000  }
0x49: {  	[spmem:s2] =	stream.indirect.scatter.add.f32 [tilespmem:s17], [sflag:$0x3], $0x80, s5, s16, $0xb8;
	[tilespmem:$0x1E800] =	vst v63  }
0x4a: {  	_ =	swait.ge [sflag:s14], $0x4000  }
0x4b: {  	[sflag:s14] =	ssyncset.done $0x0  }
0x4c: {  	s5 =	sadd.s32 $0x100, s0;
	[sflag:s14] =	ssyncadd.s32 $0xFFFFC000  }
0x4d: {  	[tilespmem:s17], [sflag:$0x1] =	stream.indirect.gather [hbm4b:s4+s16], $0x80, s5, s16, $0xb8;
	[tilespmem:$0x1E800] =	vst v63  }
0x4e: {  	_ =	swait.ge [sflag:s28], $0x4000  }
0x4f: {  	[sflag:s28] =	ssyncset.done $0x0  }
.Ltmp0:
0x50: {  	s5 =	sadd.s32 $0x1480, s0;
	[sflag:s28] =	ssyncadd.s32 $0xFFFFC000;
	(pc) =	sbr.rel @p3 .LBB2_2-.Ltmp0, $4  }
0x51: {  	[spmem:s2] =	stream.indirect.scatter.add.f32 [tilespmem:s18], [sflag:$0x3], $0x80, s5, s16, $0xb8;
	[tilespmem:$0x1E800] =	vst v63  }
0x52: {  	_ =	swait.ge [sflag:s14], $0x4000  }
0x53: {  	[sflag:s14] =	ssyncset.done $0x0  }
0x54: {  	s0 =	sadd.s32 $0x180, s0;
	[sflag:s14] =	ssyncadd.s32 $0xFFFFC000  }
0x55: {  	[tilespmem:s18], [sflag:$0x2] =	stream.indirect.gather [hbm4b:s4+s16], $0x80, s0, s16, $0xb8;
	[tilespmem:$0x1E800] =	vst v63  }
0x56: {  	_ =	swait.ge [sflag:s26], $0x4000  }
0x57: {  	[sflag:s26] =	ssyncset.done $0x0  }
0x58: {  	[sflag:s26] =	ssyncadd.s32 $0xFFFFC000  }
0x59: {  	[spmem:s2] =	stream.indirect.scatter.add.f32 [tilespmem:s17], [sflag:$0x3], $0x80, s29, s16, $0xb8;
	[tilespmem:$0x1E800] =	vst v63  }
0x5a: {  	_ =	swait.ge [sflag:s14], $0x4000  }
0x5b: {  	[sflag:s14] =	ssyncset.done $0x0  }
0x5c: {  	[sflag:s14] =	ssyncadd.s32 $0xFFFFC000  }
0x5d: {  	_ =	swait.ge [sflag:s28], $0x4000  }
0x5e: {  	[sflag:s28] =	ssyncset.done $0x0  }
0x5f: {  	[sflag:s28] =	ssyncadd.s32 $0xFFFFC000  }
0x60: {  	[spmem:s2] =	stream.indirect.scatter.add.f32 [tilespmem:s18], [sflag:$0x3], $0x80, s30, s16, $0xb8;
	[tilespmem:$0x1E800] =	vst v63  }
0x61: {  	_ =	swait.ge [sflag:s14], $0x4000  }
0x62: {  	[sflag:s14] =	ssyncset.done $0x0  }
0x63: {  	s5 =	simm.s32 $0x0;
	[sflag:s14] =	ssyncadd.s32 $0xFFFFC000  }
0x64: {  	[tilespmem:s5], [sflag:$0x3] =	stream.linear.gather [hbm4b:s12+s5], $0x1400, $0x38;
	[tilespmem:$0x1E800] =	vst v63  }
0x65: {  	_ =	swait.ge [sflag:s14], $0x1400  }
0x66: {  	[sflag:s14] =	ssyncset.done $0x0  }
0x67: {  	s1 =	sadd.s32 $0x280, s6;
	[sflag:s14] =	ssyncadd.s32 $0xFFFFEC00  }
0x68: {  	[tilespmem:s15], [sflag:$0x3] =	stream.linear.gather [hbm4b:s1+s5], $0x1400, $0x38;
	[tilespmem:$0x1E800] =	vst v63  }
0x69: {  	_ =	swait.ge [sflag:s14], $0x1400  }
0x6a: {  	[sflag:s14] =	ssyncset.done $0x0  }
0x6b: {  	[sflag:s14] =	ssyncadd.s32 $0xFFFFEC00  }
0x6c: {  	[tilespmem:s17], [sflag:$0x1] =	stream.indirect.gather [hbm4b:s4+s16], $0x80, s5, s16, $0xb8;
	[tilespmem:$0x1E800] =	vst v63  }
0x6d: {  	_ = 	snop  }
0x6e: {  	[tilespmem:s18], [sflag:$0x2] =	stream.indirect.gather [hbm4b:s4+s16], $0x80, s16, s16, $0xb8;
	[tilespmem:$0x1E800] =	vst v63  }
0x6f: {  	_ =	swait.ge [sflag:s26], $0x4000  }
0x70: {  	[sflag:s26] =	ssyncset.done $0x0  }
0x71: {  	s5 =	simm.s32 $0x1400;
	[sflag:s26] =	ssyncadd.s32 $0xFFFFC000  }
0x72: {  	[spmem:s2] =	stream.indirect.scatter.add.f32 [tilespmem:s17], [sflag:$0x3], $0x80, s5, s16, $0xb8;
	[tilespmem:$0x1E800] =	vst v63  }
0x73: {  	_ =	swait.ge [sflag:s14], $0x4000  }
0x74: {  	[sflag:s14] =	ssyncset.done $0x0  }
0x75: {  	s1 =	simm.s32 $0x100;
	[sflag:s14] =	ssyncadd.s32 $0xFFFFC000  }
0x76: {  	[tilespmem:s17], [sflag:$0x1] =	stream.indirect.gather [hbm4b:s4+s16], $0x80, s1, s16, $0xb8;
	[tilespmem:$0x1E800] =	vst v63  }
0x77: {  	_ =	swait.ge [sflag:s28], $0x4000  }
0x78: {  	[sflag:s28] =	ssyncset.done $0x0  }
0x79: {  	s5 =	simm.s32 $0x1480;
	[sflag:s28] =	ssyncadd.s32 $0xFFFFC000  }
0x7a: {  	[spmem:s2] =	stream.indirect.scatter.add.f32 [tilespmem:s18], [sflag:$0x3], $0x80, s5, s16, $0xb8;
	[tilespmem:$0x1E800] =	vst v63  }
0x7b: {  	_ =	swait.ge [sflag:s14], $0x4000  }
0x7c: {  	[sflag:s14] =	ssyncset.done $0x0  }
0x7d: {  	s0 =	simm.s32 $0x180;
	s1 =	simm.s32 $0x400;
	[sflag:s14] =	ssyncadd.s32 $0xFFFFC000  }
.LBB2_4:
0x7e: {  	[tilespmem:s18], [sflag:$0x2] =	stream.indirect.gather [hbm4b:s4+s16], $0x80, s0, s16, $0xb8;
	[tilespmem:$0x1E800] =	vst v63  }
0x7f: {  	s0 =	smov.u32 s1  }
0x80: {  	p3 =	sne.s32 s1, $0x4800;
	s1 =	sadd.s32 $0x400, s1;
	_ =	swait.ge [sflag:s26], $0x4000  }
0x81: {  	s0 =	sshra.s32 s0, $0x2;
	[sflag:s26] =	ssyncset.done $0x0  }
0x82: {  	s5 =	sadd.s32 $0x1400, s0;
	[sflag:s26] =	ssyncadd.s32 $0xFFFFC000  }
0x83: {  	[spmem:s2] =	stream.indirect.scatter.add.f32 [tilespmem:s17], [sflag:$0x3], $0x80, s5, s16, $0xb8;
	[tilespmem:$0x1E800] =	vst v63  }
0x84: {  	_ =	swait.ge [sflag:s14], $0x4000  }
0x85: {  	[sflag:s14] =	ssyncset.done $0x0  }
0x86: {  	s5 =	sadd.s32 $0x100, s0;
	[sflag:s14] =	ssyncadd.s32 $0xFFFFC000  }
0x87: {  	[tilespmem:s17], [sflag:$0x1] =	stream.indirect.gather [hbm4b:s4+s16], $0x80, s5, s16, $0xb8;
	[tilespmem:$0x1E800] =	vst v63  }
0x88: {  	_ =	swait.ge [sflag:s28], $0x4000  }
0x89: {  	[sflag:s28] =	ssyncset.done $0x0  }
.Ltmp1:
0x8a: {  	s5 =	sadd.s32 $0x1480, s0;
	[sflag:s28] =	ssyncadd.s32 $0xFFFFC000;
	(pc) =	sbr.rel @p3 .LBB2_4-.Ltmp1, $4  }
0x8b: {  	[spmem:s2] =	stream.indirect.scatter.add.f32 [tilespmem:s18], [sflag:$0x3], $0x80, s5, s16, $0xb8;
	[tilespmem:$0x1E800] =	vst v63  }
0x8c: {  	_ =	swait.ge [sflag:s14], $0x4000  }
0x8d: {  	[sflag:s14] =	ssyncset.done $0x0  }
0x8e: {  	s0 =	sadd.s32 $0x180, s0;
	[sflag:s14] =	ssyncadd.s32 $0xFFFFC000  }
0x8f: {  	[tilespmem:s18], [sflag:$0x2] =	stream.indirect.gather [hbm4b:s4+s16], $0x80, s0, s16, $0xb8;
	[tilespmem:$0x1E800] =	vst v63  }
0x90: {  	_ =	swait.ge [sflag:s26], $0x4000  }
0x91: {  	[sflag:s26] =	ssyncset.done $0x0  }
0x92: {  	[sflag:s26] =	ssyncadd.s32 $0xFFFFC000  }
0x93: {  	[spmem:s2] =	stream.indirect.scatter.add.f32 [tilespmem:s17], [sflag:$0x3], $0x80, s29, s16, $0xb8;
	[tilespmem:$0x1E800] =	vst v63  }
0x94: {  	_ =	swait.ge [sflag:s14], $0x4000  }
0x95: {  	[sflag:s14] =	ssyncset.done $0x0  }
0x96: {  	[sflag:s14] =	ssyncadd.s32 $0xFFFFC000  }
0x97: {  	_ =	swait.ge [sflag:s28], $0x4000  }
0x98: {  	[sflag:s28] =	ssyncset.done $0x0  }
0x99: {  	[sflag:s28] =	ssyncadd.s32 $0xFFFFC000  }
0x9a: {  	[spmem:s2] =	stream.indirect.scatter.add.f32 [tilespmem:s18], [sflag:$0x3], $0x80, s30, s16, $0xb8;
	[tilespmem:$0x1E800] =	vst v63  }
0x9b: {  	s5 =	stileid.u32;
	_ =	swait.ge [sflag:s14], $0x4000  }
0x9c: {  	s1 =	sshrl.u32 s7, $0x3;
	s31 =	sadd.s32 $0x1, s31;
	[sflag:s14] =	ssyncset.done $0x0  }
0x9d: {  	s0 =	sshll.u32 s5, $0x6;
	p3 =	sne.s32 s31, s13;
	[sflag:s14] =	ssyncadd.s32 $0xFFFFC000  }
.Ltmp2:
0x9e: {  	s0 =	sor.u32 $0x1C03, s0;
	[bflag:$0x0] =	sbarrier.arrive $0xFFFF;
	(pc) =	sbr.rel @p3 .LBB2_1-.Ltmp2, $4  }
0x9f: {  	[hbm:s24], [sflag:s0] =	dma.local [spmem:s1], $0x2800  }
0xa0: {  	_ =	swait.ge [sflag:s14], $0x2800  }
0xa1: {  	[sflag:s14] =	ssyncset.done $0x0  }
0xa2: {  	[sflag:s14] =	ssyncadd.s32 $0xFFFFD800  }
0xa3: {  	_ =	sfence.sel $0x180000  }
0xa4: {  	[bflag:$0x0] =	sbarrier.arrive $0xFFFF  }
0xa5: {  	_ =	strace $0x9000004A  }
0xa6: {  	s0 =	stileid.u32;
	[bflag:$0x2] =	sbarrier.arrive $0xFFFF  }
0xa7: {  	p0 =	sne.s32 s0, $0x0;
	s0 =	rddreg [dreg:$0x2]  }
0xa8: {  	s0 =	sadd.s32 @!p0 $0x100000, s0  }
0xa9: {  	[sflag:s0] =	ssyncadd.tile.s32 @!p0 $0x1;
	_ =	shalt  }
.Lfunc_end2:
_tile_overlayer_lowered:
.L_overlay_start_2:
0xaa: {  	(tag) =	ssettag $0x2  }
0xab: {  	s0 =	rddreg [dreg:$0x0];
	s2 =	stileid.u32  }
0xac: {  	s1 =	rddreg [dreg:$0x1];
	p0 =	sne.s32 s2, $0x0  }
0xad: {  	s3 =	rddreg [dreg:$0x2];
	[bflag:$0x3] =	sbarrier.arrive $0xFFFF;
	s2 =	simm.s32 @!p0 $0x1C03  }
0xae: {  	[timem:s3], [sflag:s2] =	dma.local @!p0 [hbm:s0], s1  }
0xaf: {  	s0 =	simm.s32 @!p0 $0x3  }
0xb0: {  	_ =	swait.ge @!p0 [sflag:s0], s1  }
0xb1: {  	s1 =	ssub.s32 @!p0 $0x0, s1;
	[sflag:s0] =	ssyncset.done @!p0 $0x0  }
0xb2: {  	[sflag:s0] =	ssyncadd.s32 @!p0 s1  }
0xb3: {  	[bflag:$0x3] =	sbarrier.arrive $0xFFFF  }
0xb4: {  	_ =	shalt  }

// kernel: kernel.16.cloned.1.call-start
scs
__scs_entry_jumppad:
0x0: {  	(pc) =	sbr.rel $0x88, $3  }
0x1: {  	(tag) =	ssettag $0x0;
	lr =	simm.s32 $0x1  }
0x2: {  	[smem:$0x3F97] =	sst lr;
	_ =	strace $0xD0000000  }
0x3: {  	_ = 	snop  }
0x4: {  	_ = 	snop  }
0x5: {  	_ = 	snop  }
0x6: {  	_ = 	snop  }
0x7: {  	_ = 	snop  }
__scs_overlays_trampoline_lowered:
0x8: {  	[smem:$0x3FA6] =	sst s0  }
0x9: {  	[smem:$0x3FA7] =	sst s1  }
0xa: {  	[smem:$0x3FA8] =	sst s2  }
0xb: {  	[smem:$0x3FA9] =	sst s3  }
0xc: {  	[smem:$0x3FAA] =	sst s4  }
0xd: {  	[smem:$0x3FAB] =	sst s5  }
0xe: {  	[smem:$0x3FAC] =	sst s6  }
0xf: {  	[smem:$0x3FAD] =	sst s7  }
0x10: {  	[smem:$0x3FAE] =	sst s8  }
0x11: {  	[smem:$0x3FAF] =	sst s9;
	s0 =	simm.s32 @!p0 $0x0  }
0x12: {  	s1 =	sld [smem:$0x3F95];
	s0 =	simm.s32 @p0 $0x1  }
0x13: {  	[smem:$0x3FB0] =	sst s0;
	s0 =	simm.s32 @!p1 $0x0  }
0x14: {  	s2 =	sld [smem:$0x3F94];
	s0 =	simm.s32 @p1 $0x1  }
0x15: {  	[smem:$0x3FB1] =	sst s0;
	s0 =	simm.s32 @!p2 $0x0  }
0x16: {  	s3 =	sld [smem:$0x3FDB];
	s0 =	simm.s32 @p2 $0x1  }
0x17: {  	s4 =	simm.s32 $0x1BF5;
	[smem:$0x3FB3] =	sst s0  }
0x18: {  	s0 =	sld [smem:$0x3F96];
	_ =	swait.ge [sflag:s4], $0x0  }
0x19: {  	s7 =	sld [smem:$0x3F97]  }
0x1a: {  	s8 =	sadd.s32 $0xFFFFE003, lr  }
0x1b: {  	s9 =	sadd.s32 $0xFFFFFEF7, lr;
	s5 =	simm.s32 $0xFFFFFFFF;
	p2 =	slt.u32 s8, $0xFFFFF086  }
0x1c: {  	p1 =	slt.u32 s9, $0xF7A;
	s5 =	simm.s32 @!p2 $0x0  }
0x1d: {  	s5 =	simm.s32 @p1 $0x1;
	p0 =	seq.s32 s7, s2  }
0x1e: {  	s7 =	smul.u32 @!p0 $0xF7A, s2;
	p2 =	seq.s32 @!p0 s5, $0x0  }
0x1f: {  	s9 =	smul.u32 $0xF7A, s1;
	s8 =	simm.s32 @!p0 $0x1BF5;
	p2 =	por !p2, p0  }
0x20: {  	[sflag:s8] =	ssyncset.s32 @!p0 $0xFFFFF086;
	s6 =	sadd.s32 @!p0 s3, s7;
	s7 =	simm.s32 @!p0 $0x108  }
0x21: {  	s3 =	sadd.s32 s3, s9;
	s6 =	sadd.s32 @!p0 $0x88, s6;
	s7 =	simm.s32 @p2 $0x1082  }
0x22: {  	[simem:s7], [sflag:s8] =	dma.local @!p0 [hbm:s6], $0xF7A  }
0x23: {  	s9 =	sor.u32 $0xD0000000, s2;
	s6 =	simm.s32 $0x108;
	_ =	swait.ge @!p0 [sflag:s8], $0x0  }
0x24: {  	s3 =	sadd.s32 $0x88, s3;
	s6 =	simm.s32 @!p1 $0x1082;
	[sflag:s4] =	ssyncset.s32 $0xFFFFF086  }
0x25: {  	[simem:s6], [sflag:s4] =	dma.local [hbm:s3], $0xF7A  }
0x26: {  	[smem:$0x3F97] =	sst s1;
	(tag) =	ssettag s2;
	_ =	strace s9  }
0x27: {  	s1 =	sld [smem:$0x3FA7]  }
0x28: {  	s2 =	sld [smem:$0x3FA8]  }
0x29: {  	s4 =	sld [smem:$0x3FAA]  }
0x2a: {  	p0 =	seq.s32 s5, $0x0;
	s5 =	sld [smem:$0x3FAB]  }
0x2b: {  	s6 =	sld [smem:$0x3FAC]  }
0x2c: {  	s7 =	sld [smem:$0x3FAD]  }
0x2d: {  	s3 =	simm.s32 $0x108;
	s8 =	sld [smem:$0x3FAE]  }
0x2e: {  	s3 =	simm.s32 @!p0 $0x1082;
	s9 =	sld [smem:$0x3FAF]  }
0x2f: {  	lr =	sadd.s32 s0, s3;
	s0 =	sld [smem:$0x3FA6]  }
0x30: {  	s3 =	sld [smem:$0x3FA9]  }
0x31: {  	[smem:$0x3FB2] =	sst s10  }
0x32: {  	s10 =	sld [smem:$0x3FB0];
	_ =	sdelay $0x3  }
0x33: {  	p0 =	seq.s32 s10, $0x1;
	s10 =	sld [smem:$0x3FB2];
	_ =	sdelay $0x3  }
0x34: {  	[smem:$0x3FB2] =	sst s10  }
0x35: {  	s10 =	sld [smem:$0x3FB1];
	_ =	sdelay $0x3  }
0x36: {  	p1 =	seq.s32 s10, $0x1;
	s10 =	sld [smem:$0x3FB2];
	_ =	sdelay $0x3  }
0x37: {  	[smem:$0x3FB2] =	sst s10  }
0x38: {  	s10 =	sld [smem:$0x3FB3]  }
0x39: {  	_ = 	snop;
	(pc) =	sbr.ind lr, $3  }
0x3a: {  	_ = 	snop  }
0x3b: {  	_ = 	snop  }
0x3c: {  	p2 =	seq.s32 s10, $0x1;
	s10 =	sld [smem:$0x3FB2]  }
0x3d: {  	_ =	shalt  }
0x3e: {  	_ =	shalt  }
0x3f: {  	_ =	shalt  }
0x40: {  	_ =	shalt  }
0x41: {  	_ =	shalt  }
0x42: {  	_ =	shalt  }
0x43: {  	_ =	shalt  }
0x44: {  	_ =	shalt  }
0x45: {  	_ =	shalt  }
0x46: {  	_ =	shalt  }
0x47: {  	_ =	shalt  }
0x48: {  	_ =	shalt  }
0x49: {  	_ =	shalt  }
0x4a: {  	_ =	shalt  }
0x4b: {  	_ =	shalt  }
0x4c: {  	_ =	shalt  }
0x4d: {  	_ =	shalt  }
0x4e: {  	_ =	shalt  }
0x4f: {  	_ =	shalt  }
0x50: {  	_ =	shalt  }
0x51: {  	_ =	shalt  }
0x52: {  	_ =	shalt  }
0x53: {  	_ =	shalt  }
0x54: {  	_ =	shalt  }
0x55: {  	_ =	shalt  }
0x56: {  	_ =	shalt  }
0x57: {  	_ =	shalt  }
0x58: {  	_ =	shalt  }
0x59: {  	_ =	shalt  }
0x5a: {  	_ =	shalt  }
0x5b: {  	_ =	shalt  }
0x5c: {  	_ =	shalt  }
0x5d: {  	_ =	shalt  }
0x5e: {  	_ =	shalt  }
0x5f: {  	_ =	shalt  }
0x60: {  	_ =	shalt  }
0x61: {  	_ =	shalt  }
0x62: {  	_ =	shalt  }
0x63: {  	_ =	shalt  }
0x64: {  	_ =	shalt  }
0x65: {  	_ =	shalt  }
0x66: {  	_ =	shalt  }
0x67: {  	_ =	shalt  }
0x68: {  	_ =	shalt  }
0x69: {  	_ =	shalt  }
0x6a: {  	_ =	shalt  }
0x6b: {  	_ =	shalt  }
0x6c: {  	_ =	shalt  }
0x6d: {  	_ =	shalt  }
0x6e: {  	_ =	shalt  }
0x6f: {  	_ =	shalt  }
0x70: {  	_ =	shalt  }
0x71: {  	_ =	shalt  }
0x72: {  	_ =	shalt  }
0x73: {  	_ =	shalt  }
0x74: {  	_ =	shalt  }
0x75: {  	_ =	shalt  }
0x76: {  	_ =	shalt  }
0x77: {  	_ =	shalt  }
0x78: {  	_ =	shalt  }
0x79: {  	_ =	shalt  }
0x7a: {  	_ =	shalt  }
0x7b: {  	_ =	shalt  }
0x7c: {  	_ =	shalt  }
0x7d: {  	_ =	shalt  }
0x7e: {  	_ =	shalt  }
0x7f: {  	_ =	shalt  }
0x80: {  	_ =	shalt  }
0x81: {  	_ =	shalt  }
0x82: {  	_ =	shalt  }
0x83: {  	_ =	shalt  }
0x84: {  	_ =	shalt  }
0x85: {  	_ =	shalt  }
0x86: {  	_ =	shalt  }
0x87: {  	_ =	shalt  }
.Lfunc_end0:
.L_simem_size_0:
called_computation.2_lowered:
.L_overlay_start_0:
0x88: {  	s2 =	sld [smem:$0x3FD9]  }
0x89: {  	s3 =	sld [smem:$0x3FFE];
	_ =	sdelay $0x1  }
0x8a: {  	s1 =	srdreg.scid  }
0x8b: {  	s0 =	sand.u32 $0x1, s1  }
0x8c: {  	s16 =	sshll.u32 s0, $0xA;
	s2 =	sadd.s32 s3, s2  }
0x8d: {  	s2 =	sadd.s32 s2, s16  }
0x8e: {  	[smem:$0x3FBE] =	sst s2  }
0x8f: {  	_ = 	snop  }
0x90: {  	(tm) =	ssettm $0x1  }
0x91: {  	s17 =	sld [smem:$0x3FFB];
	_ =	sdelay $0x3  }
0x92: {  	_ =	strace s17  }
0x93: {  	s2 =	sld [smem:$0x3FFC];
	_ =	sdelay $0x3  }
0x94: {  	_ =	strace s2  }
0x95: {  	s2 =	sld [smem:$0x3FFD];
	_ =	sdelay $0x3  }
0x96: {  	_ =	strace s2  }
0x97: {  	_ =	strace $0x8FFFFFFF  }
0x98: {  	s18 =	sld [smem:$0x3FDB];
	_ =	sdelay $0x1  }
0x99: {  	s19 =	simm.s32 $_scs_section_size  }
0x9a: {  	s4 =	simm.s32 $_size__tile_overlayer_lowered;
	s5 =	simm.s32 $_tile_overlayer_lowered  }
0x9b: {  	s22 =	simm.s32 $0x1BFF;
	s21 =	sshll.u32 s5, $0x1;
	s2 =	sadd.s32 s19, s18  }
0x9c: {  	s6 =	simm.s32 $0x0;
	s20 =	sshll.u32 s4, $0x1;
	s4 =	sadd.s32 s21, s2  }
0x9d: {  	[timem:s6], [sflag:s22] =	dma.local [hbm:s4], s20  }
0x9e: {  	_ =	swait.ge [sflag:s22], s20  }
0x9f: {  	s3 =	ssub.s32 $0x0, s20;
	[sflag:s22] =	ssyncset.done $0x0  }
0xa0: {  	[sflag:s22] =	ssyncadd.s32 s3;
	_ =	sdelay $0x1  }
0xa1: {  	s23 =	simm.s32 $0x1B8B  }
0xa2: {  	_ =	swait.ge [sflag:s23], $0x1  }
0xa3: {  	[sflag:s23] =	ssyncset.done $0x0  }
0xa4: {  	s25 =	simm.s32 $0x1B8E;
	s24 =	sld [smem:$0x3FFE];
	[sflag:s23] =	ssyncadd.s32 $0xFFFFFFFF  }
0xa5: {  	s26 =	simm.s32 $execute0_lowered;
	[smem:$0x3FD2] =	sst s25  }
0xa6: {  	s4 =	sshll.u32 s26, $0x1;
	_ =	strace $0x8000004C;
	[dreg:$0x1] =	wrdreg $0xFFFFFFFF  }
0xa7: {  	s28 =	simm.s32 $_size_execute0_lowered;
	s2 =	sadd.s32 s2, s4;
	[dreg:$0x0] =	wrdreg $0x0  }
0xa8: {  	s4 =	sshll.u32 s28, $0x1;
	[dreg:$0x2] =	wrdreg s2  }
0xa9: {  	[dreg:$0x3] =	wrdreg s4  }
0xaa: {  	[dreg:$0x4] =	wrdreg $0xC0  }
0xab: {  	_ =	task [dreg:s6], $0x5FFFF  }
0xac: {  	[dreg:$0x1] =	wrdreg $0xFFFFFFFF  }
0xad: {  	[dreg:$0x0] =	wrdreg $0x60  }
0xae: {  	[dreg:$0x2] =	wrdreg s24  }
0xaf: {  	[dreg:$0x3] =	wrdreg $0xA8000  }
0xb0: {  	[dreg:$0x4] =	wrdreg $0x9  }
0xb1: {  	_ =	task.clear_ibuf [dreg:s6], $0x5FFFF;
	_ =	strace $0x9000004C  }
0xb2: {  	s29 =	simm.s32 $0x9;
	_ =	strace $0x8000004E  }
0xb3: {  	_ =	swait.ge [sflag:s29], $0x1  }
0xb4: {  	[sflag:s29] =	ssyncadd.s32 $0xFFFFFFFF  }
0xb5: {  	_ =	strace $0x9000004E  }
0xb6: {  	_ =	sfence  }
0xb7: {  	s30 =	sld [smem:$0x0];
	_ =	sdelay $0x2  }
0xb8: {  	s31 =	sshll.u32 s1, $0xD;
	s1 =	sshrl.u32 s1, $0x2  }
0xb9: {  	s3 =	sand.u32 $0x4000, s31;
	s1 =	sadd.s32 s1, s30  }
0xba: {  	s0 =	sor.u32 s3, s0;
	s1 =	sshll.u32 s1, $0x11  }
0xbb: {  	s0 =	sor.u32 s1, s0  }
0xbc: {  	s0 =	sadd.s32 $0x8F2B, s0  }
0xbd: {  	[sflag:s0] =	ssyncadd.remote.s32 $0x1  }
0xbe: {  	_ =	sfence.sel $0xFFFF  }
0xbf: {  	[dreg:$0x0] =	wrdreg $0xFFFFFFFF;
	(pc) =	sbr.abs _section_cstart, $3  }
0xc0: {  	[dreg:$0x1] =	wrdreg $0xFFFFFFFF  }
0xc1: {  	_ =	task.clear_ibuf [dreg:s6], $0x2FFFF;
	_ =	strace $0x9FFFFFFF  }
0xc2: {  	(tm) =	ssettm $0x7FFFFFFF  }
0xc3: {  	_ =	shalt  }
tec
execute0_lowered:
.L_overlay_start_1:
0x0: {  	(tag) =	ssettag $0x1  }
0x1: {  	s0 =	rddreg [dreg:$0x0];
	s1 =	srdreg.scid  }
0x2: {  	s23 =	stileid.u32;
	s2 =	rddreg [dreg:$0x1]  }
0x3: {  	s3 =	simm.s32 $0x0;
	s15 =	simm.s32 $0x1400;
	s16 =	simm.s32 $0x80  }
0x4: {  	s17 =	simm.s32 $0x2800;
	s18 =	simm.s32 $0x6800;
	s28 =	simm.s32 $0x2  }
0x5: {  	s29 =	simm.s32 $0x2700;
	s30 =	simm.s32 $0x2780;
	s31 =	simm.s32 $0x0  }
0x6: {  	s1 =	sand.u32 $0x1, s1;
	s4 =	sshll.u32 s23, $0x1;
	s24 =	smul.u32 $0x2800, s23  }
0x7: {  	[smem:$0x7FF] =	sst s3;
	s25 =	smul.u32 $0x50000, s23;
	p1 =	sne.s32 s23, $0xF  }
0x8: {  	p2 =	seq.s32 s23, $0xF;
	s9 =	sadd.s32 $0x3CE00, s0;
	s10 =	sadd.s32 $0x65900, s0  }
0x9: {  	s4 =	sor.u32 s1, s4;
	_ =	strace $0x8000004D;
	s6 =	smul.u32 $0x28000, s1  }
0xa: {  	s7 =	ssub.s32 $0x2, s1;
	p0 =	seq.s32 s1, $0x0;
	s4 =	smul.u32 $0x2800, s4  }
0xb: {  	s21 =	sshrl.u32 s7, $0x1;
	s8 =	sadd.s32 s24, s0;
	p1 =	por !p0, !p1  }
0xc: {  	p2 =	por !p0, !p2;
	s13 =	sadd.s32 s6, s0;
	s14 =	ssub.s32 s7, s21  }
0xd: {  	s7 =	sshrl.u32 s25, $0x2;
	p0 =	por !p1, !p1;
	p2 =	por !p2, !p2  }
0xe: {  	s8 =	sadd.s32 $0x3E800, s8;
	s21 =	sadd.s32 $0x12C000, s2;
	s5 =	sshrl.u32 s4, $0x3  }
0xf: {  	s4 =	sadd.s32 $0x17600, s0;
	s7 =	sadd.s32 s7, s2;
	p1 =	por p2, p0  }
0x10: {  	s26 =	sadd.s32 $0x66800, s13;
	s13 =	smax.u32 s14, $0x1;
	s14 =	simm.s32 $0x3  }
0x11: {  	s12 =	sadd.s32 s5, s0;
	s11 =	sadd.s32 s4, s24;
	p1 =	seq.s32 @!p1 s1, $0x0  }
0x12: {  	s24 =	sadd.s32 s24, s26;
	s25 =	sshrl.u32 @p0 s7, $0x3;
	s26 =	simm.s32 $0x1  }
0x13: {  	s22 =	sadd.s32 $0x3600, s12;
	s6 =	sadd.s32 $0xD600, s12;
	p1 =	por @!p0 p1, p2  }
0x14: {  	s12 =	sadd.s32 $0x3880, s12;
	p2 =	por !p2, p0;
	p1 =	por p1, p0  }
0x15: {  	[dreg:$0x3] =	wrdreg s22;
	s22 =	sadd.s32 $0x138800, s2;
	s1 =	sshll.u32 @!p1 s23, $0x6  }
0x16: {  	s21 =	sshrl.u32 @!p2 s21, $0x3;
	s19 =	sor.u32 @!p1 $0x1C03, s1;
	s1 =	sshll.u32 @p0 s23, $0x6  }
0x17: {  	s20 =	sshrl.u32 @!p1 s7, $0x3;
	s22 =	sshrl.u32 @!p2 s22, $0x3;
	s23 =	sor.u32 @p0 $0x1C03, s1  }
.LBB2_1:
0x18: {  	s0 =	rddreg [dreg:$0x3]  }
0x19: {  	[tilespmem:s3], [sflag:$0x3] =	stream.linear.gather [hbm4b:s0+s3], $0x1400, $0x38;
	[tilespmem:$0x1E800] =	vst v63  }
0x1a: {  	_ =	swait.ge [sflag:s14], $0x1400  }
0x1b: {  	[sflag:s14] =	ssyncset.done $0x0  }
0x1c: {  	[sflag:s14] =	ssyncadd.s32 $0xFFFFEC00  }
0x1d: {  	[tilespmem:s15], [sflag:$0x3] =	stream.linear.gather [hbm4b:s6+s3], $0x1400, $0x38;
	[tilespmem:$0x1E800] =	vst v63  }
0x1e: {  	_ =	swait.ge [sflag:s14], $0x1400  }
0x1f: {  	[sflag:s14] =	ssyncset.done $0x0  }
0x20: {  	[sflag:s14] =	ssyncadd.s32 $0xFFFFEC00  }
0x21: {  	[tilespmem:s17], [sflag:$0x1] =	stream.indirect.gather [hbm4b:s4+s16], $0x80, s3, s16, $0xb8;
	[tilespmem:$0x1E800] =	vst v63  }
0x22: {  	s0 =	simm.s32 @!p1 $0x3  }
0x23: {  	[tilespmem:s18], [sflag:$0x2] =	stream.indirect.gather [hbm4b:s4+s16], $0x80, s16, s16, $0xb8;
	[tilespmem:$0x1E800] =	vst v63  }
0x24: {  	[spmem:s20], [sflag:s19] =	dma.local @!p1 [hbm:s8], $0x2800  }
0x25: {  	_ =	swait.ge @!p1 [sflag:s0], $0x2800  }
0x26: {  	[sflag:s0] =	ssyncset.done @!p1 $0x0  }
0x27: {  	s1 =	simm.s32 @!p2 $0x3;
	[sflag:s0] =	ssyncadd.s32 @!p1 $0xFFFFD800;
	s0 =	simm.s32 @!p2 $0x1FC3  }
0x28: {  	[spmem:s21], [sflag:s0] =	dma.local @!p2 [hbm:s9], $0x1900  }
0x29: {  	_ =	swait.ge @!p2 [sflag:s1], $0x1900  }
0x2a: {  	[sflag:s1] =	ssyncset.done @!p2 $0x0  }
0x2b: {  	[sflag:s1] =	ssyncadd.s32 @!p2 $0xFFFFE700  }
0x2c: {  	[spmem:s22], [sflag:s0] =	dma.local @!p2 [hbm:s10], $0xF00  }
0x2d: {  	_ =	swait.ge @!p2 [sflag:s1], $0xF00  }
0x2e: {  	[sflag:s1] =	ssyncset.done @!p2 $0x0  }
0x2f: {  	s0 =	simm.s32 @p0 $0x3;
	[sflag:s1] =	ssyncadd.s32 @!p2 $0xFFFFF100  }
0x30: {  	[spmem:s25], [sflag:s23] =	dma.local @p0 [hbm:s11], $0x2800  }
0x31: {  	_ =	swait.ge @p0 [sflag:s0], $0x2800  }
0x32: {  	[sflag:s0] =	ssyncset.done @p0 $0x0  }
0x33: {  	[sflag:s0] =	ssyncadd.s32 @p0 $0xFFFFD800  }
0x34: {  	[bflag:$0x0] =	sbarrier.arrive $0xFFFF  }
0x35: {  	_ =	swait.ge [sflag:s26], $0x4000  }
0x36: {  	[sflag:s26] =	ssyncset.done $0x0  }
0x37: {  	s5 =	simm.s32 $0x1400;
	[sflag:s26] =	ssyncadd.s32 $0xFFFFC000  }
0x38: {  	[spmem:s2] =	stream.indirect.scatter.add.f32 [tilespmem:s17], [sflag:$0x3], $0x80, s5, s16, $0xb8;
	[tilespmem:$0x1E800] =	vst v63  }
0x39: {  	_ =	swait.ge [sflag:s14], $0x4000  }
0x3a: {  	[sflag:s14] =	ssyncset.done $0x0  }
0x3b: {  	s1 =	simm.s32 $0x100;
	[sflag:s14] =	ssyncadd.s32 $0xFFFFC000  }
0x3c: {  	[tilespmem:s17], [sflag:$0x1] =	stream.indirect.gather [hbm4b:s4+s16], $0x80, s1, s16, $0xb8;
	[tilespmem:$0x1E800] =	vst v63  }
0x3d: {  	_ =	swait.ge [sflag:s28], $0x4000  }
0x3e: {  	[sflag:s28] =	ssyncset.done $0x0  }
0x3f: {  	s5 =	simm.s32 $0x1480;
	[sflag:s28] =	ssyncadd.s32 $0xFFFFC000  }
0x40: {  	[spmem:s2] =	stream.indirect.scatter.add.f32 [tilespmem:s18], [sflag:$0x3], $0x80, s5, s16, $0xb8;
	[tilespmem:$0x1E800] =	vst v63  }
0x41: {  	_ =	swait.ge [sflag:s14], $0x4000  }
0x42: {  	[sflag:s14] =	ssyncset.done $0x0  }
0x43: {  	s0 =	simm.s32 $0x180;
	s1 =	simm.s32 $0x400;
	[sflag:s14] =	ssyncadd.s32 $0xFFFFC000  }
.LBB2_2:
0x44: {  	[tilespmem:s18], [sflag:$0x2] =	stream.indirect.gather [hbm4b:s4+s16], $0x80, s0, s16, $0xb8;
	[tilespmem:$0x1E800] =	vst v63  }
0x45: {  	s0 =	smov.u32 s1  }
0x46: {  	p3 =	sne.s32 s1, $0x4800;
	s1 =	sadd.s32 $0x400, s1;
	_ =	swait.ge [sflag:s26], $0x4000  }
0x47: {  	s0 =	sshra.s32 s0, $0x2;
	[sflag:s26] =	ssyncset.done $0x0  }
0x48: {  	s5 =	sadd.s32 $0x1400, s0;
	[sflag:s26] =	ssyncadd.s32 $0xFFFFC000  }
0x49: {  	[spmem:s2] =	stream.indirect.scatter.add.f32 [tilespmem:s17], [sflag:$0x3], $0x80, s5, s16, $0xb8;
	[tilespmem:$0x1E800] =	vst v63  }
0x4a: {  	_ =	swait.ge [sflag:s14], $0x4000  }
0x4b: {  	[sflag:s14] =	ssyncset.done $0x0  }
0x4c: {  	s5 =	sadd.s32 $0x100, s0;
	[sflag:s14] =	ssyncadd.s32 $0xFFFFC000  }
0x4d: {  	[tilespmem:s17], [sflag:$0x1] =	stream.indirect.gather [hbm4b:s4+s16], $0x80, s5, s16, $0xb8;
	[tilespmem:$0x1E800] =	vst v63  }
0x4e: {  	_ =	swait.ge [sflag:s28], $0x4000  }
0x4f: {  	[sflag:s28] =	ssyncset.done $0x0  }
.Ltmp0:
0x50: {  	s5 =	sadd.s32 $0x1480, s0;
	[sflag:s28] =	ssyncadd.s32 $0xFFFFC000;
	(pc) =	sbr.rel @p3 .LBB2_2-.Ltmp0, $4  }
0x51: {  	[spmem:s2] =	stream.indirect.scatter.add.f32 [tilespmem:s18], [sflag:$0x3], $0x80, s5, s16, $0xb8;
	[tilespmem:$0x1E800] =	vst v63  }
0x52: {  	_ =	swait.ge [sflag:s14], $0x4000  }
0x53: {  	[sflag:s14] =	ssyncset.done $0x0  }
0x54: {  	s0 =	sadd.s32 $0x180, s0;
	[sflag:s14] =	ssyncadd.s32 $0xFFFFC000  }
0x55: {  	[tilespmem:s18], [sflag:$0x2] =	stream.indirect.gather [hbm4b:s4+s16], $0x80, s0, s16, $0xb8;
	[tilespmem:$0x1E800] =	vst v63  }
0x56: {  	_ =	swait.ge [sflag:s26], $0x4000  }
0x57: {  	[sflag:s26] =	ssyncset.done $0x0  }
0x58: {  	[sflag:s26] =	ssyncadd.s32 $0xFFFFC000  }
0x59: {  	[spmem:s2] =	stream.indirect.scatter.add.f32 [tilespmem:s17], [sflag:$0x3], $0x80, s29, s16, $0xb8;
	[tilespmem:$0x1E800] =	vst v63  }
0x5a: {  	_ =	swait.ge [sflag:s14], $0x4000  }
0x5b: {  	[sflag:s14] =	ssyncset.done $0x0  }
0x5c: {  	[sflag:s14] =	ssyncadd.s32 $0xFFFFC000  }
0x5d: {  	_ =	swait.ge [sflag:s28], $0x4000  }
0x5e: {  	[sflag:s28] =	ssyncset.done $0x0  }
0x5f: {  	[sflag:s28] =	ssyncadd.s32 $0xFFFFC000  }
0x60: {  	[spmem:s2] =	stream.indirect.scatter.add.f32 [tilespmem:s18], [sflag:$0x3], $0x80, s30, s16, $0xb8;
	[tilespmem:$0x1E800] =	vst v63  }
0x61: {  	_ =	swait.ge [sflag:s14], $0x4000  }
0x62: {  	[sflag:s14] =	ssyncset.done $0x0  }
0x63: {  	s5 =	simm.s32 $0x0;
	[sflag:s14] =	ssyncadd.s32 $0xFFFFC000  }
0x64: {  	[tilespmem:s5], [sflag:$0x3] =	stream.linear.gather [hbm4b:s12+s5], $0x1400, $0x38;
	[tilespmem:$0x1E800] =	vst v63  }
0x65: {  	_ =	swait.ge [sflag:s14], $0x1400  }
0x66: {  	[sflag:s14] =	ssyncset.done $0x0  }
0x67: {  	s1 =	sadd.s32 $0x280, s6;
	[sflag:s14] =	ssyncadd.s32 $0xFFFFEC00  }
0x68: {  	[tilespmem:s15], [sflag:$0x3] =	stream.linear.gather [hbm4b:s1+s5], $0x1400, $0x38;
	[tilespmem:$0x1E800] =	vst v63  }
0x69: {  	_ =	swait.ge [sflag:s14], $0x1400  }
0x6a: {  	[sflag:s14] =	ssyncset.done $0x0  }
0x6b: {  	[sflag:s14] =	ssyncadd.s32 $0xFFFFEC00  }
0x6c: {  	[tilespmem:s17], [sflag:$0x1] =	stream.indirect.gather [hbm4b:s4+s16], $0x80, s5, s16, $0xb8;
	[tilespmem:$0x1E800] =	vst v63  }
0x6d: {  	_ = 	snop  }
0x6e: {  	[tilespmem:s18], [sflag:$0x2] =	stream.indirect.gather [hbm4b:s4+s16], $0x80, s16, s16, $0xb8;
	[tilespmem:$0x1E800] =	vst v63  }
0x6f: {  	_ =	swait.ge [sflag:s26], $0x4000  }
0x70: {  	[sflag:s26] =	ssyncset.done $0x0  }
0x71: {  	s5 =	simm.s32 $0x1400;
	[sflag:s26] =	ssyncadd.s32 $0xFFFFC000  }
0x72: {  	[spmem:s2] =	stream.indirect.scatter.add.f32 [tilespmem:s17], [sflag:$0x3], $0x80, s5, s16, $0xb8;
	[tilespmem:$0x1E800] =	vst v63  }
0x73: {  	_ =	swait.ge [sflag:s14], $0x4000  }
0x74: {  	[sflag:s14] =	ssyncset.done $0x0  }
0x75: {  	s1 =	simm.s32 $0x100;
	[sflag:s14] =	ssyncadd.s32 $0xFFFFC000  }
0x76: {  	[tilespmem:s17], [sflag:$0x1] =	stream.indirect.gather [hbm4b:s4+s16], $0x80, s1, s16, $0xb8;
	[tilespmem:$0x1E800] =	vst v63  }
0x77: {  	_ =	swait.ge [sflag:s28], $0x4000  }
0x78: {  	[sflag:s28] =	ssyncset.done $0x0  }
0x79: {  	s5 =	simm.s32 $0x1480;
	[sflag:s28] =	ssyncadd.s32 $0xFFFFC000  }
0x7a: {  	[spmem:s2] =	stream.indirect.scatter.add.f32 [tilespmem:s18], [sflag:$0x3], $0x80, s5, s16, $0xb8;
	[tilespmem:$0x1E800] =	vst v63  }
0x7b: {  	_ =	swait.ge [sflag:s14], $0x4000  }
0x7c: {  	[sflag:s14] =	ssyncset.done $0x0  }
0x7d: {  	s0 =	simm.s32 $0x180;
	s1 =	simm.s32 $0x400;
	[sflag:s14] =	ssyncadd.s32 $0xFFFFC000  }
.LBB2_4:
0x7e: {  	[tilespmem:s18], [sflag:$0x2] =	stream.indirect.gather [hbm4b:s4+s16], $0x80, s0, s16, $0xb8;
	[tilespmem:$0x1E800] =	vst v63  }
0x7f: {  	s0 =	smov.u32 s1  }
0x80: {  	p3 =	sne.s32 s1, $0x4800;
	s1 =	sadd.s32 $0x400, s1;
	_ =	swait.ge [sflag:s26], $0x4000  }
0x81: {  	s0 =	sshra.s32 s0, $0x2;
	[sflag:s26] =	ssyncset.done $0x0  }
0x82: {  	s5 =	sadd.s32 $0x1400, s0;
	[sflag:s26] =	ssyncadd.s32 $0xFFFFC000  }
0x83: {  	[spmem:s2] =	stream.indirect.scatter.add.f32 [tilespmem:s17], [sflag:$0x3], $0x80, s5, s16, $0xb8;
	[tilespmem:$0x1E800] =	vst v63  }
0x84: {  	_ =	swait.ge [sflag:s14], $0x4000  }
0x85: {  	[sflag:s14] =	ssyncset.done $0x0  }
0x86: {  	s5 =	sadd.s32 $0x100, s0;
	[sflag:s14] =	ssyncadd.s32 $0xFFFFC000  }
0x87: {  	[tilespmem:s17], [sflag:$0x1] =	stream.indirect.gather [hbm4b:s4+s16], $0x80, s5, s16, $0xb8;
	[tilespmem:$0x1E800] =	vst v63  }
0x88: {  	_ =	swait.ge [sflag:s28], $0x4000  }
0x89: {  	[sflag:s28] =	ssyncset.done $0x0  }
.Ltmp1:
0x8a: {  	s5 =	sadd.s32 $0x1480, s0;
	[sflag:s28] =	ssyncadd.s32 $0xFFFFC000;
	(pc) =	sbr.rel @p3 .LBB2_4-.Ltmp1, $4  }
0x8b: {  	[spmem:s2] =	stream.indirect.scatter.add.f32 [tilespmem:s18], [sflag:$0x3], $0x80, s5, s16, $0xb8;
	[tilespmem:$0x1E800] =	vst v63  }
0x8c: {  	_ =	swait.ge [sflag:s14], $0x4000  }
0x8d: {  	[sflag:s14] =	ssyncset.done $0x0  }
0x8e: {  	s0 =	sadd.s32 $0x180, s0;
	[sflag:s14] =	ssyncadd.s32 $0xFFFFC000  }
0x8f: {  	[tilespmem:s18], [sflag:$0x2] =	stream.indirect.gather [hbm4b:s4+s16], $0x80, s0, s16, $0xb8;
	[tilespmem:$0x1E800] =	vst v63  }
0x90: {  	_ =	swait.ge [sflag:s26], $0x4000  }
0x91: {  	[sflag:s26] =	ssyncset.done $0x0  }
0x92: {  	[sflag:s26] =	ssyncadd.s32 $0xFFFFC000  }
0x93: {  	[spmem:s2] =	stream.indirect.scatter.add.f32 [tilespmem:s17], [sflag:$0x3], $0x80, s29, s16, $0xb8;
	[tilespmem:$0x1E800] =	vst v63  }
0x94: {  	_ =	swait.ge [sflag:s14], $0x4000  }
0x95: {  	[sflag:s14] =	ssyncset.done $0x0  }
0x96: {  	[sflag:s14] =	ssyncadd.s32 $0xFFFFC000  }
0x97: {  	_ =	swait.ge [sflag:s28], $0x4000  }
0x98: {  	[sflag:s28] =	ssyncset.done $0x0  }
0x99: {  	[sflag:s28] =	ssyncadd.s32 $0xFFFFC000  }
0x9a: {  	[spmem:s2] =	stream.indirect.scatter.add.f32 [tilespmem:s18], [sflag:$0x3], $0x80, s30, s16, $0xb8;
	[tilespmem:$0x1E800] =	vst v63  }
0x9b: {  	s5 =	stileid.u32;
	_ =	swait.ge [sflag:s14], $0x4000  }
0x9c: {  	s1 =	sshrl.u32 s7, $0x3;
	s31 =	sadd.s32 $0x1, s31;
	[sflag:s14] =	ssyncset.done $0x0  }
0x9d: {  	s0 =	sshll.u32 s5, $0x6;
	p3 =	sne.s32 s31, s13;
	[sflag:s14] =	ssyncadd.s32 $0xFFFFC000  }
.Ltmp2:
0x9e: {  	s0 =	sor.u32 $0x1C03, s0;
	[bflag:$0x0] =	sbarrier.arrive $0xFFFF;
	(pc) =	sbr.rel @p3 .LBB2_1-.Ltmp2, $4  }
0x9f: {  	[hbm:s24], [sflag:s0] =	dma.local [spmem:s1], $0x2800  }
0xa0: {  	_ =	swait.ge [sflag:s14], $0x2800  }
0xa1: {  	[sflag:s14] =	ssyncset.done $0x0  }
0xa2: {  	[sflag:s14] =	ssyncadd.s32 $0xFFFFD800  }
0xa3: {  	_ =	sfence.sel $0x180000  }
0xa4: {  	[bflag:$0x0] =	sbarrier.arrive $0xFFFF  }
0xa5: {  	_ =	strace $0x9000004D  }
0xa6: {  	s0 =	stileid.u32;
	[bflag:$0x2] =	sbarrier.arrive $0xFFFF  }
0xa7: {  	p0 =	sne.s32 s0, $0x0;
	s0 =	rddreg [dreg:$0x2]  }
0xa8: {  	s0 =	sadd.s32 @!p0 $0x100000, s0  }
0xa9: {  	[sflag:s0] =	ssyncadd.tile.s32 @!p0 $0x1;
	_ =	shalt  }
.Lfunc_end2:
_tile_overlayer_lowered:
.L_overlay_start_2:
0xaa: {  	(tag) =	ssettag $0x2  }
0xab: {  	s0 =	rddreg [dreg:$0x0];
	s2 =	stileid.u32  }
0xac: {  	s1 =	rddreg [dreg:$0x1];
	p0 =	sne.s32 s2, $0x0  }
0xad: {  	s3 =	rddreg [dreg:$0x2];
	[bflag:$0x3] =	sbarrier.arrive $0xFFFF;
	s2 =	simm.s32 @!p0 $0x1C03  }
0xae: {  	[timem:s3], [sflag:s2] =	dma.local @!p0 [hbm:s0], s1  }
0xaf: {  	s0 =	simm.s32 @!p0 $0x3  }
0xb0: {  	_ =	swait.ge @!p0 [sflag:s0], s1  }
0xb1: {  	s1 =	ssub.s32 @!p0 $0x0, s1;
	[sflag:s0] =	ssyncset.done @!p0 $0x0  }
0xb2: {  	[sflag:s0] =	ssyncadd.s32 @!p0 s1  }
0xb3: {  	[bflag:$0x3] =	sbarrier.arrive $0xFFFF  }
0xb4: {  	_ =	shalt  }

// kernel: kernel.19.cloned.1.call-start
scs
__scs_entry_jumppad:
0x0: {  	(pc) =	sbr.rel $0x88, $3  }
0x1: {  	(tag) =	ssettag $0x0;
	lr =	simm.s32 $0x1  }
0x2: {  	[smem:$0x3F97] =	sst lr;
	_ =	strace $0xD0000000  }
0x3: {  	_ = 	snop  }
0x4: {  	_ = 	snop  }
0x5: {  	_ = 	snop  }
0x6: {  	_ = 	snop  }
0x7: {  	_ = 	snop  }
__scs_overlays_trampoline_lowered:
0x8: {  	[smem:$0x3FA6] =	sst s0  }
0x9: {  	[smem:$0x3FA7] =	sst s1  }
0xa: {  	[smem:$0x3FA8] =	sst s2  }
0xb: {  	[smem:$0x3FA9] =	sst s3  }
0xc: {  	[smem:$0x3FAA] =	sst s4  }
0xd: {  	[smem:$0x3FAB] =	sst s5  }
0xe: {  	[smem:$0x3FAC] =	sst s6  }
0xf: {  	[smem:$0x3FAD] =	sst s7  }
0x10: {  	[smem:$0x3FAE] =	sst s8  }
0x11: {  	[smem:$0x3FAF] =	sst s9;
	s0 =	simm.s32 @!p0 $0x0  }
0x12: {  	s1 =	sld [smem:$0x3F95];
	s0 =	simm.s32 @p0 $0x1  }
0x13: {  	[smem:$0x3FB0] =	sst s0;
	s0 =	simm.s32 @!p1 $0x0  }
0x14: {  	s2 =	sld [smem:$0x3F94];
	s0 =	simm.s32 @p1 $0x1  }
0x15: {  	[smem:$0x3FB1] =	sst s0;
	s0 =	simm.s32 @!p2 $0x0  }
0x16: {  	s3 =	sld [smem:$0x3FDB];
	s0 =	simm.s32 @p2 $0x1  }
0x17: {  	s4 =	simm.s32 $0x1BF5;
	[smem:$0x3FB3] =	sst s0  }
0x18: {  	s0 =	sld [smem:$0x3F96];
	_ =	swait.ge [sflag:s4], $0x0  }
0x19: {  	s7 =	sld [smem:$0x3F97]  }
0x1a: {  	s8 =	sadd.s32 $0xFFFFE003, lr  }
0x1b: {  	s9 =	sadd.s32 $0xFFFFFEF7, lr;
	s5 =	simm.s32 $0xFFFFFFFF;
	p2 =	slt.u32 s8, $0xFFFFF086  }
0x1c: {  	p1 =	slt.u32 s9, $0xF7A;
	s5 =	simm.s32 @!p2 $0x0  }
0x1d: {  	s5 =	simm.s32 @p1 $0x1;
	p0 =	seq.s32 s7, s2  }
0x1e: {  	s7 =	smul.u32 @!p0 $0xF7A, s2;
	p2 =	seq.s32 @!p0 s5, $0x0  }
0x1f: {  	s9 =	smul.u32 $0xF7A, s1;
	s8 =	simm.s32 @!p0 $0x1BF5;
	p2 =	por !p2, p0  }
0x20: {  	[sflag:s8] =	ssyncset.s32 @!p0 $0xFFFFF086;
	s6 =	sadd.s32 @!p0 s3, s7;
	s7 =	simm.s32 @!p0 $0x108  }
0x21: {  	s3 =	sadd.s32 s3, s9;
	s6 =	sadd.s32 @!p0 $0x88, s6;
	s7 =	simm.s32 @p2 $0x1082  }
0x22: {  	[simem:s7], [sflag:s8] =	dma.local @!p0 [hbm:s6], $0xF7A  }
0x23: {  	s9 =	sor.u32 $0xD0000000, s2;
	s6 =	simm.s32 $0x108;
	_ =	swait.ge @!p0 [sflag:s8], $0x0  }
0x24: {  	s3 =	sadd.s32 $0x88, s3;
	s6 =	simm.s32 @!p1 $0x1082;
	[sflag:s4] =	ssyncset.s32 $0xFFFFF086  }
0x25: {  	[simem:s6], [sflag:s4] =	dma.local [hbm:s3], $0xF7A  }
0x26: {  	[smem:$0x3F97] =	sst s1;
	(tag) =	ssettag s2;
	_ =	strace s9  }
0x27: {  	s1 =	sld [smem:$0x3FA7]  }
0x28: {  	s2 =	sld [smem:$0x3FA8]  }
0x29: {  	s4 =	sld [smem:$0x3FAA]  }
0x2a: {  	p0 =	seq.s32 s5, $0x0;
	s5 =	sld [smem:$0x3FAB]  }
0x2b: {  	s6 =	sld [smem:$0x3FAC]  }
0x2c: {  	s7 =	sld [smem:$0x3FAD]  }
0x2d: {  	s3 =	simm.s32 $0x108;
	s8 =	sld [smem:$0x3FAE]  }
0x2e: {  	s3 =	simm.s32 @!p0 $0x1082;
	s9 =	sld [smem:$0x3FAF]  }
0x2f: {  	lr =	sadd.s32 s0, s3;
	s0 =	sld [smem:$0x3FA6]  }
0x30: {  	s3 =	sld [smem:$0x3FA9]  }
0x31: {  	[smem:$0x3FB2] =	sst s10  }
0x32: {  	s10 =	sld [smem:$0x3FB0];
	_ =	sdelay $0x3  }
0x33: {  	p0 =	seq.s32 s10, $0x1;
	s10 =	sld [smem:$0x3FB2];
	_ =	sdelay $0x3  }
0x34: {  	[smem:$0x3FB2] =	sst s10  }
0x35: {  	s10 =	sld [smem:$0x3FB1];
	_ =	sdelay $0x3  }
0x36: {  	p1 =	seq.s32 s10, $0x1;
	s10 =	sld [smem:$0x3FB2];
	_ =	sdelay $0x3  }
0x37: {  	[smem:$0x3FB2] =	sst s10  }
0x38: {  	s10 =	sld [smem:$0x3FB3]  }
0x39: {  	_ = 	snop;
	(pc) =	sbr.ind lr, $3  }
0x3a: {  	_ = 	snop  }
0x3b: {  	_ = 	snop  }
0x3c: {  	p2 =	seq.s32 s10, $0x1;
	s10 =	sld [smem:$0x3FB2]  }
0x3d: {  	_ =	shalt  }
0x3e: {  	_ =	shalt  }
0x3f: {  	_ =	shalt  }
0x40: {  	_ =	shalt  }
0x41: {  	_ =	shalt  }
0x42: {  	_ =	shalt  }
0x43: {  	_ =	shalt  }
0x44: {  	_ =	shalt  }
0x45: {  	_ =	shalt  }
0x46: {  	_ =	shalt  }
0x47: {  	_ =	shalt  }
0x48: {  	_ =	shalt  }
0x49: {  	_ =	shalt  }
0x4a: {  	_ =	shalt  }
0x4b: {  	_ =	shalt  }
0x4c: {  	_ =	shalt  }
0x4d: {  	_ =	shalt  }
0x4e: {  	_ =	shalt  }
0x4f: {  	_ =	shalt  }
0x50: {  	_ =	shalt  }
0x51: {  	_ =	shalt  }
0x52: {  	_ =	shalt  }
0x53: {  	_ =	shalt  }
0x54: {  	_ =	shalt  }
0x55: {  	_ =	shalt  }
0x56: {  	_ =	shalt  }
0x57: {  	_ =	shalt  }
0x58: {  	_ =	shalt  }
0x59: {  	_ =	shalt  }
0x5a: {  	_ =	shalt  }
0x5b: {  	_ =	shalt  }
0x5c: {  	_ =	shalt  }
0x5d: {  	_ =	shalt  }
0x5e: {  	_ =	shalt  }
0x5f: {  	_ =	shalt  }
0x60: {  	_ =	shalt  }
0x61: {  	_ =	shalt  }
0x62: {  	_ =	shalt  }
0x63: {  	_ =	shalt  }
0x64: {  	_ =	shalt  }
0x65: {  	_ =	shalt  }
0x66: {  	_ =	shalt  }
0x67: {  	_ =	shalt  }
0x68: {  	_ =	shalt  }
0x69: {  	_ =	shalt  }
0x6a: {  	_ =	shalt  }
0x6b: {  	_ =	shalt  }
0x6c: {  	_ =	shalt  }
0x6d: {  	_ =	shalt  }
0x6e: {  	_ =	shalt  }
0x6f: {  	_ =	shalt  }
0x70: {  	_ =	shalt  }
0x71: {  	_ =	shalt  }
0x72: {  	_ =	shalt  }
0x73: {  	_ =	shalt  }
0x74: {  	_ =	shalt  }
0x75: {  	_ =	shalt  }
0x76: {  	_ =	shalt  }
0x77: {  	_ =	shalt  }
0x78: {  	_ =	shalt  }
0x79: {  	_ =	shalt  }
0x7a: {  	_ =	shalt  }
0x7b: {  	_ =	shalt  }
0x7c: {  	_ =	shalt  }
0x7d: {  	_ =	shalt  }
0x7e: {  	_ =	shalt  }
0x7f: {  	_ =	shalt  }
0x80: {  	_ =	shalt  }
0x81: {  	_ =	shalt  }
0x82: {  	_ =	shalt  }
0x83: {  	_ =	shalt  }
0x84: {  	_ =	shalt  }
0x85: {  	_ =	shalt  }
0x86: {  	_ =	shalt  }
0x87: {  	_ =	shalt  }
.Lfunc_end0:
.L_simem_size_0:
called_computation.3_lowered:
.L_overlay_start_0:
0x88: {  	s2 =	sld [smem:$0x3FD9]  }
0x89: {  	s3 =	sld [smem:$0x3FFE];
	_ =	sdelay $0x1  }
0x8a: {  	s1 =	srdreg.scid  }
0x8b: {  	s0 =	sand.u32 $0x1, s1  }
0x8c: {  	s16 =	sshll.u32 s0, $0xA;
	s2 =	sadd.s32 s3, s2  }
0x8d: {  	s2 =	sadd.s32 s2, s16  }
0x8e: {  	[smem:$0x3FBE] =	sst s2  }
0x8f: {  	_ = 	snop  }
0x90: {  	(tm) =	ssettm $0x1  }
0x91: {  	s17 =	sld [smem:$0x3FFB];
	_ =	sdelay $0x3  }
0x92: {  	_ =	strace s17  }
0x93: {  	s2 =	sld [smem:$0x3FFC];
	_ =	sdelay $0x3  }
0x94: {  	_ =	strace s2  }
0x95: {  	s2 =	sld [smem:$0x3FFD];
	_ =	sdelay $0x3  }
0x96: {  	_ =	strace s2  }
0x97: {  	_ =	strace $0x8FFFFFFF  }
0x98: {  	s18 =	sld [smem:$0x3FDB];
	_ =	sdelay $0x1  }
0x99: {  	s19 =	simm.s32 $_scs_section_size  }
0x9a: {  	s4 =	simm.s32 $_size__tile_overlayer_lowered;
	s5 =	simm.s32 $_tile_overlayer_lowered  }
0x9b: {  	s22 =	simm.s32 $0x1BFF;
	s21 =	sshll.u32 s5, $0x1;
	s2 =	sadd.s32 s19, s18  }
0x9c: {  	s6 =	simm.s32 $0x0;
	s20 =	sshll.u32 s4, $0x1;
	s4 =	sadd.s32 s21, s2  }
0x9d: {  	[timem:s6], [sflag:s22] =	dma.local [hbm:s4], s20  }
0x9e: {  	_ =	swait.ge [sflag:s22], s20  }
0x9f: {  	s3 =	ssub.s32 $0x0, s20;
	[sflag:s22] =	ssyncset.done $0x0  }
0xa0: {  	[sflag:s22] =	ssyncadd.s32 s3;
	_ =	sdelay $0x1  }
0xa1: {  	s23 =	simm.s32 $0x1B8B  }
0xa2: {  	_ =	swait.ge [sflag:s23], $0x1  }
0xa3: {  	[sflag:s23] =	ssyncset.done $0x0  }
0xa4: {  	s25 =	simm.s32 $0x1B8E;
	s24 =	sld [smem:$0x3FFE];
	[sflag:s23] =	ssyncadd.s32 $0xFFFFFFFF  }
0xa5: {  	s26 =	simm.s32 $execute0_lowered;
	[smem:$0x3FD2] =	sst s25  }
0xa6: {  	s4 =	sshll.u32 s26, $0x1;
	_ =	strace $0x8000004F;
	[dreg:$0x1] =	wrdreg $0xFFFFFFFF  }
0xa7: {  	s28 =	simm.s32 $_size_execute0_lowered;
	s2 =	sadd.s32 s2, s4;
	[dreg:$0x0] =	wrdreg $0x0  }
0xa8: {  	s4 =	sshll.u32 s28, $0x1;
	[dreg:$0x2] =	wrdreg s2  }
0xa9: {  	[dreg:$0x3] =	wrdreg s4  }
0xaa: {  	[dreg:$0x4] =	wrdreg $0xC0  }
0xab: {  	_ =	task [dreg:s6], $0x5FFFF  }
0xac: {  	[dreg:$0x1] =	wrdreg $0xFFFFFFFF  }
0xad: {  	[dreg:$0x0] =	wrdreg $0x60  }
0xae: {  	[dreg:$0x2] =	wrdreg s24  }
0xaf: {  	[dreg:$0x3] =	wrdreg $0xA8000  }
0xb0: {  	[dreg:$0x4] =	wrdreg $0x9  }
0xb1: {  	_ =	task.clear_ibuf [dreg:s6], $0x5FFFF;
	_ =	strace $0x9000004F  }
0xb2: {  	s29 =	simm.s32 $0x9;
	_ =	strace $0x80000051  }
0xb3: {  	_ =	swait.ge [sflag:s29], $0x1  }
0xb4: {  	[sflag:s29] =	ssyncadd.s32 $0xFFFFFFFF  }
0xb5: {  	_ =	strace $0x90000051  }
0xb6: {  	_ =	sfence  }
0xb7: {  	s30 =	sld [smem:$0x0];
	_ =	sdelay $0x2  }
0xb8: {  	s31 =	sshll.u32 s1, $0xD;
	s1 =	sshrl.u32 s1, $0x2  }
0xb9: {  	s3 =	sand.u32 $0x4000, s31;
	s1 =	sadd.s32 s1, s30  }
0xba: {  	s0 =	sor.u32 s3, s0;
	s1 =	sshll.u32 s1, $0x11  }
0xbb: {  	s0 =	sor.u32 s1, s0  }
0xbc: {  	s0 =	sadd.s32 $0x8F2B, s0  }
0xbd: {  	[sflag:s0] =	ssyncadd.remote.s32 $0x1  }
0xbe: {  	_ =	sfence.sel $0xFFFF  }
0xbf: {  	[dreg:$0x0] =	wrdreg $0xFFFFFFFF;
	(pc) =	sbr.abs _section_cstart, $3  }
0xc0: {  	[dreg:$0x1] =	wrdreg $0xFFFFFFFF  }
0xc1: {  	_ =	task.clear_ibuf [dreg:s6], $0x2FFFF;
	_ =	strace $0x9FFFFFFF  }
0xc2: {  	(tm) =	ssettm $0x7FFFFFFF  }
0xc3: {  	_ =	shalt  }
tec
execute0_lowered:
.L_overlay_start_1:
0x0: {  	(tag) =	ssettag $0x1  }
0x1: {  	s0 =	rddreg [dreg:$0x0];
	s1 =	srdreg.scid  }
0x2: {  	s23 =	stileid.u32;
	s2 =	rddreg [dreg:$0x1]  }
0x3: {  	s3 =	simm.s32 $0x0;
	s15 =	simm.s32 $0x1400;
	s16 =	simm.s32 $0x80  }
0x4: {  	s17 =	simm.s32 $0x2800;
	s18 =	simm.s32 $0x6800;
	s28 =	simm.s32 $0x2  }
0x5: {  	s29 =	simm.s32 $0x2700;
	s30 =	simm.s32 $0x2780;
	s31 =	simm.s32 $0x0  }
0x6: {  	s1 =	sand.u32 $0x1, s1;
	s4 =	sshll.u32 s23, $0x1;
	s24 =	smul.u32 $0x2800, s23  }
0x7: {  	[smem:$0x7FF] =	sst s3;
	s25 =	smul.u32 $0x50000, s23;
	p1 =	sne.s32 s23, $0xF  }
0x8: {  	p2 =	seq.s32 s23, $0xF;
	s9 =	sadd.s32 $0x3CE00, s0;
	s10 =	sadd.s32 $0x65900, s0  }
0x9: {  	s4 =	sor.u32 s1, s4;
	_ =	strace $0x80000050;
	s6 =	smul.u32 $0x28000, s1  }
0xa: {  	s7 =	ssub.s32 $0x2, s1;
	p0 =	seq.s32 s1, $0x0;
	s4 =	smul.u32 $0x2800, s4  }
0xb: {  	s21 =	sshrl.u32 s7, $0x1;
	s8 =	sadd.s32 s24, s0;
	p1 =	por !p0, !p1  }
0xc: {  	p2 =	por !p0, !p2;
	s13 =	sadd.s32 s6, s0;
	s14 =	ssub.s32 s7, s21  }
0xd: {  	s7 =	sshrl.u32 s25, $0x2;
	p0 =	por !p1, !p1;
	p2 =	por !p2, !p2  }
0xe: {  	s8 =	sadd.s32 $0x3E800, s8;
	s21 =	sadd.s32 $0x12C000, s2;
	s5 =	sshrl.u32 s4, $0x3  }
0xf: {  	s4 =	sadd.s32 $0x17600, s0;
	s7 =	sadd.s32 s7, s2;
	p1 =	por p2, p0  }
0x10: {  	s26 =	sadd.s32 $0x66800, s13;
	s13 =	smax.u32 s14, $0x1;
	s14 =	simm.s32 $0x3  }
0x11: {  	s12 =	sadd.s32 s5, s0;
	s11 =	sadd.s32 s4, s24;
	p1 =	seq.s32 @!p1 s1, $0x0  }
0x12: {  	s24 =	sadd.s32 s24, s26;
	s25 =	sshrl.u32 @p0 s7, $0x3;
	s26 =	simm.s32 $0x1  }
0x13: {  	s22 =	sadd.s32 $0x3600, s12;
	s6 =	sadd.s32 $0xD600, s12;
	p1 =	por @!p0 p1, p2  }
0x14: {  	s12 =	sadd.s32 $0x3880, s12;
	p2 =	por !p2, p0;
	p1 =	por p1, p0  }
0x15: {  	[dreg:$0x3] =	wrdreg s22;
	s22 =	sadd.s32 $0x138800, s2;
	s1 =	sshll.u32 @!p1 s23, $0x6  }
0x16: {  	s21 =	sshrl.u32 @!p2 s21, $0x3;
	s19 =	sor.u32 @!p1 $0x1C03, s1;
	s1 =	sshll.u32 @p0 s23, $0x6  }
0x17: {  	s20 =	sshrl.u32 @!p1 s7, $0x3;
	s22 =	sshrl.u32 @!p2 s22, $0x3;
	s23 =	sor.u32 @p0 $0x1C03, s1  }
.LBB2_1:
0x18: {  	s0 =	rddreg [dreg:$0x3]  }
0x19: {  	[tilespmem:s3], [sflag:$0x3] =	stream.linear.gather [hbm4b:s0+s3], $0x1400, $0x38;
	[tilespmem:$0x1E800] =	vst v63  }
0x1a: {  	_ =	swait.ge [sflag:s14], $0x1400  }
0x1b: {  	[sflag:s14] =	ssyncset.done $0x0  }
0x1c: {  	[sflag:s14] =	ssyncadd.s32 $0xFFFFEC00  }
0x1d: {  	[tilespmem:s15], [sflag:$0x3] =	stream.linear.gather [hbm4b:s6+s3], $0x1400, $0x38;
	[tilespmem:$0x1E800] =	vst v63  }
0x1e: {  	_ =	swait.ge [sflag:s14], $0x1400  }
0x1f: {  	[sflag:s14] =	ssyncset.done $0x0  }
0x20: {  	[sflag:s14] =	ssyncadd.s32 $0xFFFFEC00  }
0x21: {  	[tilespmem:s17], [sflag:$0x1] =	stream.indirect.gather [hbm4b:s4+s16], $0x80, s3, s16, $0xb8;
	[tilespmem:$0x1E800] =	vst v63  }
0x22: {  	s0 =	simm.s32 @!p1 $0x3  }
0x23: {  	[tilespmem:s18], [sflag:$0x2] =	stream.indirect.gather [hbm4b:s4+s16], $0x80, s16, s16, $0xb8;
	[tilespmem:$0x1E800] =	vst v63  }
0x24: {  	[spmem:s20], [sflag:s19] =	dma.local @!p1 [hbm:s8], $0x2800  }
0x25: {  	_ =	swait.ge @!p1 [sflag:s0], $0x2800  }
0x26: {  	[sflag:s0] =	ssyncset.done @!p1 $0x0  }
0x27: {  	s1 =	simm.s32 @!p2 $0x3;
	[sflag:s0] =	ssyncadd.s32 @!p1 $0xFFFFD800;
	s0 =	simm.s32 @!p2 $0x1FC3  }
0x28: {  	[spmem:s21], [sflag:s0] =	dma.local @!p2 [hbm:s9], $0x1900  }
0x29: {  	_ =	swait.ge @!p2 [sflag:s1], $0x1900  }
0x2a: {  	[sflag:s1] =	ssyncset.done @!p2 $0x0  }
0x2b: {  	[sflag:s1] =	ssyncadd.s32 @!p2 $0xFFFFE700  }
0x2c: {  	[spmem:s22], [sflag:s0] =	dma.local @!p2 [hbm:s10], $0xF00  }
0x2d: {  	_ =	swait.ge @!p2 [sflag:s1], $0xF00  }
0x2e: {  	[sflag:s1] =	ssyncset.done @!p2 $0x0  }
0x2f: {  	s0 =	simm.s32 @p0 $0x3;
	[sflag:s1] =	ssyncadd.s32 @!p2 $0xFFFFF100  }
0x30: {  	[spmem:s25], [sflag:s23] =	dma.local @p0 [hbm:s11], $0x2800  }
0x31: {  	_ =	swait.ge @p0 [sflag:s0], $0x2800  }
0x32: {  	[sflag:s0] =	ssyncset.done @p0 $0x0  }
0x33: {  	[sflag:s0] =	ssyncadd.s32 @p0 $0xFFFFD800  }
0x34: {  	[bflag:$0x0] =	sbarrier.arrive $0xFFFF  }
0x35: {  	_ =	swait.ge [sflag:s26], $0x4000  }
0x36: {  	[sflag:s26] =	ssyncset.done $0x0  }
0x37: {  	s5 =	simm.s32 $0x1400;
	[sflag:s26] =	ssyncadd.s32 $0xFFFFC000  }
0x38: {  	[spmem:s2] =	stream.indirect.scatter.add.f32 [tilespmem:s17], [sflag:$0x3], $0x80, s5, s16, $0xb8;
	[tilespmem:$0x1E800] =	vst v63  }
0x39: {  	_ =	swait.ge [sflag:s14], $0x4000  }
0x3a: {  	[sflag:s14] =	ssyncset.done $0x0  }
0x3b: {  	s1 =	simm.s32 $0x100;
	[sflag:s14] =	ssyncadd.s32 $0xFFFFC000  }
0x3c: {  	[tilespmem:s17], [sflag:$0x1] =	stream.indirect.gather [hbm4b:s4+s16], $0x80, s1, s16, $0xb8;
	[tilespmem:$0x1E800] =	vst v63  }
0x3d: {  	_ =	swait.ge [sflag:s28], $0x4000  }
0x3e: {  	[sflag:s28] =	ssyncset.done $0x0  }
0x3f: {  	s5 =	simm.s32 $0x1480;
	[sflag:s28] =	ssyncadd.s32 $0xFFFFC000  }
0x40: {  	[spmem:s2] =	stream.indirect.scatter.add.f32 [tilespmem:s18], [sflag:$0x3], $0x80, s5, s16, $0xb8;
	[tilespmem:$0x1E800] =	vst v63  }
0x41: {  	_ =	swait.ge [sflag:s14], $0x4000  }
0x42: {  	[sflag:s14] =	ssyncset.done $0x0  }
0x43: {  	s0 =	simm.s32 $0x180;
	s1 =	simm.s32 $0x400;
	[sflag:s14] =	ssyncadd.s32 $0xFFFFC000  }
.LBB2_2:
0x44: {  	[tilespmem:s18], [sflag:$0x2] =	stream.indirect.gather [hbm4b:s4+s16], $0x80, s0, s16, $0xb8;
	[tilespmem:$0x1E800] =	vst v63  }
0x45: {  	s0 =	smov.u32 s1  }
0x46: {  	p3 =	sne.s32 s1, $0x4800;
	s1 =	sadd.s32 $0x400, s1;
	_ =	swait.ge [sflag:s26], $0x4000  }
0x47: {  	s0 =	sshra.s32 s0, $0x2;
	[sflag:s26] =	ssyncset.done $0x0  }
0x48: {  	s5 =	sadd.s32 $0x1400, s0;
	[sflag:s26] =	ssyncadd.s32 $0xFFFFC000  }
0x49: {  	[spmem:s2] =	stream.indirect.scatter.add.f32 [tilespmem:s17], [sflag:$0x3], $0x80, s5, s16, $0xb8;
	[tilespmem:$0x1E800] =	vst v63  }
0x4a: {  	_ =	swait.ge [sflag:s14], $0x4000  }
0x4b: {  	[sflag:s14] =	ssyncset.done $0x0  }
0x4c: {  	s5 =	sadd.s32 $0x100, s0;
	[sflag:s14] =	ssyncadd.s32 $0xFFFFC000  }
0x4d: {  	[tilespmem:s17], [sflag:$0x1] =	stream.indirect.gather [hbm4b:s4+s16], $0x80, s5, s16, $0xb8;
	[tilespmem:$0x1E800] =	vst v63  }
0x4e: {  	_ =	swait.ge [sflag:s28], $0x4000  }
0x4f: {  	[sflag:s28] =	ssyncset.done $0x0  }
.Ltmp0:
0x50: {  	s5 =	sadd.s32 $0x1480, s0;
	[sflag:s28] =	ssyncadd.s32 $0xFFFFC000;
	(pc) =	sbr.rel @p3 .LBB2_2-.Ltmp0, $4  }
0x51: {  	[spmem:s2] =	stream.indirect.scatter.add.f32 [tilespmem:s18], [sflag:$0x3], $0x80, s5, s16, $0xb8;
	[tilespmem:$0x1E800] =	vst v63  }
0x52: {  	_ =	swait.ge [sflag:s14], $0x4000  }
0x53: {  	[sflag:s14] =	ssyncset.done $0x0  }
0x54: {  	s0 =	sadd.s32 $0x180, s0;
	[sflag:s14] =	ssyncadd.s32 $0xFFFFC000  }
0x55: {  	[tilespmem:s18], [sflag:$0x2] =	stream.indirect.gather [hbm4b:s4+s16], $0x80, s0, s16, $0xb8;
	[tilespmem:$0x1E800] =	vst v63  }
0x56: {  	_ =	swait.ge [sflag:s26], $0x4000  }
0x57: {  	[sflag:s26] =	ssyncset.done $0x0  }
0x58: {  	[sflag:s26] =	ssyncadd.s32 $0xFFFFC000  }
0x59: {  	[spmem:s2] =	stream.indirect.scatter.add.f32 [tilespmem:s17], [sflag:$0x3], $0x80, s29, s16, $0xb8;
	[tilespmem:$0x1E800] =	vst v63  }
0x5a: {  	_ =	swait.ge [sflag:s14], $0x4000  }
0x5b: {  	[sflag:s14] =	ssyncset.done $0x0  }
0x5c: {  	[sflag:s14] =	ssyncadd.s32 $0xFFFFC000  }
0x5d: {  	_ =	swait.ge [sflag:s28], $0x4000  }
0x5e: {  	[sflag:s28] =	ssyncset.done $0x0  }
0x5f: {  	[sflag:s28] =	ssyncadd.s32 $0xFFFFC000  }
0x60: {  	[spmem:s2] =	stream.indirect.scatter.add.f32 [tilespmem:s18], [sflag:$0x3], $0x80, s30, s16, $0xb8;
	[tilespmem:$0x1E800] =	vst v63  }
0x61: {  	_ =	swait.ge [sflag:s14], $0x4000  }
0x62: {  	[sflag:s14] =	ssyncset.done $0x0  }
0x63: {  	s5 =	simm.s32 $0x0;
	[sflag:s14] =	ssyncadd.s32 $0xFFFFC000  }
0x64: {  	[tilespmem:s5], [sflag:$0x3] =	stream.linear.gather [hbm4b:s12+s5], $0x1400, $0x38;
	[tilespmem:$0x1E800] =	vst v63  }
0x65: {  	_ =	swait.ge [sflag:s14], $0x1400  }
0x66: {  	[sflag:s14] =	ssyncset.done $0x0  }
0x67: {  	s1 =	sadd.s32 $0x280, s6;
	[sflag:s14] =	ssyncadd.s32 $0xFFFFEC00  }
0x68: {  	[tilespmem:s15], [sflag:$0x3] =	stream.linear.gather [hbm4b:s1+s5], $0x1400, $0x38;
	[tilespmem:$0x1E800] =	vst v63  }
0x69: {  	_ =	swait.ge [sflag:s14], $0x1400  }
0x6a: {  	[sflag:s14] =	ssyncset.done $0x0  }
0x6b: {  	[sflag:s14] =	ssyncadd.s32 $0xFFFFEC00  }
0x6c: {  	[tilespmem:s17], [sflag:$0x1] =	stream.indirect.gather [hbm4b:s4+s16], $0x80, s5, s16, $0xb8;
	[tilespmem:$0x1E800] =	vst v63  }
0x6d: {  	_ = 	snop  }
0x6e: {  	[tilespmem:s18], [sflag:$0x2] =	stream.indirect.gather [hbm4b:s4+s16], $0x80, s16, s16, $0xb8;
	[tilespmem:$0x1E800] =	vst v63  }
0x6f: {  	_ =	swait.ge [sflag:s26], $0x4000  }
0x70: {  	[sflag:s26] =	ssyncset.done $0x0  }
0x71: {  	s5 =	simm.s32 $0x1400;
	[sflag:s26] =	ssyncadd.s32 $0xFFFFC000  }
0x72: {  	[spmem:s2] =	stream.indirect.scatter.add.f32 [tilespmem:s17], [sflag:$0x3], $0x80, s5, s16, $0xb8;
	[tilespmem:$0x1E800] =	vst v63  }
0x73: {  	_ =	swait.ge [sflag:s14], $0x4000  }
0x74: {  	[sflag:s14] =	ssyncset.done $0x0  }
0x75: {  	s1 =	simm.s32 $0x100;
	[sflag:s14] =	ssyncadd.s32 $0xFFFFC000  }
0x76: {  	[tilespmem:s17], [sflag:$0x1] =	stream.indirect.gather [hbm4b:s4+s16], $0x80, s1, s16, $0xb8;
	[tilespmem:$0x1E800] =	vst v63  }
0x77: {  	_ =	swait.ge [sflag:s28], $0x4000  }
0x78: {  	[sflag:s28] =	ssyncset.done $0x0  }
0x79: {  	s5 =	simm.s32 $0x1480;
	[sflag:s28] =	ssyncadd.s32 $0xFFFFC000  }
0x7a: {  	[spmem:s2] =	stream.indirect.scatter.add.f32 [tilespmem:s18], [sflag:$0x3], $0x80, s5, s16, $0xb8;
	[tilespmem:$0x1E800] =	vst v63  }
0x7b: {  	_ =	swait.ge [sflag:s14], $0x4000  }
0x7c: {  	[sflag:s14] =	ssyncset.done $0x0  }
0x7d: {  	s0 =	simm.s32 $0x180;
	s1 =	simm.s32 $0x400;
	[sflag:s14] =	ssyncadd.s32 $0xFFFFC000  }
.LBB2_4:
0x7e: {  	[tilespmem:s18], [sflag:$0x2] =	stream.indirect.gather [hbm4b:s4+s16], $0x80, s0, s16, $0xb8;
	[tilespmem:$0x1E800] =	vst v63  }
0x7f: {  	s0 =	smov.u32 s1  }
0x80: {  	p3 =	sne.s32 s1, $0x4800;
	s1 =	sadd.s32 $0x400, s1;
	_ =	swait.ge [sflag:s26], $0x4000  }
0x81: {  	s0 =	sshra.s32 s0, $0x2;
	[sflag:s26] =	ssyncset.done $0x0  }
0x82: {  	s5 =	sadd.s32 $0x1400, s0;
	[sflag:s26] =	ssyncadd.s32 $0xFFFFC000  }
0x83: {  	[spmem:s2] =	stream.indirect.scatter.add.f32 [tilespmem:s17], [sflag:$0x3], $0x80, s5, s16, $0xb8;
	[tilespmem:$0x1E800] =	vst v63  }
0x84: {  	_ =	swait.ge [sflag:s14], $0x4000  }
0x85: {  	[sflag:s14] =	ssyncset.done $0x0  }
0x86: {  	s5 =	sadd.s32 $0x100, s0;
	[sflag:s14] =	ssyncadd.s32 $0xFFFFC000  }
0x87: {  	[tilespmem:s17], [sflag:$0x1] =	stream.indirect.gather [hbm4b:s4+s16], $0x80, s5, s16, $0xb8;
	[tilespmem:$0x1E800] =	vst v63  }
0x88: {  	_ =	swait.ge [sflag:s28], $0x4000  }
0x89: {  	[sflag:s28] =	ssyncset.done $0x0  }
.Ltmp1:
0x8a: {  	s5 =	sadd.s32 $0x1480, s0;
	[sflag:s28] =	ssyncadd.s32 $0xFFFFC000;
	(pc) =	sbr.rel @p3 .LBB2_4-.Ltmp1, $4  }
0x8b: {  	[spmem:s2] =	stream.indirect.scatter.add.f32 [tilespmem:s18], [sflag:$0x3], $0x80, s5, s16, $0xb8;
	[tilespmem:$0x1E800] =	vst v63  }
0x8c: {  	_ =	swait.ge [sflag:s14], $0x4000  }
0x8d: {  	[sflag:s14] =	ssyncset.done $0x0  }
0x8e: {  	s0 =	sadd.s32 $0x180, s0;
	[sflag:s14] =	ssyncadd.s32 $0xFFFFC000  }
0x8f: {  	[tilespmem:s18], [sflag:$0x2] =	stream.indirect.gather [hbm4b:s4+s16], $0x80, s0, s16, $0xb8;
	[tilespmem:$0x1E800] =	vst v63  }
0x90: {  	_ =	swait.ge [sflag:s26], $0x4000  }
0x91: {  	[sflag:s26] =	ssyncset.done $0x0  }
0x92: {  	[sflag:s26] =	ssyncadd.s32 $0xFFFFC000  }
0x93: {  	[spmem:s2] =	stream.indirect.scatter.add.f32 [tilespmem:s17], [sflag:$0x3], $0x80, s29, s16, $0xb8;
	[tilespmem:$0x1E800] =	vst v63  }
0x94: {  	_ =	swait.ge [sflag:s14], $0x4000  }
0x95: {  	[sflag:s14] =	ssyncset.done $0x0  }
0x96: {  	[sflag:s14] =	ssyncadd.s32 $0xFFFFC000  }
0x97: {  	_ =	swait.ge [sflag:s28], $0x4000  }
0x98: {  	[sflag:s28] =	ssyncset.done $0x0  }
0x99: {  	[sflag:s28] =	ssyncadd.s32 $0xFFFFC000  }
0x9a: {  	[spmem:s2] =	stream.indirect.scatter.add.f32 [tilespmem:s18], [sflag:$0x3], $0x80, s30, s16, $0xb8;
	[tilespmem:$0x1E800] =	vst v63  }
0x9b: {  	s5 =	stileid.u32;
	_ =	swait.ge [sflag:s14], $0x4000  }
0x9c: {  	s1 =	sshrl.u32 s7, $0x3;
	s31 =	sadd.s32 $0x1, s31;
	[sflag:s14] =	ssyncset.done $0x0  }
0x9d: {  	s0 =	sshll.u32 s5, $0x6;
	p3 =	sne.s32 s31, s13;
	[sflag:s14] =	ssyncadd.s32 $0xFFFFC000  }
.Ltmp2:
0x9e: {  	s0 =	sor.u32 $0x1C03, s0;
	[bflag:$0x0] =	sbarrier.arrive $0xFFFF;
	(pc) =	sbr.rel @p3 .LBB2_1-.Ltmp2, $4  }
0x9f: {  	[hbm:s24], [sflag:s0] =	dma.local [spmem:s1], $0x2800  }
0xa0: {  	_ =	swait.ge [sflag:s14], $0x2800  }
0xa1: {  	[sflag:s14] =	ssyncset.done $0x0  }
0xa2: {  	[sflag:s14] =	ssyncadd.s32 $0xFFFFD800  }
0xa3: {  	_ =	sfence.sel $0x180000  }
0xa4: {  	[bflag:$0x0] =	sbarrier.arrive $0xFFFF  }
0xa5: {  	_ =	strace $0x90000050  }
0xa6: {  	s0 =	stileid.u32;
	[bflag:$0x2] =	sbarrier.arrive $0xFFFF  }
0xa7: {  	p0 =	sne.s32 s0, $0x0;
	s0 =	rddreg [dreg:$0x2]  }
0xa8: {  	s0 =	sadd.s32 @!p0 $0x100000, s0  }
0xa9: {  	[sflag:s0] =	ssyncadd.tile.s32 @!p0 $0x1;
	_ =	shalt  }
.Lfunc_end2:
_tile_overlayer_lowered:
.L_overlay_start_2:
0xaa: {  	(tag) =	ssettag $0x2  }
0xab: {  	s0 =	rddreg [dreg:$0x0];
	s2 =	stileid.u32  }
0xac: {  	s1 =	rddreg [dreg:$0x1];
	p0 =	sne.s32 s2, $0x0  }
0xad: {  	s3 =	rddreg [dreg:$0x2];
	[bflag:$0x3] =	sbarrier.arrive $0xFFFF;
	s2 =	simm.s32 @!p0 $0x1C03  }
0xae: {  	[timem:s3], [sflag:s2] =	dma.local @!p0 [hbm:s0], s1  }
0xaf: {  	s0 =	simm.s32 @!p0 $0x3  }
0xb0: {  	_ =	swait.ge @!p0 [sflag:s0], s1  }
0xb1: {  	s1 =	ssub.s32 @!p0 $0x0, s1;
	[sflag:s0] =	ssyncset.done @!p0 $0x0  }
0xb2: {  	[sflag:s0] =	ssyncadd.s32 @!p0 s1  }
0xb3: {  	[bflag:$0x3] =	sbarrier.arrive $0xFFFF  }
0xb4: {  	_ =	shalt  }

</sc_bundles>
